<compile_context>
chip_gen: v7x
topology: tpu7x:2x2x1
jax: 0.10.2.dev20260603
libtpu: 0.0.44.dev20260713+nightly
codegen_flags: <defaults>
</compile_context>

<pallas_src>
import functools

import jax
import jax.numpy as jnp
from jax import lax
from jax.experimental import pallas as pl
from jax.experimental.pallas import tpu as pltpu
from jax.experimental.pallas import tpu_sc as plsc

_NC = 2
_NS = 16
_NW = _NC * _NS
_CH = 128
_PAD_ROWS = 16
_RING = 8
_PREF = 4


def _sc_mesh():
    return plsc.VectorSubcoreMesh(
        core_axis_name="c", subcore_axis_name="s",
        num_cores=_NC, num_subcores=_NS)


def _worker_range(w, nch):
    cmax = -(-nch // _NW)
    lo = (w * nch) // _NW
    hi = ((w + 1) * nch) // _NW
    base = jnp.minimum(lo, nch - cmax)
    return lo - base, hi - lo, base, cmax


def _degree_partials(ei3, ones_src, zeros_src, n):
    nch = ei3.shape[1]
    cmax = -(-nch // _NW)
    n_acc = n + _PAD_ROWS
    nz, ztail = divmod(n, _CH)
    nzc = (nz + _NS - 1) // _NS

    @functools.partial(
        pl.kernel,
        out_type=jax.ShapeDtypeStruct((_NC * n,), jnp.float32),
        mesh=_sc_mesh(),
        scratch_types=[
            pltpu.VMEM((cmax, _CH), jnp.int32),
            pltpu.VMEM((_CH,), jnp.float32),
            pltpu.VMEM((_CH,), jnp.float32),
            pltpu.VMEM_SHARED((n_acc,), jnp.float32),
            pltpu.SemaphoreType.DMA,
        ],
        compiler_params=pltpu.CompilerParams(use_tc_tiling_on_sc=False),
    )
    def deg_kernel(ei_hbm, ones_hbm, zeros_hbm, out_hbm,
                   didx, ones_v, zeros_v, acc, sem):
        c = lax.axis_index("c")
        s = lax.axis_index("s")
        w = c * _NS + s
        off, cnt, base, _ = _worker_range(w, nch)
        pltpu.sync_copy(ones_hbm, ones_v)
        pltpu.sync_copy(zeros_hbm, zeros_v)
        pltpu.sync_copy(ei_hbm.at[1, pl.ds(base, cmax)], didx)

        def zacc(j, carry):
            i = s + j * _NS

            @pl.when(i < nz)
            def _():
                pltpu.sync_copy(zeros_v, acc.at[pl.ds(i * _CH, _CH)])
            return carry
        lax.fori_loop(0, nzc, zacc, 0)
        if ztail:
            @pl.when(s == 0)
            def _():
                pltpu.sync_copy(zeros_v.at[pl.ds(0, ztail)],
                                acc.at[pl.ds(nz * _CH, ztail)])
        plsc.subcore_barrier()

        def body(j, carry):
            for b in range(8):
                i = j * 8 + b

                @pl.when(i < cnt)
                def _():
                    pltpu.async_copy(ones_v, acc.at[didx.at[off + i]], sem,
                                     add=True)
            for b in range(8):
                i = j * 8 + b

                @pl.when(i < cnt)
                def _():
                    pltpu.make_async_copy(ones_v, acc.at[didx.at[0]],
                                          sem).wait()
            return carry
        lax.fori_loop(0, (cmax + 7) // 8, body, 0)
        plsc.subcore_barrier()

        def out_body(j, carry):
            i = s + j * _NS

            @pl.when(i < nz)
            def _():
                pltpu.sync_copy(acc.at[pl.ds(i * _CH, _CH)], zeros_v)
                pltpu.sync_copy(zeros_v,
                                out_hbm.at[pl.ds(c * n + i * _CH, _CH)])
            return carry
        lax.fori_loop(0, nzc, out_body, 0)
        if ztail:
            @pl.when(s == 0)
            def _():
                pltpu.sync_copy(acc.at[pl.ds(nz * _CH, ztail)],
                                zeros_v.at[pl.ds(0, ztail)])
                pltpu.sync_copy(zeros_v.at[pl.ds(0, ztail)],
                                out_hbm.at[pl.ds(c * n + nz * _CH, ztail)])

    return deg_kernel(ei3, ones_src, zeros_src)


def _aggregate(ei3, z, zero_rows, n):
    nch = ei3.shape[1]
    f = z.shape[1]
    n_acc = n + _PAD_ROWS
    nz, ztail = divmod(n, _CH)
    nzc = (nz + _NS - 1) // _NS
    cmax = -(-nch // _NW)
    assert nch // _NW >= _RING

    @functools.partial(
        pl.kernel,
        out_type=jax.ShapeDtypeStruct((_NC * n, f), jnp.float32),
        mesh=_sc_mesh(),
        scratch_types=[
            pltpu.VMEM((cmax, _CH), jnp.int32),
            pltpu.VMEM((cmax, _CH), jnp.int32),
            [pltpu.VMEM((_CH, f), jnp.float32)] * _RING,
            pltpu.VMEM((_CH, f), jnp.float32),
            pltpu.VMEM_SHARED((n_acc, f), jnp.float32),
            [pltpu.SemaphoreType.DMA] * _RING,
            [pltpu.SemaphoreType.DMA] * _RING,
        ],
        compiler_params=pltpu.CompilerParams(use_tc_tiling_on_sc=False),
    )
    def agg_kernel(ei_hbm, z_hbm, zrows_hbm, out_hbm,
                   sidx, didx, bufs, zrows, acc, gsems, tsems):
        c = lax.axis_index("c")
        s = lax.axis_index("s")
        w = c * _NS + s
        off, cnt, base, _ = _worker_range(w, nch)
        pltpu.sync_copy(zrows_hbm, zrows)
        pltpu.sync_copy(ei_hbm.at[0, pl.ds(base, cmax)], sidx)
        pltpu.sync_copy(ei_hbm.at[1, pl.ds(base, cmax)], didx)

        def zacc(j, carry):
            i = s + j * _NS

            @pl.when(i < nz)
            def _():
                pltpu.sync_copy(zrows, acc.at[pl.ds(i * _CH, _CH)])
            return carry
        lax.fori_loop(0, nzc, zacc, 0)
        if ztail:
            @pl.when(s == 0)
            def _():
                pltpu.sync_copy(zrows.at[pl.ds(0, ztail)],
                                acc.at[pl.ds(nz * _CH, ztail)])
        plsc.subcore_barrier()

        for b in range(_PREF):
            pltpu.async_copy(z_hbm.at[sidx.at[off + b]], bufs[b], gsems[b])

        def body(j, carry):
            for b in range(_RING):
                i = j * _RING + b
                bg = (b + _PREF) % _RING
                nxt = i + _PREF

                @pl.when((nxt < cnt) & (i >= _RING - _PREF))
                def _():
                    pltpu.make_async_copy(bufs[bg], acc.at[didx.at[0]],
                                          tsems[bg]).wait()
                    pltpu.async_copy(z_hbm.at[sidx.at[off + nxt]], bufs[bg],
                                     gsems[bg])

                @pl.when((nxt < cnt) & (i < _RING - _PREF))
                def _():
                    pltpu.async_copy(z_hbm.at[sidx.at[off + nxt]], bufs[bg],
                                     gsems[bg])

                @pl.when(i < cnt)
                def _():
                    pltpu.make_async_copy(z_hbm.at[pl.ds(0, _CH)], bufs[b],
                                          gsems[b]).wait()
                    pltpu.async_copy(bufs[b], acc.at[didx.at[off + i]],
                                     tsems[b], add=True)
            return carry
        lax.fori_loop(0, (cmax + _RING - 1) // _RING, body, 0)
        for b in range(_RING):
            pltpu.make_async_copy(bufs[b], acc.at[didx.at[0]],
                                  tsems[b]).wait()
        plsc.subcore_barrier()

        def out_body(j, carry):
            i = s + j * _NS

            @pl.when(i < nz)
            def _():
                pltpu.sync_copy(acc.at[pl.ds(i * _CH, _CH)], bufs[0])
                pltpu.sync_copy(bufs[0],
                                out_hbm.at[pl.ds(c * n + i * _CH, _CH)])
            return carry
        lax.fori_loop(0, nzc, out_body, 0)
        if ztail:
            @pl.when(s == 0)
            def _():
                pltpu.sync_copy(acc.at[pl.ds(nz * _CH, ztail)],
                                bufs[0].at[pl.ds(0, ztail)])
                pltpu.sync_copy(bufs[0].at[pl.ds(0, ztail)],
                                out_hbm.at[pl.ds(c * n + nz * _CH, ztail)])

    return agg_kernel(ei3, z, zero_rows)


def _dinv(d_ref):
    return lax.rsqrt(d_ref[:, 0:1] + d_ref[:, 1:2] + 1.0)


_R = 2000


def _tc_first(x, w1, deg_t):
    n, d_in = x.shape
    f = w1.shape[1]

    def body(x_ref, w_ref, d_ref, o_ref):
        z = jnp.dot(x_ref[...], w_ref[...],
                    preferred_element_type=jnp.float32)
        o_ref[...] = z * _dinv(d_ref)

    return pl.pallas_call(
        body,
        grid=(n // _R,),
        in_specs=[
            pl.BlockSpec((_R, d_in), lambda i: (i, 0)),
            pl.BlockSpec((d_in, f), lambda i: (0, 0)),
            pl.BlockSpec((_R, _NC), lambda i: (i, 0)),
        ],
        out_specs=pl.BlockSpec((_R, f), lambda i: (i, 0)),
        out_shape=jax.ShapeDtypeStruct((n, f), jnp.float32),
    )(x, w1, deg_t)


def _tc_mid(p, zp, deg_t, b, w_next):
    n, f = zp.shape
    f2 = w_next.shape[1]
    nb = n // _R

    def body(p0_ref, p1_ref, z_ref, d_ref, b_ref, w_ref, o_ref):
        dinv = _dinv(d_ref)
        h = (p0_ref[...] + p1_ref[...] + z_ref[...]) * dinv + b_ref[...]
        h = jnp.maximum(h, 0.0)
        o_ref[...] = jnp.dot(h, w_ref[...],
                             preferred_element_type=jnp.float32) * dinv

    return pl.pallas_call(
        body,
        grid=(n // _R,),
        in_specs=[
            pl.BlockSpec((_R, f), lambda i: (i, 0)),
            pl.BlockSpec((_R, f), lambda i: (i + nb, 0)),
            pl.BlockSpec((_R, f), lambda i: (i, 0)),
            pl.BlockSpec((_R, _NC), lambda i: (i, 0)),
            pl.BlockSpec((1, f), lambda i: (0, 0)),
            pl.BlockSpec((f, f2), lambda i: (0, 0)),
        ],
        out_specs=pl.BlockSpec((_R, f2), lambda i: (i, 0)),
        out_shape=jax.ShapeDtypeStruct((n, f2), jnp.float32),
    )(p, p, zp, deg_t, b, w_next)


def _tc_prelast(p, zp, deg_t, b):
    n, f = zp.shape
    nb = n // _R

    def body(p0_ref, p1_ref, z_ref, d_ref, b_ref, o_ref):
        dinv = _dinv(d_ref)
        h = (p0_ref[...] + p1_ref[...] + z_ref[...]) * dinv + b_ref[...]
        o_ref[...] = jnp.maximum(h, 0.0) * dinv

    return pl.pallas_call(
        body,
        grid=(n // _R,),
        in_specs=[
            pl.BlockSpec((_R, f), lambda i: (i, 0)),
            pl.BlockSpec((_R, f), lambda i: (i + nb, 0)),
            pl.BlockSpec((_R, f), lambda i: (i, 0)),
            pl.BlockSpec((_R, _NC), lambda i: (i, 0)),
            pl.BlockSpec((1, f), lambda i: (0, 0)),
        ],
        out_specs=pl.BlockSpec((_R, f), lambda i: (i, 0)),
        out_shape=jax.ShapeDtypeStruct((n, f), jnp.float32),
    )(p, p, zp, deg_t, b)


def _tc_last(p, hp, deg_t, b, w3):
    n, f = hp.shape
    f_out = w3.shape[1]
    nb = n // _R

    def body(p0_ref, p1_ref, h_ref, d_ref, b_ref, w_ref, o_ref):
        dinv = _dinv(d_ref)
        t = (p0_ref[...] + p1_ref[...] + h_ref[...]) * dinv
        o = jnp.dot(t, w_ref[...],
                    preferred_element_type=jnp.float32) + b_ref[...]
        m = jnp.max(o, axis=1, keepdims=True)
        lse = jnp.log(jnp.sum(jnp.exp(o - m), axis=1, keepdims=True)) + m
        o_ref[...] = o - lse

    return pl.pallas_call(
        body,
        grid=(n // _R,),
        in_specs=[
            pl.BlockSpec((_R, f), lambda i: (i, 0)),
            pl.BlockSpec((_R, f), lambda i: (i + nb, 0)),
            pl.BlockSpec((_R, f), lambda i: (i, 0)),
            pl.BlockSpec((_R, _NC), lambda i: (i, 0)),
            pl.BlockSpec((1, f_out), lambda i: (0, 0)),
            pl.BlockSpec((f, f_out), lambda i: (0, 0)),
        ],
        out_specs=pl.BlockSpec((_R, f_out), lambda i: (i, 0)),
        out_shape=jax.ShapeDtypeStruct((n, f_out), jnp.float32),
    )(p, p, hp, deg_t, b, w3)


def kernel(x, edge_index, W1, b1, W2, b2, W3, b3):
    n = x.shape[0]
    ei = edge_index.astype(jnp.int32)
    e = ei.shape[1]

    if e % _CH:
        pad = _CH - e % _CH
        ar = jnp.arange(pad, dtype=jnp.int32)
        src = jnp.concatenate([ei[0], ar % _CH])
        dst = jnp.concatenate([ei[1], n + (ar % _PAD_ROWS)])
        ei3 = jnp.stack([src.reshape(-1, _CH), dst.reshape(-1, _CH)])
    else:
        ei3 = ei.reshape(2, -1, _CH)

    ones_c = jnp.ones((_CH,), jnp.float32)
    zeros_c = jnp.zeros((_CH,), jnp.float32)

    degp = _degree_partials(ei3, ones_c, zeros_c, n)
    deg_t = degp.reshape(_NC, n).T

    z1 = _tc_first(x, W1, deg_t)
    p1 = _aggregate(ei3, z1, jnp.zeros((_CH, z1.shape[1]), jnp.float32), n)
    z2 = _tc_mid(p1, z1, deg_t, b1.reshape(1, -1), W2)
    p2 = _aggregate(ei3, z2, jnp.zeros((_CH, z2.shape[1]), jnp.float32), n)
    h2p = _tc_prelast(p2, z2, deg_t, b2.reshape(1, -1))
    p3 = _aggregate(ei3, h2p, jnp.zeros((_CH, h2p.shape[1]), jnp.float32), n)
    out = _tc_last(p3, h2p, deg_t, b3.reshape(1, -1), W3)
    return out

# --- scband reference (transcript-rebuilt; emitter-appended) ---
"""Pipeline reference for scband-net-171798692308 (READ-ONLY COPY).

The authoritative reference and input builder live on the scoring server;
editing this copy changes nothing except your own understanding.
"""

import jax, jax.numpy as jnp
import numpy as np

N_NODES = 10000

def gcn_conv(x, edge_index, W, b, num_nodes):
    # PyG GCNConv: x' = D^{-1/2} (A + I) D^{-1/2} (X W) + b
    src = edge_index[0]
    dst = edge_index[1]
    loop = jnp.arange(num_nodes, dtype=edge_index.dtype)
    src = jnp.concatenate([src, loop])
    dst = jnp.concatenate([dst, loop])
    edge_weight = jnp.ones(src.shape[0], dtype=x.dtype)
    deg = jnp.zeros((num_nodes,), dtype=x.dtype).at[dst].add(edge_weight)
    deg_inv_sqrt = jnp.where(deg > 0, deg ** -0.5, 0.0)
    norm = deg_inv_sqrt[src] * deg_inv_sqrt[dst]
    xw = x @ W
    msg = xw[src] * norm[:, None]
    out = jnp.zeros((num_nodes, xw.shape[1]), dtype=x.dtype).at[dst].add(msg)
    return out + b

def setup_inputs(seed: int = 0) -> dict:
    key = jax.random.key(seed)
    k = jax.random.split(key, 8)
    x = jax.random.normal(k[0], (N_NODES, 200), dtype=jnp.float32)
    edge_index = jax.random.randint(k[1], (2, 320000), 0, N_NODES, dtype=jnp.int64)
    # Glorot-style init for GCN weights
    W1 = jax.random.normal(k[2], (200, 32), dtype=jnp.float32) * (2.0 / (200 + 32)) ** 0.5
    b1 = jnp.zeros((32,), dtype=jnp.float32)
    W2 = jax.random.normal(k[3], (32, 16), dtype=jnp.float32) * (2.0 / (32 + 16)) ** 0.5
    b2 = jnp.zeros((16,), dtype=jnp.float32)
    W3 = jax.random.normal(k[4], (16, 200), dtype=jnp.float32) * (2.0 / (16 + 200)) ** 0.5
    b3 = jnp.zeros((200,), dtype=jnp.float32)
    return {"x": x, "edge_index": edge_index, "W1": W1, "b1": b1, "W2": W2, "b2": b2, "W3": W3, "b3": b3}

def reference(x, edge_index, W1, b1, W2, b2, W3, b3):
    num_nodes = x.shape[0]
    h = gcn_conv(x, edge_index, W1, b1, num_nodes)
    h = jax.nn.relu(h)
    h = gcn_conv(h, edge_index, W2, b2, num_nodes)
    h = jax.nn.relu(h)
    h = gcn_conv(h, edge_index, W3, b3, num_nodes)
    return jax.nn.log_softmax(h, axis=1)

if __name__ == "__main__":
    import jax
    _d = setup_inputs()
    print(jax.jit(kernel)(*tuple(_d.values())))

</pallas_src>

<mosaic_0001>
#map = affine_map<(d0, d1) -> (0, 0, 0)>
#map1 = affine_map<(d0, d1) -> (0, 0)>
module attributes {stable_mosaic.version = 14 : i64} {
  func.func @agg_kernel(%arg0: i32, %arg1: i32, %arg2: memref<2x2500x128xi32, #tpu.memory_space<hbm>>, %arg3: memref<10000x32xf32, #tpu.memory_space<hbm>>, %arg4: memref<128x32xf32, #tpu.memory_space<hbm>>, %arg5: memref<20000x32xf32, #tpu.memory_space<hbm>>, %arg6: memref<79x128xi32, #tpu.memory_space<vmem>>, %arg7: memref<79x128xi32, #tpu.memory_space<vmem>>, %arg8: memref<128x32xf32, #tpu.memory_space<vmem>>, %arg9: memref<128x32xf32, #tpu.memory_space<vmem>>, %arg10: memref<128x32xf32, #tpu.memory_space<vmem>>, %arg11: memref<128x32xf32, #tpu.memory_space<vmem>>, %arg12: memref<128x32xf32, #tpu.memory_space<vmem>>, %arg13: memref<128x32xf32, #tpu.memory_space<vmem>>, %arg14: memref<128x32xf32, #tpu.memory_space<vmem>>, %arg15: memref<128x32xf32, #tpu.memory_space<vmem>>, %arg16: memref<128x32xf32, #tpu.memory_space<vmem>>, %arg17: memref<10016x32xf32, #tpu.memory_space<vmem_shared>>, %arg18: memref<!tpu.dma_semaphore, #tpu.memory_space<semaphore_mem>>, %arg19: memref<!tpu.dma_semaphore, #tpu.memory_space<semaphore_mem>>, %arg20: memref<!tpu.dma_semaphore, #tpu.memory_space<semaphore_mem>>, %arg21: memref<!tpu.dma_semaphore, #tpu.memory_space<semaphore_mem>>, %arg22: memref<!tpu.dma_semaphore, #tpu.memory_space<semaphore_mem>>, %arg23: memref<!tpu.dma_semaphore, #tpu.memory_space<semaphore_mem>>, %arg24: memref<!tpu.dma_semaphore, #tpu.memory_space<semaphore_mem>>, %arg25: memref<!tpu.dma_semaphore, #tpu.memory_space<semaphore_mem>>, %arg26: memref<!tpu.dma_semaphore, #tpu.memory_space<semaphore_mem>>, %arg27: memref<!tpu.dma_semaphore, #tpu.memory_space<semaphore_mem>>, %arg28: memref<!tpu.dma_semaphore, #tpu.memory_space<semaphore_mem>>, %arg29: memref<!tpu.dma_semaphore, #tpu.memory_space<semaphore_mem>>, %arg30: memref<!tpu.dma_semaphore, #tpu.memory_space<semaphore_mem>>, %arg31: memref<!tpu.dma_semaphore, #tpu.memory_space<semaphore_mem>>, %arg32: memref<!tpu.dma_semaphore, #tpu.memory_space<semaphore_mem>>, %arg33: memref<!tpu.dma_semaphore, #tpu.memory_space<semaphore_mem>>) attributes {dimension_semantics = [#tpu.dimension_semantics<core_parallel>, #tpu.dimension_semantics<subcore_parallel>], iteration_bounds = array<i64: 2, 16>, scalar_prefetch = 0 : i64, scratch_operands = 28 : i64, tpu.core_type = #tpu.core_type<sc_vector_subcore>, window_params = [{transform_indices = #map}, {transform_indices = #map1}, {transform_indices = #map1}, {transform_indices = #map1}]} {
    %mul3A = arith.constant 16 : i32
    %mul3A_0 = arith.muli %arg0, %mul3A : i32
    %add3A = arith.addi %mul3A_0, %arg1 : i32
    %mul3A_1 = arith.constant 2500 : i32
    %mul3A_2 = arith.muli %add3A, %mul3A_1 : i32
    %jit3A = arith.constant 32 : i32
    %div3A = arith.divsi %mul3A_2, %jit3A : i32
    %sign3A = arith.constant 0 : i32
    %sign3A_3 = arith.cmpi sgt, %mul3A_2, %sign3A : i32
    %sign3A_4 = arith.extui %sign3A_3 : i1 to i32
    %sign3A_5 = arith.constant 0 : i32
    %sign3A_6 = arith.cmpi slt, %mul3A_2, %sign3A_5 : i32
    %sign3A_7 = arith.extui %sign3A_6 : i1 to i32
    %sign3A_8 = arith.subi %sign3A_4, %sign3A_7 : i32
    %sign3A_9 = arith.constant 0 : i32
    %sign3A_10 = arith.cmpi sgt, %jit3A, %sign3A_9 : i32
    %sign3A_11 = arith.extui %sign3A_10 : i1 to i32
    %sign3A_12 = arith.constant 0 : i32
    %sign3A_13 = arith.cmpi slt, %jit3A, %sign3A_12 : i32
    %sign3A_14 = arith.extui %sign3A_13 : i1 to i32
    %sign3A_15 = arith.subi %sign3A_11, %sign3A_14 : i32
    %ne3A = arith.cmpi ne, %sign3A_8, %sign3A_15 : i32
    %rem3A = arith.remsi %mul3A_2, %jit3A : i32
    %ne3A_16 = arith.constant 0 : i32
    %ne3A_17 = arith.cmpi ne, %rem3A, %ne3A_16 : i32
    %and3A = arith.andi %ne3A, %ne3A_17 : i1
    %sub3A = arith.constant 1 : i32
    %sub3A_18 = arith.subi %div3A, %sub3A : i32
    %select_n3A = arith.select %and3A, %sub3A_18, %div3A : i32
    %add3A_19 = arith.constant 1 : i32
    %add3A_20 = arith.addi %add3A, %add3A_19 : i32
    %mul3A_21 = arith.constant 2500 : i32
    %mul3A_22 = arith.muli %add3A_20, %mul3A_21 : i32
    %jit3A_23 = arith.constant 32 : i32
    %div3A_24 = arith.divsi %mul3A_22, %jit3A_23 : i32
    %sign3A_25 = arith.constant 0 : i32
    %sign3A_26 = arith.cmpi sgt, %mul3A_22, %sign3A_25 : i32
    %sign3A_27 = arith.extui %sign3A_26 : i1 to i32
    %sign3A_28 = arith.constant 0 : i32
    %sign3A_29 = arith.cmpi slt, %mul3A_22, %sign3A_28 : i32
    %sign3A_30 = arith.extui %sign3A_29 : i1 to i32
    %sign3A_31 = arith.subi %sign3A_27, %sign3A_30 : i32
    %sign3A_32 = arith.constant 0 : i32
    %sign3A_33 = arith.cmpi sgt, %jit3A_23, %sign3A_32 : i32
    %sign3A_34 = arith.extui %sign3A_33 : i1 to i32
    %sign3A_35 = arith.constant 0 : i32
    %sign3A_36 = arith.cmpi slt, %jit3A_23, %sign3A_35 : i32
    %sign3A_37 = arith.extui %sign3A_36 : i1 to i32
    %sign3A_38 = arith.subi %sign3A_34, %sign3A_37 : i32
    %ne3A_39 = arith.cmpi ne, %sign3A_31, %sign3A_38 : i32
    %rem3A_40 = arith.remsi %mul3A_22, %jit3A_23 : i32
    %ne3A_41 = arith.constant 0 : i32
    %ne3A_42 = arith.cmpi ne, %rem3A_40, %ne3A_41 : i32
    %and3A_43 = arith.andi %ne3A_39, %ne3A_42 : i1
    %sub3A_44 = arith.constant 1 : i32
    %sub3A_45 = arith.subi %div3A_24, %sub3A_44 : i32
    %select_n3A_46 = arith.select %and3A_43, %sub3A_45, %div3A_24 : i32
    %min3A = arith.constant 2421 : i32
    %min3A_47 = arith.minsi %select_n3A, %min3A : i32
    %sub3A_48 = arith.subi %select_n3A, %min3A_47 : i32
    %sub3A_49 = arith.subi %select_n3A_46, %select_n3A : i32
    "tpu.region"() ({
      %run_scoped3A_162 = tpu.sem_alloc : memref<!tpu.dma_semaphore, #tpu.memory_space<semaphore_mem>>
      tpu.enqueue_dma source(%arg4 : memref<128x32xf32, #tpu.memory_space<hbm>>) target(%arg16 : memref<128x32xf32, #tpu.memory_space<vmem>>) target_semaphore(%run_scoped3A_162 : memref<!tpu.dma_semaphore, #tpu.memory_space<semaphore_mem>>)
      tpu.wait_dma2 semaphore(%run_scoped3A_162 : memref<!tpu.dma_semaphore, #tpu.memory_space<semaphore_mem>>) src(%arg4 : memref<128x32xf32, #tpu.memory_space<hbm>>) dst(%arg16 : memref<128x32xf32, #tpu.memory_space<vmem>>)
      tpu.yield
    }) : () -> ()
    %run_scoped3A = arith.constant 0 : i32
    "tpu.region"() ({
      %run_scoped3A_162 = tpu.sem_alloc : memref<!tpu.dma_semaphore, #tpu.memory_space<semaphore_mem>>
      %dma_start3A_163 = arith.constant 0 : i32
      %dma_start3A_164 = tpu.memref_slice %arg2[%run_scoped3A, %min3A_47, %dma_start3A_163] : memref<2x2500x128xi32, #tpu.memory_space<hbm>> -> memref<1x79x128xi32, #tpu.memory_space<hbm>>
      %dma_start3A_165 = tpu.memref_squeeze %dma_start3A_164 : memref<1x79x128xi32, #tpu.memory_space<hbm>> -> memref<79x128xi32, #tpu.memory_space<hbm>>
      %dma_start3A_166 = arith.constant 0 : i32
      %dma_start3A_167 = tpu.memref_slice %arg2[%run_scoped3A, %min3A_47, %dma_start3A_166] : memref<2x2500x128xi32, #tpu.memory_space<hbm>> -> memref<1x79x128xi32, #tpu.memory_space<hbm>>
      %dma_start3A_168 = tpu.memref_squeeze %dma_start3A_167 : memref<1x79x128xi32, #tpu.memory_space<hbm>> -> memref<79x128xi32, #tpu.memory_space<hbm>>
      tpu.enqueue_dma source(%dma_start3A_168 : memref<79x128xi32, #tpu.memory_space<hbm>>) target(%arg6 : memref<79x128xi32, #tpu.memory_space<vmem>>) target_semaphore(%run_scoped3A_162 : memref<!tpu.dma_semaphore, #tpu.memory_space<semaphore_mem>>)
      %dma_wait3A_169 = arith.constant 0 : i32
      %dma_wait3A_170 = tpu.memref_slice %arg2[%run_scoped3A, %min3A_47, %dma_wait3A_169] : memref<2x2500x128xi32, #tpu.memory_space<hbm>> -> memref<1x79x128xi32, #tpu.memory_space<hbm>>
      %dma_wait3A_171 = tpu.memref_squeeze %dma_wait3A_170 : memref<1x79x128xi32, #tpu.memory_space<hbm>> -> memref<79x128xi32, #tpu.memory_space<hbm>>
      %dma_wait3A_172 = arith.constant 0 : i32
      %dma_wait3A_173 = tpu.memref_slice %arg2[%run_scoped3A, %min3A_47, %dma_wait3A_172] : memref<2x2500x128xi32, #tpu.memory_space<hbm>> -> memref<1x79x128xi32, #tpu.memory_space<hbm>>
      %dma_wait3A_174 = tpu.memref_squeeze %dma_wait3A_173 : memref<1x79x128xi32, #tpu.memory_space<hbm>> -> memref<79x128xi32, #tpu.memory_space<hbm>>
      tpu.wait_dma2 semaphore(%run_scoped3A_162 : memref<!tpu.dma_semaphore, #tpu.memory_space<semaphore_mem>>) src(%dma_wait3A_174 : memref<79x128xi32, #tpu.memory_space<hbm>>) dst(%arg6 : memref<79x128xi32, #tpu.memory_space<vmem>>)
      tpu.yield
    }) : () -> ()
    %run_scoped3A_50 = arith.constant 1 : i32
    "tpu.region"() ({
      %run_scoped3A_162 = tpu.sem_alloc : memref<!tpu.dma_semaphore, #tpu.memory_space<semaphore_mem>>
      %dma_start3A_163 = arith.constant 0 : i32
      %dma_start3A_164 = tpu.memref_slice %arg2[%run_scoped3A_50, %min3A_47, %dma_start3A_163] : memref<2x2500x128xi32, #tpu.memory_space<hbm>> -> memref<1x79x128xi32, #tpu.memory_space<hbm>>
      %dma_start3A_165 = tpu.memref_squeeze %dma_start3A_164 : memref<1x79x128xi32, #tpu.memory_space<hbm>> -> memref<79x128xi32, #tpu.memory_space<hbm>>
      %dma_start3A_166 = arith.constant 0 : i32
      %dma_start3A_167 = tpu.memref_slice %arg2[%run_scoped3A_50, %min3A_47, %dma_start3A_166] : memref<2x2500x128xi32, #tpu.memory_space<hbm>> -> memref<1x79x128xi32, #tpu.memory_space<hbm>>
      %dma_start3A_168 = tpu.memref_squeeze %dma_start3A_167 : memref<1x79x128xi32, #tpu.memory_space<hbm>> -> memref<79x128xi32, #tpu.memory_space<hbm>>
      tpu.enqueue_dma source(%dma_start3A_168 : memref<79x128xi32, #tpu.memory_space<hbm>>) target(%arg7 : memref<79x128xi32, #tpu.memory_space<vmem>>) target_semaphore(%run_scoped3A_162 : memref<!tpu.dma_semaphore, #tpu.memory_space<semaphore_mem>>)
      %dma_wait3A_169 = arith.constant 0 : i32
      %dma_wait3A_170 = tpu.memref_slice %arg2[%run_scoped3A_50, %min3A_47, %dma_wait3A_169] : memref<2x2500x128xi32, #tpu.memory_space<hbm>> -> memref<1x79x128xi32, #tpu.memory_space<hbm>>
      %dma_wait3A_171 = tpu.memref_squeeze %dma_wait3A_170 : memref<1x79x128xi32, #tpu.memory_space<hbm>> -> memref<79x128xi32, #tpu.memory_space<hbm>>
      %dma_wait3A_172 = arith.constant 0 : i32
      %dma_wait3A_173 = tpu.memref_slice %arg2[%run_scoped3A_50, %min3A_47, %dma_wait3A_172] : memref<2x2500x128xi32, #tpu.memory_space<hbm>> -> memref<1x79x128xi32, #tpu.memory_space<hbm>>
      %dma_wait3A_174 = tpu.memref_squeeze %dma_wait3A_173 : memref<1x79x128xi32, #tpu.memory_space<hbm>> -> memref<79x128xi32, #tpu.memory_space<hbm>>
      tpu.wait_dma2 semaphore(%run_scoped3A_162 : memref<!tpu.dma_semaphore, #tpu.memory_space<semaphore_mem>>) src(%dma_wait3A_174 : memref<79x128xi32, #tpu.memory_space<hbm>>) dst(%arg7 : memref<79x128xi32, #tpu.memory_space<vmem>>)
      tpu.yield
    }) : () -> ()
    %scan3A = arith.constant 0 : i32
    %scan3A_51 = arith.constant 0 : i32
    %scan3A_52 = arith.constant 5 : i32
    %scan3A_53 = arith.addi %scan3A_51, %scan3A_52 : i32
    %scan3A_54 = arith.constant 1 : i32
    scf.for %scan3A_162 = %scan3A_51 to %scan3A_53 step %scan3A_54  : i32 {
      %mul3A_163 = arith.constant 16 : i32
      %mul3A_164 = arith.muli %scan3A_162, %mul3A_163 : i32
      %add3A_165 = arith.addi %arg1, %mul3A_164 : i32
      %lt3A = arith.constant 78 : i32
      %lt3A_166 = arith.cmpi slt, %add3A_165, %lt3A : i32
      %convert_element_type3A_167 = arith.extui %lt3A_166 : i1 to i32
      %cond3A_168 = arith.constant 0 : i32
      %cond3A_169 = arith.cmpi ne, %convert_element_type3A_167, %cond3A_168 : i32
      scf.if %cond3A_169 {
        %mul3A_170 = arith.constant 128 : i32
        %mul3A_171 = arith.muli %add3A_165, %mul3A_170 : i32
        "tpu.region"() ({
          %run_scoped3A_172 = tpu.sem_alloc : memref<!tpu.dma_semaphore, #tpu.memory_space<semaphore_mem>>
          %dma_start3A_173 = arith.constant 0 : i32
          %dma_start3A_174 = tpu.memref_slice %arg17[%mul3A_171, %dma_start3A_173] : memref<10016x32xf32, #tpu.memory_space<vmem_shared>> -> memref<128x32xf32, #tpu.memory_space<vmem_shared>>
          %dma_start3A_175 = arith.constant 0 : i32
          %dma_start3A_176 = tpu.memref_slice %arg17[%mul3A_171, %dma_start3A_175] : memref<10016x32xf32, #tpu.memory_space<vmem_shared>> -> memref<128x32xf32, #tpu.memory_space<vmem_shared>>
          tpu.enqueue_dma source(%arg16 : memref<128x32xf32, #tpu.memory_space<vmem>>) target(%dma_start3A_176 : memref<128x32xf32, #tpu.memory_space<vmem_shared>>) target_semaphore(%run_scoped3A_172 : memref<!tpu.dma_semaphore, #tpu.memory_space<semaphore_mem>>)
          %dma_wait3A_177 = arith.constant 0 : i32
          %dma_wait3A_178 = tpu.memref_slice %arg17[%mul3A_171, %dma_wait3A_177] : memref<10016x32xf32, #tpu.memory_space<vmem_shared>> -> memref<128x32xf32, #tpu.memory_space<vmem_shared>>
          %dma_wait3A_179 = arith.constant 0 : i32
          %dma_wait3A_180 = tpu.memref_slice %arg17[%mul3A_171, %dma_wait3A_179] : memref<10016x32xf32, #tpu.memory_space<vmem_shared>> -> memref<128x32xf32, #tpu.memory_space<vmem_shared>>
          tpu.wait_dma2 semaphore(%run_scoped3A_172 : memref<!tpu.dma_semaphore, #tpu.memory_space<semaphore_mem>>) src(%arg16 : memref<128x32xf32, #tpu.memory_space<vmem>>) dst(%dma_wait3A_180 : memref<128x32xf32, #tpu.memory_space<vmem_shared>>)
          tpu.yield
        }) : () -> ()
      } else {
      }
    }
    %scan3A_55 = arith.constant 5 : i32
    %eq3A = arith.constant 0 : i32
    %eq3A_56 = arith.cmpi eq, %arg1, %eq3A : i32
    %convert_element_type3A = arith.extui %eq3A_56 : i1 to i32
    %cond3A = arith.constant 0 : i32
    %cond3A_57 = arith.cmpi ne, %convert_element_type3A, %cond3A : i32
    scf.if %cond3A_57 {
      "tpu.region"() ({
        %run_scoped3A_162 = tpu.sem_alloc : memref<!tpu.dma_semaphore, #tpu.memory_space<semaphore_mem>>
        %dma_start3A_163 = arith.constant 0 : i32
        %dma_start3A_164 = arith.constant 0 : i32
        %dma_start3A_165 = tpu.memref_slice %arg16[%dma_start3A_163, %dma_start3A_164] : memref<128x32xf32, #tpu.memory_space<vmem>> -> memref<16x32xf32, #tpu.memory_space<vmem>>
        %dma_start3A_166 = arith.constant 9984 : i32
        %dma_start3A_167 = arith.constant 0 : i32
        %dma_start3A_168 = tpu.memref_slice %arg17[%dma_start3A_166, %dma_start3A_167] : memref<10016x32xf32, #tpu.memory_space<vmem_shared>> -> memref<16x32xf32, #tpu.memory_space<vmem_shared>>
        %dma_start3A_169 = arith.constant 9984 : i32
        %dma_start3A_170 = arith.constant 0 : i32
        %dma_start3A_171 = tpu.memref_slice %arg17[%dma_start3A_169, %dma_start3A_170] : memref<10016x32xf32, #tpu.memory_space<vmem_shared>> -> memref<16x32xf32, #tpu.memory_space<vmem_shared>>
        %dma_start3A_172 = arith.constant 0 : i32
        %dma_start3A_173 = arith.constant 0 : i32
        %dma_start3A_174 = tpu.memref_slice %arg16[%dma_start3A_172, %dma_start3A_173] : memref<128x32xf32, #tpu.memory_space<vmem>> -> memref<16x32xf32, #tpu.memory_space<vmem>>
        tpu.enqueue_dma source(%dma_start3A_174 : memref<16x32xf32, #tpu.memory_space<vmem>>) target(%dma_start3A_171 : memref<16x32xf32, #tpu.memory_space<vmem_shared>>) target_semaphore(%run_scoped3A_162 : memref<!tpu.dma_semaphore, #tpu.memory_space<semaphore_mem>>)
        %dma_wait3A_175 = arith.constant 0 : i32
        %dma_wait3A_176 = arith.constant 0 : i32
        %dma_wait3A_177 = tpu.memref_slice %arg16[%dma_wait3A_175, %dma_wait3A_176] : memref<128x32xf32, #tpu.memory_space<vmem>> -> memref<16x32xf32, #tpu.memory_space<vmem>>
        %dma_wait3A_178 = arith.constant 9984 : i32
        %dma_wait3A_179 = arith.constant 0 : i32
        %dma_wait3A_180 = tpu.memref_slice %arg17[%dma_wait3A_178, %dma_wait3A_179] : memref<10016x32xf32, #tpu.memory_space<vmem_shared>> -> memref<16x32xf32, #tpu.memory_space<vmem_shared>>
        %dma_wait3A_181 = arith.constant 9984 : i32
        %dma_wait3A_182 = arith.constant 0 : i32
        %dma_wait3A_183 = tpu.memref_slice %arg17[%dma_wait3A_181, %dma_wait3A_182] : memref<10016x32xf32, #tpu.memory_space<vmem_shared>> -> memref<16x32xf32, #tpu.memory_space<vmem_shared>>
        %dma_wait3A_184 = arith.constant 0 : i32
        %dma_wait3A_185 = arith.constant 0 : i32
        %dma_wait3A_186 = tpu.memref_slice %arg16[%dma_wait3A_184, %dma_wait3A_185] : memref<128x32xf32, #tpu.memory_space<vmem>> -> memref<16x32xf32, #tpu.memory_space<vmem>>
        tpu.wait_dma2 semaphore(%run_scoped3A_162 : memref<!tpu.dma_semaphore, #tpu.memory_space<semaphore_mem>>) src(%dma_wait3A_186 : memref<16x32xf32, #tpu.memory_space<vmem>>) dst(%dma_wait3A_183 : memref<16x32xf32, #tpu.memory_space<vmem_shared>>)
        tpu.yield
      }) : () -> ()
    } else {
    }
    %barrier3A = arith.constant 0 : index
    tpu.barrier barrier_id(%barrier3A)
    %add3A_58 = arith.constant 0 : i32
    %add3A_59 = arith.addi %sub3A_48, %add3A_58 : i32
    %dma_start3A = arith.constant 0 : i32
    %dma_start3A_60 = tpu.memref_slice %arg6[%add3A_59, %dma_start3A] : memref<79x128xi32, #tpu.memory_space<vmem>> -> memref<1x128xi32, #tpu.memory_space<vmem>>
    %dma_start3A_61 = tpu.memref_squeeze %dma_start3A_60 : memref<1x128xi32, #tpu.memory_space<vmem>> -> memref<128xi32, #tpu.memory_space<vmem>>
    %dma_start3A_62 = arith.constant 0 : i32
    %dma_start3A_63 = arith.constant 0 : i32
    %dma_start3A_64 = tpu.memref_slice %arg3[%dma_start3A_62, %dma_start3A_63] : memref<10000x32xf32, #tpu.memory_space<hbm>> -> memref<10000x32xf32, #tpu.memory_space<hbm>>
    tpu.enqueue_indirect_dma source(%dma_start3A_64 : memref<10000x32xf32, #tpu.memory_space<hbm>>) target(%arg8 : memref<128x32xf32, #tpu.memory_space<vmem>>) offsets(%dma_start3A_61 : memref<128xi32, #tpu.memory_space<vmem>>) semaphore(%arg18 : memref<!tpu.dma_semaphore, #tpu.memory_space<semaphore_mem>>)
    %add3A_65 = arith.constant 1 : i32
    %add3A_66 = arith.addi %sub3A_48, %add3A_65 : i32
    %dma_start3A_67 = arith.constant 0 : i32
    %dma_start3A_68 = tpu.memref_slice %arg6[%add3A_66, %dma_start3A_67] : memref<79x128xi32, #tpu.memory_space<vmem>> -> memref<1x128xi32, #tpu.memory_space<vmem>>
    %dma_start3A_69 = tpu.memref_squeeze %dma_start3A_68 : memref<1x128xi32, #tpu.memory_space<vmem>> -> memref<128xi32, #tpu.memory_space<vmem>>
    %dma_start3A_70 = arith.constant 0 : i32
    %dma_start3A_71 = arith.constant 0 : i32
    %dma_start3A_72 = tpu.memref_slice %arg3[%dma_start3A_70, %dma_start3A_71] : memref<10000x32xf32, #tpu.memory_space<hbm>> -> memref<10000x32xf32, #tpu.memory_space<hbm>>
    tpu.enqueue_indirect_dma source(%dma_start3A_72 : memref<10000x32xf32, #tpu.memory_space<hbm>>) target(%arg9 : memref<128x32xf32, #tpu.memory_space<vmem>>) offsets(%dma_start3A_69 : memref<128xi32, #tpu.memory_space<vmem>>) semaphore(%arg19 : memref<!tpu.dma_semaphore, #tpu.memory_space<semaphore_mem>>)
    %add3A_73 = arith.constant 2 : i32
    %add3A_74 = arith.addi %sub3A_48, %add3A_73 : i32
    %dma_start3A_75 = arith.constant 0 : i32
    %dma_start3A_76 = tpu.memref_slice %arg6[%add3A_74, %dma_start3A_75] : memref<79x128xi32, #tpu.memory_space<vmem>> -> memref<1x128xi32, #tpu.memory_space<vmem>>
    %dma_start3A_77 = tpu.memref_squeeze %dma_start3A_76 : memref<1x128xi32, #tpu.memory_space<vmem>> -> memref<128xi32, #tpu.memory_space<vmem>>
    %dma_start3A_78 = arith.constant 0 : i32
    %dma_start3A_79 = arith.constant 0 : i32
    %dma_start3A_80 = tpu.memref_slice %arg3[%dma_start3A_78, %dma_start3A_79] : memref<10000x32xf32, #tpu.memory_space<hbm>> -> memref<10000x32xf32, #tpu.memory_space<hbm>>
    tpu.enqueue_indirect_dma source(%dma_start3A_80 : memref<10000x32xf32, #tpu.memory_space<hbm>>) target(%arg10 : memref<128x32xf32, #tpu.memory_space<vmem>>) offsets(%dma_start3A_77 : memref<128xi32, #tpu.memory_space<vmem>>) semaphore(%arg20 : memref<!tpu.dma_semaphore, #tpu.memory_space<semaphore_mem>>)
    %add3A_81 = arith.constant 3 : i32
    %add3A_82 = arith.addi %sub3A_48, %add3A_81 : i32
    %dma_start3A_83 = arith.constant 0 : i32
    %dma_start3A_84 = tpu.memref_slice %arg6[%add3A_82, %dma_start3A_83] : memref<79x128xi32, #tpu.memory_space<vmem>> -> memref<1x128xi32, #tpu.memory_space<vmem>>
    %dma_start3A_85 = tpu.memref_squeeze %dma_start3A_84 : memref<1x128xi32, #tpu.memory_space<vmem>> -> memref<128xi32, #tpu.memory_space<vmem>>
    %dma_start3A_86 = arith.constant 0 : i32
    %dma_start3A_87 = arith.constant 0 : i32
    %dma_start3A_88 = tpu.memref_slice %arg3[%dma_start3A_86, %dma_start3A_87] : memref<10000x32xf32, #tpu.memory_space<hbm>> -> memref<10000x32xf32, #tpu.memory_space<hbm>>
    tpu.enqueue_indirect_dma source(%dma_start3A_88 : memref<10000x32xf32, #tpu.memory_space<hbm>>) target(%arg11 : memref<128x32xf32, #tpu.memory_space<vmem>>) offsets(%dma_start3A_85 : memref<128xi32, #tpu.memory_space<vmem>>) semaphore(%arg21 : memref<!tpu.dma_semaphore, #tpu.memory_space<semaphore_mem>>)
    %scan3A_89 = arith.constant 0 : i32
    %scan3A_90 = arith.constant 0 : i32
    %scan3A_91 = arith.constant 10 : i32
    %scan3A_92 = arith.addi %scan3A_90, %scan3A_91 : i32
    %scan3A_93 = arith.constant 1 : i32
    scf.for %scan3A_162 = %scan3A_90 to %scan3A_92 step %scan3A_93  : i32 {
      %mul3A_163 = arith.constant 8 : i32
      %mul3A_164 = arith.muli %scan3A_162, %mul3A_163 : i32
      %add3A_165 = arith.constant 0 : i32
      %add3A_166 = arith.addi %mul3A_164, %add3A_165 : i32
      %add3A_167 = arith.constant 4 : i32
      %add3A_168 = arith.addi %add3A_166, %add3A_167 : i32
      %lt3A = arith.cmpi slt, %add3A_168, %sub3A_49 : i32
      %ge3A = arith.constant 4 : i32
      %ge3A_169 = arith.cmpi sge, %add3A_166, %ge3A : i32
      %and3A_170 = arith.andi %lt3A, %ge3A_169 : i1
      %convert_element_type3A_171 = arith.extui %and3A_170 : i1 to i32
      %cond3A_172 = arith.constant 0 : i32
      %cond3A_173 = arith.cmpi ne, %convert_element_type3A_171, %cond3A_172 : i32
      scf.if %cond3A_173 {
        %dma_wait3A_353 = arith.constant 0 : i32
        %dma_wait3A_354 = arith.constant 0 : i32
        %dma_wait3A_355 = tpu.memref_slice %arg7[%dma_wait3A_353, %dma_wait3A_354] : memref<79x128xi32, #tpu.memory_space<vmem>> -> memref<1x128xi32, #tpu.memory_space<vmem>>
        %dma_wait3A_356 = tpu.memref_squeeze %dma_wait3A_355 : memref<1x128xi32, #tpu.memory_space<vmem>> -> memref<128xi32, #tpu.memory_space<vmem>>
        %dma_wait3A_357 = arith.constant 0 : i32
        %dma_wait3A_358 = arith.constant 0 : i32
        %dma_wait3A_359 = tpu.memref_slice %arg17[%dma_wait3A_357, %dma_wait3A_358] : memref<10016x32xf32, #tpu.memory_space<vmem_shared>> -> memref<10016x32xf32, #tpu.memory_space<vmem_shared>>
        tpu.wait_indirect_dma semaphore(%arg30 : memref<!tpu.dma_semaphore, #tpu.memory_space<semaphore_mem>>) src(%arg12 : memref<128x32xf32, #tpu.memory_space<vmem>>) dst(%dma_wait3A_359 : memref<10016x32xf32, #tpu.memory_space<vmem_shared>>)
        %add3A_360 = arith.addi %sub3A_48, %add3A_168 : i32
        %dma_start3A_361 = arith.constant 0 : i32
        %dma_start3A_362 = tpu.memref_slice %arg6[%add3A_360, %dma_start3A_361] : memref<79x128xi32, #tpu.memory_space<vmem>> -> memref<1x128xi32, #tpu.memory_space<vmem>>
        %dma_start3A_363 = tpu.memref_squeeze %dma_start3A_362 : memref<1x128xi32, #tpu.memory_space<vmem>> -> memref<128xi32, #tpu.memory_space<vmem>>
        %dma_start3A_364 = arith.constant 0 : i32
        %dma_start3A_365 = arith.constant 0 : i32
        %dma_start3A_366 = tpu.memref_slice %arg3[%dma_start3A_364, %dma_start3A_365] : memref<10000x32xf32, #tpu.memory_space<hbm>> -> memref<10000x32xf32, #tpu.memory_space<hbm>>
        tpu.enqueue_indirect_dma source(%dma_start3A_366 : memref<10000x32xf32, #tpu.memory_space<hbm>>) target(%arg12 : memref<128x32xf32, #tpu.memory_space<vmem>>) offsets(%dma_start3A_363 : memref<128xi32, #tpu.memory_space<vmem>>) semaphore(%arg22 : memref<!tpu.dma_semaphore, #tpu.memory_space<semaphore_mem>>)
      } else {
      }
      %lt3A_174 = arith.cmpi slt, %add3A_168, %sub3A_49 : i32
      %lt3A_175 = arith.constant 4 : i32
      %lt3A_176 = arith.cmpi slt, %add3A_166, %lt3A_175 : i32
      %and3A_177 = arith.andi %lt3A_174, %lt3A_176 : i1
      %convert_element_type3A_178 = arith.extui %and3A_177 : i1 to i32
      %cond3A_179 = arith.constant 0 : i32
      %cond3A_180 = arith.cmpi ne, %convert_element_type3A_178, %cond3A_179 : i32
      scf.if %cond3A_180 {
        %add3A_353 = arith.addi %sub3A_48, %add3A_168 : i32
        %dma_start3A_354 = arith.constant 0 : i32
        %dma_start3A_355 = tpu.memref_slice %arg6[%add3A_353, %dma_start3A_354] : memref<79x128xi32, #tpu.memory_space<vmem>> -> memref<1x128xi32, #tpu.memory_space<vmem>>
        %dma_start3A_356 = tpu.memref_squeeze %dma_start3A_355 : memref<1x128xi32, #tpu.memory_space<vmem>> -> memref<128xi32, #tpu.memory_space<vmem>>
        %dma_start3A_357 = arith.constant 0 : i32
        %dma_start3A_358 = arith.constant 0 : i32
        %dma_start3A_359 = tpu.memref_slice %arg3[%dma_start3A_357, %dma_start3A_358] : memref<10000x32xf32, #tpu.memory_space<hbm>> -> memref<10000x32xf32, #tpu.memory_space<hbm>>
        tpu.enqueue_indirect_dma source(%dma_start3A_359 : memref<10000x32xf32, #tpu.memory_space<hbm>>) target(%arg12 : memref<128x32xf32, #tpu.memory_space<vmem>>) offsets(%dma_start3A_356 : memref<128xi32, #tpu.memory_space<vmem>>) semaphore(%arg22 : memref<!tpu.dma_semaphore, #tpu.memory_space<semaphore_mem>>)
      } else {
      }
      %lt3A_181 = arith.cmpi slt, %add3A_166, %sub3A_49 : i32
      %convert_element_type3A_182 = arith.extui %lt3A_181 : i1 to i32
      %cond3A_183 = arith.constant 0 : i32
      %cond3A_184 = arith.cmpi ne, %convert_element_type3A_182, %cond3A_183 : i32
      scf.if %cond3A_184 {
        %dma_wait3A_353 = arith.constant 0 : i32
        %dma_wait3A_354 = arith.constant 0 : i32
        %dma_wait3A_355 = tpu.memref_slice %arg3[%dma_wait3A_353, %dma_wait3A_354] : memref<10000x32xf32, #tpu.memory_space<hbm>> -> memref<128x32xf32, #tpu.memory_space<hbm>>
        %dma_wait3A_356 = arith.constant 0 : i32
        %dma_wait3A_357 = arith.constant 0 : i32
        %dma_wait3A_358 = tpu.memref_slice %arg3[%dma_wait3A_356, %dma_wait3A_357] : memref<10000x32xf32, #tpu.memory_space<hbm>> -> memref<128x32xf32, #tpu.memory_space<hbm>>
        tpu.wait_dma2 semaphore(%arg18 : memref<!tpu.dma_semaphore, #tpu.memory_space<semaphore_mem>>) src(%dma_wait3A_358 : memref<128x32xf32, #tpu.memory_space<hbm>>) dst(%arg8 : memref<128x32xf32, #tpu.memory_space<vmem>>)
        %add3A_359 = arith.addi %sub3A_48, %add3A_166 : i32
        %dma_start3A_360 = arith.constant 0 : i32
        %dma_start3A_361 = tpu.memref_slice %arg7[%add3A_359, %dma_start3A_360] : memref<79x128xi32, #tpu.memory_space<vmem>> -> memref<1x128xi32, #tpu.memory_space<vmem>>
        %dma_start3A_362 = tpu.memref_squeeze %dma_start3A_361 : memref<1x128xi32, #tpu.memory_space<vmem>> -> memref<128xi32, #tpu.memory_space<vmem>>
        %dma_start3A_363 = arith.constant 0 : i32
        %dma_start3A_364 = arith.constant 0 : i32
        %dma_start3A_365 = tpu.memref_slice %arg17[%dma_start3A_363, %dma_start3A_364] : memref<10016x32xf32, #tpu.memory_space<vmem_shared>> -> memref<10016x32xf32, #tpu.memory_space<vmem_shared>>
        tpu.enqueue_indirect_dma source(%arg8 : memref<128x32xf32, #tpu.memory_space<vmem>>) target(%dma_start3A_365 : memref<10016x32xf32, #tpu.memory_space<vmem_shared>>) offsets(%dma_start3A_362 : memref<128xi32, #tpu.memory_space<vmem>>) semaphore(%arg26 : memref<!tpu.dma_semaphore, #tpu.memory_space<semaphore_mem>>) {add = true}
      } else {
      }
      %mul3A_185 = arith.constant 8 : i32
      %mul3A_186 = arith.muli %scan3A_162, %mul3A_185 : i32
      %add3A_187 = arith.constant 1 : i32
      %add3A_188 = arith.addi %mul3A_186, %add3A_187 : i32
      %add3A_189 = arith.constant 4 : i32
      %add3A_190 = arith.addi %add3A_188, %add3A_189 : i32
      %lt3A_191 = arith.cmpi slt, %add3A_190, %sub3A_49 : i32
      %ge3A_192 = arith.constant 4 : i32
      %ge3A_193 = arith.cmpi sge, %add3A_188, %ge3A_192 : i32
      %and3A_194 = arith.andi %lt3A_191, %ge3A_193 : i1
      %convert_element_type3A_195 = arith.extui %and3A_194 : i1 to i32
      %cond3A_196 = arith.constant 0 : i32
      %cond3A_197 = arith.cmpi ne, %convert_element_type3A_195, %cond3A_196 : i32
      scf.if %cond3A_197 {
        %dma_wait3A_353 = arith.constant 0 : i32
        %dma_wait3A_354 = arith.constant 0 : i32
        %dma_wait3A_355 = tpu.memref_slice %arg7[%dma_wait3A_353, %dma_wait3A_354] : memref<79x128xi32, #tpu.memory_space<vmem>> -> memref<1x128xi32, #tpu.memory_space<vmem>>
        %dma_wait3A_356 = tpu.memref_squeeze %dma_wait3A_355 : memref<1x128xi32, #tpu.memory_space<vmem>> -> memref<128xi32, #tpu.memory_space<vmem>>
        %dma_wait3A_357 = arith.constant 0 : i32
        %dma_wait3A_358 = arith.constant 0 : i32
        %dma_wait3A_359 = tpu.memref_slice %arg17[%dma_wait3A_357, %dma_wait3A_358] : memref<10016x32xf32, #tpu.memory_space<vmem_shared>> -> memref<10016x32xf32, #tpu.memory_space<vmem_shared>>
        tpu.wait_indirect_dma semaphore(%arg31 : memref<!tpu.dma_semaphore, #tpu.memory_space<semaphore_mem>>) src(%arg13 : memref<128x32xf32, #tpu.memory_space<vmem>>) dst(%dma_wait3A_359 : memref<10016x32xf32, #tpu.memory_space<vmem_shared>>)
        %add3A_360 = arith.addi %sub3A_48, %add3A_190 : i32
        %dma_start3A_361 = arith.constant 0 : i32
        %dma_start3A_362 = tpu.memref_slice %arg6[%add3A_360, %dma_start3A_361] : memref<79x128xi32, #tpu.memory_space<vmem>> -> memref<1x128xi32, #tpu.memory_space<vmem>>
        %dma_start3A_363 = tpu.memref_squeeze %dma_start3A_362 : memref<1x128xi32, #tpu.memory_space<vmem>> -> memref<128xi32, #tpu.memory_space<vmem>>
        %dma_start3A_364 = arith.constant 0 : i32
        %dma_start3A_365 = arith.constant 0 : i32
        %dma_start3A_366 = tpu.memref_slice %arg3[%dma_start3A_364, %dma_start3A_365] : memref<10000x32xf32, #tpu.memory_space<hbm>> -> memref<10000x32xf32, #tpu.memory_space<hbm>>
        tpu.enqueue_indirect_dma source(%dma_start3A_366 : memref<10000x32xf32, #tpu.memory_space<hbm>>) target(%arg13 : memref<128x32xf32, #tpu.memory_space<vmem>>) offsets(%dma_start3A_363 : memref<128xi32, #tpu.memory_space<vmem>>) semaphore(%arg23 : memref<!tpu.dma_semaphore, #tpu.memory_space<semaphore_mem>>)
      } else {
      }
      %lt3A_198 = arith.cmpi slt, %add3A_190, %sub3A_49 : i32
      %lt3A_199 = arith.constant 4 : i32
      %lt3A_200 = arith.cmpi slt, %add3A_188, %lt3A_199 : i32
      %and3A_201 = arith.andi %lt3A_198, %lt3A_200 : i1
      %convert_element_type3A_202 = arith.extui %and3A_201 : i1 to i32
      %cond3A_203 = arith.constant 0 : i32
      %cond3A_204 = arith.cmpi ne, %convert_element_type3A_202, %cond3A_203 : i32
      scf.if %cond3A_204 {
        %add3A_353 = arith.addi %sub3A_48, %add3A_190 : i32
        %dma_start3A_354 = arith.constant 0 : i32
        %dma_start3A_355 = tpu.memref_slice %arg6[%add3A_353, %dma_start3A_354] : memref<79x128xi32, #tpu.memory_space<vmem>> -> memref<1x128xi32, #tpu.memory_space<vmem>>
        %dma_start3A_356 = tpu.memref_squeeze %dma_start3A_355 : memref<1x128xi32, #tpu.memory_space<vmem>> -> memref<128xi32, #tpu.memory_space<vmem>>
        %dma_start3A_357 = arith.constant 0 : i32
        %dma_start3A_358 = arith.constant 0 : i32
        %dma_start3A_359 = tpu.memref_slice %arg3[%dma_start3A_357, %dma_start3A_358] : memref<10000x32xf32, #tpu.memory_space<hbm>> -> memref<10000x32xf32, #tpu.memory_space<hbm>>
        tpu.enqueue_indirect_dma source(%dma_start3A_359 : memref<10000x32xf32, #tpu.memory_space<hbm>>) target(%arg13 : memref<128x32xf32, #tpu.memory_space<vmem>>) offsets(%dma_start3A_356 : memref<128xi32, #tpu.memory_space<vmem>>) semaphore(%arg23 : memref<!tpu.dma_semaphore, #tpu.memory_space<semaphore_mem>>)
      } else {
      }
      %lt3A_205 = arith.cmpi slt, %add3A_188, %sub3A_49 : i32
      %convert_element_type3A_206 = arith.extui %lt3A_205 : i1 to i32
      %cond3A_207 = arith.constant 0 : i32
      %cond3A_208 = arith.cmpi ne, %convert_element_type3A_206, %cond3A_207 : i32
      scf.if %cond3A_208 {
        %dma_wait3A_353 = arith.constant 0 : i32
        %dma_wait3A_354 = arith.constant 0 : i32
        %dma_wait3A_355 = tpu.memref_slice %arg3[%dma_wait3A_353, %dma_wait3A_354] : memref<10000x32xf32, #tpu.memory_space<hbm>> -> memref<128x32xf32, #tpu.memory_space<hbm>>
        %dma_wait3A_356 = arith.constant 0 : i32
        %dma_wait3A_357 = arith.constant 0 : i32
        %dma_wait3A_358 = tpu.memref_slice %arg3[%dma_wait3A_356, %dma_wait3A_357] : memref<10000x32xf32, #tpu.memory_space<hbm>> -> memref<128x32xf32, #tpu.memory_space<hbm>>
        tpu.wait_dma2 semaphore(%arg19 : memref<!tpu.dma_semaphore, #tpu.memory_space<semaphore_mem>>) src(%dma_wait3A_358 : memref<128x32xf32, #tpu.memory_space<hbm>>) dst(%arg9 : memref<128x32xf32, #tpu.memory_space<vmem>>)
        %add3A_359 = arith.addi %sub3A_48, %add3A_188 : i32
        %dma_start3A_360 = arith.constant 0 : i32
        %dma_start3A_361 = tpu.memref_slice %arg7[%add3A_359, %dma_start3A_360] : memref<79x128xi32, #tpu.memory_space<vmem>> -> memref<1x128xi32, #tpu.memory_space<vmem>>
        %dma_start3A_362 = tpu.memref_squeeze %dma_start3A_361 : memref<1x128xi32, #tpu.memory_space<vmem>> -> memref<128xi32, #tpu.memory_space<vmem>>
        %dma_start3A_363 = arith.constant 0 : i32
        %dma_start3A_364 = arith.constant 0 : i32
        %dma_start3A_365 = tpu.memref_slice %arg17[%dma_start3A_363, %dma_start3A_364] : memref<10016x32xf32, #tpu.memory_space<vmem_shared>> -> memref<10016x32xf32, #tpu.memory_space<vmem_shared>>
        tpu.enqueue_indirect_dma source(%arg9 : memref<128x32xf32, #tpu.memory_space<vmem>>) target(%dma_start3A_365 : memref<10016x32xf32, #tpu.memory_space<vmem_shared>>) offsets(%dma_start3A_362 : memref<128xi32, #tpu.memory_space<vmem>>) semaphore(%arg27 : memref<!tpu.dma_semaphore, #tpu.memory_space<semaphore_mem>>) {add = true}
      } else {
      }
      %mul3A_209 = arith.constant 8 : i32
      %mul3A_210 = arith.muli %scan3A_162, %mul3A_209 : i32
      %add3A_211 = arith.constant 2 : i32
      %add3A_212 = arith.addi %mul3A_210, %add3A_211 : i32
      %add3A_213 = arith.constant 4 : i32
      %add3A_214 = arith.addi %add3A_212, %add3A_213 : i32
      %lt3A_215 = arith.cmpi slt, %add3A_214, %sub3A_49 : i32
      %ge3A_216 = arith.constant 4 : i32
      %ge3A_217 = arith.cmpi sge, %add3A_212, %ge3A_216 : i32
      %and3A_218 = arith.andi %lt3A_215, %ge3A_217 : i1
      %convert_element_type3A_219 = arith.extui %and3A_218 : i1 to i32
      %cond3A_220 = arith.constant 0 : i32
      %cond3A_221 = arith.cmpi ne, %convert_element_type3A_219, %cond3A_220 : i32
      scf.if %cond3A_221 {
        %dma_wait3A_353 = arith.constant 0 : i32
        %dma_wait3A_354 = arith.constant 0 : i32
        %dma_wait3A_355 = tpu.memref_slice %arg7[%dma_wait3A_353, %dma_wait3A_354] : memref<79x128xi32, #tpu.memory_space<vmem>> -> memref<1x128xi32, #tpu.memory_space<vmem>>
        %dma_wait3A_356 = tpu.memref_squeeze %dma_wait3A_355 : memref<1x128xi32, #tpu.memory_space<vmem>> -> memref<128xi32, #tpu.memory_space<vmem>>
        %dma_wait3A_357 = arith.constant 0 : i32
        %dma_wait3A_358 = arith.constant 0 : i32
        %dma_wait3A_359 = tpu.memref_slice %arg17[%dma_wait3A_357, %dma_wait3A_358] : memref<10016x32xf32, #tpu.memory_space<vmem_shared>> -> memref<10016x32xf32, #tpu.memory_space<vmem_shared>>
        tpu.wait_indirect_dma semaphore(%arg32 : memref<!tpu.dma_semaphore, #tpu.memory_space<semaphore_mem>>) src(%arg14 : memref<128x32xf32, #tpu.memory_space<vmem>>) dst(%dma_wait3A_359 : memref<10016x32xf32, #tpu.memory_space<vmem_shared>>)
        %add3A_360 = arith.addi %sub3A_48, %add3A_214 : i32
        %dma_start3A_361 = arith.constant 0 : i32
        %dma_start3A_362 = tpu.memref_slice %arg6[%add3A_360, %dma_start3A_361] : memref<79x128xi32, #tpu.memory_space<vmem>> -> memref<1x128xi32, #tpu.memory_space<vmem>>
        %dma_start3A_363 = tpu.memref_squeeze %dma_start3A_362 : memref<1x128xi32, #tpu.memory_space<vmem>> -> memref<128xi32, #tpu.memory_space<vmem>>
        %dma_start3A_364 = arith.constant 0 : i32
        %dma_start3A_365 = arith.constant 0 : i32
        %dma_start3A_366 = tpu.memref_slice %arg3[%dma_start3A_364, %dma_start3A_365] : memref<10000x32xf32, #tpu.memory_space<hbm>> -> memref<10000x32xf32, #tpu.memory_space<hbm>>
        tpu.enqueue_indirect_dma source(%dma_start3A_366 : memref<10000x32xf32, #tpu.memory_space<hbm>>) target(%arg14 : memref<128x32xf32, #tpu.memory_space<vmem>>) offsets(%dma_start3A_363 : memref<128xi32, #tpu.memory_space<vmem>>) semaphore(%arg24 : memref<!tpu.dma_semaphore, #tpu.memory_space<semaphore_mem>>)
      } else {
      }
      %lt3A_222 = arith.cmpi slt, %add3A_214, %sub3A_49 : i32
      %lt3A_223 = arith.constant 4 : i32
      %lt3A_224 = arith.cmpi slt, %add3A_212, %lt3A_223 : i32
      %and3A_225 = arith.andi %lt3A_222, %lt3A_224 : i1
      %convert_element_type3A_226 = arith.extui %and3A_225 : i1 to i32
      %cond3A_227 = arith.constant 0 : i32
      %cond3A_228 = arith.cmpi ne, %convert_element_type3A_226, %cond3A_227 : i32
      scf.if %cond3A_228 {
        %add3A_353 = arith.addi %sub3A_48, %add3A_214 : i32
        %dma_start3A_354 = arith.constant 0 : i32
        %dma_start3A_355 = tpu.memref_slice %arg6[%add3A_353, %dma_start3A_354] : memref<79x128xi32, #tpu.memory_space<vmem>> -> memref<1x128xi32, #tpu.memory_space<vmem>>
        %dma_start3A_356 = tpu.memref_squeeze %dma_start3A_355 : memref<1x128xi32, #tpu.memory_space<vmem>> -> memref<128xi32, #tpu.memory_space<vmem>>
        %dma_start3A_357 = arith.constant 0 : i32
        %dma_start3A_358 = arith.constant 0 : i32
        %dma_start3A_359 = tpu.memref_slice %arg3[%dma_start3A_357, %dma_start3A_358] : memref<10000x32xf32, #tpu.memory_space<hbm>> -> memref<10000x32xf32, #tpu.memory_space<hbm>>
        tpu.enqueue_indirect_dma source(%dma_start3A_359 : memref<10000x32xf32, #tpu.memory_space<hbm>>) target(%arg14 : memref<128x32xf32, #tpu.memory_space<vmem>>) offsets(%dma_start3A_356 : memref<128xi32, #tpu.memory_space<vmem>>) semaphore(%arg24 : memref<!tpu.dma_semaphore, #tpu.memory_space<semaphore_mem>>)
      } else {
      }
      %lt3A_229 = arith.cmpi slt, %add3A_212, %sub3A_49 : i32
      %convert_element_type3A_230 = arith.extui %lt3A_229 : i1 to i32
      %cond3A_231 = arith.constant 0 : i32
      %cond3A_232 = arith.cmpi ne, %convert_element_type3A_230, %cond3A_231 : i32
      scf.if %cond3A_232 {
        %dma_wait3A_353 = arith.constant 0 : i32
        %dma_wait3A_354 = arith.constant 0 : i32
        %dma_wait3A_355 = tpu.memref_slice %arg3[%dma_wait3A_353, %dma_wait3A_354] : memref<10000x32xf32, #tpu.memory_space<hbm>> -> memref<128x32xf32, #tpu.memory_space<hbm>>
        %dma_wait3A_356 = arith.constant 0 : i32
        %dma_wait3A_357 = arith.constant 0 : i32
        %dma_wait3A_358 = tpu.memref_slice %arg3[%dma_wait3A_356, %dma_wait3A_357] : memref<10000x32xf32, #tpu.memory_space<hbm>> -> memref<128x32xf32, #tpu.memory_space<hbm>>
        tpu.wait_dma2 semaphore(%arg20 : memref<!tpu.dma_semaphore, #tpu.memory_space<semaphore_mem>>) src(%dma_wait3A_358 : memref<128x32xf32, #tpu.memory_space<hbm>>) dst(%arg10 : memref<128x32xf32, #tpu.memory_space<vmem>>)
        %add3A_359 = arith.addi %sub3A_48, %add3A_212 : i32
        %dma_start3A_360 = arith.constant 0 : i32
        %dma_start3A_361 = tpu.memref_slice %arg7[%add3A_359, %dma_start3A_360] : memref<79x128xi32, #tpu.memory_space<vmem>> -> memref<1x128xi32, #tpu.memory_space<vmem>>
        %dma_start3A_362 = tpu.memref_squeeze %dma_start3A_361 : memref<1x128xi32, #tpu.memory_space<vmem>> -> memref<128xi32, #tpu.memory_space<vmem>>
        %dma_start3A_363 = arith.constant 0 : i32
        %dma_start3A_364 = arith.constant 0 : i32
        %dma_start3A_365 = tpu.memref_slice %arg17[%dma_start3A_363, %dma_start3A_364] : memref<10016x32xf32, #tpu.memory_space<vmem_shared>> -> memref<10016x32xf32, #tpu.memory_space<vmem_shared>>
        tpu.enqueue_indirect_dma source(%arg10 : memref<128x32xf32, #tpu.memory_space<vmem>>) target(%dma_start3A_365 : memref<10016x32xf32, #tpu.memory_space<vmem_shared>>) offsets(%dma_start3A_362 : memref<128xi32, #tpu.memory_space<vmem>>) semaphore(%arg28 : memref<!tpu.dma_semaphore, #tpu.memory_space<semaphore_mem>>) {add = true}
      } else {
      }
      %mul3A_233 = arith.constant 8 : i32
      %mul3A_234 = arith.muli %scan3A_162, %mul3A_233 : i32
      %add3A_235 = arith.constant 3 : i32
      %add3A_236 = arith.addi %mul3A_234, %add3A_235 : i32
      %add3A_237 = arith.constant 4 : i32
      %add3A_238 = arith.addi %add3A_236, %add3A_237 : i32
      %lt3A_239 = arith.cmpi slt, %add3A_238, %sub3A_49 : i32
      %ge3A_240 = arith.constant 4 : i32
      %ge3A_241 = arith.cmpi sge, %add3A_236, %ge3A_240 : i32
      %and3A_242 = arith.andi %lt3A_239, %ge3A_241 : i1
      %convert_element_type3A_243 = arith.extui %and3A_242 : i1 to i32
      %cond3A_244 = arith.constant 0 : i32
      %cond3A_245 = arith.cmpi ne, %convert_element_type3A_243, %cond3A_244 : i32
      scf.if %cond3A_245 {
        %dma_wait3A_353 = arith.constant 0 : i32
        %dma_wait3A_354 = arith.constant 0 : i32
        %dma_wait3A_355 = tpu.memref_slice %arg7[%dma_wait3A_353, %dma_wait3A_354] : memref<79x128xi32, #tpu.memory_space<vmem>> -> memref<1x128xi32, #tpu.memory_space<vmem>>
        %dma_wait3A_356 = tpu.memref_squeeze %dma_wait3A_355 : memref<1x128xi32, #tpu.memory_space<vmem>> -> memref<128xi32, #tpu.memory_space<vmem>>
        %dma_wait3A_357 = arith.constant 0 : i32
        %dma_wait3A_358 = arith.constant 0 : i32
        %dma_wait3A_359 = tpu.memref_slice %arg17[%dma_wait3A_357, %dma_wait3A_358] : memref<10016x32xf32, #tpu.memory_space<vmem_shared>> -> memref<10016x32xf32, #tpu.memory_space<vmem_shared>>
        tpu.wait_indirect_dma semaphore(%arg33 : memref<!tpu.dma_semaphore, #tpu.memory_space<semaphore_mem>>) src(%arg15 : memref<128x32xf32, #tpu.memory_space<vmem>>) dst(%dma_wait3A_359 : memref<10016x32xf32, #tpu.memory_space<vmem_shared>>)
        %add3A_360 = arith.addi %sub3A_48, %add3A_238 : i32
        %dma_start3A_361 = arith.constant 0 : i32
        %dma_start3A_362 = tpu.memref_slice %arg6[%add3A_360, %dma_start3A_361] : memref<79x128xi32, #tpu.memory_space<vmem>> -> memref<1x128xi32, #tpu.memory_space<vmem>>
        %dma_start3A_363 = tpu.memref_squeeze %dma_start3A_362 : memref<1x128xi32, #tpu.memory_space<vmem>> -> memref<128xi32, #tpu.memory_space<vmem>>
        %dma_start3A_364 = arith.constant 0 : i32
        %dma_start3A_365 = arith.constant 0 : i32
        %dma_start3A_366 = tpu.memref_slice %arg3[%dma_start3A_364, %dma_start3A_365] : memref<10000x32xf32, #tpu.memory_space<hbm>> -> memref<10000x32xf32, #tpu.memory_space<hbm>>
        tpu.enqueue_indirect_dma source(%dma_start3A_366 : memref<10000x32xf32, #tpu.memory_space<hbm>>) target(%arg15 : memref<128x32xf32, #tpu.memory_space<vmem>>) offsets(%dma_start3A_363 : memref<128xi32, #tpu.memory_space<vmem>>) semaphore(%arg25 : memref<!tpu.dma_semaphore, #tpu.memory_space<semaphore_mem>>)
      } else {
      }
      %lt3A_246 = arith.cmpi slt, %add3A_238, %sub3A_49 : i32
      %lt3A_247 = arith.constant 4 : i32
      %lt3A_248 = arith.cmpi slt, %add3A_236, %lt3A_247 : i32
      %and3A_249 = arith.andi %lt3A_246, %lt3A_248 : i1
      %convert_element_type3A_250 = arith.extui %and3A_249 : i1 to i32
      %cond3A_251 = arith.constant 0 : i32
      %cond3A_252 = arith.cmpi ne, %convert_element_type3A_250, %cond3A_251 : i32
      scf.if %cond3A_252 {
        %add3A_353 = arith.addi %sub3A_48, %add3A_238 : i32
        %dma_start3A_354 = arith.constant 0 : i32
        %dma_start3A_355 = tpu.memref_slice %arg6[%add3A_353, %dma_start3A_354] : memref<79x128xi32, #tpu.memory_space<vmem>> -> memref<1x128xi32, #tpu.memory_space<vmem>>
        %dma_start3A_356 = tpu.memref_squeeze %dma_start3A_355 : memref<1x128xi32, #tpu.memory_space<vmem>> -> memref<128xi32, #tpu.memory_space<vmem>>
        %dma_start3A_357 = arith.constant 0 : i32
        %dma_start3A_358 = arith.constant 0 : i32
        %dma_start3A_359 = tpu.memref_slice %arg3[%dma_start3A_357, %dma_start3A_358] : memref<10000x32xf32, #tpu.memory_space<hbm>> -> memref<10000x32xf32, #tpu.memory_space<hbm>>
        tpu.enqueue_indirect_dma source(%dma_start3A_359 : memref<10000x32xf32, #tpu.memory_space<hbm>>) target(%arg15 : memref<128x32xf32, #tpu.memory_space<vmem>>) offsets(%dma_start3A_356 : memref<128xi32, #tpu.memory_space<vmem>>) semaphore(%arg25 : memref<!tpu.dma_semaphore, #tpu.memory_space<semaphore_mem>>)
      } else {
      }
      %lt3A_253 = arith.cmpi slt, %add3A_236, %sub3A_49 : i32
      %convert_element_type3A_254 = arith.extui %lt3A_253 : i1 to i32
      %cond3A_255 = arith.constant 0 : i32
      %cond3A_256 = arith.cmpi ne, %convert_element_type3A_254, %cond3A_255 : i32
      scf.if %cond3A_256 {
        %dma_wait3A_353 = arith.constant 0 : i32
        %dma_wait3A_354 = arith.constant 0 : i32
        %dma_wait3A_355 = tpu.memref_slice %arg3[%dma_wait3A_353, %dma_wait3A_354] : memref<10000x32xf32, #tpu.memory_space<hbm>> -> memref<128x32xf32, #tpu.memory_space<hbm>>
        %dma_wait3A_356 = arith.constant 0 : i32
        %dma_wait3A_357 = arith.constant 0 : i32
        %dma_wait3A_358 = tpu.memref_slice %arg3[%dma_wait3A_356, %dma_wait3A_357] : memref<10000x32xf32, #tpu.memory_space<hbm>> -> memref<128x32xf32, #tpu.memory_space<hbm>>
        tpu.wait_dma2 semaphore(%arg21 : memref<!tpu.dma_semaphore, #tpu.memory_space<semaphore_mem>>) src(%dma_wait3A_358 : memref<128x32xf32, #tpu.memory_space<hbm>>) dst(%arg11 : memref<128x32xf32, #tpu.memory_space<vmem>>)
        %add3A_359 = arith.addi %sub3A_48, %add3A_236 : i32
        %dma_start3A_360 = arith.constant 0 : i32
        %dma_start3A_361 = tpu.memref_slice %arg7[%add3A_359, %dma_start3A_360] : memref<79x128xi32, #tpu.memory_space<vmem>> -> memref<1x128xi32, #tpu.memory_space<vmem>>
        %dma_start3A_362 = tpu.memref_squeeze %dma_start3A_361 : memref<1x128xi32, #tpu.memory_space<vmem>> -> memref<128xi32, #tpu.memory_space<vmem>>
        %dma_start3A_363 = arith.constant 0 : i32
        %dma_start3A_364 = arith.constant 0 : i32
        %dma_start3A_365 = tpu.memref_slice %arg17[%dma_start3A_363, %dma_start3A_364] : memref<10016x32xf32, #tpu.memory_space<vmem_shared>> -> memref<10016x32xf32, #tpu.memory_space<vmem_shared>>
        tpu.enqueue_indirect_dma source(%arg11 : memref<128x32xf32, #tpu.memory_space<vmem>>) target(%dma_start3A_365 : memref<10016x32xf32, #tpu.memory_space<vmem_shared>>) offsets(%dma_start3A_362 : memref<128xi32, #tpu.memory_space<vmem>>) semaphore(%arg29 : memref<!tpu.dma_semaphore, #tpu.memory_space<semaphore_mem>>) {add = true}
      } else {
      }
      %mul3A_257 = arith.constant 8 : i32
      %mul3A_258 = arith.muli %scan3A_162, %mul3A_257 : i32
      %add3A_259 = arith.constant 4 : i32
      %add3A_260 = arith.addi %mul3A_258, %add3A_259 : i32
      %add3A_261 = arith.constant 4 : i32
      %add3A_262 = arith.addi %add3A_260, %add3A_261 : i32
      %lt3A_263 = arith.cmpi slt, %add3A_262, %sub3A_49 : i32
      %ge3A_264 = arith.constant 4 : i32
      %ge3A_265 = arith.cmpi sge, %add3A_260, %ge3A_264 : i32
      %and3A_266 = arith.andi %lt3A_263, %ge3A_265 : i1
      %convert_element_type3A_267 = arith.extui %and3A_266 : i1 to i32
      %cond3A_268 = arith.constant 0 : i32
      %cond3A_269 = arith.cmpi ne, %convert_element_type3A_267, %cond3A_268 : i32
      scf.if %cond3A_269 {
        %dma_wait3A_353 = arith.constant 0 : i32
        %dma_wait3A_354 = arith.constant 0 : i32
        %dma_wait3A_355 = tpu.memref_slice %arg7[%dma_wait3A_353, %dma_wait3A_354] : memref<79x128xi32, #tpu.memory_space<vmem>> -> memref<1x128xi32, #tpu.memory_space<vmem>>
        %dma_wait3A_356 = tpu.memref_squeeze %dma_wait3A_355 : memref<1x128xi32, #tpu.memory_space<vmem>> -> memref<128xi32, #tpu.memory_space<vmem>>
        %dma_wait3A_357 = arith.constant 0 : i32
        %dma_wait3A_358 = arith.constant 0 : i32
        %dma_wait3A_359 = tpu.memref_slice %arg17[%dma_wait3A_357, %dma_wait3A_358] : memref<10016x32xf32, #tpu.memory_space<vmem_shared>> -> memref<10016x32xf32, #tpu.memory_space<vmem_shared>>
        tpu.wait_indirect_dma semaphore(%arg26 : memref<!tpu.dma_semaphore, #tpu.memory_space<semaphore_mem>>) src(%arg8 : memref<128x32xf32, #tpu.memory_space<vmem>>) dst(%dma_wait3A_359 : memref<10016x32xf32, #tpu.memory_space<vmem_shared>>)
        %add3A_360 = arith.addi %sub3A_48, %add3A_262 : i32
        %dma_start3A_361 = arith.constant 0 : i32
        %dma_start3A_362 = tpu.memref_slice %arg6[%add3A_360, %dma_start3A_361] : memref<79x128xi32, #tpu.memory_space<vmem>> -> memref<1x128xi32, #tpu.memory_space<vmem>>
        %dma_start3A_363 = tpu.memref_squeeze %dma_start3A_362 : memref<1x128xi32, #tpu.memory_space<vmem>> -> memref<128xi32, #tpu.memory_space<vmem>>
        %dma_start3A_364 = arith.constant 0 : i32
        %dma_start3A_365 = arith.constant 0 : i32
        %dma_start3A_366 = tpu.memref_slice %arg3[%dma_start3A_364, %dma_start3A_365] : memref<10000x32xf32, #tpu.memory_space<hbm>> -> memref<10000x32xf32, #tpu.memory_space<hbm>>
        tpu.enqueue_indirect_dma source(%dma_start3A_366 : memref<10000x32xf32, #tpu.memory_space<hbm>>) target(%arg8 : memref<128x32xf32, #tpu.memory_space<vmem>>) offsets(%dma_start3A_363 : memref<128xi32, #tpu.memory_space<vmem>>) semaphore(%arg18 : memref<!tpu.dma_semaphore, #tpu.memory_space<semaphore_mem>>)
      } else {
      }
      %lt3A_270 = arith.cmpi slt, %add3A_262, %sub3A_49 : i32
      %lt3A_271 = arith.constant 4 : i32
      %lt3A_272 = arith.cmpi slt, %add3A_260, %lt3A_271 : i32
      %and3A_273 = arith.andi %lt3A_270, %lt3A_272 : i1
      %convert_element_type3A_274 = arith.extui %and3A_273 : i1 to i32
      %cond3A_275 = arith.constant 0 : i32
      %cond3A_276 = arith.cmpi ne, %convert_element_type3A_274, %cond3A_275 : i32
      scf.if %cond3A_276 {
        %add3A_353 = arith.addi %sub3A_48, %add3A_262 : i32
        %dma_start3A_354 = arith.constant 0 : i32
        %dma_start3A_355 = tpu.memref_slice %arg6[%add3A_353, %dma_start3A_354] : memref<79x128xi32, #tpu.memory_space<vmem>> -> memref<1x128xi32, #tpu.memory_space<vmem>>
        %dma_start3A_356 = tpu.memref_squeeze %dma_start3A_355 : memref<1x128xi32, #tpu.memory_space<vmem>> -> memref<128xi32, #tpu.memory_space<vmem>>
        %dma_start3A_357 = arith.constant 0 : i32
        %dma_start3A_358 = arith.constant 0 : i32
        %dma_start3A_359 = tpu.memref_slice %arg3[%dma_start3A_357, %dma_start3A_358] : memref<10000x32xf32, #tpu.memory_space<hbm>> -> memref<10000x32xf32, #tpu.memory_space<hbm>>
        tpu.enqueue_indirect_dma source(%dma_start3A_359 : memref<10000x32xf32, #tpu.memory_space<hbm>>) target(%arg8 : memref<128x32xf32, #tpu.memory_space<vmem>>) offsets(%dma_start3A_356 : memref<128xi32, #tpu.memory_space<vmem>>) semaphore(%arg18 : memref<!tpu.dma_semaphore, #tpu.memory_space<semaphore_mem>>)
      } else {
      }
      %lt3A_277 = arith.cmpi slt, %add3A_260, %sub3A_49 : i32
      %convert_element_type3A_278 = arith.extui %lt3A_277 : i1 to i32
      %cond3A_279 = arith.constant 0 : i32
      %cond3A_280 = arith.cmpi ne, %convert_element_type3A_278, %cond3A_279 : i32
      scf.if %cond3A_280 {
        %dma_wait3A_353 = arith.constant 0 : i32
        %dma_wait3A_354 = arith.constant 0 : i32
        %dma_wait3A_355 = tpu.memref_slice %arg3[%dma_wait3A_353, %dma_wait3A_354] : memref<10000x32xf32, #tpu.memory_space<hbm>> -> memref<128x32xf32, #tpu.memory_space<hbm>>
        %dma_wait3A_356 = arith.constant 0 : i32
        %dma_wait3A_357 = arith.constant 0 : i32
        %dma_wait3A_358 = tpu.memref_slice %arg3[%dma_wait3A_356, %dma_wait3A_357] : memref<10000x32xf32, #tpu.memory_space<hbm>> -> memref<128x32xf32, #tpu.memory_space<hbm>>
        tpu.wait_dma2 semaphore(%arg22 : memref<!tpu.dma_semaphore, #tpu.memory_space<semaphore_mem>>) src(%dma_wait3A_358 : memref<128x32xf32, #tpu.memory_space<hbm>>) dst(%arg12 : memref<128x32xf32, #tpu.memory_space<vmem>>)
        %add3A_359 = arith.addi %sub3A_48, %add3A_260 : i32
        %dma_start3A_360 = arith.constant 0 : i32
        %dma_start3A_361 = tpu.memref_slice %arg7[%add3A_359, %dma_start3A_360] : memref<79x128xi32, #tpu.memory_space<vmem>> -> memref<1x128xi32, #tpu.memory_space<vmem>>
        %dma_start3A_362 = tpu.memref_squeeze %dma_start3A_361 : memref<1x128xi32, #tpu.memory_space<vmem>> -> memref<128xi32, #tpu.memory_space<vmem>>
        %dma_start3A_363 = arith.constant 0 : i32
        %dma_start3A_364 = arith.constant 0 : i32
        %dma_start3A_365 = tpu.memref_slice %arg17[%dma_start3A_363, %dma_start3A_364] : memref<10016x32xf32, #tpu.memory_space<vmem_shared>> -> memref<10016x32xf32, #tpu.memory_space<vmem_shared>>
        tpu.enqueue_indirect_dma source(%arg12 : memref<128x32xf32, #tpu.memory_space<vmem>>) target(%dma_start3A_365 : memref<10016x32xf32, #tpu.memory_space<vmem_shared>>) offsets(%dma_start3A_362 : memref<128xi32, #tpu.memory_space<vmem>>) semaphore(%arg30 : memref<!tpu.dma_semaphore, #tpu.memory_space<semaphore_mem>>) {add = true}
      } else {
      }
      %mul3A_281 = arith.constant 8 : i32
      %mul3A_282 = arith.muli %scan3A_162, %mul3A_281 : i32
      %add3A_283 = arith.constant 5 : i32
      %add3A_284 = arith.addi %mul3A_282, %add3A_283 : i32
      %add3A_285 = arith.constant 4 : i32
      %add3A_286 = arith.addi %add3A_284, %add3A_285 : i32
      %lt3A_287 = arith.cmpi slt, %add3A_286, %sub3A_49 : i32
      %ge3A_288 = arith.constant 4 : i32
      %ge3A_289 = arith.cmpi sge, %add3A_284, %ge3A_288 : i32
      %and3A_290 = arith.andi %lt3A_287, %ge3A_289 : i1
      %convert_element_type3A_291 = arith.extui %and3A_290 : i1 to i32
      %cond3A_292 = arith.constant 0 : i32
      %cond3A_293 = arith.cmpi ne, %convert_element_type3A_291, %cond3A_292 : i32
      scf.if %cond3A_293 {
        %dma_wait3A_353 = arith.constant 0 : i32
        %dma_wait3A_354 = arith.constant 0 : i32
        %dma_wait3A_355 = tpu.memref_slice %arg7[%dma_wait3A_353, %dma_wait3A_354] : memref<79x128xi32, #tpu.memory_space<vmem>> -> memref<1x128xi32, #tpu.memory_space<vmem>>
        %dma_wait3A_356 = tpu.memref_squeeze %dma_wait3A_355 : memref<1x128xi32, #tpu.memory_space<vmem>> -> memref<128xi32, #tpu.memory_space<vmem>>
        %dma_wait3A_357 = arith.constant 0 : i32
        %dma_wait3A_358 = arith.constant 0 : i32
        %dma_wait3A_359 = tpu.memref_slice %arg17[%dma_wait3A_357, %dma_wait3A_358] : memref<10016x32xf32, #tpu.memory_space<vmem_shared>> -> memref<10016x32xf32, #tpu.memory_space<vmem_shared>>
        tpu.wait_indirect_dma semaphore(%arg27 : memref<!tpu.dma_semaphore, #tpu.memory_space<semaphore_mem>>) src(%arg9 : memref<128x32xf32, #tpu.memory_space<vmem>>) dst(%dma_wait3A_359 : memref<10016x32xf32, #tpu.memory_space<vmem_shared>>)
        %add3A_360 = arith.addi %sub3A_48, %add3A_286 : i32
        %dma_start3A_361 = arith.constant 0 : i32
        %dma_start3A_362 = tpu.memref_slice %arg6[%add3A_360, %dma_start3A_361] : memref<79x128xi32, #tpu.memory_space<vmem>> -> memref<1x128xi32, #tpu.memory_space<vmem>>
        %dma_start3A_363 = tpu.memref_squeeze %dma_start3A_362 : memref<1x128xi32, #tpu.memory_space<vmem>> -> memref<128xi32, #tpu.memory_space<vmem>>
        %dma_start3A_364 = arith.constant 0 : i32
        %dma_start3A_365 = arith.constant 0 : i32
        %dma_start3A_366 = tpu.memref_slice %arg3[%dma_start3A_364, %dma_start3A_365] : memref<10000x32xf32, #tpu.memory_space<hbm>> -> memref<10000x32xf32, #tpu.memory_space<hbm>>
        tpu.enqueue_indirect_dma source(%dma_start3A_366 : memref<10000x32xf32, #tpu.memory_space<hbm>>) target(%arg9 : memref<128x32xf32, #tpu.memory_space<vmem>>) offsets(%dma_start3A_363 : memref<128xi32, #tpu.memory_space<vmem>>) semaphore(%arg19 : memref<!tpu.dma_semaphore, #tpu.memory_space<semaphore_mem>>)
      } else {
      }
      %lt3A_294 = arith.cmpi slt, %add3A_286, %sub3A_49 : i32
      %lt3A_295 = arith.constant 4 : i32
      %lt3A_296 = arith.cmpi slt, %add3A_284, %lt3A_295 : i32
      %and3A_297 = arith.andi %lt3A_294, %lt3A_296 : i1
      %convert_element_type3A_298 = arith.extui %and3A_297 : i1 to i32
      %cond3A_299 = arith.constant 0 : i32
      %cond3A_300 = arith.cmpi ne, %convert_element_type3A_298, %cond3A_299 : i32
      scf.if %cond3A_300 {
        %add3A_353 = arith.addi %sub3A_48, %add3A_286 : i32
        %dma_start3A_354 = arith.constant 0 : i32
        %dma_start3A_355 = tpu.memref_slice %arg6[%add3A_353, %dma_start3A_354] : memref<79x128xi32, #tpu.memory_space<vmem>> -> memref<1x128xi32, #tpu.memory_space<vmem>>
        %dma_start3A_356 = tpu.memref_squeeze %dma_start3A_355 : memref<1x128xi32, #tpu.memory_space<vmem>> -> memref<128xi32, #tpu.memory_space<vmem>>
        %dma_start3A_357 = arith.constant 0 : i32
        %dma_start3A_358 = arith.constant 0 : i32
        %dma_start3A_359 = tpu.memref_slice %arg3[%dma_start3A_357, %dma_start3A_358] : memref<10000x32xf32, #tpu.memory_space<hbm>> -> memref<10000x32xf32, #tpu.memory_space<hbm>>
        tpu.enqueue_indirect_dma source(%dma_start3A_359 : memref<10000x32xf32, #tpu.memory_space<hbm>>) target(%arg9 : memref<128x32xf32, #tpu.memory_space<vmem>>) offsets(%dma_start3A_356 : memref<128xi32, #tpu.memory_space<vmem>>) semaphore(%arg19 : memref<!tpu.dma_semaphore, #tpu.memory_space<semaphore_mem>>)
      } else {
      }
      %lt3A_301 = arith.cmpi slt, %add3A_284, %sub3A_49 : i32
      %convert_element_type3A_302 = arith.extui %lt3A_301 : i1 to i32
      %cond3A_303 = arith.constant 0 : i32
      %cond3A_304 = arith.cmpi ne, %convert_element_type3A_302, %cond3A_303 : i32
      scf.if %cond3A_304 {
        %dma_wait3A_353 = arith.constant 0 : i32
        %dma_wait3A_354 = arith.constant 0 : i32
        %dma_wait3A_355 = tpu.memref_slice %arg3[%dma_wait3A_353, %dma_wait3A_354] : memref<10000x32xf32, #tpu.memory_space<hbm>> -> memref<128x32xf32, #tpu.memory_space<hbm>>
        %dma_wait3A_356 = arith.constant 0 : i32
        %dma_wait3A_357 = arith.constant 0 : i32
        %dma_wait3A_358 = tpu.memref_slice %arg3[%dma_wait3A_356, %dma_wait3A_357] : memref<10000x32xf32, #tpu.memory_space<hbm>> -> memref<128x32xf32, #tpu.memory_space<hbm>>
        tpu.wait_dma2 semaphore(%arg23 : memref<!tpu.dma_semaphore, #tpu.memory_space<semaphore_mem>>) src(%dma_wait3A_358 : memref<128x32xf32, #tpu.memory_space<hbm>>) dst(%arg13 : memref<128x32xf32, #tpu.memory_space<vmem>>)
        %add3A_359 = arith.addi %sub3A_48, %add3A_284 : i32
        %dma_start3A_360 = arith.constant 0 : i32
        %dma_start3A_361 = tpu.memref_slice %arg7[%add3A_359, %dma_start3A_360] : memref<79x128xi32, #tpu.memory_space<vmem>> -> memref<1x128xi32, #tpu.memory_space<vmem>>
        %dma_start3A_362 = tpu.memref_squeeze %dma_start3A_361 : memref<1x128xi32, #tpu.memory_space<vmem>> -> memref<128xi32, #tpu.memory_space<vmem>>
        %dma_start3A_363 = arith.constant 0 : i32
        %dma_start3A_364 = arith.constant 0 : i32
        %dma_start3A_365 = tpu.memref_slice %arg17[%dma_start3A_363, %dma_start3A_364] : memref<10016x32xf32, #tpu.memory_space<vmem_shared>> -> memref<10016x32xf32, #tpu.memory_space<vmem_shared>>
        tpu.enqueue_indirect_dma source(%arg13 : memref<128x32xf32, #tpu.memory_space<vmem>>) target(%dma_start3A_365 : memref<10016x32xf32, #tpu.memory_space<vmem_shared>>) offsets(%dma_start3A_362 : memref<128xi32, #tpu.memory_space<vmem>>) semaphore(%arg31 : memref<!tpu.dma_semaphore, #tpu.memory_space<semaphore_mem>>) {add = true}
      } else {
      }
      %mul3A_305 = arith.constant 8 : i32
      %mul3A_306 = arith.muli %scan3A_162, %mul3A_305 : i32
      %add3A_307 = arith.constant 6 : i32
      %add3A_308 = arith.addi %mul3A_306, %add3A_307 : i32
      %add3A_309 = arith.constant 4 : i32
      %add3A_310 = arith.addi %add3A_308, %add3A_309 : i32
      %lt3A_311 = arith.cmpi slt, %add3A_310, %sub3A_49 : i32
      %ge3A_312 = arith.constant 4 : i32
      %ge3A_313 = arith.cmpi sge, %add3A_308, %ge3A_312 : i32
      %and3A_314 = arith.andi %lt3A_311, %ge3A_313 : i1
      %convert_element_type3A_315 = arith.extui %and3A_314 : i1 to i32
      %cond3A_316 = arith.constant 0 : i32
      %cond3A_317 = arith.cmpi ne, %convert_element_type3A_315, %cond3A_316 : i32
      scf.if %cond3A_317 {
        %dma_wait3A_353 = arith.constant 0 : i32
        %dma_wait3A_354 = arith.constant 0 : i32
        %dma_wait3A_355 = tpu.memref_slice %arg7[%dma_wait3A_353, %dma_wait3A_354] : memref<79x128xi32, #tpu.memory_space<vmem>> -> memref<1x128xi32, #tpu.memory_space<vmem>>
        %dma_wait3A_356 = tpu.memref_squeeze %dma_wait3A_355 : memref<1x128xi32, #tpu.memory_space<vmem>> -> memref<128xi32, #tpu.memory_space<vmem>>
        %dma_wait3A_357 = arith.constant 0 : i32
        %dma_wait3A_358 = arith.constant 0 : i32
        %dma_wait3A_359 = tpu.memref_slice %arg17[%dma_wait3A_357, %dma_wait3A_358] : memref<10016x32xf32, #tpu.memory_space<vmem_shared>> -> memref<10016x32xf32, #tpu.memory_space<vmem_shared>>
        tpu.wait_indirect_dma semaphore(%arg28 : memref<!tpu.dma_semaphore, #tpu.memory_space<semaphore_mem>>) src(%arg10 : memref<128x32xf32, #tpu.memory_space<vmem>>) dst(%dma_wait3A_359 : memref<10016x32xf32, #tpu.memory_space<vmem_shared>>)
        %add3A_360 = arith.addi %sub3A_48, %add3A_310 : i32
        %dma_start3A_361 = arith.constant 0 : i32
        %dma_start3A_362 = tpu.memref_slice %arg6[%add3A_360, %dma_start3A_361] : memref<79x128xi32, #tpu.memory_space<vmem>> -> memref<1x128xi32, #tpu.memory_space<vmem>>
        %dma_start3A_363 = tpu.memref_squeeze %dma_start3A_362 : memref<1x128xi32, #tpu.memory_space<vmem>> -> memref<128xi32, #tpu.memory_space<vmem>>
        %dma_start3A_364 = arith.constant 0 : i32
        %dma_start3A_365 = arith.constant 0 : i32
        %dma_start3A_366 = tpu.memref_slice %arg3[%dma_start3A_364, %dma_start3A_365] : memref<10000x32xf32, #tpu.memory_space<hbm>> -> memref<10000x32xf32, #tpu.memory_space<hbm>>
        tpu.enqueue_indirect_dma source(%dma_start3A_366 : memref<10000x32xf32, #tpu.memory_space<hbm>>) target(%arg10 : memref<128x32xf32, #tpu.memory_space<vmem>>) offsets(%dma_start3A_363 : memref<128xi32, #tpu.memory_space<vmem>>) semaphore(%arg20 : memref<!tpu.dma_semaphore, #tpu.memory_space<semaphore_mem>>)
      } else {
      }
      %lt3A_318 = arith.cmpi slt, %add3A_310, %sub3A_49 : i32
      %lt3A_319 = arith.constant 4 : i32
      %lt3A_320 = arith.cmpi slt, %add3A_308, %lt3A_319 : i32
      %and3A_321 = arith.andi %lt3A_318, %lt3A_320 : i1
      %convert_element_type3A_322 = arith.extui %and3A_321 : i1 to i32
      %cond3A_323 = arith.constant 0 : i32
      %cond3A_324 = arith.cmpi ne, %convert_element_type3A_322, %cond3A_323 : i32
      scf.if %cond3A_324 {
        %add3A_353 = arith.addi %sub3A_48, %add3A_310 : i32
        %dma_start3A_354 = arith.constant 0 : i32
        %dma_start3A_355 = tpu.memref_slice %arg6[%add3A_353, %dma_start3A_354] : memref<79x128xi32, #tpu.memory_space<vmem>> -> memref<1x128xi32, #tpu.memory_space<vmem>>
        %dma_start3A_356 = tpu.memref_squeeze %dma_start3A_355 : memref<1x128xi32, #tpu.memory_space<vmem>> -> memref<128xi32, #tpu.memory_space<vmem>>
        %dma_start3A_357 = arith.constant 0 : i32
        %dma_start3A_358 = arith.constant 0 : i32
        %dma_start3A_359 = tpu.memref_slice %arg3[%dma_start3A_357, %dma_start3A_358] : memref<10000x32xf32, #tpu.memory_space<hbm>> -> memref<10000x32xf32, #tpu.memory_space<hbm>>
        tpu.enqueue_indirect_dma source(%dma_start3A_359 : memref<10000x32xf32, #tpu.memory_space<hbm>>) target(%arg10 : memref<128x32xf32, #tpu.memory_space<vmem>>) offsets(%dma_start3A_356 : memref<128xi32, #tpu.memory_space<vmem>>) semaphore(%arg20 : memref<!tpu.dma_semaphore, #tpu.memory_space<semaphore_mem>>)
      } else {
      }
      %lt3A_325 = arith.cmpi slt, %add3A_308, %sub3A_49 : i32
      %convert_element_type3A_326 = arith.extui %lt3A_325 : i1 to i32
      %cond3A_327 = arith.constant 0 : i32
      %cond3A_328 = arith.cmpi ne, %convert_element_type3A_326, %cond3A_327 : i32
      scf.if %cond3A_328 {
        %dma_wait3A_353 = arith.constant 0 : i32
        %dma_wait3A_354 = arith.constant 0 : i32
        %dma_wait3A_355 = tpu.memref_slice %arg3[%dma_wait3A_353, %dma_wait3A_354] : memref<10000x32xf32, #tpu.memory_space<hbm>> -> memref<128x32xf32, #tpu.memory_space<hbm>>
        %dma_wait3A_356 = arith.constant 0 : i32
        %dma_wait3A_357 = arith.constant 0 : i32
        %dma_wait3A_358 = tpu.memref_slice %arg3[%dma_wait3A_356, %dma_wait3A_357] : memref<10000x32xf32, #tpu.memory_space<hbm>> -> memref<128x32xf32, #tpu.memory_space<hbm>>
        tpu.wait_dma2 semaphore(%arg24 : memref<!tpu.dma_semaphore, #tpu.memory_space<semaphore_mem>>) src(%dma_wait3A_358 : memref<128x32xf32, #tpu.memory_space<hbm>>) dst(%arg14 : memref<128x32xf32, #tpu.memory_space<vmem>>)
        %add3A_359 = arith.addi %sub3A_48, %add3A_308 : i32
        %dma_start3A_360 = arith.constant 0 : i32
        %dma_start3A_361 = tpu.memref_slice %arg7[%add3A_359, %dma_start3A_360] : memref<79x128xi32, #tpu.memory_space<vmem>> -> memref<1x128xi32, #tpu.memory_space<vmem>>
        %dma_start3A_362 = tpu.memref_squeeze %dma_start3A_361 : memref<1x128xi32, #tpu.memory_space<vmem>> -> memref<128xi32, #tpu.memory_space<vmem>>
        %dma_start3A_363 = arith.constant 0 : i32
        %dma_start3A_364 = arith.constant 0 : i32
        %dma_start3A_365 = tpu.memref_slice %arg17[%dma_start3A_363, %dma_start3A_364] : memref<10016x32xf32, #tpu.memory_space<vmem_shared>> -> memref<10016x32xf32, #tpu.memory_space<vmem_shared>>
        tpu.enqueue_indirect_dma source(%arg14 : memref<128x32xf32, #tpu.memory_space<vmem>>) target(%dma_start3A_365 : memref<10016x32xf32, #tpu.memory_space<vmem_shared>>) offsets(%dma_start3A_362 : memref<128xi32, #tpu.memory_space<vmem>>) semaphore(%arg32 : memref<!tpu.dma_semaphore, #tpu.memory_space<semaphore_mem>>) {add = true}
      } else {
      }
      %mul3A_329 = arith.constant 8 : i32
      %mul3A_330 = arith.muli %scan3A_162, %mul3A_329 : i32
      %add3A_331 = arith.constant 7 : i32
      %add3A_332 = arith.addi %mul3A_330, %add3A_331 : i32
      %add3A_333 = arith.constant 4 : i32
      %add3A_334 = arith.addi %add3A_332, %add3A_333 : i32
      %lt3A_335 = arith.cmpi slt, %add3A_334, %sub3A_49 : i32
      %ge3A_336 = arith.constant 4 : i32
      %ge3A_337 = arith.cmpi sge, %add3A_332, %ge3A_336 : i32
      %and3A_338 = arith.andi %lt3A_335, %ge3A_337 : i1
      %convert_element_type3A_339 = arith.extui %and3A_338 : i1 to i32
      %cond3A_340 = arith.constant 0 : i32
      %cond3A_341 = arith.cmpi ne, %convert_element_type3A_339, %cond3A_340 : i32
      scf.if %cond3A_341 {
        %dma_wait3A_353 = arith.constant 0 : i32
        %dma_wait3A_354 = arith.constant 0 : i32
        %dma_wait3A_355 = tpu.memref_slice %arg7[%dma_wait3A_353, %dma_wait3A_354] : memref<79x128xi32, #tpu.memory_space<vmem>> -> memref<1x128xi32, #tpu.memory_space<vmem>>
        %dma_wait3A_356 = tpu.memref_squeeze %dma_wait3A_355 : memref<1x128xi32, #tpu.memory_space<vmem>> -> memref<128xi32, #tpu.memory_space<vmem>>
        %dma_wait3A_357 = arith.constant 0 : i32
        %dma_wait3A_358 = arith.constant 0 : i32
        %dma_wait3A_359 = tpu.memref_slice %arg17[%dma_wait3A_357, %dma_wait3A_358] : memref<10016x32xf32, #tpu.memory_space<vmem_shared>> -> memref<10016x32xf32, #tpu.memory_space<vmem_shared>>
        tpu.wait_indirect_dma semaphore(%arg29 : memref<!tpu.dma_semaphore, #tpu.memory_space<semaphore_mem>>) src(%arg11 : memref<128x32xf32, #tpu.memory_space<vmem>>) dst(%dma_wait3A_359 : memref<10016x32xf32, #tpu.memory_space<vmem_shared>>)
        %add3A_360 = arith.addi %sub3A_48, %add3A_334 : i32
        %dma_start3A_361 = arith.constant 0 : i32
        %dma_start3A_362 = tpu.memref_slice %arg6[%add3A_360, %dma_start3A_361] : memref<79x128xi32, #tpu.memory_space<vmem>> -> memref<1x128xi32, #tpu.memory_space<vmem>>
        %dma_start3A_363 = tpu.memref_squeeze %dma_start3A_362 : memref<1x128xi32, #tpu.memory_space<vmem>> -> memref<128xi32, #tpu.memory_space<vmem>>
        %dma_start3A_364 = arith.constant 0 : i32
        %dma_start3A_365 = arith.constant 0 : i32
        %dma_start3A_366 = tpu.memref_slice %arg3[%dma_start3A_364, %dma_start3A_365] : memref<10000x32xf32, #tpu.memory_space<hbm>> -> memref<10000x32xf32, #tpu.memory_space<hbm>>
        tpu.enqueue_indirect_dma source(%dma_start3A_366 : memref<10000x32xf32, #tpu.memory_space<hbm>>) target(%arg11 : memref<128x32xf32, #tpu.memory_space<vmem>>) offsets(%dma_start3A_363 : memref<128xi32, #tpu.memory_space<vmem>>) semaphore(%arg21 : memref<!tpu.dma_semaphore, #tpu.memory_space<semaphore_mem>>)
      } else {
      }
      %lt3A_342 = arith.cmpi slt, %add3A_334, %sub3A_49 : i32
      %lt3A_343 = arith.constant 4 : i32
      %lt3A_344 = arith.cmpi slt, %add3A_332, %lt3A_343 : i32
      %and3A_345 = arith.andi %lt3A_342, %lt3A_344 : i1
      %convert_element_type3A_346 = arith.extui %and3A_345 : i1 to i32
      %cond3A_347 = arith.constant 0 : i32
      %cond3A_348 = arith.cmpi ne, %convert_element_type3A_346, %cond3A_347 : i32
      scf.if %cond3A_348 {
        %add3A_353 = arith.addi %sub3A_48, %add3A_334 : i32
        %dma_start3A_354 = arith.constant 0 : i32
        %dma_start3A_355 = tpu.memref_slice %arg6[%add3A_353, %dma_start3A_354] : memref<79x128xi32, #tpu.memory_space<vmem>> -> memref<1x128xi32, #tpu.memory_space<vmem>>
        %dma_start3A_356 = tpu.memref_squeeze %dma_start3A_355 : memref<1x128xi32, #tpu.memory_space<vmem>> -> memref<128xi32, #tpu.memory_space<vmem>>
        %dma_start3A_357 = arith.constant 0 : i32
        %dma_start3A_358 = arith.constant 0 : i32
        %dma_start3A_359 = tpu.memref_slice %arg3[%dma_start3A_357, %dma_start3A_358] : memref<10000x32xf32, #tpu.memory_space<hbm>> -> memref<10000x32xf32, #tpu.memory_space<hbm>>
        tpu.enqueue_indirect_dma source(%dma_start3A_359 : memref<10000x32xf32, #tpu.memory_space<hbm>>) target(%arg11 : memref<128x32xf32, #tpu.memory_space<vmem>>) offsets(%dma_start3A_356 : memref<128xi32, #tpu.memory_space<vmem>>) semaphore(%arg21 : memref<!tpu.dma_semaphore, #tpu.memory_space<semaphore_mem>>)
      } else {
      }
      %lt3A_349 = arith.cmpi slt, %add3A_332, %sub3A_49 : i32
      %convert_element_type3A_350 = arith.extui %lt3A_349 : i1 to i32
      %cond3A_351 = arith.constant 0 : i32
      %cond3A_352 = arith.cmpi ne, %convert_element_type3A_350, %cond3A_351 : i32
      scf.if %cond3A_352 {
        %dma_wait3A_353 = arith.constant 0 : i32
        %dma_wait3A_354 = arith.constant 0 : i32
        %dma_wait3A_355 = tpu.memref_slice %arg3[%dma_wait3A_353, %dma_wait3A_354] : memref<10000x32xf32, #tpu.memory_space<hbm>> -> memref<128x32xf32, #tpu.memory_space<hbm>>
        %dma_wait3A_356 = arith.constant 0 : i32
        %dma_wait3A_357 = arith.constant 0 : i32
        %dma_wait3A_358 = tpu.memref_slice %arg3[%dma_wait3A_356, %dma_wait3A_357] : memref<10000x32xf32, #tpu.memory_space<hbm>> -> memref<128x32xf32, #tpu.memory_space<hbm>>
        tpu.wait_dma2 semaphore(%arg25 : memref<!tpu.dma_semaphore, #tpu.memory_space<semaphore_mem>>) src(%dma_wait3A_358 : memref<128x32xf32, #tpu.memory_space<hbm>>) dst(%arg15 : memref<128x32xf32, #tpu.memory_space<vmem>>)
        %add3A_359 = arith.addi %sub3A_48, %add3A_332 : i32
        %dma_start3A_360 = arith.constant 0 : i32
        %dma_start3A_361 = tpu.memref_slice %arg7[%add3A_359, %dma_start3A_360] : memref<79x128xi32, #tpu.memory_space<vmem>> -> memref<1x128xi32, #tpu.memory_space<vmem>>
        %dma_start3A_362 = tpu.memref_squeeze %dma_start3A_361 : memref<1x128xi32, #tpu.memory_space<vmem>> -> memref<128xi32, #tpu.memory_space<vmem>>
        %dma_start3A_363 = arith.constant 0 : i32
        %dma_start3A_364 = arith.constant 0 : i32
        %dma_start3A_365 = tpu.memref_slice %arg17[%dma_start3A_363, %dma_start3A_364] : memref<10016x32xf32, #tpu.memory_space<vmem_shared>> -> memref<10016x32xf32, #tpu.memory_space<vmem_shared>>
        tpu.enqueue_indirect_dma source(%arg15 : memref<128x32xf32, #tpu.memory_space<vmem>>) target(%dma_start3A_365 : memref<10016x32xf32, #tpu.memory_space<vmem_shared>>) offsets(%dma_start3A_362 : memref<128xi32, #tpu.memory_space<vmem>>) semaphore(%arg33 : memref<!tpu.dma_semaphore, #tpu.memory_space<semaphore_mem>>) {add = true}
      } else {
      }
    }
    %scan3A_94 = arith.constant 10 : i32
    %dma_wait3A = arith.constant 0 : i32
    %dma_wait3A_95 = arith.constant 0 : i32
    %dma_wait3A_96 = tpu.memref_slice %arg7[%dma_wait3A, %dma_wait3A_95] : memref<79x128xi32, #tpu.memory_space<vmem>> -> memref<1x128xi32, #tpu.memory_space<vmem>>
    %dma_wait3A_97 = tpu.memref_squeeze %dma_wait3A_96 : memref<1x128xi32, #tpu.memory_space<vmem>> -> memref<128xi32, #tpu.memory_space<vmem>>
    %dma_wait3A_98 = arith.constant 0 : i32
    %dma_wait3A_99 = arith.constant 0 : i32
    %dma_wait3A_100 = tpu.memref_slice %arg17[%dma_wait3A_98, %dma_wait3A_99] : memref<10016x32xf32, #tpu.memory_space<vmem_shared>> -> memref<10016x32xf32, #tpu.memory_space<vmem_shared>>
    tpu.wait_indirect_dma semaphore(%arg26 : memref<!tpu.dma_semaphore, #tpu.memory_space<semaphore_mem>>) src(%arg8 : memref<128x32xf32, #tpu.memory_space<vmem>>) dst(%dma_wait3A_100 : memref<10016x32xf32, #tpu.memory_space<vmem_shared>>)
    %dma_wait3A_101 = arith.constant 0 : i32
    %dma_wait3A_102 = arith.constant 0 : i32
    %dma_wait3A_103 = tpu.memref_slice %arg7[%dma_wait3A_101, %dma_wait3A_102] : memref<79x128xi32, #tpu.memory_space<vmem>> -> memref<1x128xi32, #tpu.memory_space<vmem>>
    %dma_wait3A_104 = tpu.memref_squeeze %dma_wait3A_103 : memref<1x128xi32, #tpu.memory_space<vmem>> -> memref<128xi32, #tpu.memory_space<vmem>>
    %dma_wait3A_105 = arith.constant 0 : i32
    %dma_wait3A_106 = arith.constant 0 : i32
    %dma_wait3A_107 = tpu.memref_slice %arg17[%dma_wait3A_105, %dma_wait3A_106] : memref<10016x32xf32, #tpu.memory_space<vmem_shared>> -> memref<10016x32xf32, #tpu.memory_space<vmem_shared>>
    tpu.wait_indirect_dma semaphore(%arg27 : memref<!tpu.dma_semaphore, #tpu.memory_space<semaphore_mem>>) src(%arg9 : memref<128x32xf32, #tpu.memory_space<vmem>>) dst(%dma_wait3A_107 : memref<10016x32xf32, #tpu.memory_space<vmem_shared>>)
    %dma_wait3A_108 = arith.constant 0 : i32
    %dma_wait3A_109 = arith.constant 0 : i32
    %dma_wait3A_110 = tpu.memref_slice %arg7[%dma_wait3A_108, %dma_wait3A_109] : memref<79x128xi32, #tpu.memory_space<vmem>> -> memref<1x128xi32, #tpu.memory_space<vmem>>
    %dma_wait3A_111 = tpu.memref_squeeze %dma_wait3A_110 : memref<1x128xi32, #tpu.memory_space<vmem>> -> memref<128xi32, #tpu.memory_space<vmem>>
    %dma_wait3A_112 = arith.constant 0 : i32
    %dma_wait3A_113 = arith.constant 0 : i32
    %dma_wait3A_114 = tpu.memref_slice %arg17[%dma_wait3A_112, %dma_wait3A_113] : memref<10016x32xf32, #tpu.memory_space<vmem_shared>> -> memref<10016x32xf32, #tpu.memory_space<vmem_shared>>
    tpu.wait_indirect_dma semaphore(%arg28 : memref<!tpu.dma_semaphore, #tpu.memory_space<semaphore_mem>>) src(%arg10 : memref<128x32xf32, #tpu.memory_space<vmem>>) dst(%dma_wait3A_114 : memref<10016x32xf32, #tpu.memory_space<vmem_shared>>)
    %dma_wait3A_115 = arith.constant 0 : i32
    %dma_wait3A_116 = arith.constant 0 : i32
    %dma_wait3A_117 = tpu.memref_slice %arg7[%dma_wait3A_115, %dma_wait3A_116] : memref<79x128xi32, #tpu.memory_space<vmem>> -> memref<1x128xi32, #tpu.memory_space<vmem>>
    %dma_wait3A_118 = tpu.memref_squeeze %dma_wait3A_117 : memref<1x128xi32, #tpu.memory_space<vmem>> -> memref<128xi32, #tpu.memory_space<vmem>>
    %dma_wait3A_119 = arith.constant 0 : i32
    %dma_wait3A_120 = arith.constant 0 : i32
    %dma_wait3A_121 = tpu.memref_slice %arg17[%dma_wait3A_119, %dma_wait3A_120] : memref<10016x32xf32, #tpu.memory_space<vmem_shared>> -> memref<10016x32xf32, #tpu.memory_space<vmem_shared>>
    tpu.wait_indirect_dma semaphore(%arg29 : memref<!tpu.dma_semaphore, #tpu.memory_space<semaphore_mem>>) src(%arg11 : memref<128x32xf32, #tpu.memory_space<vmem>>) dst(%dma_wait3A_121 : memref<10016x32xf32, #tpu.memory_space<vmem_shared>>)
    %dma_wait3A_122 = arith.constant 0 : i32
    %dma_wait3A_123 = arith.constant 0 : i32
    %dma_wait3A_124 = tpu.memref_slice %arg7[%dma_wait3A_122, %dma_wait3A_123] : memref<79x128xi32, #tpu.memory_space<vmem>> -> memref<1x128xi32, #tpu.memory_space<vmem>>
    %dma_wait3A_125 = tpu.memref_squeeze %dma_wait3A_124 : memref<1x128xi32, #tpu.memory_space<vmem>> -> memref<128xi32, #tpu.memory_space<vmem>>
    %dma_wait3A_126 = arith.constant 0 : i32
    %dma_wait3A_127 = arith.constant 0 : i32
    %dma_wait3A_128 = tpu.memref_slice %arg17[%dma_wait3A_126, %dma_wait3A_127] : memref<10016x32xf32, #tpu.memory_space<vmem_shared>> -> memref<10016x32xf32, #tpu.memory_space<vmem_shared>>
    tpu.wait_indirect_dma semaphore(%arg30 : memref<!tpu.dma_semaphore, #tpu.memory_space<semaphore_mem>>) src(%arg12 : memref<128x32xf32, #tpu.memory_space<vmem>>) dst(%dma_wait3A_128 : memref<10016x32xf32, #tpu.memory_space<vmem_shared>>)
    %dma_wait3A_129 = arith.constant 0 : i32
    %dma_wait3A_130 = arith.constant 0 : i32
    %dma_wait3A_131 = tpu.memref_slice %arg7[%dma_wait3A_129, %dma_wait3A_130] : memref<79x128xi32, #tpu.memory_space<vmem>> -> memref<1x128xi32, #tpu.memory_space<vmem>>
    %dma_wait3A_132 = tpu.memref_squeeze %dma_wait3A_131 : memref<1x128xi32, #tpu.memory_space<vmem>> -> memref<128xi32, #tpu.memory_space<vmem>>
    %dma_wait3A_133 = arith.constant 0 : i32
    %dma_wait3A_134 = arith.constant 0 : i32
    %dma_wait3A_135 = tpu.memref_slice %arg17[%dma_wait3A_133, %dma_wait3A_134] : memref<10016x32xf32, #tpu.memory_space<vmem_shared>> -> memref<10016x32xf32, #tpu.memory_space<vmem_shared>>
    tpu.wait_indirect_dma semaphore(%arg31 : memref<!tpu.dma_semaphore, #tpu.memory_space<semaphore_mem>>) src(%arg13 : memref<128x32xf32, #tpu.memory_space<vmem>>) dst(%dma_wait3A_135 : memref<10016x32xf32, #tpu.memory_space<vmem_shared>>)
    %dma_wait3A_136 = arith.constant 0 : i32
    %dma_wait3A_137 = arith.constant 0 : i32
    %dma_wait3A_138 = tpu.memref_slice %arg7[%dma_wait3A_136, %dma_wait3A_137] : memref<79x128xi32, #tpu.memory_space<vmem>> -> memref<1x128xi32, #tpu.memory_space<vmem>>
    %dma_wait3A_139 = tpu.memref_squeeze %dma_wait3A_138 : memref<1x128xi32, #tpu.memory_space<vmem>> -> memref<128xi32, #tpu.memory_space<vmem>>
    %dma_wait3A_140 = arith.constant 0 : i32
    %dma_wait3A_141 = arith.constant 0 : i32
    %dma_wait3A_142 = tpu.memref_slice %arg17[%dma_wait3A_140, %dma_wait3A_141] : memref<10016x32xf32, #tpu.memory_space<vmem_shared>> -> memref<10016x32xf32, #tpu.memory_space<vmem_shared>>
    tpu.wait_indirect_dma semaphore(%arg32 : memref<!tpu.dma_semaphore, #tpu.memory_space<semaphore_mem>>) src(%arg14 : memref<128x32xf32, #tpu.memory_space<vmem>>) dst(%dma_wait3A_142 : memref<10016x32xf32, #tpu.memory_space<vmem_shared>>)
    %dma_wait3A_143 = arith.constant 0 : i32
    %dma_wait3A_144 = arith.constant 0 : i32
    %dma_wait3A_145 = tpu.memref_slice %arg7[%dma_wait3A_143, %dma_wait3A_144] : memref<79x128xi32, #tpu.memory_space<vmem>> -> memref<1x128xi32, #tpu.memory_space<vmem>>
    %dma_wait3A_146 = tpu.memref_squeeze %dma_wait3A_145 : memref<1x128xi32, #tpu.memory_space<vmem>> -> memref<128xi32, #tpu.memory_space<vmem>>
    %dma_wait3A_147 = arith.constant 0 : i32
    %dma_wait3A_148 = arith.constant 0 : i32
    %dma_wait3A_149 = tpu.memref_slice %arg17[%dma_wait3A_147, %dma_wait3A_148] : memref<10016x32xf32, #tpu.memory_space<vmem_shared>> -> memref<10016x32xf32, #tpu.memory_space<vmem_shared>>
    tpu.wait_indirect_dma semaphore(%arg33 : memref<!tpu.dma_semaphore, #tpu.memory_space<semaphore_mem>>) src(%arg15 : memref<128x32xf32, #tpu.memory_space<vmem>>) dst(%dma_wait3A_149 : memref<10016x32xf32, #tpu.memory_space<vmem_shared>>)
    %barrier3A_150 = arith.constant 0 : index
    tpu.barrier barrier_id(%barrier3A_150)
    %scan3A_151 = arith.constant 0 : i32
    %scan3A_152 = arith.constant 0 : i32
    %scan3A_153 = arith.constant 5 : i32
    %scan3A_154 = arith.addi %scan3A_152, %scan3A_153 : i32
    %scan3A_155 = arith.constant 1 : i32
    scf.for %scan3A_162 = %scan3A_152 to %scan3A_154 step %scan3A_155  : i32 {
      %mul3A_163 = arith.constant 16 : i32
      %mul3A_164 = arith.muli %scan3A_162, %mul3A_163 : i32
      %add3A_165 = arith.addi %arg1, %mul3A_164 : i32
      %lt3A = arith.constant 78 : i32
      %lt3A_166 = arith.cmpi slt, %add3A_165, %lt3A : i32
      %convert_element_type3A_167 = arith.extui %lt3A_166 : i1 to i32
      %cond3A_168 = arith.constant 0 : i32
      %cond3A_169 = arith.cmpi ne, %convert_element_type3A_167, %cond3A_168 : i32
      scf.if %cond3A_169 {
        %mul3A_170 = arith.constant 128 : i32
        %mul3A_171 = arith.muli %add3A_165, %mul3A_170 : i32
        "tpu.region"() ({
          %run_scoped3A_177 = tpu.sem_alloc : memref<!tpu.dma_semaphore, #tpu.memory_space<semaphore_mem>>
          %dma_start3A_178 = arith.constant 0 : i32
          %dma_start3A_179 = tpu.memref_slice %arg17[%mul3A_171, %dma_start3A_178] : memref<10016x32xf32, #tpu.memory_space<vmem_shared>> -> memref<128x32xf32, #tpu.memory_space<vmem_shared>>
          %dma_start3A_180 = arith.constant 0 : i32
          %dma_start3A_181 = tpu.memref_slice %arg17[%mul3A_171, %dma_start3A_180] : memref<10016x32xf32, #tpu.memory_space<vmem_shared>> -> memref<128x32xf32, #tpu.memory_space<vmem_shared>>
          tpu.enqueue_dma source(%dma_start3A_181 : memref<128x32xf32, #tpu.memory_space<vmem_shared>>) target(%arg8 : memref<128x32xf32, #tpu.memory_space<vmem>>) target_semaphore(%run_scoped3A_177 : memref<!tpu.dma_semaphore, #tpu.memory_space<semaphore_mem>>)
          %dma_wait3A_182 = arith.constant 0 : i32
          %dma_wait3A_183 = tpu.memref_slice %arg17[%mul3A_171, %dma_wait3A_182] : memref<10016x32xf32, #tpu.memory_space<vmem_shared>> -> memref<128x32xf32, #tpu.memory_space<vmem_shared>>
          %dma_wait3A_184 = arith.constant 0 : i32
          %dma_wait3A_185 = tpu.memref_slice %arg17[%mul3A_171, %dma_wait3A_184] : memref<10016x32xf32, #tpu.memory_space<vmem_shared>> -> memref<128x32xf32, #tpu.memory_space<vmem_shared>>
          tpu.wait_dma2 semaphore(%run_scoped3A_177 : memref<!tpu.dma_semaphore, #tpu.memory_space<semaphore_mem>>) src(%dma_wait3A_185 : memref<128x32xf32, #tpu.memory_space<vmem_shared>>) dst(%arg8 : memref<128x32xf32, #tpu.memory_space<vmem>>)
          tpu.yield
        }) : () -> ()
        %mul3A_172 = arith.constant 10000 : i32
        %mul3A_173 = arith.muli %arg0, %mul3A_172 : i32
        %mul3A_174 = arith.constant 128 : i32
        %mul3A_175 = arith.muli %add3A_165, %mul3A_174 : i32
        %add3A_176 = arith.addi %mul3A_173, %mul3A_175 : i32
        "tpu.region"() ({
          %run_scoped3A_177 = tpu.sem_alloc : memref<!tpu.dma_semaphore, #tpu.memory_space<semaphore_mem>>
          %dma_start3A_178 = arith.constant 0 : i32
          %dma_start3A_179 = tpu.memref_slice %arg5[%add3A_176, %dma_start3A_178] : memref<20000x32xf32, #tpu.memory_space<hbm>> -> memref<128x32xf32, #tpu.memory_space<hbm>>
          %dma_start3A_180 = arith.constant 0 : i32
          %dma_start3A_181 = tpu.memref_slice %arg5[%add3A_176, %dma_start3A_180] : memref<20000x32xf32, #tpu.memory_space<hbm>> -> memref<128x32xf32, #tpu.memory_space<hbm>>
          tpu.enqueue_dma source(%arg8 : memref<128x32xf32, #tpu.memory_space<vmem>>) target(%dma_start3A_181 : memref<128x32xf32, #tpu.memory_space<hbm>>) target_semaphore(%run_scoped3A_177 : memref<!tpu.dma_semaphore, #tpu.memory_space<semaphore_mem>>)
          %dma_wait3A_182 = arith.constant 0 : i32
          %dma_wait3A_183 = tpu.memref_slice %arg5[%add3A_176, %dma_wait3A_182] : memref<20000x32xf32, #tpu.memory_space<hbm>> -> memref<128x32xf32, #tpu.memory_space<hbm>>
          %dma_wait3A_184 = arith.constant 0 : i32
          %dma_wait3A_185 = tpu.memref_slice %arg5[%add3A_176, %dma_wait3A_184] : memref<20000x32xf32, #tpu.memory_space<hbm>> -> memref<128x32xf32, #tpu.memory_space<hbm>>
          tpu.wait_dma2 semaphore(%run_scoped3A_177 : memref<!tpu.dma_semaphore, #tpu.memory_space<semaphore_mem>>) src(%arg8 : memref<128x32xf32, #tpu.memory_space<vmem>>) dst(%dma_wait3A_185 : memref<128x32xf32, #tpu.memory_space<hbm>>)
          tpu.yield
        }) : () -> ()
      } else {
      }
    }
    %scan3A_156 = arith.constant 5 : i32
    %eq3A_157 = arith.constant 0 : i32
    %eq3A_158 = arith.cmpi eq, %arg1, %eq3A_157 : i32
    %convert_element_type3A_159 = arith.extui %eq3A_158 : i1 to i32
    %cond3A_160 = arith.constant 0 : i32
    %cond3A_161 = arith.cmpi ne, %convert_element_type3A_159, %cond3A_160 : i32
    scf.if %cond3A_161 {
      "tpu.region"() ({
        %run_scoped3A_166 = tpu.sem_alloc : memref<!tpu.dma_semaphore, #tpu.memory_space<semaphore_mem>>
        %dma_start3A_167 = arith.constant 0 : i32
        %dma_start3A_168 = arith.constant 0 : i32
        %dma_start3A_169 = tpu.memref_slice %arg8[%dma_start3A_167, %dma_start3A_168] : memref<128x32xf32, #tpu.memory_space<vmem>> -> memref<16x32xf32, #tpu.memory_space<vmem>>
        %dma_start3A_170 = arith.constant 9984 : i32
        %dma_start3A_171 = arith.constant 0 : i32
        %dma_start3A_172 = tpu.memref_slice %arg17[%dma_start3A_170, %dma_start3A_171] : memref<10016x32xf32, #tpu.memory_space<vmem_shared>> -> memref<16x32xf32, #tpu.memory_space<vmem_shared>>
        %dma_start3A_173 = arith.constant 0 : i32
        %dma_start3A_174 = arith.constant 0 : i32
        %dma_start3A_175 = tpu.memref_slice %arg8[%dma_start3A_173, %dma_start3A_174] : memref<128x32xf32, #tpu.memory_space<vmem>> -> memref<16x32xf32, #tpu.memory_space<vmem>>
        %dma_start3A_176 = arith.constant 9984 : i32
        %dma_start3A_177 = arith.constant 0 : i32
        %dma_start3A_178 = tpu.memref_slice %arg17[%dma_start3A_176, %dma_start3A_177] : memref<10016x32xf32, #tpu.memory_space<vmem_shared>> -> memref<16x32xf32, #tpu.memory_space<vmem_shared>>
        tpu.enqueue_dma source(%dma_start3A_178 : memref<16x32xf32, #tpu.memory_space<vmem_shared>>) target(%dma_start3A_175 : memref<16x32xf32, #tpu.memory_space<vmem>>) target_semaphore(%run_scoped3A_166 : memref<!tpu.dma_semaphore, #tpu.memory_space<semaphore_mem>>)
        %dma_wait3A_179 = arith.constant 0 : i32
        %dma_wait3A_180 = arith.constant 0 : i32
        %dma_wait3A_181 = tpu.memref_slice %arg8[%dma_wait3A_179, %dma_wait3A_180] : memref<128x32xf32, #tpu.memory_space<vmem>> -> memref<16x32xf32, #tpu.memory_space<vmem>>
        %dma_wait3A_182 = arith.constant 9984 : i32
        %dma_wait3A_183 = arith.constant 0 : i32
        %dma_wait3A_184 = tpu.memref_slice %arg17[%dma_wait3A_182, %dma_wait3A_183] : memref<10016x32xf32, #tpu.memory_space<vmem_shared>> -> memref<16x32xf32, #tpu.memory_space<vmem_shared>>
        %dma_wait3A_185 = arith.constant 0 : i32
        %dma_wait3A_186 = arith.constant 0 : i32
        %dma_wait3A_187 = tpu.memref_slice %arg8[%dma_wait3A_185, %dma_wait3A_186] : memref<128x32xf32, #tpu.memory_space<vmem>> -> memref<16x32xf32, #tpu.memory_space<vmem>>
        %dma_wait3A_188 = arith.constant 9984 : i32
        %dma_wait3A_189 = arith.constant 0 : i32
        %dma_wait3A_190 = tpu.memref_slice %arg17[%dma_wait3A_188, %dma_wait3A_189] : memref<10016x32xf32, #tpu.memory_space<vmem_shared>> -> memref<16x32xf32, #tpu.memory_space<vmem_shared>>
        tpu.wait_dma2 semaphore(%run_scoped3A_166 : memref<!tpu.dma_semaphore, #tpu.memory_space<semaphore_mem>>) src(%dma_wait3A_190 : memref<16x32xf32, #tpu.memory_space<vmem_shared>>) dst(%dma_wait3A_187 : memref<16x32xf32, #tpu.memory_space<vmem>>)
        tpu.yield
      }) : () -> ()
      %mul3A_162 = arith.constant 10000 : i32
      %mul3A_163 = arith.muli %arg0, %mul3A_162 : i32
      %add3A_164 = arith.constant 9984 : i32
      %add3A_165 = arith.addi %mul3A_163, %add3A_164 : i32
      "tpu.region"() ({
        %run_scoped3A_166 = tpu.sem_alloc : memref<!tpu.dma_semaphore, #tpu.memory_space<semaphore_mem>>
        %dma_start3A_167 = arith.constant 0 : i32
        %dma_start3A_168 = arith.constant 0 : i32
        %dma_start3A_169 = tpu.memref_slice %arg8[%dma_start3A_167, %dma_start3A_168] : memref<128x32xf32, #tpu.memory_space<vmem>> -> memref<16x32xf32, #tpu.memory_space<vmem>>
        %dma_start3A_170 = arith.constant 0 : i32
        %dma_start3A_171 = tpu.memref_slice %arg5[%add3A_165, %dma_start3A_170] : memref<20000x32xf32, #tpu.memory_space<hbm>> -> memref<16x32xf32, #tpu.memory_space<hbm>>
        %dma_start3A_172 = arith.constant 0 : i32
        %dma_start3A_173 = tpu.memref_slice %arg5[%add3A_165, %dma_start3A_172] : memref<20000x32xf32, #tpu.memory_space<hbm>> -> memref<16x32xf32, #tpu.memory_space<hbm>>
        %dma_start3A_174 = arith.constant 0 : i32
        %dma_start3A_175 = arith.constant 0 : i32
        %dma_start3A_176 = tpu.memref_slice %arg8[%dma_start3A_174, %dma_start3A_175] : memref<128x32xf32, #tpu.memory_space<vmem>> -> memref<16x32xf32, #tpu.memory_space<vmem>>
        tpu.enqueue_dma source(%dma_start3A_176 : memref<16x32xf32, #tpu.memory_space<vmem>>) target(%dma_start3A_173 : memref<16x32xf32, #tpu.memory_space<hbm>>) target_semaphore(%run_scoped3A_166 : memref<!tpu.dma_semaphore, #tpu.memory_space<semaphore_mem>>)
        %dma_wait3A_177 = arith.constant 0 : i32
        %dma_wait3A_178 = arith.constant 0 : i32
        %dma_wait3A_179 = tpu.memref_slice %arg8[%dma_wait3A_177, %dma_wait3A_178] : memref<128x32xf32, #tpu.memory_space<vmem>> -> memref<16x32xf32, #tpu.memory_space<vmem>>
        %dma_wait3A_180 = arith.constant 0 : i32
        %dma_wait3A_181 = tpu.memref_slice %arg5[%add3A_165, %dma_wait3A_180] : memref<20000x32xf32, #tpu.memory_space<hbm>> -> memref<16x32xf32, #tpu.memory_space<hbm>>
        %dma_wait3A_182 = arith.constant 0 : i32
        %dma_wait3A_183 = tpu.memref_slice %arg5[%add3A_165, %dma_wait3A_182] : memref<20000x32xf32, #tpu.memory_space<hbm>> -> memref<16x32xf32, #tpu.memory_space<hbm>>
        %dma_wait3A_184 = arith.constant 0 : i32
        %dma_wait3A_185 = arith.constant 0 : i32
        %dma_wait3A_186 = tpu.memref_slice %arg8[%dma_wait3A_184, %dma_wait3A_185] : memref<128x32xf32, #tpu.memory_space<vmem>> -> memref<16x32xf32, #tpu.memory_space<vmem>>
        tpu.wait_dma2 semaphore(%run_scoped3A_166 : memref<!tpu.dma_semaphore, #tpu.memory_space<semaphore_mem>>) src(%dma_wait3A_186 : memref<16x32xf32, #tpu.memory_space<vmem>>) dst(%dma_wait3A_183 : memref<16x32xf32, #tpu.memory_space<hbm>>)
        tpu.yield
      }) : () -> ()
    } else {
    }
    return
  }
}

#map = affine_map<(d0, d1) -> (0, 0, 0)>
#map1 = affine_map<(d0, d1) -> (0)>
module attributes {stable_mosaic.version = 14 : i64} {
  func.func @deg_kernel(%arg0: i32, %arg1: i32, %arg2: memref<2x2500x128xi32, #tpu.memory_space<hbm>>, %arg3: memref<128xf32, #tpu.memory_space<hbm>>, %arg4: memref<128xf32, #tpu.memory_space<hbm>>, %arg5: memref<20000xf32, #tpu.memory_space<hbm>>, %arg6: memref<79x128xi32, #tpu.memory_space<vmem>>, %arg7: memref<128xf32, #tpu.memory_space<vmem>>, %arg8: memref<128xf32, #tpu.memory_space<vmem>>, %arg9: memref<10016xf32, #tpu.memory_space<vmem_shared>>, %arg10: memref<!tpu.dma_semaphore, #tpu.memory_space<semaphore_mem>>) attributes {dimension_semantics = [#tpu.dimension_semantics<core_parallel>, #tpu.dimension_semantics<subcore_parallel>], iteration_bounds = array<i64: 2, 16>, scalar_prefetch = 0 : i64, scratch_operands = 5 : i64, tpu.core_type = #tpu.core_type<sc_vector_subcore>, window_params = [{transform_indices = #map}, {transform_indices = #map1}, {transform_indices = #map1}, {transform_indices = #map1}]} {
    %mul3A = arith.constant 16 : i32
    %mul3A_0 = arith.muli %arg0, %mul3A : i32
    %add3A = arith.addi %mul3A_0, %arg1 : i32
    %mul3A_1 = arith.constant 2500 : i32
    %mul3A_2 = arith.muli %add3A, %mul3A_1 : i32
    %jit3A = arith.constant 32 : i32
    %div3A = arith.divsi %mul3A_2, %jit3A : i32
    %sign3A = arith.constant 0 : i32
    %sign3A_3 = arith.cmpi sgt, %mul3A_2, %sign3A : i32
    %sign3A_4 = arith.extui %sign3A_3 : i1 to i32
    %sign3A_5 = arith.constant 0 : i32
    %sign3A_6 = arith.cmpi slt, %mul3A_2, %sign3A_5 : i32
    %sign3A_7 = arith.extui %sign3A_6 : i1 to i32
    %sign3A_8 = arith.subi %sign3A_4, %sign3A_7 : i32
    %sign3A_9 = arith.constant 0 : i32
    %sign3A_10 = arith.cmpi sgt, %jit3A, %sign3A_9 : i32
    %sign3A_11 = arith.extui %sign3A_10 : i1 to i32
    %sign3A_12 = arith.constant 0 : i32
    %sign3A_13 = arith.cmpi slt, %jit3A, %sign3A_12 : i32
    %sign3A_14 = arith.extui %sign3A_13 : i1 to i32
    %sign3A_15 = arith.subi %sign3A_11, %sign3A_14 : i32
    %ne3A = arith.cmpi ne, %sign3A_8, %sign3A_15 : i32
    %rem3A = arith.remsi %mul3A_2, %jit3A : i32
    %ne3A_16 = arith.constant 0 : i32
    %ne3A_17 = arith.cmpi ne, %rem3A, %ne3A_16 : i32
    %and3A = arith.andi %ne3A, %ne3A_17 : i1
    %sub3A = arith.constant 1 : i32
    %sub3A_18 = arith.subi %div3A, %sub3A : i32
    %select_n3A = arith.select %and3A, %sub3A_18, %div3A : i32
    %add3A_19 = arith.constant 1 : i32
    %add3A_20 = arith.addi %add3A, %add3A_19 : i32
    %mul3A_21 = arith.constant 2500 : i32
    %mul3A_22 = arith.muli %add3A_20, %mul3A_21 : i32
    %jit3A_23 = arith.constant 32 : i32
    %div3A_24 = arith.divsi %mul3A_22, %jit3A_23 : i32
    %sign3A_25 = arith.constant 0 : i32
    %sign3A_26 = arith.cmpi sgt, %mul3A_22, %sign3A_25 : i32
    %sign3A_27 = arith.extui %sign3A_26 : i1 to i32
    %sign3A_28 = arith.constant 0 : i32
    %sign3A_29 = arith.cmpi slt, %mul3A_22, %sign3A_28 : i32
    %sign3A_30 = arith.extui %sign3A_29 : i1 to i32
    %sign3A_31 = arith.subi %sign3A_27, %sign3A_30 : i32
    %sign3A_32 = arith.constant 0 : i32
    %sign3A_33 = arith.cmpi sgt, %jit3A_23, %sign3A_32 : i32
    %sign3A_34 = arith.extui %sign3A_33 : i1 to i32
    %sign3A_35 = arith.constant 0 : i32
    %sign3A_36 = arith.cmpi slt, %jit3A_23, %sign3A_35 : i32
    %sign3A_37 = arith.extui %sign3A_36 : i1 to i32
    %sign3A_38 = arith.subi %sign3A_34, %sign3A_37 : i32
    %ne3A_39 = arith.cmpi ne, %sign3A_31, %sign3A_38 : i32
    %rem3A_40 = arith.remsi %mul3A_22, %jit3A_23 : i32
    %ne3A_41 = arith.constant 0 : i32
    %ne3A_42 = arith.cmpi ne, %rem3A_40, %ne3A_41 : i32
    %and3A_43 = arith.andi %ne3A_39, %ne3A_42 : i1
    %sub3A_44 = arith.constant 1 : i32
    %sub3A_45 = arith.subi %div3A_24, %sub3A_44 : i32
    %select_n3A_46 = arith.select %and3A_43, %sub3A_45, %div3A_24 : i32
    %min3A = arith.constant 2421 : i32
    %min3A_47 = arith.minsi %select_n3A, %min3A : i32
    %sub3A_48 = arith.subi %select_n3A, %min3A_47 : i32
    %sub3A_49 = arith.subi %select_n3A_46, %select_n3A : i32
    "tpu.region"() ({
      %run_scoped3A_75 = tpu.sem_alloc : memref<!tpu.dma_semaphore, #tpu.memory_space<semaphore_mem>>
      tpu.enqueue_dma source(%arg3 : memref<128xf32, #tpu.memory_space<hbm>>) target(%arg7 : memref<128xf32, #tpu.memory_space<vmem>>) target_semaphore(%run_scoped3A_75 : memref<!tpu.dma_semaphore, #tpu.memory_space<semaphore_mem>>)
      tpu.wait_dma2 semaphore(%run_scoped3A_75 : memref<!tpu.dma_semaphore, #tpu.memory_space<semaphore_mem>>) src(%arg3 : memref<128xf32, #tpu.memory_space<hbm>>) dst(%arg7 : memref<128xf32, #tpu.memory_space<vmem>>)
      tpu.yield
    }) : () -> ()
    "tpu.region"() ({
      %run_scoped3A_75 = tpu.sem_alloc : memref<!tpu.dma_semaphore, #tpu.memory_space<semaphore_mem>>
      tpu.enqueue_dma source(%arg4 : memref<128xf32, #tpu.memory_space<hbm>>) target(%arg8 : memref<128xf32, #tpu.memory_space<vmem>>) target_semaphore(%run_scoped3A_75 : memref<!tpu.dma_semaphore, #tpu.memory_space<semaphore_mem>>)
      tpu.wait_dma2 semaphore(%run_scoped3A_75 : memref<!tpu.dma_semaphore, #tpu.memory_space<semaphore_mem>>) src(%arg4 : memref<128xf32, #tpu.memory_space<hbm>>) dst(%arg8 : memref<128xf32, #tpu.memory_space<vmem>>)
      tpu.yield
    }) : () -> ()
    %run_scoped3A = arith.constant 1 : i32
    "tpu.region"() ({
      %run_scoped3A_75 = tpu.sem_alloc : memref<!tpu.dma_semaphore, #tpu.memory_space<semaphore_mem>>
      %dma_start3A = arith.constant 0 : i32
      %dma_start3A_76 = tpu.memref_slice %arg2[%run_scoped3A, %min3A_47, %dma_start3A] : memref<2x2500x128xi32, #tpu.memory_space<hbm>> -> memref<1x79x128xi32, #tpu.memory_space<hbm>>
      %dma_start3A_77 = tpu.memref_squeeze %dma_start3A_76 : memref<1x79x128xi32, #tpu.memory_space<hbm>> -> memref<79x128xi32, #tpu.memory_space<hbm>>
      %dma_start3A_78 = arith.constant 0 : i32
      %dma_start3A_79 = tpu.memref_slice %arg2[%run_scoped3A, %min3A_47, %dma_start3A_78] : memref<2x2500x128xi32, #tpu.memory_space<hbm>> -> memref<1x79x128xi32, #tpu.memory_space<hbm>>
      %dma_start3A_80 = tpu.memref_squeeze %dma_start3A_79 : memref<1x79x128xi32, #tpu.memory_space<hbm>> -> memref<79x128xi32, #tpu.memory_space<hbm>>
      tpu.enqueue_dma source(%dma_start3A_80 : memref<79x128xi32, #tpu.memory_space<hbm>>) target(%arg6 : memref<79x128xi32, #tpu.memory_space<vmem>>) target_semaphore(%run_scoped3A_75 : memref<!tpu.dma_semaphore, #tpu.memory_space<semaphore_mem>>)
      %dma_wait3A = arith.constant 0 : i32
      %dma_wait3A_81 = tpu.memref_slice %arg2[%run_scoped3A, %min3A_47, %dma_wait3A] : memref<2x2500x128xi32, #tpu.memory_space<hbm>> -> memref<1x79x128xi32, #tpu.memory_space<hbm>>
      %dma_wait3A_82 = tpu.memref_squeeze %dma_wait3A_81 : memref<1x79x128xi32, #tpu.memory_space<hbm>> -> memref<79x128xi32, #tpu.memory_space<hbm>>
      %dma_wait3A_83 = arith.constant 0 : i32
      %dma_wait3A_84 = tpu.memref_slice %arg2[%run_scoped3A, %min3A_47, %dma_wait3A_83] : memref<2x2500x128xi32, #tpu.memory_space<hbm>> -> memref<1x79x128xi32, #tpu.memory_space<hbm>>
      %dma_wait3A_85 = tpu.memref_squeeze %dma_wait3A_84 : memref<1x79x128xi32, #tpu.memory_space<hbm>> -> memref<79x128xi32, #tpu.memory_space<hbm>>
      tpu.wait_dma2 semaphore(%run_scoped3A_75 : memref<!tpu.dma_semaphore, #tpu.memory_space<semaphore_mem>>) src(%dma_wait3A_85 : memref<79x128xi32, #tpu.memory_space<hbm>>) dst(%arg6 : memref<79x128xi32, #tpu.memory_space<vmem>>)
      tpu.yield
    }) : () -> ()
    %scan3A = arith.constant 0 : i32
    %scan3A_50 = arith.constant 0 : i32
    %scan3A_51 = arith.constant 5 : i32
    %scan3A_52 = arith.addi %scan3A_50, %scan3A_51 : i32
    %scan3A_53 = arith.constant 1 : i32
    scf.for %scan3A_75 = %scan3A_50 to %scan3A_52 step %scan3A_53  : i32 {
      %mul3A_76 = arith.constant 16 : i32
      %mul3A_77 = arith.muli %scan3A_75, %mul3A_76 : i32
      %add3A_78 = arith.addi %arg1, %mul3A_77 : i32
      %lt3A = arith.constant 78 : i32
      %lt3A_79 = arith.cmpi slt, %add3A_78, %lt3A : i32
      %convert_element_type3A_80 = arith.extui %lt3A_79 : i1 to i32
      %cond3A_81 = arith.constant 0 : i32
      %cond3A_82 = arith.cmpi ne, %convert_element_type3A_80, %cond3A_81 : i32
      scf.if %cond3A_82 {
        %mul3A_83 = arith.constant 128 : i32
        %mul3A_84 = arith.muli %add3A_78, %mul3A_83 : i32
        "tpu.region"() ({
          %run_scoped3A_85 = tpu.sem_alloc : memref<!tpu.dma_semaphore, #tpu.memory_space<semaphore_mem>>
          %dma_start3A = tpu.memref_slice %arg9[%mul3A_84] : memref<10016xf32, #tpu.memory_space<vmem_shared>> -> memref<128xf32, #tpu.memory_space<vmem_shared>>
          %dma_start3A_86 = tpu.memref_slice %arg9[%mul3A_84] : memref<10016xf32, #tpu.memory_space<vmem_shared>> -> memref<128xf32, #tpu.memory_space<vmem_shared>>
          tpu.enqueue_dma source(%arg8 : memref<128xf32, #tpu.memory_space<vmem>>) target(%dma_start3A_86 : memref<128xf32, #tpu.memory_space<vmem_shared>>) target_semaphore(%run_scoped3A_85 : memref<!tpu.dma_semaphore, #tpu.memory_space<semaphore_mem>>)
          %dma_wait3A = tpu.memref_slice %arg9[%mul3A_84] : memref<10016xf32, #tpu.memory_space<vmem_shared>> -> memref<128xf32, #tpu.memory_space<vmem_shared>>
          %dma_wait3A_87 = tpu.memref_slice %arg9[%mul3A_84] : memref<10016xf32, #tpu.memory_space<vmem_shared>> -> memref<128xf32, #tpu.memory_space<vmem_shared>>
          tpu.wait_dma2 semaphore(%run_scoped3A_85 : memref<!tpu.dma_semaphore, #tpu.memory_space<semaphore_mem>>) src(%arg8 : memref<128xf32, #tpu.memory_space<vmem>>) dst(%dma_wait3A_87 : memref<128xf32, #tpu.memory_space<vmem_shared>>)
          tpu.yield
        }) : () -> ()
      } else {
      }
    }
    %scan3A_54 = arith.constant 5 : i32
    %eq3A = arith.constant 0 : i32
    %eq3A_55 = arith.cmpi eq, %arg1, %eq3A : i32
    %convert_element_type3A = arith.extui %eq3A_55 : i1 to i32
    %cond3A = arith.constant 0 : i32
    %cond3A_56 = arith.cmpi ne, %convert_element_type3A, %cond3A : i32
    scf.if %cond3A_56 {
      "tpu.region"() ({
        %run_scoped3A_75 = tpu.sem_alloc : memref<!tpu.dma_semaphore, #tpu.memory_space<semaphore_mem>>
        %dma_start3A = arith.constant 0 : i32
        %dma_start3A_76 = tpu.memref_slice %arg8[%dma_start3A] : memref<128xf32, #tpu.memory_space<vmem>> -> memref<16xf32, #tpu.memory_space<vmem>>
        %dma_start3A_77 = arith.constant 9984 : i32
        %dma_start3A_78 = tpu.memref_slice %arg9[%dma_start3A_77] : memref<10016xf32, #tpu.memory_space<vmem_shared>> -> memref<16xf32, #tpu.memory_space<vmem_shared>>
        %dma_start3A_79 = arith.constant 9984 : i32
        %dma_start3A_80 = tpu.memref_slice %arg9[%dma_start3A_79] : memref<10016xf32, #tpu.memory_space<vmem_shared>> -> memref<16xf32, #tpu.memory_space<vmem_shared>>
        %dma_start3A_81 = arith.constant 0 : i32
        %dma_start3A_82 = tpu.memref_slice %arg8[%dma_start3A_81] : memref<128xf32, #tpu.memory_space<vmem>> -> memref<16xf32, #tpu.memory_space<vmem>>
        tpu.enqueue_dma source(%dma_start3A_82 : memref<16xf32, #tpu.memory_space<vmem>>) target(%dma_start3A_80 : memref<16xf32, #tpu.memory_space<vmem_shared>>) target_semaphore(%run_scoped3A_75 : memref<!tpu.dma_semaphore, #tpu.memory_space<semaphore_mem>>)
        %dma_wait3A = arith.constant 0 : i32
        %dma_wait3A_83 = tpu.memref_slice %arg8[%dma_wait3A] : memref<128xf32, #tpu.memory_space<vmem>> -> memref<16xf32, #tpu.memory_space<vmem>>
        %dma_wait3A_84 = arith.constant 9984 : i32
        %dma_wait3A_85 = tpu.memref_slice %arg9[%dma_wait3A_84] : memref<10016xf32, #tpu.memory_space<vmem_shared>> -> memref<16xf32, #tpu.memory_space<vmem_shared>>
        %dma_wait3A_86 = arith.constant 9984 : i32
        %dma_wait3A_87 = tpu.memref_slice %arg9[%dma_wait3A_86] : memref<10016xf32, #tpu.memory_space<vmem_shared>> -> memref<16xf32, #tpu.memory_space<vmem_shared>>
        %dma_wait3A_88 = arith.constant 0 : i32
        %dma_wait3A_89 = tpu.memref_slice %arg8[%dma_wait3A_88] : memref<128xf32, #tpu.memory_space<vmem>> -> memref<16xf32, #tpu.memory_space<vmem>>
        tpu.wait_dma2 semaphore(%run_scoped3A_75 : memref<!tpu.dma_semaphore, #tpu.memory_space<semaphore_mem>>) src(%dma_wait3A_89 : memref<16xf32, #tpu.memory_space<vmem>>) dst(%dma_wait3A_87 : memref<16xf32, #tpu.memory_space<vmem_shared>>)
        tpu.yield
      }) : () -> ()
    } else {
    }
    %barrier3A = arith.constant 0 : index
    tpu.barrier barrier_id(%barrier3A)
    %scan3A_57 = arith.constant 0 : i32
    %scan3A_58 = arith.constant 0 : i32
    %scan3A_59 = arith.constant 10 : i32
    %scan3A_60 = arith.addi %scan3A_58, %scan3A_59 : i32
    %scan3A_61 = arith.constant 1 : i32
    scf.for %scan3A_75 = %scan3A_58 to %scan3A_60 step %scan3A_61  : i32 {
      %mul3A_76 = arith.constant 8 : i32
      %mul3A_77 = arith.muli %scan3A_75, %mul3A_76 : i32
      %add3A_78 = arith.constant 0 : i32
      %add3A_79 = arith.addi %mul3A_77, %add3A_78 : i32
      %lt3A = arith.cmpi slt, %add3A_79, %sub3A_49 : i32
      %convert_element_type3A_80 = arith.extui %lt3A : i1 to i32
      %cond3A_81 = arith.constant 0 : i32
      %cond3A_82 = arith.cmpi ne, %convert_element_type3A_80, %cond3A_81 : i32
      scf.if %cond3A_82 {
        %add3A_203 = arith.addi %sub3A_48, %add3A_79 : i32
        %dma_start3A = arith.constant 0 : i32
        %dma_start3A_204 = tpu.memref_slice %arg6[%add3A_203, %dma_start3A] : memref<79x128xi32, #tpu.memory_space<vmem>> -> memref<1x128xi32, #tpu.memory_space<vmem>>
        %dma_start3A_205 = tpu.memref_squeeze %dma_start3A_204 : memref<1x128xi32, #tpu.memory_space<vmem>> -> memref<128xi32, #tpu.memory_space<vmem>>
        %dma_start3A_206 = arith.constant 0 : i32
        %dma_start3A_207 = tpu.memref_slice %arg9[%dma_start3A_206] : memref<10016xf32, #tpu.memory_space<vmem_shared>> -> memref<10016xf32, #tpu.memory_space<vmem_shared>>
        tpu.enqueue_indirect_dma source(%arg7 : memref<128xf32, #tpu.memory_space<vmem>>) target(%dma_start3A_207 : memref<10016xf32, #tpu.memory_space<vmem_shared>>) offsets(%dma_start3A_205 : memref<128xi32, #tpu.memory_space<vmem>>) semaphore(%arg10 : memref<!tpu.dma_semaphore, #tpu.memory_space<semaphore_mem>>) {add = true}
      } else {
      }
      %mul3A_83 = arith.constant 8 : i32
      %mul3A_84 = arith.muli %scan3A_75, %mul3A_83 : i32
      %add3A_85 = arith.constant 1 : i32
      %add3A_86 = arith.addi %mul3A_84, %add3A_85 : i32
      %lt3A_87 = arith.cmpi slt, %add3A_86, %sub3A_49 : i32
      %convert_element_type3A_88 = arith.extui %lt3A_87 : i1 to i32
      %cond3A_89 = arith.constant 0 : i32
      %cond3A_90 = arith.cmpi ne, %convert_element_type3A_88, %cond3A_89 : i32
      scf.if %cond3A_90 {
        %add3A_203 = arith.addi %sub3A_48, %add3A_86 : i32
        %dma_start3A = arith.constant 0 : i32
        %dma_start3A_204 = tpu.memref_slice %arg6[%add3A_203, %dma_start3A] : memref<79x128xi32, #tpu.memory_space<vmem>> -> memref<1x128xi32, #tpu.memory_space<vmem>>
        %dma_start3A_205 = tpu.memref_squeeze %dma_start3A_204 : memref<1x128xi32, #tpu.memory_space<vmem>> -> memref<128xi32, #tpu.memory_space<vmem>>
        %dma_start3A_206 = arith.constant 0 : i32
        %dma_start3A_207 = tpu.memref_slice %arg9[%dma_start3A_206] : memref<10016xf32, #tpu.memory_space<vmem_shared>> -> memref<10016xf32, #tpu.memory_space<vmem_shared>>
        tpu.enqueue_indirect_dma source(%arg7 : memref<128xf32, #tpu.memory_space<vmem>>) target(%dma_start3A_207 : memref<10016xf32, #tpu.memory_space<vmem_shared>>) offsets(%dma_start3A_205 : memref<128xi32, #tpu.memory_space<vmem>>) semaphore(%arg10 : memref<!tpu.dma_semaphore, #tpu.memory_space<semaphore_mem>>) {add = true}
      } else {
      }
      %mul3A_91 = arith.constant 8 : i32
      %mul3A_92 = arith.muli %scan3A_75, %mul3A_91 : i32
      %add3A_93 = arith.constant 2 : i32
      %add3A_94 = arith.addi %mul3A_92, %add3A_93 : i32
      %lt3A_95 = arith.cmpi slt, %add3A_94, %sub3A_49 : i32
      %convert_element_type3A_96 = arith.extui %lt3A_95 : i1 to i32
      %cond3A_97 = arith.constant 0 : i32
      %cond3A_98 = arith.cmpi ne, %convert_element_type3A_96, %cond3A_97 : i32
      scf.if %cond3A_98 {
        %add3A_203 = arith.addi %sub3A_48, %add3A_94 : i32
        %dma_start3A = arith.constant 0 : i32
        %dma_start3A_204 = tpu.memref_slice %arg6[%add3A_203, %dma_start3A] : memref<79x128xi32, #tpu.memory_space<vmem>> -> memref<1x128xi32, #tpu.memory_space<vmem>>
        %dma_start3A_205 = tpu.memref_squeeze %dma_start3A_204 : memref<1x128xi32, #tpu.memory_space<vmem>> -> memref<128xi32, #tpu.memory_space<vmem>>
        %dma_start3A_206 = arith.constant 0 : i32
        %dma_start3A_207 = tpu.memref_slice %arg9[%dma_start3A_206] : memref<10016xf32, #tpu.memory_space<vmem_shared>> -> memref<10016xf32, #tpu.memory_space<vmem_shared>>
        tpu.enqueue_indirect_dma source(%arg7 : memref<128xf32, #tpu.memory_space<vmem>>) target(%dma_start3A_207 : memref<10016xf32, #tpu.memory_space<vmem_shared>>) offsets(%dma_start3A_205 : memref<128xi32, #tpu.memory_space<vmem>>) semaphore(%arg10 : memref<!tpu.dma_semaphore, #tpu.memory_space<semaphore_mem>>) {add = true}
      } else {
      }
      %mul3A_99 = arith.constant 8 : i32
      %mul3A_100 = arith.muli %scan3A_75, %mul3A_99 : i32
      %add3A_101 = arith.constant 3 : i32
      %add3A_102 = arith.addi %mul3A_100, %add3A_101 : i32
      %lt3A_103 = arith.cmpi slt, %add3A_102, %sub3A_49 : i32
      %convert_element_type3A_104 = arith.extui %lt3A_103 : i1 to i32
      %cond3A_105 = arith.constant 0 : i32
      %cond3A_106 = arith.cmpi ne, %convert_element_type3A_104, %cond3A_105 : i32
      scf.if %cond3A_106 {
        %add3A_203 = arith.addi %sub3A_48, %add3A_102 : i32
        %dma_start3A = arith.constant 0 : i32
        %dma_start3A_204 = tpu.memref_slice %arg6[%add3A_203, %dma_start3A] : memref<79x128xi32, #tpu.memory_space<vmem>> -> memref<1x128xi32, #tpu.memory_space<vmem>>
        %dma_start3A_205 = tpu.memref_squeeze %dma_start3A_204 : memref<1x128xi32, #tpu.memory_space<vmem>> -> memref<128xi32, #tpu.memory_space<vmem>>
        %dma_start3A_206 = arith.constant 0 : i32
        %dma_start3A_207 = tpu.memref_slice %arg9[%dma_start3A_206] : memref<10016xf32, #tpu.memory_space<vmem_shared>> -> memref<10016xf32, #tpu.memory_space<vmem_shared>>
        tpu.enqueue_indirect_dma source(%arg7 : memref<128xf32, #tpu.memory_space<vmem>>) target(%dma_start3A_207 : memref<10016xf32, #tpu.memory_space<vmem_shared>>) offsets(%dma_start3A_205 : memref<128xi32, #tpu.memory_space<vmem>>) semaphore(%arg10 : memref<!tpu.dma_semaphore, #tpu.memory_space<semaphore_mem>>) {add = true}
      } else {
      }
      %mul3A_107 = arith.constant 8 : i32
      %mul3A_108 = arith.muli %scan3A_75, %mul3A_107 : i32
      %add3A_109 = arith.constant 4 : i32
      %add3A_110 = arith.addi %mul3A_108, %add3A_109 : i32
      %lt3A_111 = arith.cmpi slt, %add3A_110, %sub3A_49 : i32
      %convert_element_type3A_112 = arith.extui %lt3A_111 : i1 to i32
      %cond3A_113 = arith.constant 0 : i32
      %cond3A_114 = arith.cmpi ne, %convert_element_type3A_112, %cond3A_113 : i32
      scf.if %cond3A_114 {
        %add3A_203 = arith.addi %sub3A_48, %add3A_110 : i32
        %dma_start3A = arith.constant 0 : i32
        %dma_start3A_204 = tpu.memref_slice %arg6[%add3A_203, %dma_start3A] : memref<79x128xi32, #tpu.memory_space<vmem>> -> memref<1x128xi32, #tpu.memory_space<vmem>>
        %dma_start3A_205 = tpu.memref_squeeze %dma_start3A_204 : memref<1x128xi32, #tpu.memory_space<vmem>> -> memref<128xi32, #tpu.memory_space<vmem>>
        %dma_start3A_206 = arith.constant 0 : i32
        %dma_start3A_207 = tpu.memref_slice %arg9[%dma_start3A_206] : memref<10016xf32, #tpu.memory_space<vmem_shared>> -> memref<10016xf32, #tpu.memory_space<vmem_shared>>
        tpu.enqueue_indirect_dma source(%arg7 : memref<128xf32, #tpu.memory_space<vmem>>) target(%dma_start3A_207 : memref<10016xf32, #tpu.memory_space<vmem_shared>>) offsets(%dma_start3A_205 : memref<128xi32, #tpu.memory_space<vmem>>) semaphore(%arg10 : memref<!tpu.dma_semaphore, #tpu.memory_space<semaphore_mem>>) {add = true}
      } else {
      }
      %mul3A_115 = arith.constant 8 : i32
      %mul3A_116 = arith.muli %scan3A_75, %mul3A_115 : i32
      %add3A_117 = arith.constant 5 : i32
      %add3A_118 = arith.addi %mul3A_116, %add3A_117 : i32
      %lt3A_119 = arith.cmpi slt, %add3A_118, %sub3A_49 : i32
      %convert_element_type3A_120 = arith.extui %lt3A_119 : i1 to i32
      %cond3A_121 = arith.constant 0 : i32
      %cond3A_122 = arith.cmpi ne, %convert_element_type3A_120, %cond3A_121 : i32
      scf.if %cond3A_122 {
        %add3A_203 = arith.addi %sub3A_48, %add3A_118 : i32
        %dma_start3A = arith.constant 0 : i32
        %dma_start3A_204 = tpu.memref_slice %arg6[%add3A_203, %dma_start3A] : memref<79x128xi32, #tpu.memory_space<vmem>> -> memref<1x128xi32, #tpu.memory_space<vmem>>
        %dma_start3A_205 = tpu.memref_squeeze %dma_start3A_204 : memref<1x128xi32, #tpu.memory_space<vmem>> -> memref<128xi32, #tpu.memory_space<vmem>>
        %dma_start3A_206 = arith.constant 0 : i32
        %dma_start3A_207 = tpu.memref_slice %arg9[%dma_start3A_206] : memref<10016xf32, #tpu.memory_space<vmem_shared>> -> memref<10016xf32, #tpu.memory_space<vmem_shared>>
        tpu.enqueue_indirect_dma source(%arg7 : memref<128xf32, #tpu.memory_space<vmem>>) target(%dma_start3A_207 : memref<10016xf32, #tpu.memory_space<vmem_shared>>) offsets(%dma_start3A_205 : memref<128xi32, #tpu.memory_space<vmem>>) semaphore(%arg10 : memref<!tpu.dma_semaphore, #tpu.memory_space<semaphore_mem>>) {add = true}
      } else {
      }
      %mul3A_123 = arith.constant 8 : i32
      %mul3A_124 = arith.muli %scan3A_75, %mul3A_123 : i32
      %add3A_125 = arith.constant 6 : i32
      %add3A_126 = arith.addi %mul3A_124, %add3A_125 : i32
      %lt3A_127 = arith.cmpi slt, %add3A_126, %sub3A_49 : i32
      %convert_element_type3A_128 = arith.extui %lt3A_127 : i1 to i32
      %cond3A_129 = arith.constant 0 : i32
      %cond3A_130 = arith.cmpi ne, %convert_element_type3A_128, %cond3A_129 : i32
      scf.if %cond3A_130 {
        %add3A_203 = arith.addi %sub3A_48, %add3A_126 : i32
        %dma_start3A = arith.constant 0 : i32
        %dma_start3A_204 = tpu.memref_slice %arg6[%add3A_203, %dma_start3A] : memref<79x128xi32, #tpu.memory_space<vmem>> -> memref<1x128xi32, #tpu.memory_space<vmem>>
        %dma_start3A_205 = tpu.memref_squeeze %dma_start3A_204 : memref<1x128xi32, #tpu.memory_space<vmem>> -> memref<128xi32, #tpu.memory_space<vmem>>
        %dma_start3A_206 = arith.constant 0 : i32
        %dma_start3A_207 = tpu.memref_slice %arg9[%dma_start3A_206] : memref<10016xf32, #tpu.memory_space<vmem_shared>> -> memref<10016xf32, #tpu.memory_space<vmem_shared>>
        tpu.enqueue_indirect_dma source(%arg7 : memref<128xf32, #tpu.memory_space<vmem>>) target(%dma_start3A_207 : memref<10016xf32, #tpu.memory_space<vmem_shared>>) offsets(%dma_start3A_205 : memref<128xi32, #tpu.memory_space<vmem>>) semaphore(%arg10 : memref<!tpu.dma_semaphore, #tpu.memory_space<semaphore_mem>>) {add = true}
      } else {
      }
      %mul3A_131 = arith.constant 8 : i32
      %mul3A_132 = arith.muli %scan3A_75, %mul3A_131 : i32
      %add3A_133 = arith.constant 7 : i32
      %add3A_134 = arith.addi %mul3A_132, %add3A_133 : i32
      %lt3A_135 = arith.cmpi slt, %add3A_134, %sub3A_49 : i32
      %convert_element_type3A_136 = arith.extui %lt3A_135 : i1 to i32
      %cond3A_137 = arith.constant 0 : i32
      %cond3A_138 = arith.cmpi ne, %convert_element_type3A_136, %cond3A_137 : i32
      scf.if %cond3A_138 {
        %add3A_203 = arith.addi %sub3A_48, %add3A_134 : i32
        %dma_start3A = arith.constant 0 : i32
        %dma_start3A_204 = tpu.memref_slice %arg6[%add3A_203, %dma_start3A] : memref<79x128xi32, #tpu.memory_space<vmem>> -> memref<1x128xi32, #tpu.memory_space<vmem>>
        %dma_start3A_205 = tpu.memref_squeeze %dma_start3A_204 : memref<1x128xi32, #tpu.memory_space<vmem>> -> memref<128xi32, #tpu.memory_space<vmem>>
        %dma_start3A_206 = arith.constant 0 : i32
        %dma_start3A_207 = tpu.memref_slice %arg9[%dma_start3A_206] : memref<10016xf32, #tpu.memory_space<vmem_shared>> -> memref<10016xf32, #tpu.memory_space<vmem_shared>>
        tpu.enqueue_indirect_dma source(%arg7 : memref<128xf32, #tpu.memory_space<vmem>>) target(%dma_start3A_207 : memref<10016xf32, #tpu.memory_space<vmem_shared>>) offsets(%dma_start3A_205 : memref<128xi32, #tpu.memory_space<vmem>>) semaphore(%arg10 : memref<!tpu.dma_semaphore, #tpu.memory_space<semaphore_mem>>) {add = true}
      } else {
      }
      %mul3A_139 = arith.constant 8 : i32
      %mul3A_140 = arith.muli %scan3A_75, %mul3A_139 : i32
      %add3A_141 = arith.constant 0 : i32
      %add3A_142 = arith.addi %mul3A_140, %add3A_141 : i32
      %lt3A_143 = arith.cmpi slt, %add3A_142, %sub3A_49 : i32
      %convert_element_type3A_144 = arith.extui %lt3A_143 : i1 to i32
      %cond3A_145 = arith.constant 0 : i32
      %cond3A_146 = arith.cmpi ne, %convert_element_type3A_144, %cond3A_145 : i32
      scf.if %cond3A_146 {
        %dma_wait3A = arith.constant 0 : i32
        %dma_wait3A_203 = arith.constant 0 : i32
        %dma_wait3A_204 = tpu.memref_slice %arg6[%dma_wait3A, %dma_wait3A_203] : memref<79x128xi32, #tpu.memory_space<vmem>> -> memref<1x128xi32, #tpu.memory_space<vmem>>
        %dma_wait3A_205 = tpu.memref_squeeze %dma_wait3A_204 : memref<1x128xi32, #tpu.memory_space<vmem>> -> memref<128xi32, #tpu.memory_space<vmem>>
        %dma_wait3A_206 = arith.constant 0 : i32
        %dma_wait3A_207 = tpu.memref_slice %arg9[%dma_wait3A_206] : memref<10016xf32, #tpu.memory_space<vmem_shared>> -> memref<10016xf32, #tpu.memory_space<vmem_shared>>
        tpu.wait_indirect_dma semaphore(%arg10 : memref<!tpu.dma_semaphore, #tpu.memory_space<semaphore_mem>>) src(%arg7 : memref<128xf32, #tpu.memory_space<vmem>>) dst(%dma_wait3A_207 : memref<10016xf32, #tpu.memory_space<vmem_shared>>)
      } else {
      }
      %mul3A_147 = arith.constant 8 : i32
      %mul3A_148 = arith.muli %scan3A_75, %mul3A_147 : i32
      %add3A_149 = arith.constant 1 : i32
      %add3A_150 = arith.addi %mul3A_148, %add3A_149 : i32
      %lt3A_151 = arith.cmpi slt, %add3A_150, %sub3A_49 : i32
      %convert_element_type3A_152 = arith.extui %lt3A_151 : i1 to i32
      %cond3A_153 = arith.constant 0 : i32
      %cond3A_154 = arith.cmpi ne, %convert_element_type3A_152, %cond3A_153 : i32
      scf.if %cond3A_154 {
        %dma_wait3A = arith.constant 0 : i32
        %dma_wait3A_203 = arith.constant 0 : i32
        %dma_wait3A_204 = tpu.memref_slice %arg6[%dma_wait3A, %dma_wait3A_203] : memref<79x128xi32, #tpu.memory_space<vmem>> -> memref<1x128xi32, #tpu.memory_space<vmem>>
        %dma_wait3A_205 = tpu.memref_squeeze %dma_wait3A_204 : memref<1x128xi32, #tpu.memory_space<vmem>> -> memref<128xi32, #tpu.memory_space<vmem>>
        %dma_wait3A_206 = arith.constant 0 : i32
        %dma_wait3A_207 = tpu.memref_slice %arg9[%dma_wait3A_206] : memref<10016xf32, #tpu.memory_space<vmem_shared>> -> memref<10016xf32, #tpu.memory_space<vmem_shared>>
        tpu.wait_indirect_dma semaphore(%arg10 : memref<!tpu.dma_semaphore, #tpu.memory_space<semaphore_mem>>) src(%arg7 : memref<128xf32, #tpu.memory_space<vmem>>) dst(%dma_wait3A_207 : memref<10016xf32, #tpu.memory_space<vmem_shared>>)
      } else {
      }
      %mul3A_155 = arith.constant 8 : i32
      %mul3A_156 = arith.muli %scan3A_75, %mul3A_155 : i32
      %add3A_157 = arith.constant 2 : i32
      %add3A_158 = arith.addi %mul3A_156, %add3A_157 : i32
      %lt3A_159 = arith.cmpi slt, %add3A_158, %sub3A_49 : i32
      %convert_element_type3A_160 = arith.extui %lt3A_159 : i1 to i32
      %cond3A_161 = arith.constant 0 : i32
      %cond3A_162 = arith.cmpi ne, %convert_element_type3A_160, %cond3A_161 : i32
      scf.if %cond3A_162 {
        %dma_wait3A = arith.constant 0 : i32
        %dma_wait3A_203 = arith.constant 0 : i32
        %dma_wait3A_204 = tpu.memref_slice %arg6[%dma_wait3A, %dma_wait3A_203] : memref<79x128xi32, #tpu.memory_space<vmem>> -> memref<1x128xi32, #tpu.memory_space<vmem>>
        %dma_wait3A_205 = tpu.memref_squeeze %dma_wait3A_204 : memref<1x128xi32, #tpu.memory_space<vmem>> -> memref<128xi32, #tpu.memory_space<vmem>>
        %dma_wait3A_206 = arith.constant 0 : i32
        %dma_wait3A_207 = tpu.memref_slice %arg9[%dma_wait3A_206] : memref<10016xf32, #tpu.memory_space<vmem_shared>> -> memref<10016xf32, #tpu.memory_space<vmem_shared>>
        tpu.wait_indirect_dma semaphore(%arg10 : memref<!tpu.dma_semaphore, #tpu.memory_space<semaphore_mem>>) src(%arg7 : memref<128xf32, #tpu.memory_space<vmem>>) dst(%dma_wait3A_207 : memref<10016xf32, #tpu.memory_space<vmem_shared>>)
      } else {
      }
      %mul3A_163 = arith.constant 8 : i32
      %mul3A_164 = arith.muli %scan3A_75, %mul3A_163 : i32
      %add3A_165 = arith.constant 3 : i32
      %add3A_166 = arith.addi %mul3A_164, %add3A_165 : i32
      %lt3A_167 = arith.cmpi slt, %add3A_166, %sub3A_49 : i32
      %convert_element_type3A_168 = arith.extui %lt3A_167 : i1 to i32
      %cond3A_169 = arith.constant 0 : i32
      %cond3A_170 = arith.cmpi ne, %convert_element_type3A_168, %cond3A_169 : i32
      scf.if %cond3A_170 {
        %dma_wait3A = arith.constant 0 : i32
        %dma_wait3A_203 = arith.constant 0 : i32
        %dma_wait3A_204 = tpu.memref_slice %arg6[%dma_wait3A, %dma_wait3A_203] : memref<79x128xi32, #tpu.memory_space<vmem>> -> memref<1x128xi32, #tpu.memory_space<vmem>>
        %dma_wait3A_205 = tpu.memref_squeeze %dma_wait3A_204 : memref<1x128xi32, #tpu.memory_space<vmem>> -> memref<128xi32, #tpu.memory_space<vmem>>
        %dma_wait3A_206 = arith.constant 0 : i32
        %dma_wait3A_207 = tpu.memref_slice %arg9[%dma_wait3A_206] : memref<10016xf32, #tpu.memory_space<vmem_shared>> -> memref<10016xf32, #tpu.memory_space<vmem_shared>>
        tpu.wait_indirect_dma semaphore(%arg10 : memref<!tpu.dma_semaphore, #tpu.memory_space<semaphore_mem>>) src(%arg7 : memref<128xf32, #tpu.memory_space<vmem>>) dst(%dma_wait3A_207 : memref<10016xf32, #tpu.memory_space<vmem_shared>>)
      } else {
      }
      %mul3A_171 = arith.constant 8 : i32
      %mul3A_172 = arith.muli %scan3A_75, %mul3A_171 : i32
      %add3A_173 = arith.constant 4 : i32
      %add3A_174 = arith.addi %mul3A_172, %add3A_173 : i32
      %lt3A_175 = arith.cmpi slt, %add3A_174, %sub3A_49 : i32
      %convert_element_type3A_176 = arith.extui %lt3A_175 : i1 to i32
      %cond3A_177 = arith.constant 0 : i32
      %cond3A_178 = arith.cmpi ne, %convert_element_type3A_176, %cond3A_177 : i32
      scf.if %cond3A_178 {
        %dma_wait3A = arith.constant 0 : i32
        %dma_wait3A_203 = arith.constant 0 : i32
        %dma_wait3A_204 = tpu.memref_slice %arg6[%dma_wait3A, %dma_wait3A_203] : memref<79x128xi32, #tpu.memory_space<vmem>> -> memref<1x128xi32, #tpu.memory_space<vmem>>
        %dma_wait3A_205 = tpu.memref_squeeze %dma_wait3A_204 : memref<1x128xi32, #tpu.memory_space<vmem>> -> memref<128xi32, #tpu.memory_space<vmem>>
        %dma_wait3A_206 = arith.constant 0 : i32
        %dma_wait3A_207 = tpu.memref_slice %arg9[%dma_wait3A_206] : memref<10016xf32, #tpu.memory_space<vmem_shared>> -> memref<10016xf32, #tpu.memory_space<vmem_shared>>
        tpu.wait_indirect_dma semaphore(%arg10 : memref<!tpu.dma_semaphore, #tpu.memory_space<semaphore_mem>>) src(%arg7 : memref<128xf32, #tpu.memory_space<vmem>>) dst(%dma_wait3A_207 : memref<10016xf32, #tpu.memory_space<vmem_shared>>)
      } else {
      }
      %mul3A_179 = arith.constant 8 : i32
      %mul3A_180 = arith.muli %scan3A_75, %mul3A_179 : i32
      %add3A_181 = arith.constant 5 : i32
      %add3A_182 = arith.addi %mul3A_180, %add3A_181 : i32
      %lt3A_183 = arith.cmpi slt, %add3A_182, %sub3A_49 : i32
      %convert_element_type3A_184 = arith.extui %lt3A_183 : i1 to i32
      %cond3A_185 = arith.constant 0 : i32
      %cond3A_186 = arith.cmpi ne, %convert_element_type3A_184, %cond3A_185 : i32
      scf.if %cond3A_186 {
        %dma_wait3A = arith.constant 0 : i32
        %dma_wait3A_203 = arith.constant 0 : i32
        %dma_wait3A_204 = tpu.memref_slice %arg6[%dma_wait3A, %dma_wait3A_203] : memref<79x128xi32, #tpu.memory_space<vmem>> -> memref<1x128xi32, #tpu.memory_space<vmem>>
        %dma_wait3A_205 = tpu.memref_squeeze %dma_wait3A_204 : memref<1x128xi32, #tpu.memory_space<vmem>> -> memref<128xi32, #tpu.memory_space<vmem>>
        %dma_wait3A_206 = arith.constant 0 : i32
        %dma_wait3A_207 = tpu.memref_slice %arg9[%dma_wait3A_206] : memref<10016xf32, #tpu.memory_space<vmem_shared>> -> memref<10016xf32, #tpu.memory_space<vmem_shared>>
        tpu.wait_indirect_dma semaphore(%arg10 : memref<!tpu.dma_semaphore, #tpu.memory_space<semaphore_mem>>) src(%arg7 : memref<128xf32, #tpu.memory_space<vmem>>) dst(%dma_wait3A_207 : memref<10016xf32, #tpu.memory_space<vmem_shared>>)
      } else {
      }
      %mul3A_187 = arith.constant 8 : i32
      %mul3A_188 = arith.muli %scan3A_75, %mul3A_187 : i32
      %add3A_189 = arith.constant 6 : i32
      %add3A_190 = arith.addi %mul3A_188, %add3A_189 : i32
      %lt3A_191 = arith.cmpi slt, %add3A_190, %sub3A_49 : i32
      %convert_element_type3A_192 = arith.extui %lt3A_191 : i1 to i32
      %cond3A_193 = arith.constant 0 : i32
      %cond3A_194 = arith.cmpi ne, %convert_element_type3A_192, %cond3A_193 : i32
      scf.if %cond3A_194 {
        %dma_wait3A = arith.constant 0 : i32
        %dma_wait3A_203 = arith.constant 0 : i32
        %dma_wait3A_204 = tpu.memref_slice %arg6[%dma_wait3A, %dma_wait3A_203] : memref<79x128xi32, #tpu.memory_space<vmem>> -> memref<1x128xi32, #tpu.memory_space<vmem>>
        %dma_wait3A_205 = tpu.memref_squeeze %dma_wait3A_204 : memref<1x128xi32, #tpu.memory_space<vmem>> -> memref<128xi32, #tpu.memory_space<vmem>>
        %dma_wait3A_206 = arith.constant 0 : i32
        %dma_wait3A_207 = tpu.memref_slice %arg9[%dma_wait3A_206] : memref<10016xf32, #tpu.memory_space<vmem_shared>> -> memref<10016xf32, #tpu.memory_space<vmem_shared>>
        tpu.wait_indirect_dma semaphore(%arg10 : memref<!tpu.dma_semaphore, #tpu.memory_space<semaphore_mem>>) src(%arg7 : memref<128xf32, #tpu.memory_space<vmem>>) dst(%dma_wait3A_207 : memref<10016xf32, #tpu.memory_space<vmem_shared>>)
      } else {
      }
      %mul3A_195 = arith.constant 8 : i32
      %mul3A_196 = arith.muli %scan3A_75, %mul3A_195 : i32
      %add3A_197 = arith.constant 7 : i32
      %add3A_198 = arith.addi %mul3A_196, %add3A_197 : i32
      %lt3A_199 = arith.cmpi slt, %add3A_198, %sub3A_49 : i32
      %convert_element_type3A_200 = arith.extui %lt3A_199 : i1 to i32
      %cond3A_201 = arith.constant 0 : i32
      %cond3A_202 = arith.cmpi ne, %convert_element_type3A_200, %cond3A_201 : i32
      scf.if %cond3A_202 {
        %dma_wait3A = arith.constant 0 : i32
        %dma_wait3A_203 = arith.constant 0 : i32
        %dma_wait3A_204 = tpu.memref_slice %arg6[%dma_wait3A, %dma_wait3A_203] : memref<79x128xi32, #tpu.memory_space<vmem>> -> memref<1x128xi32, #tpu.memory_space<vmem>>
        %dma_wait3A_205 = tpu.memref_squeeze %dma_wait3A_204 : memref<1x128xi32, #tpu.memory_space<vmem>> -> memref<128xi32, #tpu.memory_space<vmem>>
        %dma_wait3A_206 = arith.constant 0 : i32
        %dma_wait3A_207 = tpu.memref_slice %arg9[%dma_wait3A_206] : memref<10016xf32, #tpu.memory_space<vmem_shared>> -> memref<10016xf32, #tpu.memory_space<vmem_shared>>
        tpu.wait_indirect_dma semaphore(%arg10 : memref<!tpu.dma_semaphore, #tpu.memory_space<semaphore_mem>>) src(%arg7 : memref<128xf32, #tpu.memory_space<vmem>>) dst(%dma_wait3A_207 : memref<10016xf32, #tpu.memory_space<vmem_shared>>)
      } else {
      }
    }
    %scan3A_62 = arith.constant 10 : i32
    %barrier3A_63 = arith.constant 0 : index
    tpu.barrier barrier_id(%barrier3A_63)
    %scan3A_64 = arith.constant 0 : i32
    %scan3A_65 = arith.constant 0 : i32
    %scan3A_66 = arith.constant 5 : i32
    %scan3A_67 = arith.addi %scan3A_65, %scan3A_66 : i32
    %scan3A_68 = arith.constant 1 : i32
    scf.for %scan3A_75 = %scan3A_65 to %scan3A_67 step %scan3A_68  : i32 {
      %mul3A_76 = arith.constant 16 : i32
      %mul3A_77 = arith.muli %scan3A_75, %mul3A_76 : i32
      %add3A_78 = arith.addi %arg1, %mul3A_77 : i32
      %lt3A = arith.constant 78 : i32
      %lt3A_79 = arith.cmpi slt, %add3A_78, %lt3A : i32
      %convert_element_type3A_80 = arith.extui %lt3A_79 : i1 to i32
      %cond3A_81 = arith.constant 0 : i32
      %cond3A_82 = arith.cmpi ne, %convert_element_type3A_80, %cond3A_81 : i32
      scf.if %cond3A_82 {
        %mul3A_83 = arith.constant 128 : i32
        %mul3A_84 = arith.muli %add3A_78, %mul3A_83 : i32
        "tpu.region"() ({
          %run_scoped3A_90 = tpu.sem_alloc : memref<!tpu.dma_semaphore, #tpu.memory_space<semaphore_mem>>
          %dma_start3A = tpu.memref_slice %arg9[%mul3A_84] : memref<10016xf32, #tpu.memory_space<vmem_shared>> -> memref<128xf32, #tpu.memory_space<vmem_shared>>
          %dma_start3A_91 = tpu.memref_slice %arg9[%mul3A_84] : memref<10016xf32, #tpu.memory_space<vmem_shared>> -> memref<128xf32, #tpu.memory_space<vmem_shared>>
          tpu.enqueue_dma source(%dma_start3A_91 : memref<128xf32, #tpu.memory_space<vmem_shared>>) target(%arg8 : memref<128xf32, #tpu.memory_space<vmem>>) target_semaphore(%run_scoped3A_90 : memref<!tpu.dma_semaphore, #tpu.memory_space<semaphore_mem>>)
          %dma_wait3A = tpu.memref_slice %arg9[%mul3A_84] : memref<10016xf32, #tpu.memory_space<vmem_shared>> -> memref<128xf32, #tpu.memory_space<vmem_shared>>
          %dma_wait3A_92 = tpu.memref_slice %arg9[%mul3A_84] : memref<10016xf32, #tpu.memory_space<vmem_shared>> -> memref<128xf32, #tpu.memory_space<vmem_shared>>
          tpu.wait_dma2 semaphore(%run_scoped3A_90 : memref<!tpu.dma_semaphore, #tpu.memory_space<semaphore_mem>>) src(%dma_wait3A_92 : memref<128xf32, #tpu.memory_space<vmem_shared>>) dst(%arg8 : memref<128xf32, #tpu.memory_space<vmem>>)
          tpu.yield
        }) : () -> ()
        %mul3A_85 = arith.constant 10000 : i32
        %mul3A_86 = arith.muli %arg0, %mul3A_85 : i32
        %mul3A_87 = arith.constant 128 : i32
        %mul3A_88 = arith.muli %add3A_78, %mul3A_87 : i32
        %add3A_89 = arith.addi %mul3A_86, %mul3A_88 : i32
        "tpu.region"() ({
          %run_scoped3A_90 = tpu.sem_alloc : memref<!tpu.dma_semaphore, #tpu.memory_space<semaphore_mem>>
          %dma_start3A = tpu.memref_slice %arg5[%add3A_89] : memref<20000xf32, #tpu.memory_space<hbm>> -> memref<128xf32, #tpu.memory_space<hbm>>
          %dma_start3A_91 = tpu.memref_slice %arg5[%add3A_89] : memref<20000xf32, #tpu.memory_space<hbm>> -> memref<128xf32, #tpu.memory_space<hbm>>
          tpu.enqueue_dma source(%arg8 : memref<128xf32, #tpu.memory_space<vmem>>) target(%dma_start3A_91 : memref<128xf32, #tpu.memory_space<hbm>>) target_semaphore(%run_scoped3A_90 : memref<!tpu.dma_semaphore, #tpu.memory_space<semaphore_mem>>)
          %dma_wait3A = tpu.memref_slice %arg5[%add3A_89] : memref<20000xf32, #tpu.memory_space<hbm>> -> memref<128xf32, #tpu.memory_space<hbm>>
          %dma_wait3A_92 = tpu.memref_slice %arg5[%add3A_89] : memref<20000xf32, #tpu.memory_space<hbm>> -> memref<128xf32, #tpu.memory_space<hbm>>
          tpu.wait_dma2 semaphore(%run_scoped3A_90 : memref<!tpu.dma_semaphore, #tpu.memory_space<semaphore_mem>>) src(%arg8 : memref<128xf32, #tpu.memory_space<vmem>>) dst(%dma_wait3A_92 : memref<128xf32, #tpu.memory_space<hbm>>)
          tpu.yield
        }) : () -> ()
      } else {
      }
    }
    %scan3A_69 = arith.constant 5 : i32
    %eq3A_70 = arith.constant 0 : i32
    %eq3A_71 = arith.cmpi eq, %arg1, %eq3A_70 : i32
    %convert_element_type3A_72 = arith.extui %eq3A_71 : i1 to i32
    %cond3A_73 = arith.constant 0 : i32
    %cond3A_74 = arith.cmpi ne, %convert_element_type3A_72, %cond3A_73 : i32
    scf.if %cond3A_74 {
      "tpu.region"() ({
        %run_scoped3A_79 = tpu.sem_alloc : memref<!tpu.dma_semaphore, #tpu.memory_space<semaphore_mem>>
        %dma_start3A = arith.constant 0 : i32
        %dma_start3A_80 = tpu.memref_slice %arg8[%dma_start3A] : memref<128xf32, #tpu.memory_space<vmem>> -> memref<16xf32, #tpu.memory_space<vmem>>
        %dma_start3A_81 = arith.constant 9984 : i32
        %dma_start3A_82 = tpu.memref_slice %arg9[%dma_start3A_81] : memref<10016xf32, #tpu.memory_space<vmem_shared>> -> memref<16xf32, #tpu.memory_space<vmem_shared>>
        %dma_start3A_83 = arith.constant 0 : i32
        %dma_start3A_84 = tpu.memref_slice %arg8[%dma_start3A_83] : memref<128xf32, #tpu.memory_space<vmem>> -> memref<16xf32, #tpu.memory_space<vmem>>
        %dma_start3A_85 = arith.constant 9984 : i32
        %dma_start3A_86 = tpu.memref_slice %arg9[%dma_start3A_85] : memref<10016xf32, #tpu.memory_space<vmem_shared>> -> memref<16xf32, #tpu.memory_space<vmem_shared>>
        tpu.enqueue_dma source(%dma_start3A_86 : memref<16xf32, #tpu.memory_space<vmem_shared>>) target(%dma_start3A_84 : memref<16xf32, #tpu.memory_space<vmem>>) target_semaphore(%run_scoped3A_79 : memref<!tpu.dma_semaphore, #tpu.memory_space<semaphore_mem>>)
        %dma_wait3A = arith.constant 0 : i32
        %dma_wait3A_87 = tpu.memref_slice %arg8[%dma_wait3A] : memref<128xf32, #tpu.memory_space<vmem>> -> memref<16xf32, #tpu.memory_space<vmem>>
        %dma_wait3A_88 = arith.constant 9984 : i32
        %dma_wait3A_89 = tpu.memref_slice %arg9[%dma_wait3A_88] : memref<10016xf32, #tpu.memory_space<vmem_shared>> -> memref<16xf32, #tpu.memory_space<vmem_shared>>
        %dma_wait3A_90 = arith.constant 0 : i32
        %dma_wait3A_91 = tpu.memref_slice %arg8[%dma_wait3A_90] : memref<128xf32, #tpu.memory_space<vmem>> -> memref<16xf32, #tpu.memory_space<vmem>>
        %dma_wait3A_92 = arith.constant 9984 : i32
        %dma_wait3A_93 = tpu.memref_slice %arg9[%dma_wait3A_92] : memref<10016xf32, #tpu.memory_space<vmem_shared>> -> memref<16xf32, #tpu.memory_space<vmem_shared>>
        tpu.wait_dma2 semaphore(%run_scoped3A_79 : memref<!tpu.dma_semaphore, #tpu.memory_space<semaphore_mem>>) src(%dma_wait3A_93 : memref<16xf32, #tpu.memory_space<vmem_shared>>) dst(%dma_wait3A_91 : memref<16xf32, #tpu.memory_space<vmem>>)
        tpu.yield
      }) : () -> ()
      %mul3A_75 = arith.constant 10000 : i32
      %mul3A_76 = arith.muli %arg0, %mul3A_75 : i32
      %add3A_77 = arith.constant 9984 : i32
      %add3A_78 = arith.addi %mul3A_76, %add3A_77 : i32
      "tpu.region"() ({
        %run_scoped3A_79 = tpu.sem_alloc : memref<!tpu.dma_semaphore, #tpu.memory_space<semaphore_mem>>
        %dma_start3A = arith.constant 0 : i32
        %dma_start3A_80 = tpu.memref_slice %arg8[%dma_start3A] : memref<128xf32, #tpu.memory_space<vmem>> -> memref<16xf32, #tpu.memory_space<vmem>>
        %dma_start3A_81 = tpu.memref_slice %arg5[%add3A_78] : memref<20000xf32, #tpu.memory_space<hbm>> -> memref<16xf32, #tpu.memory_space<hbm>>
        %dma_start3A_82 = tpu.memref_slice %arg5[%add3A_78] : memref<20000xf32, #tpu.memory_space<hbm>> -> memref<16xf32, #tpu.memory_space<hbm>>
        %dma_start3A_83 = arith.constant 0 : i32
        %dma_start3A_84 = tpu.memref_slice %arg8[%dma_start3A_83] : memref<128xf32, #tpu.memory_space<vmem>> -> memref<16xf32, #tpu.memory_space<vmem>>
        tpu.enqueue_dma source(%dma_start3A_84 : memref<16xf32, #tpu.memory_space<vmem>>) target(%dma_start3A_82 : memref<16xf32, #tpu.memory_space<hbm>>) target_semaphore(%run_scoped3A_79 : memref<!tpu.dma_semaphore, #tpu.memory_space<semaphore_mem>>)
        %dma_wait3A = arith.constant 0 : i32
        %dma_wait3A_85 = tpu.memref_slice %arg8[%dma_wait3A] : memref<128xf32, #tpu.memory_space<vmem>> -> memref<16xf32, #tpu.memory_space<vmem>>
        %dma_wait3A_86 = tpu.memref_slice %arg5[%add3A_78] : memref<20000xf32, #tpu.memory_space<hbm>> -> memref<16xf32, #tpu.memory_space<hbm>>
        %dma_wait3A_87 = tpu.memref_slice %arg5[%add3A_78] : memref<20000xf32, #tpu.memory_space<hbm>> -> memref<16xf32, #tpu.memory_space<hbm>>
        %dma_wait3A_88 = arith.constant 0 : i32
        %dma_wait3A_89 = tpu.memref_slice %arg8[%dma_wait3A_88] : memref<128xf32, #tpu.memory_space<vmem>> -> memref<16xf32, #tpu.memory_space<vmem>>
        tpu.wait_dma2 semaphore(%run_scoped3A_79 : memref<!tpu.dma_semaphore, #tpu.memory_space<semaphore_mem>>) src(%dma_wait3A_89 : memref<16xf32, #tpu.memory_space<vmem>>) dst(%dma_wait3A_87 : memref<16xf32, #tpu.memory_space<hbm>>)
        tpu.yield
      }) : () -> ()
    } else {
    }
    return
  }
}

#map = affine_map<(d0, d1) -> (0, 0, 0)>
#map1 = affine_map<(d0, d1) -> (0, 0)>
module attributes {stable_mosaic.version = 14 : i64} {
  func.func @agg_kernel(%arg0: i32, %arg1: i32, %arg2: memref<2x2500x128xi32, #tpu.memory_space<hbm>>, %arg3: memref<10000x16xf32, #tpu.memory_space<hbm>>, %arg4: memref<128x16xf32, #tpu.memory_space<hbm>>, %arg5: memref<20000x16xf32, #tpu.memory_space<hbm>>, %arg6: memref<79x128xi32, #tpu.memory_space<vmem>>, %arg7: memref<79x128xi32, #tpu.memory_space<vmem>>, %arg8: memref<128x16xf32, #tpu.memory_space<vmem>>, %arg9: memref<128x16xf32, #tpu.memory_space<vmem>>, %arg10: memref<128x16xf32, #tpu.memory_space<vmem>>, %arg11: memref<128x16xf32, #tpu.memory_space<vmem>>, %arg12: memref<128x16xf32, #tpu.memory_space<vmem>>, %arg13: memref<128x16xf32, #tpu.memory_space<vmem>>, %arg14: memref<128x16xf32, #tpu.memory_space<vmem>>, %arg15: memref<128x16xf32, #tpu.memory_space<vmem>>, %arg16: memref<128x16xf32, #tpu.memory_space<vmem>>, %arg17: memref<10016x16xf32, #tpu.memory_space<vmem_shared>>, %arg18: memref<!tpu.dma_semaphore, #tpu.memory_space<semaphore_mem>>, %arg19: memref<!tpu.dma_semaphore, #tpu.memory_space<semaphore_mem>>, %arg20: memref<!tpu.dma_semaphore, #tpu.memory_space<semaphore_mem>>, %arg21: memref<!tpu.dma_semaphore, #tpu.memory_space<semaphore_mem>>, %arg22: memref<!tpu.dma_semaphore, #tpu.memory_space<semaphore_mem>>, %arg23: memref<!tpu.dma_semaphore, #tpu.memory_space<semaphore_mem>>, %arg24: memref<!tpu.dma_semaphore, #tpu.memory_space<semaphore_mem>>, %arg25: memref<!tpu.dma_semaphore, #tpu.memory_space<semaphore_mem>>, %arg26: memref<!tpu.dma_semaphore, #tpu.memory_space<semaphore_mem>>, %arg27: memref<!tpu.dma_semaphore, #tpu.memory_space<semaphore_mem>>, %arg28: memref<!tpu.dma_semaphore, #tpu.memory_space<semaphore_mem>>, %arg29: memref<!tpu.dma_semaphore, #tpu.memory_space<semaphore_mem>>, %arg30: memref<!tpu.dma_semaphore, #tpu.memory_space<semaphore_mem>>, %arg31: memref<!tpu.dma_semaphore, #tpu.memory_space<semaphore_mem>>, %arg32: memref<!tpu.dma_semaphore, #tpu.memory_space<semaphore_mem>>, %arg33: memref<!tpu.dma_semaphore, #tpu.memory_space<semaphore_mem>>) attributes {dimension_semantics = [#tpu.dimension_semantics<core_parallel>, #tpu.dimension_semantics<subcore_parallel>], iteration_bounds = array<i64: 2, 16>, scalar_prefetch = 0 : i64, scratch_operands = 28 : i64, tpu.core_type = #tpu.core_type<sc_vector_subcore>, window_params = [{transform_indices = #map}, {transform_indices = #map1}, {transform_indices = #map1}, {transform_indices = #map1}]} {
    %mul3A = arith.constant 16 : i32
    %mul3A_0 = arith.muli %arg0, %mul3A : i32
    %add3A = arith.addi %mul3A_0, %arg1 : i32
    %mul3A_1 = arith.constant 2500 : i32
    %mul3A_2 = arith.muli %add3A, %mul3A_1 : i32
    %jit3A = arith.constant 32 : i32
    %div3A = arith.divsi %mul3A_2, %jit3A : i32
    %sign3A = arith.constant 0 : i32
    %sign3A_3 = arith.cmpi sgt, %mul3A_2, %sign3A : i32
    %sign3A_4 = arith.extui %sign3A_3 : i1 to i32
    %sign3A_5 = arith.constant 0 : i32
    %sign3A_6 = arith.cmpi slt, %mul3A_2, %sign3A_5 : i32
    %sign3A_7 = arith.extui %sign3A_6 : i1 to i32
    %sign3A_8 = arith.subi %sign3A_4, %sign3A_7 : i32
    %sign3A_9 = arith.constant 0 : i32
    %sign3A_10 = arith.cmpi sgt, %jit3A, %sign3A_9 : i32
    %sign3A_11 = arith.extui %sign3A_10 : i1 to i32
    %sign3A_12 = arith.constant 0 : i32
    %sign3A_13 = arith.cmpi slt, %jit3A, %sign3A_12 : i32
    %sign3A_14 = arith.extui %sign3A_13 : i1 to i32
    %sign3A_15 = arith.subi %sign3A_11, %sign3A_14 : i32
    %ne3A = arith.cmpi ne, %sign3A_8, %sign3A_15 : i32
    %rem3A = arith.remsi %mul3A_2, %jit3A : i32
    %ne3A_16 = arith.constant 0 : i32
    %ne3A_17 = arith.cmpi ne, %rem3A, %ne3A_16 : i32
    %and3A = arith.andi %ne3A, %ne3A_17 : i1
    %sub3A = arith.constant 1 : i32
    %sub3A_18 = arith.subi %div3A, %sub3A : i32
    %select_n3A = arith.select %and3A, %sub3A_18, %div3A : i32
    %add3A_19 = arith.constant 1 : i32
    %add3A_20 = arith.addi %add3A, %add3A_19 : i32
    %mul3A_21 = arith.constant 2500 : i32
    %mul3A_22 = arith.muli %add3A_20, %mul3A_21 : i32
    %jit3A_23 = arith.constant 32 : i32
    %div3A_24 = arith.divsi %mul3A_22, %jit3A_23 : i32
    %sign3A_25 = arith.constant 0 : i32
    %sign3A_26 = arith.cmpi sgt, %mul3A_22, %sign3A_25 : i32
    %sign3A_27 = arith.extui %sign3A_26 : i1 to i32
    %sign3A_28 = arith.constant 0 : i32
    %sign3A_29 = arith.cmpi slt, %mul3A_22, %sign3A_28 : i32
    %sign3A_30 = arith.extui %sign3A_29 : i1 to i32
    %sign3A_31 = arith.subi %sign3A_27, %sign3A_30 : i32
    %sign3A_32 = arith.constant 0 : i32
    %sign3A_33 = arith.cmpi sgt, %jit3A_23, %sign3A_32 : i32
    %sign3A_34 = arith.extui %sign3A_33 : i1 to i32
    %sign3A_35 = arith.constant 0 : i32
    %sign3A_36 = arith.cmpi slt, %jit3A_23, %sign3A_35 : i32
    %sign3A_37 = arith.extui %sign3A_36 : i1 to i32
    %sign3A_38 = arith.subi %sign3A_34, %sign3A_37 : i32
    %ne3A_39 = arith.cmpi ne, %sign3A_31, %sign3A_38 : i32
    %rem3A_40 = arith.remsi %mul3A_22, %jit3A_23 : i32
    %ne3A_41 = arith.constant 0 : i32
    %ne3A_42 = arith.cmpi ne, %rem3A_40, %ne3A_41 : i32
    %and3A_43 = arith.andi %ne3A_39, %ne3A_42 : i1
    %sub3A_44 = arith.constant 1 : i32
    %sub3A_45 = arith.subi %div3A_24, %sub3A_44 : i32
    %select_n3A_46 = arith.select %and3A_43, %sub3A_45, %div3A_24 : i32
    %min3A = arith.constant 2421 : i32
    %min3A_47 = arith.minsi %select_n3A, %min3A : i32
    %sub3A_48 = arith.subi %select_n3A, %min3A_47 : i32
    %sub3A_49 = arith.subi %select_n3A_46, %select_n3A : i32
    "tpu.region"() ({
      %run_scoped3A_162 = tpu.sem_alloc : memref<!tpu.dma_semaphore, #tpu.memory_space<semaphore_mem>>
      tpu.enqueue_dma source(%arg4 : memref<128x16xf32, #tpu.memory_space<hbm>>) target(%arg16 : memref<128x16xf32, #tpu.memory_space<vmem>>) target_semaphore(%run_scoped3A_162 : memref<!tpu.dma_semaphore, #tpu.memory_space<semaphore_mem>>)
      tpu.wait_dma2 semaphore(%run_scoped3A_162 : memref<!tpu.dma_semaphore, #tpu.memory_space<semaphore_mem>>) src(%arg4 : memref<128x16xf32, #tpu.memory_space<hbm>>) dst(%arg16 : memref<128x16xf32, #tpu.memory_space<vmem>>)
      tpu.yield
    }) : () -> ()
    %run_scoped3A = arith.constant 0 : i32
    "tpu.region"() ({
      %run_scoped3A_162 = tpu.sem_alloc : memref<!tpu.dma_semaphore, #tpu.memory_space<semaphore_mem>>
      %dma_start3A_163 = arith.constant 0 : i32
      %dma_start3A_164 = tpu.memref_slice %arg2[%run_scoped3A, %min3A_47, %dma_start3A_163] : memref<2x2500x128xi32, #tpu.memory_space<hbm>> -> memref<1x79x128xi32, #tpu.memory_space<hbm>>
      %dma_start3A_165 = tpu.memref_squeeze %dma_start3A_164 : memref<1x79x128xi32, #tpu.memory_space<hbm>> -> memref<79x128xi32, #tpu.memory_space<hbm>>
      %dma_start3A_166 = arith.constant 0 : i32
      %dma_start3A_167 = tpu.memref_slice %arg2[%run_scoped3A, %min3A_47, %dma_start3A_166] : memref<2x2500x128xi32, #tpu.memory_space<hbm>> -> memref<1x79x128xi32, #tpu.memory_space<hbm>>
      %dma_start3A_168 = tpu.memref_squeeze %dma_start3A_167 : memref<1x79x128xi32, #tpu.memory_space<hbm>> -> memref<79x128xi32, #tpu.memory_space<hbm>>
      tpu.enqueue_dma source(%dma_start3A_168 : memref<79x128xi32, #tpu.memory_space<hbm>>) target(%arg6 : memref<79x128xi32, #tpu.memory_space<vmem>>) target_semaphore(%run_scoped3A_162 : memref<!tpu.dma_semaphore, #tpu.memory_space<semaphore_mem>>)
      %dma_wait3A_169 = arith.constant 0 : i32
      %dma_wait3A_170 = tpu.memref_slice %arg2[%run_scoped3A, %min3A_47, %dma_wait3A_169] : memref<2x2500x128xi32, #tpu.memory_space<hbm>> -> memref<1x79x128xi32, #tpu.memory_space<hbm>>
      %dma_wait3A_171 = tpu.memref_squeeze %dma_wait3A_170 : memref<1x79x128xi32, #tpu.memory_space<hbm>> -> memref<79x128xi32, #tpu.memory_space<hbm>>
      %dma_wait3A_172 = arith.constant 0 : i32
      %dma_wait3A_173 = tpu.memref_slice %arg2[%run_scoped3A, %min3A_47, %dma_wait3A_172] : memref<2x2500x128xi32, #tpu.memory_space<hbm>> -> memref<1x79x128xi32, #tpu.memory_space<hbm>>
      %dma_wait3A_174 = tpu.memref_squeeze %dma_wait3A_173 : memref<1x79x128xi32, #tpu.memory_space<hbm>> -> memref<79x128xi32, #tpu.memory_space<hbm>>
      tpu.wait_dma2 semaphore(%run_scoped3A_162 : memref<!tpu.dma_semaphore, #tpu.memory_space<semaphore_mem>>) src(%dma_wait3A_174 : memref<79x128xi32, #tpu.memory_space<hbm>>) dst(%arg6 : memref<79x128xi32, #tpu.memory_space<vmem>>)
      tpu.yield
    }) : () -> ()
    %run_scoped3A_50 = arith.constant 1 : i32
    "tpu.region"() ({
      %run_scoped3A_162 = tpu.sem_alloc : memref<!tpu.dma_semaphore, #tpu.memory_space<semaphore_mem>>
      %dma_start3A_163 = arith.constant 0 : i32
      %dma_start3A_164 = tpu.memref_slice %arg2[%run_scoped3A_50, %min3A_47, %dma_start3A_163] : memref<2x2500x128xi32, #tpu.memory_space<hbm>> -> memref<1x79x128xi32, #tpu.memory_space<hbm>>
      %dma_start3A_165 = tpu.memref_squeeze %dma_start3A_164 : memref<1x79x128xi32, #tpu.memory_space<hbm>> -> memref<79x128xi32, #tpu.memory_space<hbm>>
      %dma_start3A_166 = arith.constant 0 : i32
      %dma_start3A_167 = tpu.memref_slice %arg2[%run_scoped3A_50, %min3A_47, %dma_start3A_166] : memref<2x2500x128xi32, #tpu.memory_space<hbm>> -> memref<1x79x128xi32, #tpu.memory_space<hbm>>
      %dma_start3A_168 = tpu.memref_squeeze %dma_start3A_167 : memref<1x79x128xi32, #tpu.memory_space<hbm>> -> memref<79x128xi32, #tpu.memory_space<hbm>>
      tpu.enqueue_dma source(%dma_start3A_168 : memref<79x128xi32, #tpu.memory_space<hbm>>) target(%arg7 : memref<79x128xi32, #tpu.memory_space<vmem>>) target_semaphore(%run_scoped3A_162 : memref<!tpu.dma_semaphore, #tpu.memory_space<semaphore_mem>>)
      %dma_wait3A_169 = arith.constant 0 : i32
      %dma_wait3A_170 = tpu.memref_slice %arg2[%run_scoped3A_50, %min3A_47, %dma_wait3A_169] : memref<2x2500x128xi32, #tpu.memory_space<hbm>> -> memref<1x79x128xi32, #tpu.memory_space<hbm>>
      %dma_wait3A_171 = tpu.memref_squeeze %dma_wait3A_170 : memref<1x79x128xi32, #tpu.memory_space<hbm>> -> memref<79x128xi32, #tpu.memory_space<hbm>>
      %dma_wait3A_172 = arith.constant 0 : i32
      %dma_wait3A_173 = tpu.memref_slice %arg2[%run_scoped3A_50, %min3A_47, %dma_wait3A_172] : memref<2x2500x128xi32, #tpu.memory_space<hbm>> -> memref<1x79x128xi32, #tpu.memory_space<hbm>>
      %dma_wait3A_174 = tpu.memref_squeeze %dma_wait3A_173 : memref<1x79x128xi32, #tpu.memory_space<hbm>> -> memref<79x128xi32, #tpu.memory_space<hbm>>
      tpu.wait_dma2 semaphore(%run_scoped3A_162 : memref<!tpu.dma_semaphore, #tpu.memory_space<semaphore_mem>>) src(%dma_wait3A_174 : memref<79x128xi32, #tpu.memory_space<hbm>>) dst(%arg7 : memref<79x128xi32, #tpu.memory_space<vmem>>)
      tpu.yield
    }) : () -> ()
    %scan3A = arith.constant 0 : i32
    %scan3A_51 = arith.constant 0 : i32
    %scan3A_52 = arith.constant 5 : i32
    %scan3A_53 = arith.addi %scan3A_51, %scan3A_52 : i32
    %scan3A_54 = arith.constant 1 : i32
    scf.for %scan3A_162 = %scan3A_51 to %scan3A_53 step %scan3A_54  : i32 {
      %mul3A_163 = arith.constant 16 : i32
      %mul3A_164 = arith.muli %scan3A_162, %mul3A_163 : i32
      %add3A_165 = arith.addi %arg1, %mul3A_164 : i32
      %lt3A = arith.constant 78 : i32
      %lt3A_166 = arith.cmpi slt, %add3A_165, %lt3A : i32
      %convert_element_type3A_167 = arith.extui %lt3A_166 : i1 to i32
      %cond3A_168 = arith.constant 0 : i32
      %cond3A_169 = arith.cmpi ne, %convert_element_type3A_167, %cond3A_168 : i32
      scf.if %cond3A_169 {
        %mul3A_170 = arith.constant 128 : i32
        %mul3A_171 = arith.muli %add3A_165, %mul3A_170 : i32
        "tpu.region"() ({
          %run_scoped3A_172 = tpu.sem_alloc : memref<!tpu.dma_semaphore, #tpu.memory_space<semaphore_mem>>
          %dma_start3A_173 = arith.constant 0 : i32
          %dma_start3A_174 = tpu.memref_slice %arg17[%mul3A_171, %dma_start3A_173] : memref<10016x16xf32, #tpu.memory_space<vmem_shared>> -> memref<128x16xf32, #tpu.memory_space<vmem_shared>>
          %dma_start3A_175 = arith.constant 0 : i32
          %dma_start3A_176 = tpu.memref_slice %arg17[%mul3A_171, %dma_start3A_175] : memref<10016x16xf32, #tpu.memory_space<vmem_shared>> -> memref<128x16xf32, #tpu.memory_space<vmem_shared>>
          tpu.enqueue_dma source(%arg16 : memref<128x16xf32, #tpu.memory_space<vmem>>) target(%dma_start3A_176 : memref<128x16xf32, #tpu.memory_space<vmem_shared>>) target_semaphore(%run_scoped3A_172 : memref<!tpu.dma_semaphore, #tpu.memory_space<semaphore_mem>>)
          %dma_wait3A_177 = arith.constant 0 : i32
          %dma_wait3A_178 = tpu.memref_slice %arg17[%mul3A_171, %dma_wait3A_177] : memref<10016x16xf32, #tpu.memory_space<vmem_shared>> -> memref<128x16xf32, #tpu.memory_space<vmem_shared>>
          %dma_wait3A_179 = arith.constant 0 : i32
          %dma_wait3A_180 = tpu.memref_slice %arg17[%mul3A_171, %dma_wait3A_179] : memref<10016x16xf32, #tpu.memory_space<vmem_shared>> -> memref<128x16xf32, #tpu.memory_space<vmem_shared>>
          tpu.wait_dma2 semaphore(%run_scoped3A_172 : memref<!tpu.dma_semaphore, #tpu.memory_space<semaphore_mem>>) src(%arg16 : memref<128x16xf32, #tpu.memory_space<vmem>>) dst(%dma_wait3A_180 : memref<128x16xf32, #tpu.memory_space<vmem_shared>>)
          tpu.yield
        }) : () -> ()
      } else {
      }
    }
    %scan3A_55 = arith.constant 5 : i32
    %eq3A = arith.constant 0 : i32
    %eq3A_56 = arith.cmpi eq, %arg1, %eq3A : i32
    %convert_element_type3A = arith.extui %eq3A_56 : i1 to i32
    %cond3A = arith.constant 0 : i32
    %cond3A_57 = arith.cmpi ne, %convert_element_type3A, %cond3A : i32
    scf.if %cond3A_57 {
      "tpu.region"() ({
        %run_scoped3A_162 = tpu.sem_alloc : memref<!tpu.dma_semaphore, #tpu.memory_space<semaphore_mem>>
        %dma_start3A_163 = arith.constant 0 : i32
        %dma_start3A_164 = arith.constant 0 : i32
        %dma_start3A_165 = tpu.memref_slice %arg16[%dma_start3A_163, %dma_start3A_164] : memref<128x16xf32, #tpu.memory_space<vmem>> -> memref<16x16xf32, #tpu.memory_space<vmem>>
        %dma_start3A_166 = arith.constant 9984 : i32
        %dma_start3A_167 = arith.constant 0 : i32
        %dma_start3A_168 = tpu.memref_slice %arg17[%dma_start3A_166, %dma_start3A_167] : memref<10016x16xf32, #tpu.memory_space<vmem_shared>> -> memref<16x16xf32, #tpu.memory_space<vmem_shared>>
        %dma_start3A_169 = arith.constant 9984 : i32
        %dma_start3A_170 = arith.constant 0 : i32
        %dma_start3A_171 = tpu.memref_slice %arg17[%dma_start3A_169, %dma_start3A_170] : memref<10016x16xf32, #tpu.memory_space<vmem_shared>> -> memref<16x16xf32, #tpu.memory_space<vmem_shared>>
        %dma_start3A_172 = arith.constant 0 : i32
        %dma_start3A_173 = arith.constant 0 : i32
        %dma_start3A_174 = tpu.memref_slice %arg16[%dma_start3A_172, %dma_start3A_173] : memref<128x16xf32, #tpu.memory_space<vmem>> -> memref<16x16xf32, #tpu.memory_space<vmem>>
        tpu.enqueue_dma source(%dma_start3A_174 : memref<16x16xf32, #tpu.memory_space<vmem>>) target(%dma_start3A_171 : memref<16x16xf32, #tpu.memory_space<vmem_shared>>) target_semaphore(%run_scoped3A_162 : memref<!tpu.dma_semaphore, #tpu.memory_space<semaphore_mem>>)
        %dma_wait3A_175 = arith.constant 0 : i32
        %dma_wait3A_176 = arith.constant 0 : i32
        %dma_wait3A_177 = tpu.memref_slice %arg16[%dma_wait3A_175, %dma_wait3A_176] : memref<128x16xf32, #tpu.memory_space<vmem>> -> memref<16x16xf32, #tpu.memory_space<vmem>>
        %dma_wait3A_178 = arith.constant 9984 : i32
        %dma_wait3A_179 = arith.constant 0 : i32
        %dma_wait3A_180 = tpu.memref_slice %arg17[%dma_wait3A_178, %dma_wait3A_179] : memref<10016x16xf32, #tpu.memory_space<vmem_shared>> -> memref<16x16xf32, #tpu.memory_space<vmem_shared>>
        %dma_wait3A_181 = arith.constant 9984 : i32
        %dma_wait3A_182 = arith.constant 0 : i32
        %dma_wait3A_183 = tpu.memref_slice %arg17[%dma_wait3A_181, %dma_wait3A_182] : memref<10016x16xf32, #tpu.memory_space<vmem_shared>> -> memref<16x16xf32, #tpu.memory_space<vmem_shared>>
        %dma_wait3A_184 = arith.constant 0 : i32
        %dma_wait3A_185 = arith.constant 0 : i32
        %dma_wait3A_186 = tpu.memref_slice %arg16[%dma_wait3A_184, %dma_wait3A_185] : memref<128x16xf32, #tpu.memory_space<vmem>> -> memref<16x16xf32, #tpu.memory_space<vmem>>
        tpu.wait_dma2 semaphore(%run_scoped3A_162 : memref<!tpu.dma_semaphore, #tpu.memory_space<semaphore_mem>>) src(%dma_wait3A_186 : memref<16x16xf32, #tpu.memory_space<vmem>>) dst(%dma_wait3A_183 : memref<16x16xf32, #tpu.memory_space<vmem_shared>>)
        tpu.yield
      }) : () -> ()
    } else {
    }
    %barrier3A = arith.constant 0 : index
    tpu.barrier barrier_id(%barrier3A)
    %add3A_58 = arith.constant 0 : i32
    %add3A_59 = arith.addi %sub3A_48, %add3A_58 : i32
    %dma_start3A = arith.constant 0 : i32
    %dma_start3A_60 = tpu.memref_slice %arg6[%add3A_59, %dma_start3A] : memref<79x128xi32, #tpu.memory_space<vmem>> -> memref<1x128xi32, #tpu.memory_space<vmem>>
    %dma_start3A_61 = tpu.memref_squeeze %dma_start3A_60 : memref<1x128xi32, #tpu.memory_space<vmem>> -> memref<128xi32, #tpu.memory_space<vmem>>
    %dma_start3A_62 = arith.constant 0 : i32
    %dma_start3A_63 = arith.constant 0 : i32
    %dma_start3A_64 = tpu.memref_slice %arg3[%dma_start3A_62, %dma_start3A_63] : memref<10000x16xf32, #tpu.memory_space<hbm>> -> memref<10000x16xf32, #tpu.memory_space<hbm>>
    tpu.enqueue_indirect_dma source(%dma_start3A_64 : memref<10000x16xf32, #tpu.memory_space<hbm>>) target(%arg8 : memref<128x16xf32, #tpu.memory_space<vmem>>) offsets(%dma_start3A_61 : memref<128xi32, #tpu.memory_space<vmem>>) semaphore(%arg18 : memref<!tpu.dma_semaphore, #tpu.memory_space<semaphore_mem>>)
    %add3A_65 = arith.constant 1 : i32
    %add3A_66 = arith.addi %sub3A_48, %add3A_65 : i32
    %dma_start3A_67 = arith.constant 0 : i32
    %dma_start3A_68 = tpu.memref_slice %arg6[%add3A_66, %dma_start3A_67] : memref<79x128xi32, #tpu.memory_space<vmem>> -> memref<1x128xi32, #tpu.memory_space<vmem>>
    %dma_start3A_69 = tpu.memref_squeeze %dma_start3A_68 : memref<1x128xi32, #tpu.memory_space<vmem>> -> memref<128xi32, #tpu.memory_space<vmem>>
    %dma_start3A_70 = arith.constant 0 : i32
    %dma_start3A_71 = arith.constant 0 : i32
    %dma_start3A_72 = tpu.memref_slice %arg3[%dma_start3A_70, %dma_start3A_71] : memref<10000x16xf32, #tpu.memory_space<hbm>> -> memref<10000x16xf32, #tpu.memory_space<hbm>>
    tpu.enqueue_indirect_dma source(%dma_start3A_72 : memref<10000x16xf32, #tpu.memory_space<hbm>>) target(%arg9 : memref<128x16xf32, #tpu.memory_space<vmem>>) offsets(%dma_start3A_69 : memref<128xi32, #tpu.memory_space<vmem>>) semaphore(%arg19 : memref<!tpu.dma_semaphore, #tpu.memory_space<semaphore_mem>>)
    %add3A_73 = arith.constant 2 : i32
    %add3A_74 = arith.addi %sub3A_48, %add3A_73 : i32
    %dma_start3A_75 = arith.constant 0 : i32
    %dma_start3A_76 = tpu.memref_slice %arg6[%add3A_74, %dma_start3A_75] : memref<79x128xi32, #tpu.memory_space<vmem>> -> memref<1x128xi32, #tpu.memory_space<vmem>>
    %dma_start3A_77 = tpu.memref_squeeze %dma_start3A_76 : memref<1x128xi32, #tpu.memory_space<vmem>> -> memref<128xi32, #tpu.memory_space<vmem>>
    %dma_start3A_78 = arith.constant 0 : i32
    %dma_start3A_79 = arith.constant 0 : i32
    %dma_start3A_80 = tpu.memref_slice %arg3[%dma_start3A_78, %dma_start3A_79] : memref<10000x16xf32, #tpu.memory_space<hbm>> -> memref<10000x16xf32, #tpu.memory_space<hbm>>
    tpu.enqueue_indirect_dma source(%dma_start3A_80 : memref<10000x16xf32, #tpu.memory_space<hbm>>) target(%arg10 : memref<128x16xf32, #tpu.memory_space<vmem>>) offsets(%dma_start3A_77 : memref<128xi32, #tpu.memory_space<vmem>>) semaphore(%arg20 : memref<!tpu.dma_semaphore, #tpu.memory_space<semaphore_mem>>)
    %add3A_81 = arith.constant 3 : i32
    %add3A_82 = arith.addi %sub3A_48, %add3A_81 : i32
    %dma_start3A_83 = arith.constant 0 : i32
    %dma_start3A_84 = tpu.memref_slice %arg6[%add3A_82, %dma_start3A_83] : memref<79x128xi32, #tpu.memory_space<vmem>> -> memref<1x128xi32, #tpu.memory_space<vmem>>
    %dma_start3A_85 = tpu.memref_squeeze %dma_start3A_84 : memref<1x128xi32, #tpu.memory_space<vmem>> -> memref<128xi32, #tpu.memory_space<vmem>>
    %dma_start3A_86 = arith.constant 0 : i32
    %dma_start3A_87 = arith.constant 0 : i32
    %dma_start3A_88 = tpu.memref_slice %arg3[%dma_start3A_86, %dma_start3A_87] : memref<10000x16xf32, #tpu.memory_space<hbm>> -> memref<10000x16xf32, #tpu.memory_space<hbm>>
    tpu.enqueue_indirect_dma source(%dma_start3A_88 : memref<10000x16xf32, #tpu.memory_space<hbm>>) target(%arg11 : memref<128x16xf32, #tpu.memory_space<vmem>>) offsets(%dma_start3A_85 : memref<128xi32, #tpu.memory_space<vmem>>) semaphore(%arg21 : memref<!tpu.dma_semaphore, #tpu.memory_space<semaphore_mem>>)
    %scan3A_89 = arith.constant 0 : i32
    %scan3A_90 = arith.constant 0 : i32
    %scan3A_91 = arith.constant 10 : i32
    %scan3A_92 = arith.addi %scan3A_90, %scan3A_91 : i32
    %scan3A_93 = arith.constant 1 : i32
    scf.for %scan3A_162 = %scan3A_90 to %scan3A_92 step %scan3A_93  : i32 {
      %mul3A_163 = arith.constant 8 : i32
      %mul3A_164 = arith.muli %scan3A_162, %mul3A_163 : i32
      %add3A_165 = arith.constant 0 : i32
      %add3A_166 = arith.addi %mul3A_164, %add3A_165 : i32
      %add3A_167 = arith.constant 4 : i32
      %add3A_168 = arith.addi %add3A_166, %add3A_167 : i32
      %lt3A = arith.cmpi slt, %add3A_168, %sub3A_49 : i32
      %ge3A = arith.constant 4 : i32
      %ge3A_169 = arith.cmpi sge, %add3A_166, %ge3A : i32
      %and3A_170 = arith.andi %lt3A, %ge3A_169 : i1
      %convert_element_type3A_171 = arith.extui %and3A_170 : i1 to i32
      %cond3A_172 = arith.constant 0 : i32
      %cond3A_173 = arith.cmpi ne, %convert_element_type3A_171, %cond3A_172 : i32
      scf.if %cond3A_173 {
        %dma_wait3A_353 = arith.constant 0 : i32
        %dma_wait3A_354 = arith.constant 0 : i32
        %dma_wait3A_355 = tpu.memref_slice %arg7[%dma_wait3A_353, %dma_wait3A_354] : memref<79x128xi32, #tpu.memory_space<vmem>> -> memref<1x128xi32, #tpu.memory_space<vmem>>
        %dma_wait3A_356 = tpu.memref_squeeze %dma_wait3A_355 : memref<1x128xi32, #tpu.memory_space<vmem>> -> memref<128xi32, #tpu.memory_space<vmem>>
        %dma_wait3A_357 = arith.constant 0 : i32
        %dma_wait3A_358 = arith.constant 0 : i32
        %dma_wait3A_359 = tpu.memref_slice %arg17[%dma_wait3A_357, %dma_wait3A_358] : memref<10016x16xf32, #tpu.memory_space<vmem_shared>> -> memref<10016x16xf32, #tpu.memory_space<vmem_shared>>
        tpu.wait_indirect_dma semaphore(%arg30 : memref<!tpu.dma_semaphore, #tpu.memory_space<semaphore_mem>>) src(%arg12 : memref<128x16xf32, #tpu.memory_space<vmem>>) dst(%dma_wait3A_359 : memref<10016x16xf32, #tpu.memory_space<vmem_shared>>)
        %add3A_360 = arith.addi %sub3A_48, %add3A_168 : i32
        %dma_start3A_361 = arith.constant 0 : i32
        %dma_start3A_362 = tpu.memref_slice %arg6[%add3A_360, %dma_start3A_361] : memref<79x128xi32, #tpu.memory_space<vmem>> -> memref<1x128xi32, #tpu.memory_space<vmem>>
        %dma_start3A_363 = tpu.memref_squeeze %dma_start3A_362 : memref<1x128xi32, #tpu.memory_space<vmem>> -> memref<128xi32, #tpu.memory_space<vmem>>
        %dma_start3A_364 = arith.constant 0 : i32
        %dma_start3A_365 = arith.constant 0 : i32
        %dma_start3A_366 = tpu.memref_slice %arg3[%dma_start3A_364, %dma_start3A_365] : memref<10000x16xf32, #tpu.memory_space<hbm>> -> memref<10000x16xf32, #tpu.memory_space<hbm>>
        tpu.enqueue_indirect_dma source(%dma_start3A_366 : memref<10000x16xf32, #tpu.memory_space<hbm>>) target(%arg12 : memref<128x16xf32, #tpu.memory_space<vmem>>) offsets(%dma_start3A_363 : memref<128xi32, #tpu.memory_space<vmem>>) semaphore(%arg22 : memref<!tpu.dma_semaphore, #tpu.memory_space<semaphore_mem>>)
      } else {
      }
      %lt3A_174 = arith.cmpi slt, %add3A_168, %sub3A_49 : i32
      %lt3A_175 = arith.constant 4 : i32
      %lt3A_176 = arith.cmpi slt, %add3A_166, %lt3A_175 : i32
      %and3A_177 = arith.andi %lt3A_174, %lt3A_176 : i1
      %convert_element_type3A_178 = arith.extui %and3A_177 : i1 to i32
      %cond3A_179 = arith.constant 0 : i32
      %cond3A_180 = arith.cmpi ne, %convert_element_type3A_178, %cond3A_179 : i32
      scf.if %cond3A_180 {
        %add3A_353 = arith.addi %sub3A_48, %add3A_168 : i32
        %dma_start3A_354 = arith.constant 0 : i32
        %dma_start3A_355 = tpu.memref_slice %arg6[%add3A_353, %dma_start3A_354] : memref<79x128xi32, #tpu.memory_space<vmem>> -> memref<1x128xi32, #tpu.memory_space<vmem>>
        %dma_start3A_356 = tpu.memref_squeeze %dma_start3A_355 : memref<1x128xi32, #tpu.memory_space<vmem>> -> memref<128xi32, #tpu.memory_space<vmem>>
        %dma_start3A_357 = arith.constant 0 : i32
        %dma_start3A_358 = arith.constant 0 : i32
        %dma_start3A_359 = tpu.memref_slice %arg3[%dma_start3A_357, %dma_start3A_358] : memref<10000x16xf32, #tpu.memory_space<hbm>> -> memref<10000x16xf32, #tpu.memory_space<hbm>>
        tpu.enqueue_indirect_dma source(%dma_start3A_359 : memref<10000x16xf32, #tpu.memory_space<hbm>>) target(%arg12 : memref<128x16xf32, #tpu.memory_space<vmem>>) offsets(%dma_start3A_356 : memref<128xi32, #tpu.memory_space<vmem>>) semaphore(%arg22 : memref<!tpu.dma_semaphore, #tpu.memory_space<semaphore_mem>>)
      } else {
      }
      %lt3A_181 = arith.cmpi slt, %add3A_166, %sub3A_49 : i32
      %convert_element_type3A_182 = arith.extui %lt3A_181 : i1 to i32
      %cond3A_183 = arith.constant 0 : i32
      %cond3A_184 = arith.cmpi ne, %convert_element_type3A_182, %cond3A_183 : i32
      scf.if %cond3A_184 {
        %dma_wait3A_353 = arith.constant 0 : i32
        %dma_wait3A_354 = arith.constant 0 : i32
        %dma_wait3A_355 = tpu.memref_slice %arg3[%dma_wait3A_353, %dma_wait3A_354] : memref<10000x16xf32, #tpu.memory_space<hbm>> -> memref<128x16xf32, #tpu.memory_space<hbm>>
        %dma_wait3A_356 = arith.constant 0 : i32
        %dma_wait3A_357 = arith.constant 0 : i32
        %dma_wait3A_358 = tpu.memref_slice %arg3[%dma_wait3A_356, %dma_wait3A_357] : memref<10000x16xf32, #tpu.memory_space<hbm>> -> memref<128x16xf32, #tpu.memory_space<hbm>>
        tpu.wait_dma2 semaphore(%arg18 : memref<!tpu.dma_semaphore, #tpu.memory_space<semaphore_mem>>) src(%dma_wait3A_358 : memref<128x16xf32, #tpu.memory_space<hbm>>) dst(%arg8 : memref<128x16xf32, #tpu.memory_space<vmem>>)
        %add3A_359 = arith.addi %sub3A_48, %add3A_166 : i32
        %dma_start3A_360 = arith.constant 0 : i32
        %dma_start3A_361 = tpu.memref_slice %arg7[%add3A_359, %dma_start3A_360] : memref<79x128xi32, #tpu.memory_space<vmem>> -> memref<1x128xi32, #tpu.memory_space<vmem>>
        %dma_start3A_362 = tpu.memref_squeeze %dma_start3A_361 : memref<1x128xi32, #tpu.memory_space<vmem>> -> memref<128xi32, #tpu.memory_space<vmem>>
        %dma_start3A_363 = arith.constant 0 : i32
        %dma_start3A_364 = arith.constant 0 : i32
        %dma_start3A_365 = tpu.memref_slice %arg17[%dma_start3A_363, %dma_start3A_364] : memref<10016x16xf32, #tpu.memory_space<vmem_shared>> -> memref<10016x16xf32, #tpu.memory_space<vmem_shared>>
        tpu.enqueue_indirect_dma source(%arg8 : memref<128x16xf32, #tpu.memory_space<vmem>>) target(%dma_start3A_365 : memref<10016x16xf32, #tpu.memory_space<vmem_shared>>) offsets(%dma_start3A_362 : memref<128xi32, #tpu.memory_space<vmem>>) semaphore(%arg26 : memref<!tpu.dma_semaphore, #tpu.memory_space<semaphore_mem>>) {add = true}
      } else {
      }
      %mul3A_185 = arith.constant 8 : i32
      %mul3A_186 = arith.muli %scan3A_162, %mul3A_185 : i32
      %add3A_187 = arith.constant 1 : i32
      %add3A_188 = arith.addi %mul3A_186, %add3A_187 : i32
      %add3A_189 = arith.constant 4 : i32
      %add3A_190 = arith.addi %add3A_188, %add3A_189 : i32
      %lt3A_191 = arith.cmpi slt, %add3A_190, %sub3A_49 : i32
      %ge3A_192 = arith.constant 4 : i32
      %ge3A_193 = arith.cmpi sge, %add3A_188, %ge3A_192 : i32
      %and3A_194 = arith.andi %lt3A_191, %ge3A_193 : i1
      %convert_element_type3A_195 = arith.extui %and3A_194 : i1 to i32
      %cond3A_196 = arith.constant 0 : i32
      %cond3A_197 = arith.cmpi ne, %convert_element_type3A_195, %cond3A_196 : i32
      scf.if %cond3A_197 {
        %dma_wait3A_353 = arith.constant 0 : i32
        %dma_wait3A_354 = arith.constant 0 : i32
        %dma_wait3A_355 = tpu.memref_slice %arg7[%dma_wait3A_353, %dma_wait3A_354] : memref<79x128xi32, #tpu.memory_space<vmem>> -> memref<1x128xi32, #tpu.memory_space<vmem>>
        %dma_wait3A_356 = tpu.memref_squeeze %dma_wait3A_355 : memref<1x128xi32, #tpu.memory_space<vmem>> -> memref<128xi32, #tpu.memory_space<vmem>>
        %dma_wait3A_357 = arith.constant 0 : i32
        %dma_wait3A_358 = arith.constant 0 : i32
        %dma_wait3A_359 = tpu.memref_slice %arg17[%dma_wait3A_357, %dma_wait3A_358] : memref<10016x16xf32, #tpu.memory_space<vmem_shared>> -> memref<10016x16xf32, #tpu.memory_space<vmem_shared>>
        tpu.wait_indirect_dma semaphore(%arg31 : memref<!tpu.dma_semaphore, #tpu.memory_space<semaphore_mem>>) src(%arg13 : memref<128x16xf32, #tpu.memory_space<vmem>>) dst(%dma_wait3A_359 : memref<10016x16xf32, #tpu.memory_space<vmem_shared>>)
        %add3A_360 = arith.addi %sub3A_48, %add3A_190 : i32
        %dma_start3A_361 = arith.constant 0 : i32
        %dma_start3A_362 = tpu.memref_slice %arg6[%add3A_360, %dma_start3A_361] : memref<79x128xi32, #tpu.memory_space<vmem>> -> memref<1x128xi32, #tpu.memory_space<vmem>>
        %dma_start3A_363 = tpu.memref_squeeze %dma_start3A_362 : memref<1x128xi32, #tpu.memory_space<vmem>> -> memref<128xi32, #tpu.memory_space<vmem>>
        %dma_start3A_364 = arith.constant 0 : i32
        %dma_start3A_365 = arith.constant 0 : i32
        %dma_start3A_366 = tpu.memref_slice %arg3[%dma_start3A_364, %dma_start3A_365] : memref<10000x16xf32, #tpu.memory_space<hbm>> -> memref<10000x16xf32, #tpu.memory_space<hbm>>
        tpu.enqueue_indirect_dma source(%dma_start3A_366 : memref<10000x16xf32, #tpu.memory_space<hbm>>) target(%arg13 : memref<128x16xf32, #tpu.memory_space<vmem>>) offsets(%dma_start3A_363 : memref<128xi32, #tpu.memory_space<vmem>>) semaphore(%arg23 : memref<!tpu.dma_semaphore, #tpu.memory_space<semaphore_mem>>)
      } else {
      }
      %lt3A_198 = arith.cmpi slt, %add3A_190, %sub3A_49 : i32
      %lt3A_199 = arith.constant 4 : i32
      %lt3A_200 = arith.cmpi slt, %add3A_188, %lt3A_199 : i32
      %and3A_201 = arith.andi %lt3A_198, %lt3A_200 : i1
      %convert_element_type3A_202 = arith.extui %and3A_201 : i1 to i32
      %cond3A_203 = arith.constant 0 : i32
      %cond3A_204 = arith.cmpi ne, %convert_element_type3A_202, %cond3A_203 : i32
      scf.if %cond3A_204 {
        %add3A_353 = arith.addi %sub3A_48, %add3A_190 : i32
        %dma_start3A_354 = arith.constant 0 : i32
        %dma_start3A_355 = tpu.memref_slice %arg6[%add3A_353, %dma_start3A_354] : memref<79x128xi32, #tpu.memory_space<vmem>> -> memref<1x128xi32, #tpu.memory_space<vmem>>
        %dma_start3A_356 = tpu.memref_squeeze %dma_start3A_355 : memref<1x128xi32, #tpu.memory_space<vmem>> -> memref<128xi32, #tpu.memory_space<vmem>>
        %dma_start3A_357 = arith.constant 0 : i32
        %dma_start3A_358 = arith.constant 0 : i32
        %dma_start3A_359 = tpu.memref_slice %arg3[%dma_start3A_357, %dma_start3A_358] : memref<10000x16xf32, #tpu.memory_space<hbm>> -> memref<10000x16xf32, #tpu.memory_space<hbm>>
        tpu.enqueue_indirect_dma source(%dma_start3A_359 : memref<10000x16xf32, #tpu.memory_space<hbm>>) target(%arg13 : memref<128x16xf32, #tpu.memory_space<vmem>>) offsets(%dma_start3A_356 : memref<128xi32, #tpu.memory_space<vmem>>) semaphore(%arg23 : memref<!tpu.dma_semaphore, #tpu.memory_space<semaphore_mem>>)
      } else {
      }
      %lt3A_205 = arith.cmpi slt, %add3A_188, %sub3A_49 : i32
      %convert_element_type3A_206 = arith.extui %lt3A_205 : i1 to i32
      %cond3A_207 = arith.constant 0 : i32
      %cond3A_208 = arith.cmpi ne, %convert_element_type3A_206, %cond3A_207 : i32
      scf.if %cond3A_208 {
        %dma_wait3A_353 = arith.constant 0 : i32
        %dma_wait3A_354 = arith.constant 0 : i32
        %dma_wait3A_355 = tpu.memref_slice %arg3[%dma_wait3A_353, %dma_wait3A_354] : memref<10000x16xf32, #tpu.memory_space<hbm>> -> memref<128x16xf32, #tpu.memory_space<hbm>>
        %dma_wait3A_356 = arith.constant 0 : i32
        %dma_wait3A_357 = arith.constant 0 : i32
        %dma_wait3A_358 = tpu.memref_slice %arg3[%dma_wait3A_356, %dma_wait3A_357] : memref<10000x16xf32, #tpu.memory_space<hbm>> -> memref<128x16xf32, #tpu.memory_space<hbm>>
        tpu.wait_dma2 semaphore(%arg19 : memref<!tpu.dma_semaphore, #tpu.memory_space<semaphore_mem>>) src(%dma_wait3A_358 : memref<128x16xf32, #tpu.memory_space<hbm>>) dst(%arg9 : memref<128x16xf32, #tpu.memory_space<vmem>>)
        %add3A_359 = arith.addi %sub3A_48, %add3A_188 : i32
        %dma_start3A_360 = arith.constant 0 : i32
        %dma_start3A_361 = tpu.memref_slice %arg7[%add3A_359, %dma_start3A_360] : memref<79x128xi32, #tpu.memory_space<vmem>> -> memref<1x128xi32, #tpu.memory_space<vmem>>
        %dma_start3A_362 = tpu.memref_squeeze %dma_start3A_361 : memref<1x128xi32, #tpu.memory_space<vmem>> -> memref<128xi32, #tpu.memory_space<vmem>>
        %dma_start3A_363 = arith.constant 0 : i32
        %dma_start3A_364 = arith.constant 0 : i32
        %dma_start3A_365 = tpu.memref_slice %arg17[%dma_start3A_363, %dma_start3A_364] : memref<10016x16xf32, #tpu.memory_space<vmem_shared>> -> memref<10016x16xf32, #tpu.memory_space<vmem_shared>>
        tpu.enqueue_indirect_dma source(%arg9 : memref<128x16xf32, #tpu.memory_space<vmem>>) target(%dma_start3A_365 : memref<10016x16xf32, #tpu.memory_space<vmem_shared>>) offsets(%dma_start3A_362 : memref<128xi32, #tpu.memory_space<vmem>>) semaphore(%arg27 : memref<!tpu.dma_semaphore, #tpu.memory_space<semaphore_mem>>) {add = true}
      } else {
      }
      %mul3A_209 = arith.constant 8 : i32
      %mul3A_210 = arith.muli %scan3A_162, %mul3A_209 : i32
      %add3A_211 = arith.constant 2 : i32
      %add3A_212 = arith.addi %mul3A_210, %add3A_211 : i32
      %add3A_213 = arith.constant 4 : i32
      %add3A_214 = arith.addi %add3A_212, %add3A_213 : i32
      %lt3A_215 = arith.cmpi slt, %add3A_214, %sub3A_49 : i32
      %ge3A_216 = arith.constant 4 : i32
      %ge3A_217 = arith.cmpi sge, %add3A_212, %ge3A_216 : i32
      %and3A_218 = arith.andi %lt3A_215, %ge3A_217 : i1
      %convert_element_type3A_219 = arith.extui %and3A_218 : i1 to i32
      %cond3A_220 = arith.constant 0 : i32
      %cond3A_221 = arith.cmpi ne, %convert_element_type3A_219, %cond3A_220 : i32
      scf.if %cond3A_221 {
        %dma_wait3A_353 = arith.constant 0 : i32
        %dma_wait3A_354 = arith.constant 0 : i32
        %dma_wait3A_355 = tpu.memref_slice %arg7[%dma_wait3A_353, %dma_wait3A_354] : memref<79x128xi32, #tpu.memory_space<vmem>> -> memref<1x128xi32, #tpu.memory_space<vmem>>
        %dma_wait3A_356 = tpu.memref_squeeze %dma_wait3A_355 : memref<1x128xi32, #tpu.memory_space<vmem>> -> memref<128xi32, #tpu.memory_space<vmem>>
        %dma_wait3A_357 = arith.constant 0 : i32
        %dma_wait3A_358 = arith.constant 0 : i32
        %dma_wait3A_359 = tpu.memref_slice %arg17[%dma_wait3A_357, %dma_wait3A_358] : memref<10016x16xf32, #tpu.memory_space<vmem_shared>> -> memref<10016x16xf32, #tpu.memory_space<vmem_shared>>
        tpu.wait_indirect_dma semaphore(%arg32 : memref<!tpu.dma_semaphore, #tpu.memory_space<semaphore_mem>>) src(%arg14 : memref<128x16xf32, #tpu.memory_space<vmem>>) dst(%dma_wait3A_359 : memref<10016x16xf32, #tpu.memory_space<vmem_shared>>)
        %add3A_360 = arith.addi %sub3A_48, %add3A_214 : i32
        %dma_start3A_361 = arith.constant 0 : i32
        %dma_start3A_362 = tpu.memref_slice %arg6[%add3A_360, %dma_start3A_361] : memref<79x128xi32, #tpu.memory_space<vmem>> -> memref<1x128xi32, #tpu.memory_space<vmem>>
        %dma_start3A_363 = tpu.memref_squeeze %dma_start3A_362 : memref<1x128xi32, #tpu.memory_space<vmem>> -> memref<128xi32, #tpu.memory_space<vmem>>
        %dma_start3A_364 = arith.constant 0 : i32
        %dma_start3A_365 = arith.constant 0 : i32
        %dma_start3A_366 = tpu.memref_slice %arg3[%dma_start3A_364, %dma_start3A_365] : memref<10000x16xf32, #tpu.memory_space<hbm>> -> memref<10000x16xf32, #tpu.memory_space<hbm>>
        tpu.enqueue_indirect_dma source(%dma_start3A_366 : memref<10000x16xf32, #tpu.memory_space<hbm>>) target(%arg14 : memref<128x16xf32, #tpu.memory_space<vmem>>) offsets(%dma_start3A_363 : memref<128xi32, #tpu.memory_space<vmem>>) semaphore(%arg24 : memref<!tpu.dma_semaphore, #tpu.memory_space<semaphore_mem>>)
      } else {
      }
      %lt3A_222 = arith.cmpi slt, %add3A_214, %sub3A_49 : i32
      %lt3A_223 = arith.constant 4 : i32
      %lt3A_224 = arith.cmpi slt, %add3A_212, %lt3A_223 : i32
      %and3A_225 = arith.andi %lt3A_222, %lt3A_224 : i1
      %convert_element_type3A_226 = arith.extui %and3A_225 : i1 to i32
      %cond3A_227 = arith.constant 0 : i32
      %cond3A_228 = arith.cmpi ne, %convert_element_type3A_226, %cond3A_227 : i32
      scf.if %cond3A_228 {
        %add3A_353 = arith.addi %sub3A_48, %add3A_214 : i32
        %dma_start3A_354 = arith.constant 0 : i32
        %dma_start3A_355 = tpu.memref_slice %arg6[%add3A_353, %dma_start3A_354] : memref<79x128xi32, #tpu.memory_space<vmem>> -> memref<1x128xi32, #tpu.memory_space<vmem>>
        %dma_start3A_356 = tpu.memref_squeeze %dma_start3A_355 : memref<1x128xi32, #tpu.memory_space<vmem>> -> memref<128xi32, #tpu.memory_space<vmem>>
        %dma_start3A_357 = arith.constant 0 : i32
        %dma_start3A_358 = arith.constant 0 : i32
        %dma_start3A_359 = tpu.memref_slice %arg3[%dma_start3A_357, %dma_start3A_358] : memref<10000x16xf32, #tpu.memory_space<hbm>> -> memref<10000x16xf32, #tpu.memory_space<hbm>>
        tpu.enqueue_indirect_dma source(%dma_start3A_359 : memref<10000x16xf32, #tpu.memory_space<hbm>>) target(%arg14 : memref<128x16xf32, #tpu.memory_space<vmem>>) offsets(%dma_start3A_356 : memref<128xi32, #tpu.memory_space<vmem>>) semaphore(%arg24 : memref<!tpu.dma_semaphore, #tpu.memory_space<semaphore_mem>>)
      } else {
      }
      %lt3A_229 = arith.cmpi slt, %add3A_212, %sub3A_49 : i32
      %convert_element_type3A_230 = arith.extui %lt3A_229 : i1 to i32
      %cond3A_231 = arith.constant 0 : i32
      %cond3A_232 = arith.cmpi ne, %convert_element_type3A_230, %cond3A_231 : i32
      scf.if %cond3A_232 {
        %dma_wait3A_353 = arith.constant 0 : i32
        %dma_wait3A_354 = arith.constant 0 : i32
        %dma_wait3A_355 = tpu.memref_slice %arg3[%dma_wait3A_353, %dma_wait3A_354] : memref<10000x16xf32, #tpu.memory_space<hbm>> -> memref<128x16xf32, #tpu.memory_space<hbm>>
        %dma_wait3A_356 = arith.constant 0 : i32
        %dma_wait3A_357 = arith.constant 0 : i32
        %dma_wait3A_358 = tpu.memref_slice %arg3[%dma_wait3A_356, %dma_wait3A_357] : memref<10000x16xf32, #tpu.memory_space<hbm>> -> memref<128x16xf32, #tpu.memory_space<hbm>>
        tpu.wait_dma2 semaphore(%arg20 : memref<!tpu.dma_semaphore, #tpu.memory_space<semaphore_mem>>) src(%dma_wait3A_358 : memref<128x16xf32, #tpu.memory_space<hbm>>) dst(%arg10 : memref<128x16xf32, #tpu.memory_space<vmem>>)
        %add3A_359 = arith.addi %sub3A_48, %add3A_212 : i32
        %dma_start3A_360 = arith.constant 0 : i32
        %dma_start3A_361 = tpu.memref_slice %arg7[%add3A_359, %dma_start3A_360] : memref<79x128xi32, #tpu.memory_space<vmem>> -> memref<1x128xi32, #tpu.memory_space<vmem>>
        %dma_start3A_362 = tpu.memref_squeeze %dma_start3A_361 : memref<1x128xi32, #tpu.memory_space<vmem>> -> memref<128xi32, #tpu.memory_space<vmem>>
        %dma_start3A_363 = arith.constant 0 : i32
        %dma_start3A_364 = arith.constant 0 : i32
        %dma_start3A_365 = tpu.memref_slice %arg17[%dma_start3A_363, %dma_start3A_364] : memref<10016x16xf32, #tpu.memory_space<vmem_shared>> -> memref<10016x16xf32, #tpu.memory_space<vmem_shared>>
        tpu.enqueue_indirect_dma source(%arg10 : memref<128x16xf32, #tpu.memory_space<vmem>>) target(%dma_start3A_365 : memref<10016x16xf32, #tpu.memory_space<vmem_shared>>) offsets(%dma_start3A_362 : memref<128xi32, #tpu.memory_space<vmem>>) semaphore(%arg28 : memref<!tpu.dma_semaphore, #tpu.memory_space<semaphore_mem>>) {add = true}
      } else {
      }
      %mul3A_233 = arith.constant 8 : i32
      %mul3A_234 = arith.muli %scan3A_162, %mul3A_233 : i32
      %add3A_235 = arith.constant 3 : i32
      %add3A_236 = arith.addi %mul3A_234, %add3A_235 : i32
      %add3A_237 = arith.constant 4 : i32
      %add3A_238 = arith.addi %add3A_236, %add3A_237 : i32
      %lt3A_239 = arith.cmpi slt, %add3A_238, %sub3A_49 : i32
      %ge3A_240 = arith.constant 4 : i32
      %ge3A_241 = arith.cmpi sge, %add3A_236, %ge3A_240 : i32
      %and3A_242 = arith.andi %lt3A_239, %ge3A_241 : i1
      %convert_element_type3A_243 = arith.extui %and3A_242 : i1 to i32
      %cond3A_244 = arith.constant 0 : i32
      %cond3A_245 = arith.cmpi ne, %convert_element_type3A_243, %cond3A_244 : i32
      scf.if %cond3A_245 {
        %dma_wait3A_353 = arith.constant 0 : i32
        %dma_wait3A_354 = arith.constant 0 : i32
        %dma_wait3A_355 = tpu.memref_slice %arg7[%dma_wait3A_353, %dma_wait3A_354] : memref<79x128xi32, #tpu.memory_space<vmem>> -> memref<1x128xi32, #tpu.memory_space<vmem>>
        %dma_wait3A_356 = tpu.memref_squeeze %dma_wait3A_355 : memref<1x128xi32, #tpu.memory_space<vmem>> -> memref<128xi32, #tpu.memory_space<vmem>>
        %dma_wait3A_357 = arith.constant 0 : i32
        %dma_wait3A_358 = arith.constant 0 : i32
        %dma_wait3A_359 = tpu.memref_slice %arg17[%dma_wait3A_357, %dma_wait3A_358] : memref<10016x16xf32, #tpu.memory_space<vmem_shared>> -> memref<10016x16xf32, #tpu.memory_space<vmem_shared>>
        tpu.wait_indirect_dma semaphore(%arg33 : memref<!tpu.dma_semaphore, #tpu.memory_space<semaphore_mem>>) src(%arg15 : memref<128x16xf32, #tpu.memory_space<vmem>>) dst(%dma_wait3A_359 : memref<10016x16xf32, #tpu.memory_space<vmem_shared>>)
        %add3A_360 = arith.addi %sub3A_48, %add3A_238 : i32
        %dma_start3A_361 = arith.constant 0 : i32
        %dma_start3A_362 = tpu.memref_slice %arg6[%add3A_360, %dma_start3A_361] : memref<79x128xi32, #tpu.memory_space<vmem>> -> memref<1x128xi32, #tpu.memory_space<vmem>>
        %dma_start3A_363 = tpu.memref_squeeze %dma_start3A_362 : memref<1x128xi32, #tpu.memory_space<vmem>> -> memref<128xi32, #tpu.memory_space<vmem>>
        %dma_start3A_364 = arith.constant 0 : i32
        %dma_start3A_365 = arith.constant 0 : i32
        %dma_start3A_366 = tpu.memref_slice %arg3[%dma_start3A_364, %dma_start3A_365] : memref<10000x16xf32, #tpu.memory_space<hbm>> -> memref<10000x16xf32, #tpu.memory_space<hbm>>
        tpu.enqueue_indirect_dma source(%dma_start3A_366 : memref<10000x16xf32, #tpu.memory_space<hbm>>) target(%arg15 : memref<128x16xf32, #tpu.memory_space<vmem>>) offsets(%dma_start3A_363 : memref<128xi32, #tpu.memory_space<vmem>>) semaphore(%arg25 : memref<!tpu.dma_semaphore, #tpu.memory_space<semaphore_mem>>)
      } else {
      }
      %lt3A_246 = arith.cmpi slt, %add3A_238, %sub3A_49 : i32
      %lt3A_247 = arith.constant 4 : i32
      %lt3A_248 = arith.cmpi slt, %add3A_236, %lt3A_247 : i32
      %and3A_249 = arith.andi %lt3A_246, %lt3A_248 : i1
      %convert_element_type3A_250 = arith.extui %and3A_249 : i1 to i32
      %cond3A_251 = arith.constant 0 : i32
      %cond3A_252 = arith.cmpi ne, %convert_element_type3A_250, %cond3A_251 : i32
      scf.if %cond3A_252 {
        %add3A_353 = arith.addi %sub3A_48, %add3A_238 : i32
        %dma_start3A_354 = arith.constant 0 : i32
        %dma_start3A_355 = tpu.memref_slice %arg6[%add3A_353, %dma_start3A_354] : memref<79x128xi32, #tpu.memory_space<vmem>> -> memref<1x128xi32, #tpu.memory_space<vmem>>
        %dma_start3A_356 = tpu.memref_squeeze %dma_start3A_355 : memref<1x128xi32, #tpu.memory_space<vmem>> -> memref<128xi32, #tpu.memory_space<vmem>>
        %dma_start3A_357 = arith.constant 0 : i32
        %dma_start3A_358 = arith.constant 0 : i32
        %dma_start3A_359 = tpu.memref_slice %arg3[%dma_start3A_357, %dma_start3A_358] : memref<10000x16xf32, #tpu.memory_space<hbm>> -> memref<10000x16xf32, #tpu.memory_space<hbm>>
        tpu.enqueue_indirect_dma source(%dma_start3A_359 : memref<10000x16xf32, #tpu.memory_space<hbm>>) target(%arg15 : memref<128x16xf32, #tpu.memory_space<vmem>>) offsets(%dma_start3A_356 : memref<128xi32, #tpu.memory_space<vmem>>) semaphore(%arg25 : memref<!tpu.dma_semaphore, #tpu.memory_space<semaphore_mem>>)
      } else {
      }
      %lt3A_253 = arith.cmpi slt, %add3A_236, %sub3A_49 : i32
      %convert_element_type3A_254 = arith.extui %lt3A_253 : i1 to i32
      %cond3A_255 = arith.constant 0 : i32
      %cond3A_256 = arith.cmpi ne, %convert_element_type3A_254, %cond3A_255 : i32
      scf.if %cond3A_256 {
        %dma_wait3A_353 = arith.constant 0 : i32
        %dma_wait3A_354 = arith.constant 0 : i32
        %dma_wait3A_355 = tpu.memref_slice %arg3[%dma_wait3A_353, %dma_wait3A_354] : memref<10000x16xf32, #tpu.memory_space<hbm>> -> memref<128x16xf32, #tpu.memory_space<hbm>>
        %dma_wait3A_356 = arith.constant 0 : i32
        %dma_wait3A_357 = arith.constant 0 : i32
        %dma_wait3A_358 = tpu.memref_slice %arg3[%dma_wait3A_356, %dma_wait3A_357] : memref<10000x16xf32, #tpu.memory_space<hbm>> -> memref<128x16xf32, #tpu.memory_space<hbm>>
        tpu.wait_dma2 semaphore(%arg21 : memref<!tpu.dma_semaphore, #tpu.memory_space<semaphore_mem>>) src(%dma_wait3A_358 : memref<128x16xf32, #tpu.memory_space<hbm>>) dst(%arg11 : memref<128x16xf32, #tpu.memory_space<vmem>>)
        %add3A_359 = arith.addi %sub3A_48, %add3A_236 : i32
        %dma_start3A_360 = arith.constant 0 : i32
        %dma_start3A_361 = tpu.memref_slice %arg7[%add3A_359, %dma_start3A_360] : memref<79x128xi32, #tpu.memory_space<vmem>> -> memref<1x128xi32, #tpu.memory_space<vmem>>
        %dma_start3A_362 = tpu.memref_squeeze %dma_start3A_361 : memref<1x128xi32, #tpu.memory_space<vmem>> -> memref<128xi32, #tpu.memory_space<vmem>>
        %dma_start3A_363 = arith.constant 0 : i32
        %dma_start3A_364 = arith.constant 0 : i32
        %dma_start3A_365 = tpu.memref_slice %arg17[%dma_start3A_363, %dma_start3A_364] : memref<10016x16xf32, #tpu.memory_space<vmem_shared>> -> memref<10016x16xf32, #tpu.memory_space<vmem_shared>>
        tpu.enqueue_indirect_dma source(%arg11 : memref<128x16xf32, #tpu.memory_space<vmem>>) target(%dma_start3A_365 : memref<10016x16xf32, #tpu.memory_space<vmem_shared>>) offsets(%dma_start3A_362 : memref<128xi32, #tpu.memory_space<vmem>>) semaphore(%arg29 : memref<!tpu.dma_semaphore, #tpu.memory_space<semaphore_mem>>) {add = true}
      } else {
      }
      %mul3A_257 = arith.constant 8 : i32
      %mul3A_258 = arith.muli %scan3A_162, %mul3A_257 : i32
      %add3A_259 = arith.constant 4 : i32
      %add3A_260 = arith.addi %mul3A_258, %add3A_259 : i32
      %add3A_261 = arith.constant 4 : i32
      %add3A_262 = arith.addi %add3A_260, %add3A_261 : i32
      %lt3A_263 = arith.cmpi slt, %add3A_262, %sub3A_49 : i32
      %ge3A_264 = arith.constant 4 : i32
      %ge3A_265 = arith.cmpi sge, %add3A_260, %ge3A_264 : i32
      %and3A_266 = arith.andi %lt3A_263, %ge3A_265 : i1
      %convert_element_type3A_267 = arith.extui %and3A_266 : i1 to i32
      %cond3A_268 = arith.constant 0 : i32
      %cond3A_269 = arith.cmpi ne, %convert_element_type3A_267, %cond3A_268 : i32
      scf.if %cond3A_269 {
        %dma_wait3A_353 = arith.constant 0 : i32
        %dma_wait3A_354 = arith.constant 0 : i32
        %dma_wait3A_355 = tpu.memref_slice %arg7[%dma_wait3A_353, %dma_wait3A_354] : memref<79x128xi32, #tpu.memory_space<vmem>> -> memref<1x128xi32, #tpu.memory_space<vmem>>
        %dma_wait3A_356 = tpu.memref_squeeze %dma_wait3A_355 : memref<1x128xi32, #tpu.memory_space<vmem>> -> memref<128xi32, #tpu.memory_space<vmem>>
        %dma_wait3A_357 = arith.constant 0 : i32
        %dma_wait3A_358 = arith.constant 0 : i32
        %dma_wait3A_359 = tpu.memref_slice %arg17[%dma_wait3A_357, %dma_wait3A_358] : memref<10016x16xf32, #tpu.memory_space<vmem_shared>> -> memref<10016x16xf32, #tpu.memory_space<vmem_shared>>
        tpu.wait_indirect_dma semaphore(%arg26 : memref<!tpu.dma_semaphore, #tpu.memory_space<semaphore_mem>>) src(%arg8 : memref<128x16xf32, #tpu.memory_space<vmem>>) dst(%dma_wait3A_359 : memref<10016x16xf32, #tpu.memory_space<vmem_shared>>)
        %add3A_360 = arith.addi %sub3A_48, %add3A_262 : i32
        %dma_start3A_361 = arith.constant 0 : i32
        %dma_start3A_362 = tpu.memref_slice %arg6[%add3A_360, %dma_start3A_361] : memref<79x128xi32, #tpu.memory_space<vmem>> -> memref<1x128xi32, #tpu.memory_space<vmem>>
        %dma_start3A_363 = tpu.memref_squeeze %dma_start3A_362 : memref<1x128xi32, #tpu.memory_space<vmem>> -> memref<128xi32, #tpu.memory_space<vmem>>
        %dma_start3A_364 = arith.constant 0 : i32
        %dma_start3A_365 = arith.constant 0 : i32
        %dma_start3A_366 = tpu.memref_slice %arg3[%dma_start3A_364, %dma_start3A_365] : memref<10000x16xf32, #tpu.memory_space<hbm>> -> memref<10000x16xf32, #tpu.memory_space<hbm>>
        tpu.enqueue_indirect_dma source(%dma_start3A_366 : memref<10000x16xf32, #tpu.memory_space<hbm>>) target(%arg8 : memref<128x16xf32, #tpu.memory_space<vmem>>) offsets(%dma_start3A_363 : memref<128xi32, #tpu.memory_space<vmem>>) semaphore(%arg18 : memref<!tpu.dma_semaphore, #tpu.memory_space<semaphore_mem>>)
      } else {
      }
      %lt3A_270 = arith.cmpi slt, %add3A_262, %sub3A_49 : i32
      %lt3A_271 = arith.constant 4 : i32
      %lt3A_272 = arith.cmpi slt, %add3A_260, %lt3A_271 : i32
      %and3A_273 = arith.andi %lt3A_270, %lt3A_272 : i1
      %convert_element_type3A_274 = arith.extui %and3A_273 : i1 to i32
      %cond3A_275 = arith.constant 0 : i32
      %cond3A_276 = arith.cmpi ne, %convert_element_type3A_274, %cond3A_275 : i32
      scf.if %cond3A_276 {
        %add3A_353 = arith.addi %sub3A_48, %add3A_262 : i32
        %dma_start3A_354 = arith.constant 0 : i32
        %dma_start3A_355 = tpu.memref_slice %arg6[%add3A_353, %dma_start3A_354] : memref<79x128xi32, #tpu.memory_space<vmem>> -> memref<1x128xi32, #tpu.memory_space<vmem>>
        %dma_start3A_356 = tpu.memref_squeeze %dma_start3A_355 : memref<1x128xi32, #tpu.memory_space<vmem>> -> memref<128xi32, #tpu.memory_space<vmem>>
        %dma_start3A_357 = arith.constant 0 : i32
        %dma_start3A_358 = arith.constant 0 : i32
        %dma_start3A_359 = tpu.memref_slice %arg3[%dma_start3A_357, %dma_start3A_358] : memref<10000x16xf32, #tpu.memory_space<hbm>> -> memref<10000x16xf32, #tpu.memory_space<hbm>>
        tpu.enqueue_indirect_dma source(%dma_start3A_359 : memref<10000x16xf32, #tpu.memory_space<hbm>>) target(%arg8 : memref<128x16xf32, #tpu.memory_space<vmem>>) offsets(%dma_start3A_356 : memref<128xi32, #tpu.memory_space<vmem>>) semaphore(%arg18 : memref<!tpu.dma_semaphore, #tpu.memory_space<semaphore_mem>>)
      } else {
      }
      %lt3A_277 = arith.cmpi slt, %add3A_260, %sub3A_49 : i32
      %convert_element_type3A_278 = arith.extui %lt3A_277 : i1 to i32
      %cond3A_279 = arith.constant 0 : i32
      %cond3A_280 = arith.cmpi ne, %convert_element_type3A_278, %cond3A_279 : i32
      scf.if %cond3A_280 {
        %dma_wait3A_353 = arith.constant 0 : i32
        %dma_wait3A_354 = arith.constant 0 : i32
        %dma_wait3A_355 = tpu.memref_slice %arg3[%dma_wait3A_353, %dma_wait3A_354] : memref<10000x16xf32, #tpu.memory_space<hbm>> -> memref<128x16xf32, #tpu.memory_space<hbm>>
        %dma_wait3A_356 = arith.constant 0 : i32
        %dma_wait3A_357 = arith.constant 0 : i32
        %dma_wait3A_358 = tpu.memref_slice %arg3[%dma_wait3A_356, %dma_wait3A_357] : memref<10000x16xf32, #tpu.memory_space<hbm>> -> memref<128x16xf32, #tpu.memory_space<hbm>>
        tpu.wait_dma2 semaphore(%arg22 : memref<!tpu.dma_semaphore, #tpu.memory_space<semaphore_mem>>) src(%dma_wait3A_358 : memref<128x16xf32, #tpu.memory_space<hbm>>) dst(%arg12 : memref<128x16xf32, #tpu.memory_space<vmem>>)
        %add3A_359 = arith.addi %sub3A_48, %add3A_260 : i32
        %dma_start3A_360 = arith.constant 0 : i32
        %dma_start3A_361 = tpu.memref_slice %arg7[%add3A_359, %dma_start3A_360] : memref<79x128xi32, #tpu.memory_space<vmem>> -> memref<1x128xi32, #tpu.memory_space<vmem>>
        %dma_start3A_362 = tpu.memref_squeeze %dma_start3A_361 : memref<1x128xi32, #tpu.memory_space<vmem>> -> memref<128xi32, #tpu.memory_space<vmem>>
        %dma_start3A_363 = arith.constant 0 : i32
        %dma_start3A_364 = arith.constant 0 : i32
        %dma_start3A_365 = tpu.memref_slice %arg17[%dma_start3A_363, %dma_start3A_364] : memref<10016x16xf32, #tpu.memory_space<vmem_shared>> -> memref<10016x16xf32, #tpu.memory_space<vmem_shared>>
        tpu.enqueue_indirect_dma source(%arg12 : memref<128x16xf32, #tpu.memory_space<vmem>>) target(%dma_start3A_365 : memref<10016x16xf32, #tpu.memory_space<vmem_shared>>) offsets(%dma_start3A_362 : memref<128xi32, #tpu.memory_space<vmem>>) semaphore(%arg30 : memref<!tpu.dma_semaphore, #tpu.memory_space<semaphore_mem>>) {add = true}
      } else {
      }
      %mul3A_281 = arith.constant 8 : i32
      %mul3A_282 = arith.muli %scan3A_162, %mul3A_281 : i32
      %add3A_283 = arith.constant 5 : i32
      %add3A_284 = arith.addi %mul3A_282, %add3A_283 : i32
      %add3A_285 = arith.constant 4 : i32
      %add3A_286 = arith.addi %add3A_284, %add3A_285 : i32
      %lt3A_287 = arith.cmpi slt, %add3A_286, %sub3A_49 : i32
      %ge3A_288 = arith.constant 4 : i32
      %ge3A_289 = arith.cmpi sge, %add3A_284, %ge3A_288 : i32
      %and3A_290 = arith.andi %lt3A_287, %ge3A_289 : i1
      %convert_element_type3A_291 = arith.extui %and3A_290 : i1 to i32
      %cond3A_292 = arith.constant 0 : i32
      %cond3A_293 = arith.cmpi ne, %convert_element_type3A_291, %cond3A_292 : i32
      scf.if %cond3A_293 {
        %dma_wait3A_353 = arith.constant 0 : i32
        %dma_wait3A_354 = arith.constant 0 : i32
        %dma_wait3A_355 = tpu.memref_slice %arg7[%dma_wait3A_353, %dma_wait3A_354] : memref<79x128xi32, #tpu.memory_space<vmem>> -> memref<1x128xi32, #tpu.memory_space<vmem>>
        %dma_wait3A_356 = tpu.memref_squeeze %dma_wait3A_355 : memref<1x128xi32, #tpu.memory_space<vmem>> -> memref<128xi32, #tpu.memory_space<vmem>>
        %dma_wait3A_357 = arith.constant 0 : i32
        %dma_wait3A_358 = arith.constant 0 : i32
        %dma_wait3A_359 = tpu.memref_slice %arg17[%dma_wait3A_357, %dma_wait3A_358] : memref<10016x16xf32, #tpu.memory_space<vmem_shared>> -> memref<10016x16xf32, #tpu.memory_space<vmem_shared>>
        tpu.wait_indirect_dma semaphore(%arg27 : memref<!tpu.dma_semaphore, #tpu.memory_space<semaphore_mem>>) src(%arg9 : memref<128x16xf32, #tpu.memory_space<vmem>>) dst(%dma_wait3A_359 : memref<10016x16xf32, #tpu.memory_space<vmem_shared>>)
        %add3A_360 = arith.addi %sub3A_48, %add3A_286 : i32
        %dma_start3A_361 = arith.constant 0 : i32
        %dma_start3A_362 = tpu.memref_slice %arg6[%add3A_360, %dma_start3A_361] : memref<79x128xi32, #tpu.memory_space<vmem>> -> memref<1x128xi32, #tpu.memory_space<vmem>>
        %dma_start3A_363 = tpu.memref_squeeze %dma_start3A_362 : memref<1x128xi32, #tpu.memory_space<vmem>> -> memref<128xi32, #tpu.memory_space<vmem>>
        %dma_start3A_364 = arith.constant 0 : i32
        %dma_start3A_365 = arith.constant 0 : i32
        %dma_start3A_366 = tpu.memref_slice %arg3[%dma_start3A_364, %dma_start3A_365] : memref<10000x16xf32, #tpu.memory_space<hbm>> -> memref<10000x16xf32, #tpu.memory_space<hbm>>
        tpu.enqueue_indirect_dma source(%dma_start3A_366 : memref<10000x16xf32, #tpu.memory_space<hbm>>) target(%arg9 : memref<128x16xf32, #tpu.memory_space<vmem>>) offsets(%dma_start3A_363 : memref<128xi32, #tpu.memory_space<vmem>>) semaphore(%arg19 : memref<!tpu.dma_semaphore, #tpu.memory_space<semaphore_mem>>)
      } else {
      }
      %lt3A_294 = arith.cmpi slt, %add3A_286, %sub3A_49 : i32
      %lt3A_295 = arith.constant 4 : i32
      %lt3A_296 = arith.cmpi slt, %add3A_284, %lt3A_295 : i32
      %and3A_297 = arith.andi %lt3A_294, %lt3A_296 : i1
      %convert_element_type3A_298 = arith.extui %and3A_297 : i1 to i32
      %cond3A_299 = arith.constant 0 : i32
      %cond3A_300 = arith.cmpi ne, %convert_element_type3A_298, %cond3A_299 : i32
      scf.if %cond3A_300 {
        %add3A_353 = arith.addi %sub3A_48, %add3A_286 : i32
        %dma_start3A_354 = arith.constant 0 : i32
        %dma_start3A_355 = tpu.memref_slice %arg6[%add3A_353, %dma_start3A_354] : memref<79x128xi32, #tpu.memory_space<vmem>> -> memref<1x128xi32, #tpu.memory_space<vmem>>
        %dma_start3A_356 = tpu.memref_squeeze %dma_start3A_355 : memref<1x128xi32, #tpu.memory_space<vmem>> -> memref<128xi32, #tpu.memory_space<vmem>>
        %dma_start3A_357 = arith.constant 0 : i32
        %dma_start3A_358 = arith.constant 0 : i32
        %dma_start3A_359 = tpu.memref_slice %arg3[%dma_start3A_357, %dma_start3A_358] : memref<10000x16xf32, #tpu.memory_space<hbm>> -> memref<10000x16xf32, #tpu.memory_space<hbm>>
        tpu.enqueue_indirect_dma source(%dma_start3A_359 : memref<10000x16xf32, #tpu.memory_space<hbm>>) target(%arg9 : memref<128x16xf32, #tpu.memory_space<vmem>>) offsets(%dma_start3A_356 : memref<128xi32, #tpu.memory_space<vmem>>) semaphore(%arg19 : memref<!tpu.dma_semaphore, #tpu.memory_space<semaphore_mem>>)
      } else {
      }
      %lt3A_301 = arith.cmpi slt, %add3A_284, %sub3A_49 : i32
      %convert_element_type3A_302 = arith.extui %lt3A_301 : i1 to i32
      %cond3A_303 = arith.constant 0 : i32
      %cond3A_304 = arith.cmpi ne, %convert_element_type3A_302, %cond3A_303 : i32
      scf.if %cond3A_304 {
        %dma_wait3A_353 = arith.constant 0 : i32
        %dma_wait3A_354 = arith.constant 0 : i32
        %dma_wait3A_355 = tpu.memref_slice %arg3[%dma_wait3A_353, %dma_wait3A_354] : memref<10000x16xf32, #tpu.memory_space<hbm>> -> memref<128x16xf32, #tpu.memory_space<hbm>>
        %dma_wait3A_356 = arith.constant 0 : i32
        %dma_wait3A_357 = arith.constant 0 : i32
        %dma_wait3A_358 = tpu.memref_slice %arg3[%dma_wait3A_356, %dma_wait3A_357] : memref<10000x16xf32, #tpu.memory_space<hbm>> -> memref<128x16xf32, #tpu.memory_space<hbm>>
        tpu.wait_dma2 semaphore(%arg23 : memref<!tpu.dma_semaphore, #tpu.memory_space<semaphore_mem>>) src(%dma_wait3A_358 : memref<128x16xf32, #tpu.memory_space<hbm>>) dst(%arg13 : memref<128x16xf32, #tpu.memory_space<vmem>>)
        %add3A_359 = arith.addi %sub3A_48, %add3A_284 : i32
        %dma_start3A_360 = arith.constant 0 : i32
        %dma_start3A_361 = tpu.memref_slice %arg7[%add3A_359, %dma_start3A_360] : memref<79x128xi32, #tpu.memory_space<vmem>> -> memref<1x128xi32, #tpu.memory_space<vmem>>
        %dma_start3A_362 = tpu.memref_squeeze %dma_start3A_361 : memref<1x128xi32, #tpu.memory_space<vmem>> -> memref<128xi32, #tpu.memory_space<vmem>>
        %dma_start3A_363 = arith.constant 0 : i32
        %dma_start3A_364 = arith.constant 0 : i32
        %dma_start3A_365 = tpu.memref_slice %arg17[%dma_start3A_363, %dma_start3A_364] : memref<10016x16xf32, #tpu.memory_space<vmem_shared>> -> memref<10016x16xf32, #tpu.memory_space<vmem_shared>>
        tpu.enqueue_indirect_dma source(%arg13 : memref<128x16xf32, #tpu.memory_space<vmem>>) target(%dma_start3A_365 : memref<10016x16xf32, #tpu.memory_space<vmem_shared>>) offsets(%dma_start3A_362 : memref<128xi32, #tpu.memory_space<vmem>>) semaphore(%arg31 : memref<!tpu.dma_semaphore, #tpu.memory_space<semaphore_mem>>) {add = true}
      } else {
      }
      %mul3A_305 = arith.constant 8 : i32
      %mul3A_306 = arith.muli %scan3A_162, %mul3A_305 : i32
      %add3A_307 = arith.constant 6 : i32
      %add3A_308 = arith.addi %mul3A_306, %add3A_307 : i32
      %add3A_309 = arith.constant 4 : i32
      %add3A_310 = arith.addi %add3A_308, %add3A_309 : i32
      %lt3A_311 = arith.cmpi slt, %add3A_310, %sub3A_49 : i32
      %ge3A_312 = arith.constant 4 : i32
      %ge3A_313 = arith.cmpi sge, %add3A_308, %ge3A_312 : i32
      %and3A_314 = arith.andi %lt3A_311, %ge3A_313 : i1
      %convert_element_type3A_315 = arith.extui %and3A_314 : i1 to i32
      %cond3A_316 = arith.constant 0 : i32
      %cond3A_317 = arith.cmpi ne, %convert_element_type3A_315, %cond3A_316 : i32
      scf.if %cond3A_317 {
        %dma_wait3A_353 = arith.constant 0 : i32
        %dma_wait3A_354 = arith.constant 0 : i32
        %dma_wait3A_355 = tpu.memref_slice %arg7[%dma_wait3A_353, %dma_wait3A_354] : memref<79x128xi32, #tpu.memory_space<vmem>> -> memref<1x128xi32, #tpu.memory_space<vmem>>
        %dma_wait3A_356 = tpu.memref_squeeze %dma_wait3A_355 : memref<1x128xi32, #tpu.memory_space<vmem>> -> memref<128xi32, #tpu.memory_space<vmem>>
        %dma_wait3A_357 = arith.constant 0 : i32
        %dma_wait3A_358 = arith.constant 0 : i32
        %dma_wait3A_359 = tpu.memref_slice %arg17[%dma_wait3A_357, %dma_wait3A_358] : memref<10016x16xf32, #tpu.memory_space<vmem_shared>> -> memref<10016x16xf32, #tpu.memory_space<vmem_shared>>
        tpu.wait_indirect_dma semaphore(%arg28 : memref<!tpu.dma_semaphore, #tpu.memory_space<semaphore_mem>>) src(%arg10 : memref<128x16xf32, #tpu.memory_space<vmem>>) dst(%dma_wait3A_359 : memref<10016x16xf32, #tpu.memory_space<vmem_shared>>)
        %add3A_360 = arith.addi %sub3A_48, %add3A_310 : i32
        %dma_start3A_361 = arith.constant 0 : i32
        %dma_start3A_362 = tpu.memref_slice %arg6[%add3A_360, %dma_start3A_361] : memref<79x128xi32, #tpu.memory_space<vmem>> -> memref<1x128xi32, #tpu.memory_space<vmem>>
        %dma_start3A_363 = tpu.memref_squeeze %dma_start3A_362 : memref<1x128xi32, #tpu.memory_space<vmem>> -> memref<128xi32, #tpu.memory_space<vmem>>
        %dma_start3A_364 = arith.constant 0 : i32
        %dma_start3A_365 = arith.constant 0 : i32
        %dma_start3A_366 = tpu.memref_slice %arg3[%dma_start3A_364, %dma_start3A_365] : memref<10000x16xf32, #tpu.memory_space<hbm>> -> memref<10000x16xf32, #tpu.memory_space<hbm>>
        tpu.enqueue_indirect_dma source(%dma_start3A_366 : memref<10000x16xf32, #tpu.memory_space<hbm>>) target(%arg10 : memref<128x16xf32, #tpu.memory_space<vmem>>) offsets(%dma_start3A_363 : memref<128xi32, #tpu.memory_space<vmem>>) semaphore(%arg20 : memref<!tpu.dma_semaphore, #tpu.memory_space<semaphore_mem>>)
      } else {
      }
      %lt3A_318 = arith.cmpi slt, %add3A_310, %sub3A_49 : i32
      %lt3A_319 = arith.constant 4 : i32
      %lt3A_320 = arith.cmpi slt, %add3A_308, %lt3A_319 : i32
      %and3A_321 = arith.andi %lt3A_318, %lt3A_320 : i1
      %convert_element_type3A_322 = arith.extui %and3A_321 : i1 to i32
      %cond3A_323 = arith.constant 0 : i32
      %cond3A_324 = arith.cmpi ne, %convert_element_type3A_322, %cond3A_323 : i32
      scf.if %cond3A_324 {
        %add3A_353 = arith.addi %sub3A_48, %add3A_310 : i32
        %dma_start3A_354 = arith.constant 0 : i32
        %dma_start3A_355 = tpu.memref_slice %arg6[%add3A_353, %dma_start3A_354] : memref<79x128xi32, #tpu.memory_space<vmem>> -> memref<1x128xi32, #tpu.memory_space<vmem>>
        %dma_start3A_356 = tpu.memref_squeeze %dma_start3A_355 : memref<1x128xi32, #tpu.memory_space<vmem>> -> memref<128xi32, #tpu.memory_space<vmem>>
        %dma_start3A_357 = arith.constant 0 : i32
        %dma_start3A_358 = arith.constant 0 : i32
        %dma_start3A_359 = tpu.memref_slice %arg3[%dma_start3A_357, %dma_start3A_358] : memref<10000x16xf32, #tpu.memory_space<hbm>> -> memref<10000x16xf32, #tpu.memory_space<hbm>>
        tpu.enqueue_indirect_dma source(%dma_start3A_359 : memref<10000x16xf32, #tpu.memory_space<hbm>>) target(%arg10 : memref<128x16xf32, #tpu.memory_space<vmem>>) offsets(%dma_start3A_356 : memref<128xi32, #tpu.memory_space<vmem>>) semaphore(%arg20 : memref<!tpu.dma_semaphore, #tpu.memory_space<semaphore_mem>>)
      } else {
      }
      %lt3A_325 = arith.cmpi slt, %add3A_308, %sub3A_49 : i32
      %convert_element_type3A_326 = arith.extui %lt3A_325 : i1 to i32
      %cond3A_327 = arith.constant 0 : i32
      %cond3A_328 = arith.cmpi ne, %convert_element_type3A_326, %cond3A_327 : i32
      scf.if %cond3A_328 {
        %dma_wait3A_353 = arith.constant 0 : i32
        %dma_wait3A_354 = arith.constant 0 : i32
        %dma_wait3A_355 = tpu.memref_slice %arg3[%dma_wait3A_353, %dma_wait3A_354] : memref<10000x16xf32, #tpu.memory_space<hbm>> -> memref<128x16xf32, #tpu.memory_space<hbm>>
        %dma_wait3A_356 = arith.constant 0 : i32
        %dma_wait3A_357 = arith.constant 0 : i32
        %dma_wait3A_358 = tpu.memref_slice %arg3[%dma_wait3A_356, %dma_wait3A_357] : memref<10000x16xf32, #tpu.memory_space<hbm>> -> memref<128x16xf32, #tpu.memory_space<hbm>>
        tpu.wait_dma2 semaphore(%arg24 : memref<!tpu.dma_semaphore, #tpu.memory_space<semaphore_mem>>) src(%dma_wait3A_358 : memref<128x16xf32, #tpu.memory_space<hbm>>) dst(%arg14 : memref<128x16xf32, #tpu.memory_space<vmem>>)
        %add3A_359 = arith.addi %sub3A_48, %add3A_308 : i32
        %dma_start3A_360 = arith.constant 0 : i32
        %dma_start3A_361 = tpu.memref_slice %arg7[%add3A_359, %dma_start3A_360] : memref<79x128xi32, #tpu.memory_space<vmem>> -> memref<1x128xi32, #tpu.memory_space<vmem>>
        %dma_start3A_362 = tpu.memref_squeeze %dma_start3A_361 : memref<1x128xi32, #tpu.memory_space<vmem>> -> memref<128xi32, #tpu.memory_space<vmem>>
        %dma_start3A_363 = arith.constant 0 : i32
        %dma_start3A_364 = arith.constant 0 : i32
        %dma_start3A_365 = tpu.memref_slice %arg17[%dma_start3A_363, %dma_start3A_364] : memref<10016x16xf32, #tpu.memory_space<vmem_shared>> -> memref<10016x16xf32, #tpu.memory_space<vmem_shared>>
        tpu.enqueue_indirect_dma source(%arg14 : memref<128x16xf32, #tpu.memory_space<vmem>>) target(%dma_start3A_365 : memref<10016x16xf32, #tpu.memory_space<vmem_shared>>) offsets(%dma_start3A_362 : memref<128xi32, #tpu.memory_space<vmem>>) semaphore(%arg32 : memref<!tpu.dma_semaphore, #tpu.memory_space<semaphore_mem>>) {add = true}
      } else {
      }
      %mul3A_329 = arith.constant 8 : i32
      %mul3A_330 = arith.muli %scan3A_162, %mul3A_329 : i32
      %add3A_331 = arith.constant 7 : i32
      %add3A_332 = arith.addi %mul3A_330, %add3A_331 : i32
      %add3A_333 = arith.constant 4 : i32
      %add3A_334 = arith.addi %add3A_332, %add3A_333 : i32
      %lt3A_335 = arith.cmpi slt, %add3A_334, %sub3A_49 : i32
      %ge3A_336 = arith.constant 4 : i32
      %ge3A_337 = arith.cmpi sge, %add3A_332, %ge3A_336 : i32
      %and3A_338 = arith.andi %lt3A_335, %ge3A_337 : i1
      %convert_element_type3A_339 = arith.extui %and3A_338 : i1 to i32
      %cond3A_340 = arith.constant 0 : i32
      %cond3A_341 = arith.cmpi ne, %convert_element_type3A_339, %cond3A_340 : i32
      scf.if %cond3A_341 {
        %dma_wait3A_353 = arith.constant 0 : i32
        %dma_wait3A_354 = arith.constant 0 : i32
        %dma_wait3A_355 = tpu.memref_slice %arg7[%dma_wait3A_353, %dma_wait3A_354] : memref<79x128xi32, #tpu.memory_space<vmem>> -> memref<1x128xi32, #tpu.memory_space<vmem>>
        %dma_wait3A_356 = tpu.memref_squeeze %dma_wait3A_355 : memref<1x128xi32, #tpu.memory_space<vmem>> -> memref<128xi32, #tpu.memory_space<vmem>>
        %dma_wait3A_357 = arith.constant 0 : i32
        %dma_wait3A_358 = arith.constant 0 : i32
        %dma_wait3A_359 = tpu.memref_slice %arg17[%dma_wait3A_357, %dma_wait3A_358] : memref<10016x16xf32, #tpu.memory_space<vmem_shared>> -> memref<10016x16xf32, #tpu.memory_space<vmem_shared>>
        tpu.wait_indirect_dma semaphore(%arg29 : memref<!tpu.dma_semaphore, #tpu.memory_space<semaphore_mem>>) src(%arg11 : memref<128x16xf32, #tpu.memory_space<vmem>>) dst(%dma_wait3A_359 : memref<10016x16xf32, #tpu.memory_space<vmem_shared>>)
        %add3A_360 = arith.addi %sub3A_48, %add3A_334 : i32
        %dma_start3A_361 = arith.constant 0 : i32
        %dma_start3A_362 = tpu.memref_slice %arg6[%add3A_360, %dma_start3A_361] : memref<79x128xi32, #tpu.memory_space<vmem>> -> memref<1x128xi32, #tpu.memory_space<vmem>>
        %dma_start3A_363 = tpu.memref_squeeze %dma_start3A_362 : memref<1x128xi32, #tpu.memory_space<vmem>> -> memref<128xi32, #tpu.memory_space<vmem>>
        %dma_start3A_364 = arith.constant 0 : i32
        %dma_start3A_365 = arith.constant 0 : i32
        %dma_start3A_366 = tpu.memref_slice %arg3[%dma_start3A_364, %dma_start3A_365] : memref<10000x16xf32, #tpu.memory_space<hbm>> -> memref<10000x16xf32, #tpu.memory_space<hbm>>
        tpu.enqueue_indirect_dma source(%dma_start3A_366 : memref<10000x16xf32, #tpu.memory_space<hbm>>) target(%arg11 : memref<128x16xf32, #tpu.memory_space<vmem>>) offsets(%dma_start3A_363 : memref<128xi32, #tpu.memory_space<vmem>>) semaphore(%arg21 : memref<!tpu.dma_semaphore, #tpu.memory_space<semaphore_mem>>)
      } else {
      }
      %lt3A_342 = arith.cmpi slt, %add3A_334, %sub3A_49 : i32
      %lt3A_343 = arith.constant 4 : i32
      %lt3A_344 = arith.cmpi slt, %add3A_332, %lt3A_343 : i32
      %and3A_345 = arith.andi %lt3A_342, %lt3A_344 : i1
      %convert_element_type3A_346 = arith.extui %and3A_345 : i1 to i32
      %cond3A_347 = arith.constant 0 : i32
      %cond3A_348 = arith.cmpi ne, %convert_element_type3A_346, %cond3A_347 : i32
      scf.if %cond3A_348 {
        %add3A_353 = arith.addi %sub3A_48, %add3A_334 : i32
        %dma_start3A_354 = arith.constant 0 : i32
        %dma_start3A_355 = tpu.memref_slice %arg6[%add3A_353, %dma_start3A_354] : memref<79x128xi32, #tpu.memory_space<vmem>> -> memref<1x128xi32, #tpu.memory_space<vmem>>
        %dma_start3A_356 = tpu.memref_squeeze %dma_start3A_355 : memref<1x128xi32, #tpu.memory_space<vmem>> -> memref<128xi32, #tpu.memory_space<vmem>>
        %dma_start3A_357 = arith.constant 0 : i32
        %dma_start3A_358 = arith.constant 0 : i32
        %dma_start3A_359 = tpu.memref_slice %arg3[%dma_start3A_357, %dma_start3A_358] : memref<10000x16xf32, #tpu.memory_space<hbm>> -> memref<10000x16xf32, #tpu.memory_space<hbm>>
        tpu.enqueue_indirect_dma source(%dma_start3A_359 : memref<10000x16xf32, #tpu.memory_space<hbm>>) target(%arg11 : memref<128x16xf32, #tpu.memory_space<vmem>>) offsets(%dma_start3A_356 : memref<128xi32, #tpu.memory_space<vmem>>) semaphore(%arg21 : memref<!tpu.dma_semaphore, #tpu.memory_space<semaphore_mem>>)
      } else {
      }
      %lt3A_349 = arith.cmpi slt, %add3A_332, %sub3A_49 : i32
      %convert_element_type3A_350 = arith.extui %lt3A_349 : i1 to i32
      %cond3A_351 = arith.constant 0 : i32
      %cond3A_352 = arith.cmpi ne, %convert_element_type3A_350, %cond3A_351 : i32
      scf.if %cond3A_352 {
        %dma_wait3A_353 = arith.constant 0 : i32
        %dma_wait3A_354 = arith.constant 0 : i32
        %dma_wait3A_355 = tpu.memref_slice %arg3[%dma_wait3A_353, %dma_wait3A_354] : memref<10000x16xf32, #tpu.memory_space<hbm>> -> memref<128x16xf32, #tpu.memory_space<hbm>>
        %dma_wait3A_356 = arith.constant 0 : i32
        %dma_wait3A_357 = arith.constant 0 : i32
        %dma_wait3A_358 = tpu.memref_slice %arg3[%dma_wait3A_356, %dma_wait3A_357] : memref<10000x16xf32, #tpu.memory_space<hbm>> -> memref<128x16xf32, #tpu.memory_space<hbm>>
        tpu.wait_dma2 semaphore(%arg25 : memref<!tpu.dma_semaphore, #tpu.memory_space<semaphore_mem>>) src(%dma_wait3A_358 : memref<128x16xf32, #tpu.memory_space<hbm>>) dst(%arg15 : memref<128x16xf32, #tpu.memory_space<vmem>>)
        %add3A_359 = arith.addi %sub3A_48, %add3A_332 : i32
        %dma_start3A_360 = arith.constant 0 : i32
        %dma_start3A_361 = tpu.memref_slice %arg7[%add3A_359, %dma_start3A_360] : memref<79x128xi32, #tpu.memory_space<vmem>> -> memref<1x128xi32, #tpu.memory_space<vmem>>
        %dma_start3A_362 = tpu.memref_squeeze %dma_start3A_361 : memref<1x128xi32, #tpu.memory_space<vmem>> -> memref<128xi32, #tpu.memory_space<vmem>>
        %dma_start3A_363 = arith.constant 0 : i32
        %dma_start3A_364 = arith.constant 0 : i32
        %dma_start3A_365 = tpu.memref_slice %arg17[%dma_start3A_363, %dma_start3A_364] : memref<10016x16xf32, #tpu.memory_space<vmem_shared>> -> memref<10016x16xf32, #tpu.memory_space<vmem_shared>>
        tpu.enqueue_indirect_dma source(%arg15 : memref<128x16xf32, #tpu.memory_space<vmem>>) target(%dma_start3A_365 : memref<10016x16xf32, #tpu.memory_space<vmem_shared>>) offsets(%dma_start3A_362 : memref<128xi32, #tpu.memory_space<vmem>>) semaphore(%arg33 : memref<!tpu.dma_semaphore, #tpu.memory_space<semaphore_mem>>) {add = true}
      } else {
      }
    }
    %scan3A_94 = arith.constant 10 : i32
    %dma_wait3A = arith.constant 0 : i32
    %dma_wait3A_95 = arith.constant 0 : i32
    %dma_wait3A_96 = tpu.memref_slice %arg7[%dma_wait3A, %dma_wait3A_95] : memref<79x128xi32, #tpu.memory_space<vmem>> -> memref<1x128xi32, #tpu.memory_space<vmem>>
    %dma_wait3A_97 = tpu.memref_squeeze %dma_wait3A_96 : memref<1x128xi32, #tpu.memory_space<vmem>> -> memref<128xi32, #tpu.memory_space<vmem>>
    %dma_wait3A_98 = arith.constant 0 : i32
    %dma_wait3A_99 = arith.constant 0 : i32
    %dma_wait3A_100 = tpu.memref_slice %arg17[%dma_wait3A_98, %dma_wait3A_99] : memref<10016x16xf32, #tpu.memory_space<vmem_shared>> -> memref<10016x16xf32, #tpu.memory_space<vmem_shared>>
    tpu.wait_indirect_dma semaphore(%arg26 : memref<!tpu.dma_semaphore, #tpu.memory_space<semaphore_mem>>) src(%arg8 : memref<128x16xf32, #tpu.memory_space<vmem>>) dst(%dma_wait3A_100 : memref<10016x16xf32, #tpu.memory_space<vmem_shared>>)
    %dma_wait3A_101 = arith.constant 0 : i32
    %dma_wait3A_102 = arith.constant 0 : i32
    %dma_wait3A_103 = tpu.memref_slice %arg7[%dma_wait3A_101, %dma_wait3A_102] : memref<79x128xi32, #tpu.memory_space<vmem>> -> memref<1x128xi32, #tpu.memory_space<vmem>>
    %dma_wait3A_104 = tpu.memref_squeeze %dma_wait3A_103 : memref<1x128xi32, #tpu.memory_space<vmem>> -> memref<128xi32, #tpu.memory_space<vmem>>
    %dma_wait3A_105 = arith.constant 0 : i32
    %dma_wait3A_106 = arith.constant 0 : i32
    %dma_wait3A_107 = tpu.memref_slice %arg17[%dma_wait3A_105, %dma_wait3A_106] : memref<10016x16xf32, #tpu.memory_space<vmem_shared>> -> memref<10016x16xf32, #tpu.memory_space<vmem_shared>>
    tpu.wait_indirect_dma semaphore(%arg27 : memref<!tpu.dma_semaphore, #tpu.memory_space<semaphore_mem>>) src(%arg9 : memref<128x16xf32, #tpu.memory_space<vmem>>) dst(%dma_wait3A_107 : memref<10016x16xf32, #tpu.memory_space<vmem_shared>>)
    %dma_wait3A_108 = arith.constant 0 : i32
    %dma_wait3A_109 = arith.constant 0 : i32
    %dma_wait3A_110 = tpu.memref_slice %arg7[%dma_wait3A_108, %dma_wait3A_109] : memref<79x128xi32, #tpu.memory_space<vmem>> -> memref<1x128xi32, #tpu.memory_space<vmem>>
    %dma_wait3A_111 = tpu.memref_squeeze %dma_wait3A_110 : memref<1x128xi32, #tpu.memory_space<vmem>> -> memref<128xi32, #tpu.memory_space<vmem>>
    %dma_wait3A_112 = arith.constant 0 : i32
    %dma_wait3A_113 = arith.constant 0 : i32
    %dma_wait3A_114 = tpu.memref_slice %arg17[%dma_wait3A_112, %dma_wait3A_113] : memref<10016x16xf32, #tpu.memory_space<vmem_shared>> -> memref<10016x16xf32, #tpu.memory_space<vmem_shared>>
    tpu.wait_indirect_dma semaphore(%arg28 : memref<!tpu.dma_semaphore, #tpu.memory_space<semaphore_mem>>) src(%arg10 : memref<128x16xf32, #tpu.memory_space<vmem>>) dst(%dma_wait3A_114 : memref<10016x16xf32, #tpu.memory_space<vmem_shared>>)
    %dma_wait3A_115 = arith.constant 0 : i32
    %dma_wait3A_116 = arith.constant 0 : i32
    %dma_wait3A_117 = tpu.memref_slice %arg7[%dma_wait3A_115, %dma_wait3A_116] : memref<79x128xi32, #tpu.memory_space<vmem>> -> memref<1x128xi32, #tpu.memory_space<vmem>>
    %dma_wait3A_118 = tpu.memref_squeeze %dma_wait3A_117 : memref<1x128xi32, #tpu.memory_space<vmem>> -> memref<128xi32, #tpu.memory_space<vmem>>
    %dma_wait3A_119 = arith.constant 0 : i32
    %dma_wait3A_120 = arith.constant 0 : i32
    %dma_wait3A_121 = tpu.memref_slice %arg17[%dma_wait3A_119, %dma_wait3A_120] : memref<10016x16xf32, #tpu.memory_space<vmem_shared>> -> memref<10016x16xf32, #tpu.memory_space<vmem_shared>>
    tpu.wait_indirect_dma semaphore(%arg29 : memref<!tpu.dma_semaphore, #tpu.memory_space<semaphore_mem>>) src(%arg11 : memref<128x16xf32, #tpu.memory_space<vmem>>) dst(%dma_wait3A_121 : memref<10016x16xf32, #tpu.memory_space<vmem_shared>>)
    %dma_wait3A_122 = arith.constant 0 : i32
    %dma_wait3A_123 = arith.constant 0 : i32
    %dma_wait3A_124 = tpu.memref_slice %arg7[%dma_wait3A_122, %dma_wait3A_123] : memref<79x128xi32, #tpu.memory_space<vmem>> -> memref<1x128xi32, #tpu.memory_space<vmem>>
    %dma_wait3A_125 = tpu.memref_squeeze %dma_wait3A_124 : memref<1x128xi32, #tpu.memory_space<vmem>> -> memref<128xi32, #tpu.memory_space<vmem>>
    %dma_wait3A_126 = arith.constant 0 : i32
    %dma_wait3A_127 = arith.constant 0 : i32
    %dma_wait3A_128 = tpu.memref_slice %arg17[%dma_wait3A_126, %dma_wait3A_127] : memref<10016x16xf32, #tpu.memory_space<vmem_shared>> -> memref<10016x16xf32, #tpu.memory_space<vmem_shared>>
    tpu.wait_indirect_dma semaphore(%arg30 : memref<!tpu.dma_semaphore, #tpu.memory_space<semaphore_mem>>) src(%arg12 : memref<128x16xf32, #tpu.memory_space<vmem>>) dst(%dma_wait3A_128 : memref<10016x16xf32, #tpu.memory_space<vmem_shared>>)
    %dma_wait3A_129 = arith.constant 0 : i32
    %dma_wait3A_130 = arith.constant 0 : i32
    %dma_wait3A_131 = tpu.memref_slice %arg7[%dma_wait3A_129, %dma_wait3A_130] : memref<79x128xi32, #tpu.memory_space<vmem>> -> memref<1x128xi32, #tpu.memory_space<vmem>>
    %dma_wait3A_132 = tpu.memref_squeeze %dma_wait3A_131 : memref<1x128xi32, #tpu.memory_space<vmem>> -> memref<128xi32, #tpu.memory_space<vmem>>
    %dma_wait3A_133 = arith.constant 0 : i32
    %dma_wait3A_134 = arith.constant 0 : i32
    %dma_wait3A_135 = tpu.memref_slice %arg17[%dma_wait3A_133, %dma_wait3A_134] : memref<10016x16xf32, #tpu.memory_space<vmem_shared>> -> memref<10016x16xf32, #tpu.memory_space<vmem_shared>>
    tpu.wait_indirect_dma semaphore(%arg31 : memref<!tpu.dma_semaphore, #tpu.memory_space<semaphore_mem>>) src(%arg13 : memref<128x16xf32, #tpu.memory_space<vmem>>) dst(%dma_wait3A_135 : memref<10016x16xf32, #tpu.memory_space<vmem_shared>>)
    %dma_wait3A_136 = arith.constant 0 : i32
    %dma_wait3A_137 = arith.constant 0 : i32
    %dma_wait3A_138 = tpu.memref_slice %arg7[%dma_wait3A_136, %dma_wait3A_137] : memref<79x128xi32, #tpu.memory_space<vmem>> -> memref<1x128xi32, #tpu.memory_space<vmem>>
    %dma_wait3A_139 = tpu.memref_squeeze %dma_wait3A_138 : memref<1x128xi32, #tpu.memory_space<vmem>> -> memref<128xi32, #tpu.memory_space<vmem>>
    %dma_wait3A_140 = arith.constant 0 : i32
    %dma_wait3A_141 = arith.constant 0 : i32
    %dma_wait3A_142 = tpu.memref_slice %arg17[%dma_wait3A_140, %dma_wait3A_141] : memref<10016x16xf32, #tpu.memory_space<vmem_shared>> -> memref<10016x16xf32, #tpu.memory_space<vmem_shared>>
    tpu.wait_indirect_dma semaphore(%arg32 : memref<!tpu.dma_semaphore, #tpu.memory_space<semaphore_mem>>) src(%arg14 : memref<128x16xf32, #tpu.memory_space<vmem>>) dst(%dma_wait3A_142 : memref<10016x16xf32, #tpu.memory_space<vmem_shared>>)
    %dma_wait3A_143 = arith.constant 0 : i32
    %dma_wait3A_144 = arith.constant 0 : i32
    %dma_wait3A_145 = tpu.memref_slice %arg7[%dma_wait3A_143, %dma_wait3A_144] : memref<79x128xi32, #tpu.memory_space<vmem>> -> memref<1x128xi32, #tpu.memory_space<vmem>>
    %dma_wait3A_146 = tpu.memref_squeeze %dma_wait3A_145 : memref<1x128xi32, #tpu.memory_space<vmem>> -> memref<128xi32, #tpu.memory_space<vmem>>
    %dma_wait3A_147 = arith.constant 0 : i32
    %dma_wait3A_148 = arith.constant 0 : i32
    %dma_wait3A_149 = tpu.memref_slice %arg17[%dma_wait3A_147, %dma_wait3A_148] : memref<10016x16xf32, #tpu.memory_space<vmem_shared>> -> memref<10016x16xf32, #tpu.memory_space<vmem_shared>>
    tpu.wait_indirect_dma semaphore(%arg33 : memref<!tpu.dma_semaphore, #tpu.memory_space<semaphore_mem>>) src(%arg15 : memref<128x16xf32, #tpu.memory_space<vmem>>) dst(%dma_wait3A_149 : memref<10016x16xf32, #tpu.memory_space<vmem_shared>>)
    %barrier3A_150 = arith.constant 0 : index
    tpu.barrier barrier_id(%barrier3A_150)
    %scan3A_151 = arith.constant 0 : i32
    %scan3A_152 = arith.constant 0 : i32
    %scan3A_153 = arith.constant 5 : i32
    %scan3A_154 = arith.addi %scan3A_152, %scan3A_153 : i32
    %scan3A_155 = arith.constant 1 : i32
    scf.for %scan3A_162 = %scan3A_152 to %scan3A_154 step %scan3A_155  : i32 {
      %mul3A_163 = arith.constant 16 : i32
      %mul3A_164 = arith.muli %scan3A_162, %mul3A_163 : i32
      %add3A_165 = arith.addi %arg1, %mul3A_164 : i32
      %lt3A = arith.constant 78 : i32
      %lt3A_166 = arith.cmpi slt, %add3A_165, %lt3A : i32
      %convert_element_type3A_167 = arith.extui %lt3A_166 : i1 to i32
      %cond3A_168 = arith.constant 0 : i32
      %cond3A_169 = arith.cmpi ne, %convert_element_type3A_167, %cond3A_168 : i32
      scf.if %cond3A_169 {
        %mul3A_170 = arith.constant 128 : i32
        %mul3A_171 = arith.muli %add3A_165, %mul3A_170 : i32
        "tpu.region"() ({
          %run_scoped3A_177 = tpu.sem_alloc : memref<!tpu.dma_semaphore, #tpu.memory_space<semaphore_mem>>
          %dma_start3A_178 = arith.constant 0 : i32
          %dma_start3A_179 = tpu.memref_slice %arg17[%mul3A_171, %dma_start3A_178] : memref<10016x16xf32, #tpu.memory_space<vmem_shared>> -> memref<128x16xf32, #tpu.memory_space<vmem_shared>>
          %dma_start3A_180 = arith.constant 0 : i32
          %dma_start3A_181 = tpu.memref_slice %arg17[%mul3A_171, %dma_start3A_180] : memref<10016x16xf32, #tpu.memory_space<vmem_shared>> -> memref<128x16xf32, #tpu.memory_space<vmem_shared>>
          tpu.enqueue_dma source(%dma_start3A_181 : memref<128x16xf32, #tpu.memory_space<vmem_shared>>) target(%arg8 : memref<128x16xf32, #tpu.memory_space<vmem>>) target_semaphore(%run_scoped3A_177 : memref<!tpu.dma_semaphore, #tpu.memory_space<semaphore_mem>>)
          %dma_wait3A_182 = arith.constant 0 : i32
          %dma_wait3A_183 = tpu.memref_slice %arg17[%mul3A_171, %dma_wait3A_182] : memref<10016x16xf32, #tpu.memory_space<vmem_shared>> -> memref<128x16xf32, #tpu.memory_space<vmem_shared>>
          %dma_wait3A_184 = arith.constant 0 : i32
          %dma_wait3A_185 = tpu.memref_slice %arg17[%mul3A_171, %dma_wait3A_184] : memref<10016x16xf32, #tpu.memory_space<vmem_shared>> -> memref<128x16xf32, #tpu.memory_space<vmem_shared>>
          tpu.wait_dma2 semaphore(%run_scoped3A_177 : memref<!tpu.dma_semaphore, #tpu.memory_space<semaphore_mem>>) src(%dma_wait3A_185 : memref<128x16xf32, #tpu.memory_space<vmem_shared>>) dst(%arg8 : memref<128x16xf32, #tpu.memory_space<vmem>>)
          tpu.yield
        }) : () -> ()
        %mul3A_172 = arith.constant 10000 : i32
        %mul3A_173 = arith.muli %arg0, %mul3A_172 : i32
        %mul3A_174 = arith.constant 128 : i32
        %mul3A_175 = arith.muli %add3A_165, %mul3A_174 : i32
        %add3A_176 = arith.addi %mul3A_173, %mul3A_175 : i32
        "tpu.region"() ({
          %run_scoped3A_177 = tpu.sem_alloc : memref<!tpu.dma_semaphore, #tpu.memory_space<semaphore_mem>>
          %dma_start3A_178 = arith.constant 0 : i32
          %dma_start3A_179 = tpu.memref_slice %arg5[%add3A_176, %dma_start3A_178] : memref<20000x16xf32, #tpu.memory_space<hbm>> -> memref<128x16xf32, #tpu.memory_space<hbm>>
          %dma_start3A_180 = arith.constant 0 : i32
          %dma_start3A_181 = tpu.memref_slice %arg5[%add3A_176, %dma_start3A_180] : memref<20000x16xf32, #tpu.memory_space<hbm>> -> memref<128x16xf32, #tpu.memory_space<hbm>>
          tpu.enqueue_dma source(%arg8 : memref<128x16xf32, #tpu.memory_space<vmem>>) target(%dma_start3A_181 : memref<128x16xf32, #tpu.memory_space<hbm>>) target_semaphore(%run_scoped3A_177 : memref<!tpu.dma_semaphore, #tpu.memory_space<semaphore_mem>>)
          %dma_wait3A_182 = arith.constant 0 : i32
          %dma_wait3A_183 = tpu.memref_slice %arg5[%add3A_176, %dma_wait3A_182] : memref<20000x16xf32, #tpu.memory_space<hbm>> -> memref<128x16xf32, #tpu.memory_space<hbm>>
          %dma_wait3A_184 = arith.constant 0 : i32
          %dma_wait3A_185 = tpu.memref_slice %arg5[%add3A_176, %dma_wait3A_184] : memref<20000x16xf32, #tpu.memory_space<hbm>> -> memref<128x16xf32, #tpu.memory_space<hbm>>
          tpu.wait_dma2 semaphore(%run_scoped3A_177 : memref<!tpu.dma_semaphore, #tpu.memory_space<semaphore_mem>>) src(%arg8 : memref<128x16xf32, #tpu.memory_space<vmem>>) dst(%dma_wait3A_185 : memref<128x16xf32, #tpu.memory_space<hbm>>)
          tpu.yield
        }) : () -> ()
      } else {
      }
    }
    %scan3A_156 = arith.constant 5 : i32
    %eq3A_157 = arith.constant 0 : i32
    %eq3A_158 = arith.cmpi eq, %arg1, %eq3A_157 : i32
    %convert_element_type3A_159 = arith.extui %eq3A_158 : i1 to i32
    %cond3A_160 = arith.constant 0 : i32
    %cond3A_161 = arith.cmpi ne, %convert_element_type3A_159, %cond3A_160 : i32
    scf.if %cond3A_161 {
      "tpu.region"() ({
        %run_scoped3A_166 = tpu.sem_alloc : memref<!tpu.dma_semaphore, #tpu.memory_space<semaphore_mem>>
        %dma_start3A_167 = arith.constant 0 : i32
        %dma_start3A_168 = arith.constant 0 : i32
        %dma_start3A_169 = tpu.memref_slice %arg8[%dma_start3A_167, %dma_start3A_168] : memref<128x16xf32, #tpu.memory_space<vmem>> -> memref<16x16xf32, #tpu.memory_space<vmem>>
        %dma_start3A_170 = arith.constant 9984 : i32
        %dma_start3A_171 = arith.constant 0 : i32
        %dma_start3A_172 = tpu.memref_slice %arg17[%dma_start3A_170, %dma_start3A_171] : memref<10016x16xf32, #tpu.memory_space<vmem_shared>> -> memref<16x16xf32, #tpu.memory_space<vmem_shared>>
        %dma_start3A_173 = arith.constant 0 : i32
        %dma_start3A_174 = arith.constant 0 : i32
        %dma_start3A_175 = tpu.memref_slice %arg8[%dma_start3A_173, %dma_start3A_174] : memref<128x16xf32, #tpu.memory_space<vmem>> -> memref<16x16xf32, #tpu.memory_space<vmem>>
        %dma_start3A_176 = arith.constant 9984 : i32
        %dma_start3A_177 = arith.constant 0 : i32
        %dma_start3A_178 = tpu.memref_slice %arg17[%dma_start3A_176, %dma_start3A_177] : memref<10016x16xf32, #tpu.memory_space<vmem_shared>> -> memref<16x16xf32, #tpu.memory_space<vmem_shared>>
        tpu.enqueue_dma source(%dma_start3A_178 : memref<16x16xf32, #tpu.memory_space<vmem_shared>>) target(%dma_start3A_175 : memref<16x16xf32, #tpu.memory_space<vmem>>) target_semaphore(%run_scoped3A_166 : memref<!tpu.dma_semaphore, #tpu.memory_space<semaphore_mem>>)
        %dma_wait3A_179 = arith.constant 0 : i32
        %dma_wait3A_180 = arith.constant 0 : i32
        %dma_wait3A_181 = tpu.memref_slice %arg8[%dma_wait3A_179, %dma_wait3A_180] : memref<128x16xf32, #tpu.memory_space<vmem>> -> memref<16x16xf32, #tpu.memory_space<vmem>>
        %dma_wait3A_182 = arith.constant 9984 : i32
        %dma_wait3A_183 = arith.constant 0 : i32
        %dma_wait3A_184 = tpu.memref_slice %arg17[%dma_wait3A_182, %dma_wait3A_183] : memref<10016x16xf32, #tpu.memory_space<vmem_shared>> -> memref<16x16xf32, #tpu.memory_space<vmem_shared>>
        %dma_wait3A_185 = arith.constant 0 : i32
        %dma_wait3A_186 = arith.constant 0 : i32
        %dma_wait3A_187 = tpu.memref_slice %arg8[%dma_wait3A_185, %dma_wait3A_186] : memref<128x16xf32, #tpu.memory_space<vmem>> -> memref<16x16xf32, #tpu.memory_space<vmem>>
        %dma_wait3A_188 = arith.constant 9984 : i32
        %dma_wait3A_189 = arith.constant 0 : i32
        %dma_wait3A_190 = tpu.memref_slice %arg17[%dma_wait3A_188, %dma_wait3A_189] : memref<10016x16xf32, #tpu.memory_space<vmem_shared>> -> memref<16x16xf32, #tpu.memory_space<vmem_shared>>
        tpu.wait_dma2 semaphore(%run_scoped3A_166 : memref<!tpu.dma_semaphore, #tpu.memory_space<semaphore_mem>>) src(%dma_wait3A_190 : memref<16x16xf32, #tpu.memory_space<vmem_shared>>) dst(%dma_wait3A_187 : memref<16x16xf32, #tpu.memory_space<vmem>>)
        tpu.yield
      }) : () -> ()
      %mul3A_162 = arith.constant 10000 : i32
      %mul3A_163 = arith.muli %arg0, %mul3A_162 : i32
      %add3A_164 = arith.constant 9984 : i32
      %add3A_165 = arith.addi %mul3A_163, %add3A_164 : i32
      "tpu.region"() ({
        %run_scoped3A_166 = tpu.sem_alloc : memref<!tpu.dma_semaphore, #tpu.memory_space<semaphore_mem>>
        %dma_start3A_167 = arith.constant 0 : i32
        %dma_start3A_168 = arith.constant 0 : i32
        %dma_start3A_169 = tpu.memref_slice %arg8[%dma_start3A_167, %dma_start3A_168] : memref<128x16xf32, #tpu.memory_space<vmem>> -> memref<16x16xf32, #tpu.memory_space<vmem>>
        %dma_start3A_170 = arith.constant 0 : i32
        %dma_start3A_171 = tpu.memref_slice %arg5[%add3A_165, %dma_start3A_170] : memref<20000x16xf32, #tpu.memory_space<hbm>> -> memref<16x16xf32, #tpu.memory_space<hbm>>
        %dma_start3A_172 = arith.constant 0 : i32
        %dma_start3A_173 = tpu.memref_slice %arg5[%add3A_165, %dma_start3A_172] : memref<20000x16xf32, #tpu.memory_space<hbm>> -> memref<16x16xf32, #tpu.memory_space<hbm>>
        %dma_start3A_174 = arith.constant 0 : i32
        %dma_start3A_175 = arith.constant 0 : i32
        %dma_start3A_176 = tpu.memref_slice %arg8[%dma_start3A_174, %dma_start3A_175] : memref<128x16xf32, #tpu.memory_space<vmem>> -> memref<16x16xf32, #tpu.memory_space<vmem>>
        tpu.enqueue_dma source(%dma_start3A_176 : memref<16x16xf32, #tpu.memory_space<vmem>>) target(%dma_start3A_173 : memref<16x16xf32, #tpu.memory_space<hbm>>) target_semaphore(%run_scoped3A_166 : memref<!tpu.dma_semaphore, #tpu.memory_space<semaphore_mem>>)
        %dma_wait3A_177 = arith.constant 0 : i32
        %dma_wait3A_178 = arith.constant 0 : i32
        %dma_wait3A_179 = tpu.memref_slice %arg8[%dma_wait3A_177, %dma_wait3A_178] : memref<128x16xf32, #tpu.memory_space<vmem>> -> memref<16x16xf32, #tpu.memory_space<vmem>>
        %dma_wait3A_180 = arith.constant 0 : i32
        %dma_wait3A_181 = tpu.memref_slice %arg5[%add3A_165, %dma_wait3A_180] : memref<20000x16xf32, #tpu.memory_space<hbm>> -> memref<16x16xf32, #tpu.memory_space<hbm>>
        %dma_wait3A_182 = arith.constant 0 : i32
        %dma_wait3A_183 = tpu.memref_slice %arg5[%add3A_165, %dma_wait3A_182] : memref<20000x16xf32, #tpu.memory_space<hbm>> -> memref<16x16xf32, #tpu.memory_space<hbm>>
        %dma_wait3A_184 = arith.constant 0 : i32
        %dma_wait3A_185 = arith.constant 0 : i32
        %dma_wait3A_186 = tpu.memref_slice %arg8[%dma_wait3A_184, %dma_wait3A_185] : memref<128x16xf32, #tpu.memory_space<vmem>> -> memref<16x16xf32, #tpu.memory_space<vmem>>
        tpu.wait_dma2 semaphore(%run_scoped3A_166 : memref<!tpu.dma_semaphore, #tpu.memory_space<semaphore_mem>>) src(%dma_wait3A_186 : memref<16x16xf32, #tpu.memory_space<vmem>>) dst(%dma_wait3A_183 : memref<16x16xf32, #tpu.memory_space<hbm>>)
        tpu.yield
      }) : () -> ()
    } else {
    }
    return
  }
}

#map = affine_map<(d0, d1) -> (0, 0, 0)>
#map1 = affine_map<(d0, d1) -> (0, 0)>
module attributes {stable_mosaic.version = 14 : i64} {
  func.func @agg_kernel(%arg0: i32, %arg1: i32, %arg2: memref<2x2500x128xi32, #tpu.memory_space<hbm>>, %arg3: memref<10000x16xf32, #tpu.memory_space<hbm>>, %arg4: memref<128x16xf32, #tpu.memory_space<hbm>>, %arg5: memref<20000x16xf32, #tpu.memory_space<hbm>>, %arg6: memref<79x128xi32, #tpu.memory_space<vmem>>, %arg7: memref<79x128xi32, #tpu.memory_space<vmem>>, %arg8: memref<128x16xf32, #tpu.memory_space<vmem>>, %arg9: memref<128x16xf32, #tpu.memory_space<vmem>>, %arg10: memref<128x16xf32, #tpu.memory_space<vmem>>, %arg11: memref<128x16xf32, #tpu.memory_space<vmem>>, %arg12: memref<128x16xf32, #tpu.memory_space<vmem>>, %arg13: memref<128x16xf32, #tpu.memory_space<vmem>>, %arg14: memref<128x16xf32, #tpu.memory_space<vmem>>, %arg15: memref<128x16xf32, #tpu.memory_space<vmem>>, %arg16: memref<128x16xf32, #tpu.memory_space<vmem>>, %arg17: memref<10016x16xf32, #tpu.memory_space<vmem_shared>>, %arg18: memref<!tpu.dma_semaphore, #tpu.memory_space<semaphore_mem>>, %arg19: memref<!tpu.dma_semaphore, #tpu.memory_space<semaphore_mem>>, %arg20: memref<!tpu.dma_semaphore, #tpu.memory_space<semaphore_mem>>, %arg21: memref<!tpu.dma_semaphore, #tpu.memory_space<semaphore_mem>>, %arg22: memref<!tpu.dma_semaphore, #tpu.memory_space<semaphore_mem>>, %arg23: memref<!tpu.dma_semaphore, #tpu.memory_space<semaphore_mem>>, %arg24: memref<!tpu.dma_semaphore, #tpu.memory_space<semaphore_mem>>, %arg25: memref<!tpu.dma_semaphore, #tpu.memory_space<semaphore_mem>>, %arg26: memref<!tpu.dma_semaphore, #tpu.memory_space<semaphore_mem>>, %arg27: memref<!tpu.dma_semaphore, #tpu.memory_space<semaphore_mem>>, %arg28: memref<!tpu.dma_semaphore, #tpu.memory_space<semaphore_mem>>, %arg29: memref<!tpu.dma_semaphore, #tpu.memory_space<semaphore_mem>>, %arg30: memref<!tpu.dma_semaphore, #tpu.memory_space<semaphore_mem>>, %arg31: memref<!tpu.dma_semaphore, #tpu.memory_space<semaphore_mem>>, %arg32: memref<!tpu.dma_semaphore, #tpu.memory_space<semaphore_mem>>, %arg33: memref<!tpu.dma_semaphore, #tpu.memory_space<semaphore_mem>>) attributes {dimension_semantics = [#tpu.dimension_semantics<core_parallel>, #tpu.dimension_semantics<subcore_parallel>], iteration_bounds = array<i64: 2, 16>, scalar_prefetch = 0 : i64, scratch_operands = 28 : i64, tpu.core_type = #tpu.core_type<sc_vector_subcore>, window_params = [{transform_indices = #map}, {transform_indices = #map1}, {transform_indices = #map1}, {transform_indices = #map1}]} {
    %mul3A = arith.constant 16 : i32
    %mul3A_0 = arith.muli %arg0, %mul3A : i32
    %add3A = arith.addi %mul3A_0, %arg1 : i32
    %mul3A_1 = arith.constant 2500 : i32
    %mul3A_2 = arith.muli %add3A, %mul3A_1 : i32
    %jit3A = arith.constant 32 : i32
    %div3A = arith.divsi %mul3A_2, %jit3A : i32
    %sign3A = arith.constant 0 : i32
    %sign3A_3 = arith.cmpi sgt, %mul3A_2, %sign3A : i32
    %sign3A_4 = arith.extui %sign3A_3 : i1 to i32
    %sign3A_5 = arith.constant 0 : i32
    %sign3A_6 = arith.cmpi slt, %mul3A_2, %sign3A_5 : i32
    %sign3A_7 = arith.extui %sign3A_6 : i1 to i32
    %sign3A_8 = arith.subi %sign3A_4, %sign3A_7 : i32
    %sign3A_9 = arith.constant 0 : i32
    %sign3A_10 = arith.cmpi sgt, %jit3A, %sign3A_9 : i32
    %sign3A_11 = arith.extui %sign3A_10 : i1 to i32
    %sign3A_12 = arith.constant 0 : i32
    %sign3A_13 = arith.cmpi slt, %jit3A, %sign3A_12 : i32
    %sign3A_14 = arith.extui %sign3A_13 : i1 to i32
    %sign3A_15 = arith.subi %sign3A_11, %sign3A_14 : i32
    %ne3A = arith.cmpi ne, %sign3A_8, %sign3A_15 : i32
    %rem3A = arith.remsi %mul3A_2, %jit3A : i32
    %ne3A_16 = arith.constant 0 : i32
    %ne3A_17 = arith.cmpi ne, %rem3A, %ne3A_16 : i32
    %and3A = arith.andi %ne3A, %ne3A_17 : i1
    %sub3A = arith.constant 1 : i32
    %sub3A_18 = arith.subi %div3A, %sub3A : i32
    %select_n3A = arith.select %and3A, %sub3A_18, %div3A : i32
    %add3A_19 = arith.constant 1 : i32
    %add3A_20 = arith.addi %add3A, %add3A_19 : i32
    %mul3A_21 = arith.constant 2500 : i32
    %mul3A_22 = arith.muli %add3A_20, %mul3A_21 : i32
    %jit3A_23 = arith.constant 32 : i32
    %div3A_24 = arith.divsi %mul3A_22, %jit3A_23 : i32
    %sign3A_25 = arith.constant 0 : i32
    %sign3A_26 = arith.cmpi sgt, %mul3A_22, %sign3A_25 : i32
    %sign3A_27 = arith.extui %sign3A_26 : i1 to i32
    %sign3A_28 = arith.constant 0 : i32
    %sign3A_29 = arith.cmpi slt, %mul3A_22, %sign3A_28 : i32
    %sign3A_30 = arith.extui %sign3A_29 : i1 to i32
    %sign3A_31 = arith.subi %sign3A_27, %sign3A_30 : i32
    %sign3A_32 = arith.constant 0 : i32
    %sign3A_33 = arith.cmpi sgt, %jit3A_23, %sign3A_32 : i32
    %sign3A_34 = arith.extui %sign3A_33 : i1 to i32
    %sign3A_35 = arith.constant 0 : i32
    %sign3A_36 = arith.cmpi slt, %jit3A_23, %sign3A_35 : i32
    %sign3A_37 = arith.extui %sign3A_36 : i1 to i32
    %sign3A_38 = arith.subi %sign3A_34, %sign3A_37 : i32
    %ne3A_39 = arith.cmpi ne, %sign3A_31, %sign3A_38 : i32
    %rem3A_40 = arith.remsi %mul3A_22, %jit3A_23 : i32
    %ne3A_41 = arith.constant 0 : i32
    %ne3A_42 = arith.cmpi ne, %rem3A_40, %ne3A_41 : i32
    %and3A_43 = arith.andi %ne3A_39, %ne3A_42 : i1
    %sub3A_44 = arith.constant 1 : i32
    %sub3A_45 = arith.subi %div3A_24, %sub3A_44 : i32
    %select_n3A_46 = arith.select %and3A_43, %sub3A_45, %div3A_24 : i32
    %min3A = arith.constant 2421 : i32
    %min3A_47 = arith.minsi %select_n3A, %min3A : i32
    %sub3A_48 = arith.subi %select_n3A, %min3A_47 : i32
    %sub3A_49 = arith.subi %select_n3A_46, %select_n3A : i32
    "tpu.region"() ({
      %run_scoped3A_162 = tpu.sem_alloc : memref<!tpu.dma_semaphore, #tpu.memory_space<semaphore_mem>>
      tpu.enqueue_dma source(%arg4 : memref<128x16xf32, #tpu.memory_space<hbm>>) target(%arg16 : memref<128x16xf32, #tpu.memory_space<vmem>>) target_semaphore(%run_scoped3A_162 : memref<!tpu.dma_semaphore, #tpu.memory_space<semaphore_mem>>)
      tpu.wait_dma2 semaphore(%run_scoped3A_162 : memref<!tpu.dma_semaphore, #tpu.memory_space<semaphore_mem>>) src(%arg4 : memref<128x16xf32, #tpu.memory_space<hbm>>) dst(%arg16 : memref<128x16xf32, #tpu.memory_space<vmem>>)
      tpu.yield
    }) : () -> ()
    %run_scoped3A = arith.constant 0 : i32
    "tpu.region"() ({
      %run_scoped3A_162 = tpu.sem_alloc : memref<!tpu.dma_semaphore, #tpu.memory_space<semaphore_mem>>
      %dma_start3A_163 = arith.constant 0 : i32
      %dma_start3A_164 = tpu.memref_slice %arg2[%run_scoped3A, %min3A_47, %dma_start3A_163] : memref<2x2500x128xi32, #tpu.memory_space<hbm>> -> memref<1x79x128xi32, #tpu.memory_space<hbm>>
      %dma_start3A_165 = tpu.memref_squeeze %dma_start3A_164 : memref<1x79x128xi32, #tpu.memory_space<hbm>> -> memref<79x128xi32, #tpu.memory_space<hbm>>
      %dma_start3A_166 = arith.constant 0 : i32
      %dma_start3A_167 = tpu.memref_slice %arg2[%run_scoped3A, %min3A_47, %dma_start3A_166] : memref<2x2500x128xi32, #tpu.memory_space<hbm>> -> memref<1x79x128xi32, #tpu.memory_space<hbm>>
      %dma_start3A_168 = tpu.memref_squeeze %dma_start3A_167 : memref<1x79x128xi32, #tpu.memory_space<hbm>> -> memref<79x128xi32, #tpu.memory_space<hbm>>
      tpu.enqueue_dma source(%dma_start3A_168 : memref<79x128xi32, #tpu.memory_space<hbm>>) target(%arg6 : memref<79x128xi32, #tpu.memory_space<vmem>>) target_semaphore(%run_scoped3A_162 : memref<!tpu.dma_semaphore, #tpu.memory_space<semaphore_mem>>)
      %dma_wait3A_169 = arith.constant 0 : i32
      %dma_wait3A_170 = tpu.memref_slice %arg2[%run_scoped3A, %min3A_47, %dma_wait3A_169] : memref<2x2500x128xi32, #tpu.memory_space<hbm>> -> memref<1x79x128xi32, #tpu.memory_space<hbm>>
      %dma_wait3A_171 = tpu.memref_squeeze %dma_wait3A_170 : memref<1x79x128xi32, #tpu.memory_space<hbm>> -> memref<79x128xi32, #tpu.memory_space<hbm>>
      %dma_wait3A_172 = arith.constant 0 : i32
      %dma_wait3A_173 = tpu.memref_slice %arg2[%run_scoped3A, %min3A_47, %dma_wait3A_172] : memref<2x2500x128xi32, #tpu.memory_space<hbm>> -> memref<1x79x128xi32, #tpu.memory_space<hbm>>
      %dma_wait3A_174 = tpu.memref_squeeze %dma_wait3A_173 : memref<1x79x128xi32, #tpu.memory_space<hbm>> -> memref<79x128xi32, #tpu.memory_space<hbm>>
      tpu.wait_dma2 semaphore(%run_scoped3A_162 : memref<!tpu.dma_semaphore, #tpu.memory_space<semaphore_mem>>) src(%dma_wait3A_174 : memref<79x128xi32, #tpu.memory_space<hbm>>) dst(%arg6 : memref<79x128xi32, #tpu.memory_space<vmem>>)
      tpu.yield
    }) : () -> ()
    %run_scoped3A_50 = arith.constant 1 : i32
    "tpu.region"() ({
      %run_scoped3A_162 = tpu.sem_alloc : memref<!tpu.dma_semaphore, #tpu.memory_space<semaphore_mem>>
      %dma_start3A_163 = arith.constant 0 : i32
      %dma_start3A_164 = tpu.memref_slice %arg2[%run_scoped3A_50, %min3A_47, %dma_start3A_163] : memref<2x2500x128xi32, #tpu.memory_space<hbm>> -> memref<1x79x128xi32, #tpu.memory_space<hbm>>
      %dma_start3A_165 = tpu.memref_squeeze %dma_start3A_164 : memref<1x79x128xi32, #tpu.memory_space<hbm>> -> memref<79x128xi32, #tpu.memory_space<hbm>>
      %dma_start3A_166 = arith.constant 0 : i32
      %dma_start3A_167 = tpu.memref_slice %arg2[%run_scoped3A_50, %min3A_47, %dma_start3A_166] : memref<2x2500x128xi32, #tpu.memory_space<hbm>> -> memref<1x79x128xi32, #tpu.memory_space<hbm>>
      %dma_start3A_168 = tpu.memref_squeeze %dma_start3A_167 : memref<1x79x128xi32, #tpu.memory_space<hbm>> -> memref<79x128xi32, #tpu.memory_space<hbm>>
      tpu.enqueue_dma source(%dma_start3A_168 : memref<79x128xi32, #tpu.memory_space<hbm>>) target(%arg7 : memref<79x128xi32, #tpu.memory_space<vmem>>) target_semaphore(%run_scoped3A_162 : memref<!tpu.dma_semaphore, #tpu.memory_space<semaphore_mem>>)
      %dma_wait3A_169 = arith.constant 0 : i32
      %dma_wait3A_170 = tpu.memref_slice %arg2[%run_scoped3A_50, %min3A_47, %dma_wait3A_169] : memref<2x2500x128xi32, #tpu.memory_space<hbm>> -> memref<1x79x128xi32, #tpu.memory_space<hbm>>
      %dma_wait3A_171 = tpu.memref_squeeze %dma_wait3A_170 : memref<1x79x128xi32, #tpu.memory_space<hbm>> -> memref<79x128xi32, #tpu.memory_space<hbm>>
      %dma_wait3A_172 = arith.constant 0 : i32
      %dma_wait3A_173 = tpu.memref_slice %arg2[%run_scoped3A_50, %min3A_47, %dma_wait3A_172] : memref<2x2500x128xi32, #tpu.memory_space<hbm>> -> memref<1x79x128xi32, #tpu.memory_space<hbm>>
      %dma_wait3A_174 = tpu.memref_squeeze %dma_wait3A_173 : memref<1x79x128xi32, #tpu.memory_space<hbm>> -> memref<79x128xi32, #tpu.memory_space<hbm>>
      tpu.wait_dma2 semaphore(%run_scoped3A_162 : memref<!tpu.dma_semaphore, #tpu.memory_space<semaphore_mem>>) src(%dma_wait3A_174 : memref<79x128xi32, #tpu.memory_space<hbm>>) dst(%arg7 : memref<79x128xi32, #tpu.memory_space<vmem>>)
      tpu.yield
    }) : () -> ()
    %scan3A = arith.constant 0 : i32
    %scan3A_51 = arith.constant 0 : i32
    %scan3A_52 = arith.constant 5 : i32
    %scan3A_53 = arith.addi %scan3A_51, %scan3A_52 : i32
    %scan3A_54 = arith.constant 1 : i32
    scf.for %scan3A_162 = %scan3A_51 to %scan3A_53 step %scan3A_54  : i32 {
      %mul3A_163 = arith.constant 16 : i32
      %mul3A_164 = arith.muli %scan3A_162, %mul3A_163 : i32
      %add3A_165 = arith.addi %arg1, %mul3A_164 : i32
      %lt3A = arith.constant 78 : i32
      %lt3A_166 = arith.cmpi slt, %add3A_165, %lt3A : i32
      %convert_element_type3A_167 = arith.extui %lt3A_166 : i1 to i32
      %cond3A_168 = arith.constant 0 : i32
      %cond3A_169 = arith.cmpi ne, %convert_element_type3A_167, %cond3A_168 : i32
      scf.if %cond3A_169 {
        %mul3A_170 = arith.constant 128 : i32
        %mul3A_171 = arith.muli %add3A_165, %mul3A_170 : i32
        "tpu.region"() ({
          %run_scoped3A_172 = tpu.sem_alloc : memref<!tpu.dma_semaphore, #tpu.memory_space<semaphore_mem>>
          %dma_start3A_173 = arith.constant 0 : i32
          %dma_start3A_174 = tpu.memref_slice %arg17[%mul3A_171, %dma_start3A_173] : memref<10016x16xf32, #tpu.memory_space<vmem_shared>> -> memref<128x16xf32, #tpu.memory_space<vmem_shared>>
          %dma_start3A_175 = arith.constant 0 : i32
          %dma_start3A_176 = tpu.memref_slice %arg17[%mul3A_171, %dma_start3A_175] : memref<10016x16xf32, #tpu.memory_space<vmem_shared>> -> memref<128x16xf32, #tpu.memory_space<vmem_shared>>
          tpu.enqueue_dma source(%arg16 : memref<128x16xf32, #tpu.memory_space<vmem>>) target(%dma_start3A_176 : memref<128x16xf32, #tpu.memory_space<vmem_shared>>) target_semaphore(%run_scoped3A_172 : memref<!tpu.dma_semaphore, #tpu.memory_space<semaphore_mem>>)
          %dma_wait3A_177 = arith.constant 0 : i32
          %dma_wait3A_178 = tpu.memref_slice %arg17[%mul3A_171, %dma_wait3A_177] : memref<10016x16xf32, #tpu.memory_space<vmem_shared>> -> memref<128x16xf32, #tpu.memory_space<vmem_shared>>
          %dma_wait3A_179 = arith.constant 0 : i32
          %dma_wait3A_180 = tpu.memref_slice %arg17[%mul3A_171, %dma_wait3A_179] : memref<10016x16xf32, #tpu.memory_space<vmem_shared>> -> memref<128x16xf32, #tpu.memory_space<vmem_shared>>
          tpu.wait_dma2 semaphore(%run_scoped3A_172 : memref<!tpu.dma_semaphore, #tpu.memory_space<semaphore_mem>>) src(%arg16 : memref<128x16xf32, #tpu.memory_space<vmem>>) dst(%dma_wait3A_180 : memref<128x16xf32, #tpu.memory_space<vmem_shared>>)
          tpu.yield
        }) : () -> ()
      } else {
      }
    }
    %scan3A_55 = arith.constant 5 : i32
    %eq3A = arith.constant 0 : i32
    %eq3A_56 = arith.cmpi eq, %arg1, %eq3A : i32
    %convert_element_type3A = arith.extui %eq3A_56 : i1 to i32
    %cond3A = arith.constant 0 : i32
    %cond3A_57 = arith.cmpi ne, %convert_element_type3A, %cond3A : i32
    scf.if %cond3A_57 {
      "tpu.region"() ({
        %run_scoped3A_162 = tpu.sem_alloc : memref<!tpu.dma_semaphore, #tpu.memory_space<semaphore_mem>>
        %dma_start3A_163 = arith.constant 0 : i32
        %dma_start3A_164 = arith.constant 0 : i32
        %dma_start3A_165 = tpu.memref_slice %arg16[%dma_start3A_163, %dma_start3A_164] : memref<128x16xf32, #tpu.memory_space<vmem>> -> memref<16x16xf32, #tpu.memory_space<vmem>>
        %dma_start3A_166 = arith.constant 9984 : i32
        %dma_start3A_167 = arith.constant 0 : i32
        %dma_start3A_168 = tpu.memref_slice %arg17[%dma_start3A_166, %dma_start3A_167] : memref<10016x16xf32, #tpu.memory_space<vmem_shared>> -> memref<16x16xf32, #tpu.memory_space<vmem_shared>>
        %dma_start3A_169 = arith.constant 9984 : i32
        %dma_start3A_170 = arith.constant 0 : i32
        %dma_start3A_171 = tpu.memref_slice %arg17[%dma_start3A_169, %dma_start3A_170] : memref<10016x16xf32, #tpu.memory_space<vmem_shared>> -> memref<16x16xf32, #tpu.memory_space<vmem_shared>>
        %dma_start3A_172 = arith.constant 0 : i32
        %dma_start3A_173 = arith.constant 0 : i32
        %dma_start3A_174 = tpu.memref_slice %arg16[%dma_start3A_172, %dma_start3A_173] : memref<128x16xf32, #tpu.memory_space<vmem>> -> memref<16x16xf32, #tpu.memory_space<vmem>>
        tpu.enqueue_dma source(%dma_start3A_174 : memref<16x16xf32, #tpu.memory_space<vmem>>) target(%dma_start3A_171 : memref<16x16xf32, #tpu.memory_space<vmem_shared>>) target_semaphore(%run_scoped3A_162 : memref<!tpu.dma_semaphore, #tpu.memory_space<semaphore_mem>>)
        %dma_wait3A_175 = arith.constant 0 : i32
        %dma_wait3A_176 = arith.constant 0 : i32
        %dma_wait3A_177 = tpu.memref_slice %arg16[%dma_wait3A_175, %dma_wait3A_176] : memref<128x16xf32, #tpu.memory_space<vmem>> -> memref<16x16xf32, #tpu.memory_space<vmem>>
        %dma_wait3A_178 = arith.constant 9984 : i32
        %dma_wait3A_179 = arith.constant 0 : i32
        %dma_wait3A_180 = tpu.memref_slice %arg17[%dma_wait3A_178, %dma_wait3A_179] : memref<10016x16xf32, #tpu.memory_space<vmem_shared>> -> memref<16x16xf32, #tpu.memory_space<vmem_shared>>
        %dma_wait3A_181 = arith.constant 9984 : i32
        %dma_wait3A_182 = arith.constant 0 : i32
        %dma_wait3A_183 = tpu.memref_slice %arg17[%dma_wait3A_181, %dma_wait3A_182] : memref<10016x16xf32, #tpu.memory_space<vmem_shared>> -> memref<16x16xf32, #tpu.memory_space<vmem_shared>>
        %dma_wait3A_184 = arith.constant 0 : i32
        %dma_wait3A_185 = arith.constant 0 : i32
        %dma_wait3A_186 = tpu.memref_slice %arg16[%dma_wait3A_184, %dma_wait3A_185] : memref<128x16xf32, #tpu.memory_space<vmem>> -> memref<16x16xf32, #tpu.memory_space<vmem>>
        tpu.wait_dma2 semaphore(%run_scoped3A_162 : memref<!tpu.dma_semaphore, #tpu.memory_space<semaphore_mem>>) src(%dma_wait3A_186 : memref<16x16xf32, #tpu.memory_space<vmem>>) dst(%dma_wait3A_183 : memref<16x16xf32, #tpu.memory_space<vmem_shared>>)
        tpu.yield
      }) : () -> ()
    } else {
    }
    %barrier3A = arith.constant 0 : index
    tpu.barrier barrier_id(%barrier3A)
    %add3A_58 = arith.constant 0 : i32
    %add3A_59 = arith.addi %sub3A_48, %add3A_58 : i32
    %dma_start3A = arith.constant 0 : i32
    %dma_start3A_60 = tpu.memref_slice %arg6[%add3A_59, %dma_start3A] : memref<79x128xi32, #tpu.memory_space<vmem>> -> memref<1x128xi32, #tpu.memory_space<vmem>>
    %dma_start3A_61 = tpu.memref_squeeze %dma_start3A_60 : memref<1x128xi32, #tpu.memory_space<vmem>> -> memref<128xi32, #tpu.memory_space<vmem>>
    %dma_start3A_62 = arith.constant 0 : i32
    %dma_start3A_63 = arith.constant 0 : i32
    %dma_start3A_64 = tpu.memref_slice %arg3[%dma_start3A_62, %dma_start3A_63] : memref<10000x16xf32, #tpu.memory_space<hbm>> -> memref<10000x16xf32, #tpu.memory_space<hbm>>
    tpu.enqueue_indirect_dma source(%dma_start3A_64 : memref<10000x16xf32, #tpu.memory_space<hbm>>) target(%arg8 : memref<128x16xf32, #tpu.memory_space<vmem>>) offsets(%dma_start3A_61 : memref<128xi32, #tpu.memory_space<vmem>>) semaphore(%arg18 : memref<!tpu.dma_semaphore, #tpu.memory_space<semaphore_mem>>)
    %add3A_65 = arith.constant 1 : i32
    %add3A_66 = arith.addi %sub3A_48, %add3A_65 : i32
    %dma_start3A_67 = arith.constant 0 : i32
    %dma_start3A_68 = tpu.memref_slice %arg6[%add3A_66, %dma_start3A_67] : memref<79x128xi32, #tpu.memory_space<vmem>> -> memref<1x128xi32, #tpu.memory_space<vmem>>
    %dma_start3A_69 = tpu.memref_squeeze %dma_start3A_68 : memref<1x128xi32, #tpu.memory_space<vmem>> -> memref<128xi32, #tpu.memory_space<vmem>>
    %dma_start3A_70 = arith.constant 0 : i32
    %dma_start3A_71 = arith.constant 0 : i32
    %dma_start3A_72 = tpu.memref_slice %arg3[%dma_start3A_70, %dma_start3A_71] : memref<10000x16xf32, #tpu.memory_space<hbm>> -> memref<10000x16xf32, #tpu.memory_space<hbm>>
    tpu.enqueue_indirect_dma source(%dma_start3A_72 : memref<10000x16xf32, #tpu.memory_space<hbm>>) target(%arg9 : memref<128x16xf32, #tpu.memory_space<vmem>>) offsets(%dma_start3A_69 : memref<128xi32, #tpu.memory_space<vmem>>) semaphore(%arg19 : memref<!tpu.dma_semaphore, #tpu.memory_space<semaphore_mem>>)
    %add3A_73 = arith.constant 2 : i32
    %add3A_74 = arith.addi %sub3A_48, %add3A_73 : i32
    %dma_start3A_75 = arith.constant 0 : i32
    %dma_start3A_76 = tpu.memref_slice %arg6[%add3A_74, %dma_start3A_75] : memref<79x128xi32, #tpu.memory_space<vmem>> -> memref<1x128xi32, #tpu.memory_space<vmem>>
    %dma_start3A_77 = tpu.memref_squeeze %dma_start3A_76 : memref<1x128xi32, #tpu.memory_space<vmem>> -> memref<128xi32, #tpu.memory_space<vmem>>
    %dma_start3A_78 = arith.constant 0 : i32
    %dma_start3A_79 = arith.constant 0 : i32
    %dma_start3A_80 = tpu.memref_slice %arg3[%dma_start3A_78, %dma_start3A_79] : memref<10000x16xf32, #tpu.memory_space<hbm>> -> memref<10000x16xf32, #tpu.memory_space<hbm>>
    tpu.enqueue_indirect_dma source(%dma_start3A_80 : memref<10000x16xf32, #tpu.memory_space<hbm>>) target(%arg10 : memref<128x16xf32, #tpu.memory_space<vmem>>) offsets(%dma_start3A_77 : memref<128xi32, #tpu.memory_space<vmem>>) semaphore(%arg20 : memref<!tpu.dma_semaphore, #tpu.memory_space<semaphore_mem>>)
    %add3A_81 = arith.constant 3 : i32
    %add3A_82 = arith.addi %sub3A_48, %add3A_81 : i32
    %dma_start3A_83 = arith.constant 0 : i32
    %dma_start3A_84 = tpu.memref_slice %arg6[%add3A_82, %dma_start3A_83] : memref<79x128xi32, #tpu.memory_space<vmem>> -> memref<1x128xi32, #tpu.memory_space<vmem>>
    %dma_start3A_85 = tpu.memref_squeeze %dma_start3A_84 : memref<1x128xi32, #tpu.memory_space<vmem>> -> memref<128xi32, #tpu.memory_space<vmem>>
    %dma_start3A_86 = arith.constant 0 : i32
    %dma_start3A_87 = arith.constant 0 : i32
    %dma_start3A_88 = tpu.memref_slice %arg3[%dma_start3A_86, %dma_start3A_87] : memref<10000x16xf32, #tpu.memory_space<hbm>> -> memref<10000x16xf32, #tpu.memory_space<hbm>>
    tpu.enqueue_indirect_dma source(%dma_start3A_88 : memref<10000x16xf32, #tpu.memory_space<hbm>>) target(%arg11 : memref<128x16xf32, #tpu.memory_space<vmem>>) offsets(%dma_start3A_85 : memref<128xi32, #tpu.memory_space<vmem>>) semaphore(%arg21 : memref<!tpu.dma_semaphore, #tpu.memory_space<semaphore_mem>>)
    %scan3A_89 = arith.constant 0 : i32
    %scan3A_90 = arith.constant 0 : i32
    %scan3A_91 = arith.constant 10 : i32
    %scan3A_92 = arith.addi %scan3A_90, %scan3A_91 : i32
    %scan3A_93 = arith.constant 1 : i32
    scf.for %scan3A_162 = %scan3A_90 to %scan3A_92 step %scan3A_93  : i32 {
      %mul3A_163 = arith.constant 8 : i32
      %mul3A_164 = arith.muli %scan3A_162, %mul3A_163 : i32
      %add3A_165 = arith.constant 0 : i32
      %add3A_166 = arith.addi %mul3A_164, %add3A_165 : i32
      %add3A_167 = arith.constant 4 : i32
      %add3A_168 = arith.addi %add3A_166, %add3A_167 : i32
      %lt3A = arith.cmpi slt, %add3A_168, %sub3A_49 : i32
      %ge3A = arith.constant 4 : i32
      %ge3A_169 = arith.cmpi sge, %add3A_166, %ge3A : i32
      %and3A_170 = arith.andi %lt3A, %ge3A_169 : i1
      %convert_element_type3A_171 = arith.extui %and3A_170 : i1 to i32
      %cond3A_172 = arith.constant 0 : i32
      %cond3A_173 = arith.cmpi ne, %convert_element_type3A_171, %cond3A_172 : i32
      scf.if %cond3A_173 {
        %dma_wait3A_353 = arith.constant 0 : i32
        %dma_wait3A_354 = arith.constant 0 : i32
        %dma_wait3A_355 = tpu.memref_slice %arg7[%dma_wait3A_353, %dma_wait3A_354] : memref<79x128xi32, #tpu.memory_space<vmem>> -> memref<1x128xi32, #tpu.memory_space<vmem>>
        %dma_wait3A_356 = tpu.memref_squeeze %dma_wait3A_355 : memref<1x128xi32, #tpu.memory_space<vmem>> -> memref<128xi32, #tpu.memory_space<vmem>>
        %dma_wait3A_357 = arith.constant 0 : i32
        %dma_wait3A_358 = arith.constant 0 : i32
        %dma_wait3A_359 = tpu.memref_slice %arg17[%dma_wait3A_357, %dma_wait3A_358] : memref<10016x16xf32, #tpu.memory_space<vmem_shared>> -> memref<10016x16xf32, #tpu.memory_space<vmem_shared>>
        tpu.wait_indirect_dma semaphore(%arg30 : memref<!tpu.dma_semaphore, #tpu.memory_space<semaphore_mem>>) src(%arg12 : memref<128x16xf32, #tpu.memory_space<vmem>>) dst(%dma_wait3A_359 : memref<10016x16xf32, #tpu.memory_space<vmem_shared>>)
        %add3A_360 = arith.addi %sub3A_48, %add3A_168 : i32
        %dma_start3A_361 = arith.constant 0 : i32
        %dma_start3A_362 = tpu.memref_slice %arg6[%add3A_360, %dma_start3A_361] : memref<79x128xi32, #tpu.memory_space<vmem>> -> memref<1x128xi32, #tpu.memory_space<vmem>>
        %dma_start3A_363 = tpu.memref_squeeze %dma_start3A_362 : memref<1x128xi32, #tpu.memory_space<vmem>> -> memref<128xi32, #tpu.memory_space<vmem>>
        %dma_start3A_364 = arith.constant 0 : i32
        %dma_start3A_365 = arith.constant 0 : i32
        %dma_start3A_366 = tpu.memref_slice %arg3[%dma_start3A_364, %dma_start3A_365] : memref<10000x16xf32, #tpu.memory_space<hbm>> -> memref<10000x16xf32, #tpu.memory_space<hbm>>
        tpu.enqueue_indirect_dma source(%dma_start3A_366 : memref<10000x16xf32, #tpu.memory_space<hbm>>) target(%arg12 : memref<128x16xf32, #tpu.memory_space<vmem>>) offsets(%dma_start3A_363 : memref<128xi32, #tpu.memory_space<vmem>>) semaphore(%arg22 : memref<!tpu.dma_semaphore, #tpu.memory_space<semaphore_mem>>)
      } else {
      }
      %lt3A_174 = arith.cmpi slt, %add3A_168, %sub3A_49 : i32
      %lt3A_175 = arith.constant 4 : i32
      %lt3A_176 = arith.cmpi slt, %add3A_166, %lt3A_175 : i32
      %and3A_177 = arith.andi %lt3A_174, %lt3A_176 : i1
      %convert_element_type3A_178 = arith.extui %and3A_177 : i1 to i32
      %cond3A_179 = arith.constant 0 : i32
      %cond3A_180 = arith.cmpi ne, %convert_element_type3A_178, %cond3A_179 : i32
      scf.if %cond3A_180 {
        %add3A_353 = arith.addi %sub3A_48, %add3A_168 : i32
        %dma_start3A_354 = arith.constant 0 : i32
        %dma_start3A_355 = tpu.memref_slice %arg6[%add3A_353, %dma_start3A_354] : memref<79x128xi32, #tpu.memory_space<vmem>> -> memref<1x128xi32, #tpu.memory_space<vmem>>
        %dma_start3A_356 = tpu.memref_squeeze %dma_start3A_355 : memref<1x128xi32, #tpu.memory_space<vmem>> -> memref<128xi32, #tpu.memory_space<vmem>>
        %dma_start3A_357 = arith.constant 0 : i32
        %dma_start3A_358 = arith.constant 0 : i32
        %dma_start3A_359 = tpu.memref_slice %arg3[%dma_start3A_357, %dma_start3A_358] : memref<10000x16xf32, #tpu.memory_space<hbm>> -> memref<10000x16xf32, #tpu.memory_space<hbm>>
        tpu.enqueue_indirect_dma source(%dma_start3A_359 : memref<10000x16xf32, #tpu.memory_space<hbm>>) target(%arg12 : memref<128x16xf32, #tpu.memory_space<vmem>>) offsets(%dma_start3A_356 : memref<128xi32, #tpu.memory_space<vmem>>) semaphore(%arg22 : memref<!tpu.dma_semaphore, #tpu.memory_space<semaphore_mem>>)
      } else {
      }
      %lt3A_181 = arith.cmpi slt, %add3A_166, %sub3A_49 : i32
      %convert_element_type3A_182 = arith.extui %lt3A_181 : i1 to i32
      %cond3A_183 = arith.constant 0 : i32
      %cond3A_184 = arith.cmpi ne, %convert_element_type3A_182, %cond3A_183 : i32
      scf.if %cond3A_184 {
        %dma_wait3A_353 = arith.constant 0 : i32
        %dma_wait3A_354 = arith.constant 0 : i32
        %dma_wait3A_355 = tpu.memref_slice %arg3[%dma_wait3A_353, %dma_wait3A_354] : memref<10000x16xf32, #tpu.memory_space<hbm>> -> memref<128x16xf32, #tpu.memory_space<hbm>>
        %dma_wait3A_356 = arith.constant 0 : i32
        %dma_wait3A_357 = arith.constant 0 : i32
        %dma_wait3A_358 = tpu.memref_slice %arg3[%dma_wait3A_356, %dma_wait3A_357] : memref<10000x16xf32, #tpu.memory_space<hbm>> -> memref<128x16xf32, #tpu.memory_space<hbm>>
        tpu.wait_dma2 semaphore(%arg18 : memref<!tpu.dma_semaphore, #tpu.memory_space<semaphore_mem>>) src(%dma_wait3A_358 : memref<128x16xf32, #tpu.memory_space<hbm>>) dst(%arg8 : memref<128x16xf32, #tpu.memory_space<vmem>>)
        %add3A_359 = arith.addi %sub3A_48, %add3A_166 : i32
        %dma_start3A_360 = arith.constant 0 : i32
        %dma_start3A_361 = tpu.memref_slice %arg7[%add3A_359, %dma_start3A_360] : memref<79x128xi32, #tpu.memory_space<vmem>> -> memref<1x128xi32, #tpu.memory_space<vmem>>
        %dma_start3A_362 = tpu.memref_squeeze %dma_start3A_361 : memref<1x128xi32, #tpu.memory_space<vmem>> -> memref<128xi32, #tpu.memory_space<vmem>>
        %dma_start3A_363 = arith.constant 0 : i32
        %dma_start3A_364 = arith.constant 0 : i32
        %dma_start3A_365 = tpu.memref_slice %arg17[%dma_start3A_363, %dma_start3A_364] : memref<10016x16xf32, #tpu.memory_space<vmem_shared>> -> memref<10016x16xf32, #tpu.memory_space<vmem_shared>>
        tpu.enqueue_indirect_dma source(%arg8 : memref<128x16xf32, #tpu.memory_space<vmem>>) target(%dma_start3A_365 : memref<10016x16xf32, #tpu.memory_space<vmem_shared>>) offsets(%dma_start3A_362 : memref<128xi32, #tpu.memory_space<vmem>>) semaphore(%arg26 : memref<!tpu.dma_semaphore, #tpu.memory_space<semaphore_mem>>) {add = true}
      } else {
      }
      %mul3A_185 = arith.constant 8 : i32
      %mul3A_186 = arith.muli %scan3A_162, %mul3A_185 : i32
      %add3A_187 = arith.constant 1 : i32
      %add3A_188 = arith.addi %mul3A_186, %add3A_187 : i32
      %add3A_189 = arith.constant 4 : i32
      %add3A_190 = arith.addi %add3A_188, %add3A_189 : i32
      %lt3A_191 = arith.cmpi slt, %add3A_190, %sub3A_49 : i32
      %ge3A_192 = arith.constant 4 : i32
      %ge3A_193 = arith.cmpi sge, %add3A_188, %ge3A_192 : i32
      %and3A_194 = arith.andi %lt3A_191, %ge3A_193 : i1
      %convert_element_type3A_195 = arith.extui %and3A_194 : i1 to i32
      %cond3A_196 = arith.constant 0 : i32
      %cond3A_197 = arith.cmpi ne, %convert_element_type3A_195, %cond3A_196 : i32
      scf.if %cond3A_197 {
        %dma_wait3A_353 = arith.constant 0 : i32
        %dma_wait3A_354 = arith.constant 0 : i32
        %dma_wait3A_355 = tpu.memref_slice %arg7[%dma_wait3A_353, %dma_wait3A_354] : memref<79x128xi32, #tpu.memory_space<vmem>> -> memref<1x128xi32, #tpu.memory_space<vmem>>
        %dma_wait3A_356 = tpu.memref_squeeze %dma_wait3A_355 : memref<1x128xi32, #tpu.memory_space<vmem>> -> memref<128xi32, #tpu.memory_space<vmem>>
        %dma_wait3A_357 = arith.constant 0 : i32
        %dma_wait3A_358 = arith.constant 0 : i32
        %dma_wait3A_359 = tpu.memref_slice %arg17[%dma_wait3A_357, %dma_wait3A_358] : memref<10016x16xf32, #tpu.memory_space<vmem_shared>> -> memref<10016x16xf32, #tpu.memory_space<vmem_shared>>
        tpu.wait_indirect_dma semaphore(%arg31 : memref<!tpu.dma_semaphore, #tpu.memory_space<semaphore_mem>>) src(%arg13 : memref<128x16xf32, #tpu.memory_space<vmem>>) dst(%dma_wait3A_359 : memref<10016x16xf32, #tpu.memory_space<vmem_shared>>)
        %add3A_360 = arith.addi %sub3A_48, %add3A_190 : i32
        %dma_start3A_361 = arith.constant 0 : i32
        %dma_start3A_362 = tpu.memref_slice %arg6[%add3A_360, %dma_start3A_361] : memref<79x128xi32, #tpu.memory_space<vmem>> -> memref<1x128xi32, #tpu.memory_space<vmem>>
        %dma_start3A_363 = tpu.memref_squeeze %dma_start3A_362 : memref<1x128xi32, #tpu.memory_space<vmem>> -> memref<128xi32, #tpu.memory_space<vmem>>
        %dma_start3A_364 = arith.constant 0 : i32
        %dma_start3A_365 = arith.constant 0 : i32
        %dma_start3A_366 = tpu.memref_slice %arg3[%dma_start3A_364, %dma_start3A_365] : memref<10000x16xf32, #tpu.memory_space<hbm>> -> memref<10000x16xf32, #tpu.memory_space<hbm>>
        tpu.enqueue_indirect_dma source(%dma_start3A_366 : memref<10000x16xf32, #tpu.memory_space<hbm>>) target(%arg13 : memref<128x16xf32, #tpu.memory_space<vmem>>) offsets(%dma_start3A_363 : memref<128xi32, #tpu.memory_space<vmem>>) semaphore(%arg23 : memref<!tpu.dma_semaphore, #tpu.memory_space<semaphore_mem>>)
      } else {
      }
      %lt3A_198 = arith.cmpi slt, %add3A_190, %sub3A_49 : i32
      %lt3A_199 = arith.constant 4 : i32
      %lt3A_200 = arith.cmpi slt, %add3A_188, %lt3A_199 : i32
      %and3A_201 = arith.andi %lt3A_198, %lt3A_200 : i1
      %convert_element_type3A_202 = arith.extui %and3A_201 : i1 to i32
      %cond3A_203 = arith.constant 0 : i32
      %cond3A_204 = arith.cmpi ne, %convert_element_type3A_202, %cond3A_203 : i32
      scf.if %cond3A_204 {
        %add3A_353 = arith.addi %sub3A_48, %add3A_190 : i32
        %dma_start3A_354 = arith.constant 0 : i32
        %dma_start3A_355 = tpu.memref_slice %arg6[%add3A_353, %dma_start3A_354] : memref<79x128xi32, #tpu.memory_space<vmem>> -> memref<1x128xi32, #tpu.memory_space<vmem>>
        %dma_start3A_356 = tpu.memref_squeeze %dma_start3A_355 : memref<1x128xi32, #tpu.memory_space<vmem>> -> memref<128xi32, #tpu.memory_space<vmem>>
        %dma_start3A_357 = arith.constant 0 : i32
        %dma_start3A_358 = arith.constant 0 : i32
        %dma_start3A_359 = tpu.memref_slice %arg3[%dma_start3A_357, %dma_start3A_358] : memref<10000x16xf32, #tpu.memory_space<hbm>> -> memref<10000x16xf32, #tpu.memory_space<hbm>>
        tpu.enqueue_indirect_dma source(%dma_start3A_359 : memref<10000x16xf32, #tpu.memory_space<hbm>>) target(%arg13 : memref<128x16xf32, #tpu.memory_space<vmem>>) offsets(%dma_start3A_356 : memref<128xi32, #tpu.memory_space<vmem>>) semaphore(%arg23 : memref<!tpu.dma_semaphore, #tpu.memory_space<semaphore_mem>>)
      } else {
      }
      %lt3A_205 = arith.cmpi slt, %add3A_188, %sub3A_49 : i32
      %convert_element_type3A_206 = arith.extui %lt3A_205 : i1 to i32
      %cond3A_207 = arith.constant 0 : i32
      %cond3A_208 = arith.cmpi ne, %convert_element_type3A_206, %cond3A_207 : i32
      scf.if %cond3A_208 {
        %dma_wait3A_353 = arith.constant 0 : i32
        %dma_wait3A_354 = arith.constant 0 : i32
        %dma_wait3A_355 = tpu.memref_slice %arg3[%dma_wait3A_353, %dma_wait3A_354] : memref<10000x16xf32, #tpu.memory_space<hbm>> -> memref<128x16xf32, #tpu.memory_space<hbm>>
        %dma_wait3A_356 = arith.constant 0 : i32
        %dma_wait3A_357 = arith.constant 0 : i32
        %dma_wait3A_358 = tpu.memref_slice %arg3[%dma_wait3A_356, %dma_wait3A_357] : memref<10000x16xf32, #tpu.memory_space<hbm>> -> memref<128x16xf32, #tpu.memory_space<hbm>>
        tpu.wait_dma2 semaphore(%arg19 : memref<!tpu.dma_semaphore, #tpu.memory_space<semaphore_mem>>) src(%dma_wait3A_358 : memref<128x16xf32, #tpu.memory_space<hbm>>) dst(%arg9 : memref<128x16xf32, #tpu.memory_space<vmem>>)
        %add3A_359 = arith.addi %sub3A_48, %add3A_188 : i32
        %dma_start3A_360 = arith.constant 0 : i32
        %dma_start3A_361 = tpu.memref_slice %arg7[%add3A_359, %dma_start3A_360] : memref<79x128xi32, #tpu.memory_space<vmem>> -> memref<1x128xi32, #tpu.memory_space<vmem>>
        %dma_start3A_362 = tpu.memref_squeeze %dma_start3A_361 : memref<1x128xi32, #tpu.memory_space<vmem>> -> memref<128xi32, #tpu.memory_space<vmem>>
        %dma_start3A_363 = arith.constant 0 : i32
        %dma_start3A_364 = arith.constant 0 : i32
        %dma_start3A_365 = tpu.memref_slice %arg17[%dma_start3A_363, %dma_start3A_364] : memref<10016x16xf32, #tpu.memory_space<vmem_shared>> -> memref<10016x16xf32, #tpu.memory_space<vmem_shared>>
        tpu.enqueue_indirect_dma source(%arg9 : memref<128x16xf32, #tpu.memory_space<vmem>>) target(%dma_start3A_365 : memref<10016x16xf32, #tpu.memory_space<vmem_shared>>) offsets(%dma_start3A_362 : memref<128xi32, #tpu.memory_space<vmem>>) semaphore(%arg27 : memref<!tpu.dma_semaphore, #tpu.memory_space<semaphore_mem>>) {add = true}
      } else {
      }
      %mul3A_209 = arith.constant 8 : i32
      %mul3A_210 = arith.muli %scan3A_162, %mul3A_209 : i32
      %add3A_211 = arith.constant 2 : i32
      %add3A_212 = arith.addi %mul3A_210, %add3A_211 : i32
      %add3A_213 = arith.constant 4 : i32
      %add3A_214 = arith.addi %add3A_212, %add3A_213 : i32
      %lt3A_215 = arith.cmpi slt, %add3A_214, %sub3A_49 : i32
      %ge3A_216 = arith.constant 4 : i32
      %ge3A_217 = arith.cmpi sge, %add3A_212, %ge3A_216 : i32
      %and3A_218 = arith.andi %lt3A_215, %ge3A_217 : i1
      %convert_element_type3A_219 = arith.extui %and3A_218 : i1 to i32
      %cond3A_220 = arith.constant 0 : i32
      %cond3A_221 = arith.cmpi ne, %convert_element_type3A_219, %cond3A_220 : i32
      scf.if %cond3A_221 {
        %dma_wait3A_353 = arith.constant 0 : i32
        %dma_wait3A_354 = arith.constant 0 : i32
        %dma_wait3A_355 = tpu.memref_slice %arg7[%dma_wait3A_353, %dma_wait3A_354] : memref<79x128xi32, #tpu.memory_space<vmem>> -> memref<1x128xi32, #tpu.memory_space<vmem>>
        %dma_wait3A_356 = tpu.memref_squeeze %dma_wait3A_355 : memref<1x128xi32, #tpu.memory_space<vmem>> -> memref<128xi32, #tpu.memory_space<vmem>>
        %dma_wait3A_357 = arith.constant 0 : i32
        %dma_wait3A_358 = arith.constant 0 : i32
        %dma_wait3A_359 = tpu.memref_slice %arg17[%dma_wait3A_357, %dma_wait3A_358] : memref<10016x16xf32, #tpu.memory_space<vmem_shared>> -> memref<10016x16xf32, #tpu.memory_space<vmem_shared>>
        tpu.wait_indirect_dma semaphore(%arg32 : memref<!tpu.dma_semaphore, #tpu.memory_space<semaphore_mem>>) src(%arg14 : memref<128x16xf32, #tpu.memory_space<vmem>>) dst(%dma_wait3A_359 : memref<10016x16xf32, #tpu.memory_space<vmem_shared>>)
        %add3A_360 = arith.addi %sub3A_48, %add3A_214 : i32
        %dma_start3A_361 = arith.constant 0 : i32
        %dma_start3A_362 = tpu.memref_slice %arg6[%add3A_360, %dma_start3A_361] : memref<79x128xi32, #tpu.memory_space<vmem>> -> memref<1x128xi32, #tpu.memory_space<vmem>>
        %dma_start3A_363 = tpu.memref_squeeze %dma_start3A_362 : memref<1x128xi32, #tpu.memory_space<vmem>> -> memref<128xi32, #tpu.memory_space<vmem>>
        %dma_start3A_364 = arith.constant 0 : i32
        %dma_start3A_365 = arith.constant 0 : i32
        %dma_start3A_366 = tpu.memref_slice %arg3[%dma_start3A_364, %dma_start3A_365] : memref<10000x16xf32, #tpu.memory_space<hbm>> -> memref<10000x16xf32, #tpu.memory_space<hbm>>
        tpu.enqueue_indirect_dma source(%dma_start3A_366 : memref<10000x16xf32, #tpu.memory_space<hbm>>) target(%arg14 : memref<128x16xf32, #tpu.memory_space<vmem>>) offsets(%dma_start3A_363 : memref<128xi32, #tpu.memory_space<vmem>>) semaphore(%arg24 : memref<!tpu.dma_semaphore, #tpu.memory_space<semaphore_mem>>)
      } else {
      }
      %lt3A_222 = arith.cmpi slt, %add3A_214, %sub3A_49 : i32
      %lt3A_223 = arith.constant 4 : i32
      %lt3A_224 = arith.cmpi slt, %add3A_212, %lt3A_223 : i32
      %and3A_225 = arith.andi %lt3A_222, %lt3A_224 : i1
      %convert_element_type3A_226 = arith.extui %and3A_225 : i1 to i32
      %cond3A_227 = arith.constant 0 : i32
      %cond3A_228 = arith.cmpi ne, %convert_element_type3A_226, %cond3A_227 : i32
      scf.if %cond3A_228 {
        %add3A_353 = arith.addi %sub3A_48, %add3A_214 : i32
        %dma_start3A_354 = arith.constant 0 : i32
        %dma_start3A_355 = tpu.memref_slice %arg6[%add3A_353, %dma_start3A_354] : memref<79x128xi32, #tpu.memory_space<vmem>> -> memref<1x128xi32, #tpu.memory_space<vmem>>
        %dma_start3A_356 = tpu.memref_squeeze %dma_start3A_355 : memref<1x128xi32, #tpu.memory_space<vmem>> -> memref<128xi32, #tpu.memory_space<vmem>>
        %dma_start3A_357 = arith.constant 0 : i32
        %dma_start3A_358 = arith.constant 0 : i32
        %dma_start3A_359 = tpu.memref_slice %arg3[%dma_start3A_357, %dma_start3A_358] : memref<10000x16xf32, #tpu.memory_space<hbm>> -> memref<10000x16xf32, #tpu.memory_space<hbm>>
        tpu.enqueue_indirect_dma source(%dma_start3A_359 : memref<10000x16xf32, #tpu.memory_space<hbm>>) target(%arg14 : memref<128x16xf32, #tpu.memory_space<vmem>>) offsets(%dma_start3A_356 : memref<128xi32, #tpu.memory_space<vmem>>) semaphore(%arg24 : memref<!tpu.dma_semaphore, #tpu.memory_space<semaphore_mem>>)
      } else {
      }
      %lt3A_229 = arith.cmpi slt, %add3A_212, %sub3A_49 : i32
      %convert_element_type3A_230 = arith.extui %lt3A_229 : i1 to i32
      %cond3A_231 = arith.constant 0 : i32
      %cond3A_232 = arith.cmpi ne, %convert_element_type3A_230, %cond3A_231 : i32
      scf.if %cond3A_232 {
        %dma_wait3A_353 = arith.constant 0 : i32
        %dma_wait3A_354 = arith.constant 0 : i32
        %dma_wait3A_355 = tpu.memref_slice %arg3[%dma_wait3A_353, %dma_wait3A_354] : memref<10000x16xf32, #tpu.memory_space<hbm>> -> memref<128x16xf32, #tpu.memory_space<hbm>>
        %dma_wait3A_356 = arith.constant 0 : i32
        %dma_wait3A_357 = arith.constant 0 : i32
        %dma_wait3A_358 = tpu.memref_slice %arg3[%dma_wait3A_356, %dma_wait3A_357] : memref<10000x16xf32, #tpu.memory_space<hbm>> -> memref<128x16xf32, #tpu.memory_space<hbm>>
        tpu.wait_dma2 semaphore(%arg20 : memref<!tpu.dma_semaphore, #tpu.memory_space<semaphore_mem>>) src(%dma_wait3A_358 : memref<128x16xf32, #tpu.memory_space<hbm>>) dst(%arg10 : memref<128x16xf32, #tpu.memory_space<vmem>>)
        %add3A_359 = arith.addi %sub3A_48, %add3A_212 : i32
        %dma_start3A_360 = arith.constant 0 : i32
        %dma_start3A_361 = tpu.memref_slice %arg7[%add3A_359, %dma_start3A_360] : memref<79x128xi32, #tpu.memory_space<vmem>> -> memref<1x128xi32, #tpu.memory_space<vmem>>
        %dma_start3A_362 = tpu.memref_squeeze %dma_start3A_361 : memref<1x128xi32, #tpu.memory_space<vmem>> -> memref<128xi32, #tpu.memory_space<vmem>>
        %dma_start3A_363 = arith.constant 0 : i32
        %dma_start3A_364 = arith.constant 0 : i32
        %dma_start3A_365 = tpu.memref_slice %arg17[%dma_start3A_363, %dma_start3A_364] : memref<10016x16xf32, #tpu.memory_space<vmem_shared>> -> memref<10016x16xf32, #tpu.memory_space<vmem_shared>>
        tpu.enqueue_indirect_dma source(%arg10 : memref<128x16xf32, #tpu.memory_space<vmem>>) target(%dma_start3A_365 : memref<10016x16xf32, #tpu.memory_space<vmem_shared>>) offsets(%dma_start3A_362 : memref<128xi32, #tpu.memory_space<vmem>>) semaphore(%arg28 : memref<!tpu.dma_semaphore, #tpu.memory_space<semaphore_mem>>) {add = true}
      } else {
      }
      %mul3A_233 = arith.constant 8 : i32
      %mul3A_234 = arith.muli %scan3A_162, %mul3A_233 : i32
      %add3A_235 = arith.constant 3 : i32
      %add3A_236 = arith.addi %mul3A_234, %add3A_235 : i32
      %add3A_237 = arith.constant 4 : i32
      %add3A_238 = arith.addi %add3A_236, %add3A_237 : i32
      %lt3A_239 = arith.cmpi slt, %add3A_238, %sub3A_49 : i32
      %ge3A_240 = arith.constant 4 : i32
      %ge3A_241 = arith.cmpi sge, %add3A_236, %ge3A_240 : i32
      %and3A_242 = arith.andi %lt3A_239, %ge3A_241 : i1
      %convert_element_type3A_243 = arith.extui %and3A_242 : i1 to i32
      %cond3A_244 = arith.constant 0 : i32
      %cond3A_245 = arith.cmpi ne, %convert_element_type3A_243, %cond3A_244 : i32
      scf.if %cond3A_245 {
        %dma_wait3A_353 = arith.constant 0 : i32
        %dma_wait3A_354 = arith.constant 0 : i32
        %dma_wait3A_355 = tpu.memref_slice %arg7[%dma_wait3A_353, %dma_wait3A_354] : memref<79x128xi32, #tpu.memory_space<vmem>> -> memref<1x128xi32, #tpu.memory_space<vmem>>
        %dma_wait3A_356 = tpu.memref_squeeze %dma_wait3A_355 : memref<1x128xi32, #tpu.memory_space<vmem>> -> memref<128xi32, #tpu.memory_space<vmem>>
        %dma_wait3A_357 = arith.constant 0 : i32
        %dma_wait3A_358 = arith.constant 0 : i32
        %dma_wait3A_359 = tpu.memref_slice %arg17[%dma_wait3A_357, %dma_wait3A_358] : memref<10016x16xf32, #tpu.memory_space<vmem_shared>> -> memref<10016x16xf32, #tpu.memory_space<vmem_shared>>
        tpu.wait_indirect_dma semaphore(%arg33 : memref<!tpu.dma_semaphore, #tpu.memory_space<semaphore_mem>>) src(%arg15 : memref<128x16xf32, #tpu.memory_space<vmem>>) dst(%dma_wait3A_359 : memref<10016x16xf32, #tpu.memory_space<vmem_shared>>)
        %add3A_360 = arith.addi %sub3A_48, %add3A_238 : i32
        %dma_start3A_361 = arith.constant 0 : i32
        %dma_start3A_362 = tpu.memref_slice %arg6[%add3A_360, %dma_start3A_361] : memref<79x128xi32, #tpu.memory_space<vmem>> -> memref<1x128xi32, #tpu.memory_space<vmem>>
        %dma_start3A_363 = tpu.memref_squeeze %dma_start3A_362 : memref<1x128xi32, #tpu.memory_space<vmem>> -> memref<128xi32, #tpu.memory_space<vmem>>
        %dma_start3A_364 = arith.constant 0 : i32
        %dma_start3A_365 = arith.constant 0 : i32
        %dma_start3A_366 = tpu.memref_slice %arg3[%dma_start3A_364, %dma_start3A_365] : memref<10000x16xf32, #tpu.memory_space<hbm>> -> memref<10000x16xf32, #tpu.memory_space<hbm>>
        tpu.enqueue_indirect_dma source(%dma_start3A_366 : memref<10000x16xf32, #tpu.memory_space<hbm>>) target(%arg15 : memref<128x16xf32, #tpu.memory_space<vmem>>) offsets(%dma_start3A_363 : memref<128xi32, #tpu.memory_space<vmem>>) semaphore(%arg25 : memref<!tpu.dma_semaphore, #tpu.memory_space<semaphore_mem>>)
      } else {
      }
      %lt3A_246 = arith.cmpi slt, %add3A_238, %sub3A_49 : i32
      %lt3A_247 = arith.constant 4 : i32
      %lt3A_248 = arith.cmpi slt, %add3A_236, %lt3A_247 : i32
      %and3A_249 = arith.andi %lt3A_246, %lt3A_248 : i1
      %convert_element_type3A_250 = arith.extui %and3A_249 : i1 to i32
      %cond3A_251 = arith.constant 0 : i32
      %cond3A_252 = arith.cmpi ne, %convert_element_type3A_250, %cond3A_251 : i32
      scf.if %cond3A_252 {
        %add3A_353 = arith.addi %sub3A_48, %add3A_238 : i32
        %dma_start3A_354 = arith.constant 0 : i32
        %dma_start3A_355 = tpu.memref_slice %arg6[%add3A_353, %dma_start3A_354] : memref<79x128xi32, #tpu.memory_space<vmem>> -> memref<1x128xi32, #tpu.memory_space<vmem>>
        %dma_start3A_356 = tpu.memref_squeeze %dma_start3A_355 : memref<1x128xi32, #tpu.memory_space<vmem>> -> memref<128xi32, #tpu.memory_space<vmem>>
        %dma_start3A_357 = arith.constant 0 : i32
        %dma_start3A_358 = arith.constant 0 : i32
        %dma_start3A_359 = tpu.memref_slice %arg3[%dma_start3A_357, %dma_start3A_358] : memref<10000x16xf32, #tpu.memory_space<hbm>> -> memref<10000x16xf32, #tpu.memory_space<hbm>>
        tpu.enqueue_indirect_dma source(%dma_start3A_359 : memref<10000x16xf32, #tpu.memory_space<hbm>>) target(%arg15 : memref<128x16xf32, #tpu.memory_space<vmem>>) offsets(%dma_start3A_356 : memref<128xi32, #tpu.memory_space<vmem>>) semaphore(%arg25 : memref<!tpu.dma_semaphore, #tpu.memory_space<semaphore_mem>>)
      } else {
      }
      %lt3A_253 = arith.cmpi slt, %add3A_236, %sub3A_49 : i32
      %convert_element_type3A_254 = arith.extui %lt3A_253 : i1 to i32
      %cond3A_255 = arith.constant 0 : i32
      %cond3A_256 = arith.cmpi ne, %convert_element_type3A_254, %cond3A_255 : i32
      scf.if %cond3A_256 {
        %dma_wait3A_353 = arith.constant 0 : i32
        %dma_wait3A_354 = arith.constant 0 : i32
        %dma_wait3A_355 = tpu.memref_slice %arg3[%dma_wait3A_353, %dma_wait3A_354] : memref<10000x16xf32, #tpu.memory_space<hbm>> -> memref<128x16xf32, #tpu.memory_space<hbm>>
        %dma_wait3A_356 = arith.constant 0 : i32
        %dma_wait3A_357 = arith.constant 0 : i32
        %dma_wait3A_358 = tpu.memref_slice %arg3[%dma_wait3A_356, %dma_wait3A_357] : memref<10000x16xf32, #tpu.memory_space<hbm>> -> memref<128x16xf32, #tpu.memory_space<hbm>>
        tpu.wait_dma2 semaphore(%arg21 : memref<!tpu.dma_semaphore, #tpu.memory_space<semaphore_mem>>) src(%dma_wait3A_358 : memref<128x16xf32, #tpu.memory_space<hbm>>) dst(%arg11 : memref<128x16xf32, #tpu.memory_space<vmem>>)
        %add3A_359 = arith.addi %sub3A_48, %add3A_236 : i32
        %dma_start3A_360 = arith.constant 0 : i32
        %dma_start3A_361 = tpu.memref_slice %arg7[%add3A_359, %dma_start3A_360] : memref<79x128xi32, #tpu.memory_space<vmem>> -> memref<1x128xi32, #tpu.memory_space<vmem>>
        %dma_start3A_362 = tpu.memref_squeeze %dma_start3A_361 : memref<1x128xi32, #tpu.memory_space<vmem>> -> memref<128xi32, #tpu.memory_space<vmem>>
        %dma_start3A_363 = arith.constant 0 : i32
        %dma_start3A_364 = arith.constant 0 : i32
        %dma_start3A_365 = tpu.memref_slice %arg17[%dma_start3A_363, %dma_start3A_364] : memref<10016x16xf32, #tpu.memory_space<vmem_shared>> -> memref<10016x16xf32, #tpu.memory_space<vmem_shared>>
        tpu.enqueue_indirect_dma source(%arg11 : memref<128x16xf32, #tpu.memory_space<vmem>>) target(%dma_start3A_365 : memref<10016x16xf32, #tpu.memory_space<vmem_shared>>) offsets(%dma_start3A_362 : memref<128xi32, #tpu.memory_space<vmem>>) semaphore(%arg29 : memref<!tpu.dma_semaphore, #tpu.memory_space<semaphore_mem>>) {add = true}
      } else {
      }
      %mul3A_257 = arith.constant 8 : i32
      %mul3A_258 = arith.muli %scan3A_162, %mul3A_257 : i32
      %add3A_259 = arith.constant 4 : i32
      %add3A_260 = arith.addi %mul3A_258, %add3A_259 : i32
      %add3A_261 = arith.constant 4 : i32
      %add3A_262 = arith.addi %add3A_260, %add3A_261 : i32
      %lt3A_263 = arith.cmpi slt, %add3A_262, %sub3A_49 : i32
      %ge3A_264 = arith.constant 4 : i32
      %ge3A_265 = arith.cmpi sge, %add3A_260, %ge3A_264 : i32
      %and3A_266 = arith.andi %lt3A_263, %ge3A_265 : i1
      %convert_element_type3A_267 = arith.extui %and3A_266 : i1 to i32
      %cond3A_268 = arith.constant 0 : i32
      %cond3A_269 = arith.cmpi ne, %convert_element_type3A_267, %cond3A_268 : i32
      scf.if %cond3A_269 {
        %dma_wait3A_353 = arith.constant 0 : i32
        %dma_wait3A_354 = arith.constant 0 : i32
        %dma_wait3A_355 = tpu.memref_slice %arg7[%dma_wait3A_353, %dma_wait3A_354] : memref<79x128xi32, #tpu.memory_space<vmem>> -> memref<1x128xi32, #tpu.memory_space<vmem>>
        %dma_wait3A_356 = tpu.memref_squeeze %dma_wait3A_355 : memref<1x128xi32, #tpu.memory_space<vmem>> -> memref<128xi32, #tpu.memory_space<vmem>>
        %dma_wait3A_357 = arith.constant 0 : i32
        %dma_wait3A_358 = arith.constant 0 : i32
        %dma_wait3A_359 = tpu.memref_slice %arg17[%dma_wait3A_357, %dma_wait3A_358] : memref<10016x16xf32, #tpu.memory_space<vmem_shared>> -> memref<10016x16xf32, #tpu.memory_space<vmem_shared>>
        tpu.wait_indirect_dma semaphore(%arg26 : memref<!tpu.dma_semaphore, #tpu.memory_space<semaphore_mem>>) src(%arg8 : memref<128x16xf32, #tpu.memory_space<vmem>>) dst(%dma_wait3A_359 : memref<10016x16xf32, #tpu.memory_space<vmem_shared>>)
        %add3A_360 = arith.addi %sub3A_48, %add3A_262 : i32
        %dma_start3A_361 = arith.constant 0 : i32
        %dma_start3A_362 = tpu.memref_slice %arg6[%add3A_360, %dma_start3A_361] : memref<79x128xi32, #tpu.memory_space<vmem>> -> memref<1x128xi32, #tpu.memory_space<vmem>>
        %dma_start3A_363 = tpu.memref_squeeze %dma_start3A_362 : memref<1x128xi32, #tpu.memory_space<vmem>> -> memref<128xi32, #tpu.memory_space<vmem>>
        %dma_start3A_364 = arith.constant 0 : i32
        %dma_start3A_365 = arith.constant 0 : i32
        %dma_start3A_366 = tpu.memref_slice %arg3[%dma_start3A_364, %dma_start3A_365] : memref<10000x16xf32, #tpu.memory_space<hbm>> -> memref<10000x16xf32, #tpu.memory_space<hbm>>
        tpu.enqueue_indirect_dma source(%dma_start3A_366 : memref<10000x16xf32, #tpu.memory_space<hbm>>) target(%arg8 : memref<128x16xf32, #tpu.memory_space<vmem>>) offsets(%dma_start3A_363 : memref<128xi32, #tpu.memory_space<vmem>>) semaphore(%arg18 : memref<!tpu.dma_semaphore, #tpu.memory_space<semaphore_mem>>)
      } else {
      }
      %lt3A_270 = arith.cmpi slt, %add3A_262, %sub3A_49 : i32
      %lt3A_271 = arith.constant 4 : i32
      %lt3A_272 = arith.cmpi slt, %add3A_260, %lt3A_271 : i32
      %and3A_273 = arith.andi %lt3A_270, %lt3A_272 : i1
      %convert_element_type3A_274 = arith.extui %and3A_273 : i1 to i32
      %cond3A_275 = arith.constant 0 : i32
      %cond3A_276 = arith.cmpi ne, %convert_element_type3A_274, %cond3A_275 : i32
      scf.if %cond3A_276 {
        %add3A_353 = arith.addi %sub3A_48, %add3A_262 : i32
        %dma_start3A_354 = arith.constant 0 : i32
        %dma_start3A_355 = tpu.memref_slice %arg6[%add3A_353, %dma_start3A_354] : memref<79x128xi32, #tpu.memory_space<vmem>> -> memref<1x128xi32, #tpu.memory_space<vmem>>
        %dma_start3A_356 = tpu.memref_squeeze %dma_start3A_355 : memref<1x128xi32, #tpu.memory_space<vmem>> -> memref<128xi32, #tpu.memory_space<vmem>>
        %dma_start3A_357 = arith.constant 0 : i32
        %dma_start3A_358 = arith.constant 0 : i32
        %dma_start3A_359 = tpu.memref_slice %arg3[%dma_start3A_357, %dma_start3A_358] : memref<10000x16xf32, #tpu.memory_space<hbm>> -> memref<10000x16xf32, #tpu.memory_space<hbm>>
        tpu.enqueue_indirect_dma source(%dma_start3A_359 : memref<10000x16xf32, #tpu.memory_space<hbm>>) target(%arg8 : memref<128x16xf32, #tpu.memory_space<vmem>>) offsets(%dma_start3A_356 : memref<128xi32, #tpu.memory_space<vmem>>) semaphore(%arg18 : memref<!tpu.dma_semaphore, #tpu.memory_space<semaphore_mem>>)
      } else {
      }
      %lt3A_277 = arith.cmpi slt, %add3A_260, %sub3A_49 : i32
      %convert_element_type3A_278 = arith.extui %lt3A_277 : i1 to i32
      %cond3A_279 = arith.constant 0 : i32
      %cond3A_280 = arith.cmpi ne, %convert_element_type3A_278, %cond3A_279 : i32
      scf.if %cond3A_280 {
        %dma_wait3A_353 = arith.constant 0 : i32
        %dma_wait3A_354 = arith.constant 0 : i32
        %dma_wait3A_355 = tpu.memref_slice %arg3[%dma_wait3A_353, %dma_wait3A_354] : memref<10000x16xf32, #tpu.memory_space<hbm>> -> memref<128x16xf32, #tpu.memory_space<hbm>>
        %dma_wait3A_356 = arith.constant 0 : i32
        %dma_wait3A_357 = arith.constant 0 : i32
        %dma_wait3A_358 = tpu.memref_slice %arg3[%dma_wait3A_356, %dma_wait3A_357] : memref<10000x16xf32, #tpu.memory_space<hbm>> -> memref<128x16xf32, #tpu.memory_space<hbm>>
        tpu.wait_dma2 semaphore(%arg22 : memref<!tpu.dma_semaphore, #tpu.memory_space<semaphore_mem>>) src(%dma_wait3A_358 : memref<128x16xf32, #tpu.memory_space<hbm>>) dst(%arg12 : memref<128x16xf32, #tpu.memory_space<vmem>>)
        %add3A_359 = arith.addi %sub3A_48, %add3A_260 : i32
        %dma_start3A_360 = arith.constant 0 : i32
        %dma_start3A_361 = tpu.memref_slice %arg7[%add3A_359, %dma_start3A_360] : memref<79x128xi32, #tpu.memory_space<vmem>> -> memref<1x128xi32, #tpu.memory_space<vmem>>
        %dma_start3A_362 = tpu.memref_squeeze %dma_start3A_361 : memref<1x128xi32, #tpu.memory_space<vmem>> -> memref<128xi32, #tpu.memory_space<vmem>>
        %dma_start3A_363 = arith.constant 0 : i32
        %dma_start3A_364 = arith.constant 0 : i32
        %dma_start3A_365 = tpu.memref_slice %arg17[%dma_start3A_363, %dma_start3A_364] : memref<10016x16xf32, #tpu.memory_space<vmem_shared>> -> memref<10016x16xf32, #tpu.memory_space<vmem_shared>>
        tpu.enqueue_indirect_dma source(%arg12 : memref<128x16xf32, #tpu.memory_space<vmem>>) target(%dma_start3A_365 : memref<10016x16xf32, #tpu.memory_space<vmem_shared>>) offsets(%dma_start3A_362 : memref<128xi32, #tpu.memory_space<vmem>>) semaphore(%arg30 : memref<!tpu.dma_semaphore, #tpu.memory_space<semaphore_mem>>) {add = true}
      } else {
      }
      %mul3A_281 = arith.constant 8 : i32
      %mul3A_282 = arith.muli %scan3A_162, %mul3A_281 : i32
      %add3A_283 = arith.constant 5 : i32
      %add3A_284 = arith.addi %mul3A_282, %add3A_283 : i32
      %add3A_285 = arith.constant 4 : i32
      %add3A_286 = arith.addi %add3A_284, %add3A_285 : i32
      %lt3A_287 = arith.cmpi slt, %add3A_286, %sub3A_49 : i32
      %ge3A_288 = arith.constant 4 : i32
      %ge3A_289 = arith.cmpi sge, %add3A_284, %ge3A_288 : i32
      %and3A_290 = arith.andi %lt3A_287, %ge3A_289 : i1
      %convert_element_type3A_291 = arith.extui %and3A_290 : i1 to i32
      %cond3A_292 = arith.constant 0 : i32
      %cond3A_293 = arith.cmpi ne, %convert_element_type3A_291, %cond3A_292 : i32
      scf.if %cond3A_293 {
        %dma_wait3A_353 = arith.constant 0 : i32
        %dma_wait3A_354 = arith.constant 0 : i32
        %dma_wait3A_355 = tpu.memref_slice %arg7[%dma_wait3A_353, %dma_wait3A_354] : memref<79x128xi32, #tpu.memory_space<vmem>> -> memref<1x128xi32, #tpu.memory_space<vmem>>
        %dma_wait3A_356 = tpu.memref_squeeze %dma_wait3A_355 : memref<1x128xi32, #tpu.memory_space<vmem>> -> memref<128xi32, #tpu.memory_space<vmem>>
        %dma_wait3A_357 = arith.constant 0 : i32
        %dma_wait3A_358 = arith.constant 0 : i32
        %dma_wait3A_359 = tpu.memref_slice %arg17[%dma_wait3A_357, %dma_wait3A_358] : memref<10016x16xf32, #tpu.memory_space<vmem_shared>> -> memref<10016x16xf32, #tpu.memory_space<vmem_shared>>
        tpu.wait_indirect_dma semaphore(%arg27 : memref<!tpu.dma_semaphore, #tpu.memory_space<semaphore_mem>>) src(%arg9 : memref<128x16xf32, #tpu.memory_space<vmem>>) dst(%dma_wait3A_359 : memref<10016x16xf32, #tpu.memory_space<vmem_shared>>)
        %add3A_360 = arith.addi %sub3A_48, %add3A_286 : i32
        %dma_start3A_361 = arith.constant 0 : i32
        %dma_start3A_362 = tpu.memref_slice %arg6[%add3A_360, %dma_start3A_361] : memref<79x128xi32, #tpu.memory_space<vmem>> -> memref<1x128xi32, #tpu.memory_space<vmem>>
        %dma_start3A_363 = tpu.memref_squeeze %dma_start3A_362 : memref<1x128xi32, #tpu.memory_space<vmem>> -> memref<128xi32, #tpu.memory_space<vmem>>
        %dma_start3A_364 = arith.constant 0 : i32
        %dma_start3A_365 = arith.constant 0 : i32
        %dma_start3A_366 = tpu.memref_slice %arg3[%dma_start3A_364, %dma_start3A_365] : memref<10000x16xf32, #tpu.memory_space<hbm>> -> memref<10000x16xf32, #tpu.memory_space<hbm>>
        tpu.enqueue_indirect_dma source(%dma_start3A_366 : memref<10000x16xf32, #tpu.memory_space<hbm>>) target(%arg9 : memref<128x16xf32, #tpu.memory_space<vmem>>) offsets(%dma_start3A_363 : memref<128xi32, #tpu.memory_space<vmem>>) semaphore(%arg19 : memref<!tpu.dma_semaphore, #tpu.memory_space<semaphore_mem>>)
      } else {
      }
      %lt3A_294 = arith.cmpi slt, %add3A_286, %sub3A_49 : i32
      %lt3A_295 = arith.constant 4 : i32
      %lt3A_296 = arith.cmpi slt, %add3A_284, %lt3A_295 : i32
      %and3A_297 = arith.andi %lt3A_294, %lt3A_296 : i1
      %convert_element_type3A_298 = arith.extui %and3A_297 : i1 to i32
      %cond3A_299 = arith.constant 0 : i32
      %cond3A_300 = arith.cmpi ne, %convert_element_type3A_298, %cond3A_299 : i32
      scf.if %cond3A_300 {
        %add3A_353 = arith.addi %sub3A_48, %add3A_286 : i32
        %dma_start3A_354 = arith.constant 0 : i32
        %dma_start3A_355 = tpu.memref_slice %arg6[%add3A_353, %dma_start3A_354] : memref<79x128xi32, #tpu.memory_space<vmem>> -> memref<1x128xi32, #tpu.memory_space<vmem>>
        %dma_start3A_356 = tpu.memref_squeeze %dma_start3A_355 : memref<1x128xi32, #tpu.memory_space<vmem>> -> memref<128xi32, #tpu.memory_space<vmem>>
        %dma_start3A_357 = arith.constant 0 : i32
        %dma_start3A_358 = arith.constant 0 : i32
        %dma_start3A_359 = tpu.memref_slice %arg3[%dma_start3A_357, %dma_start3A_358] : memref<10000x16xf32, #tpu.memory_space<hbm>> -> memref<10000x16xf32, #tpu.memory_space<hbm>>
        tpu.enqueue_indirect_dma source(%dma_start3A_359 : memref<10000x16xf32, #tpu.memory_space<hbm>>) target(%arg9 : memref<128x16xf32, #tpu.memory_space<vmem>>) offsets(%dma_start3A_356 : memref<128xi32, #tpu.memory_space<vmem>>) semaphore(%arg19 : memref<!tpu.dma_semaphore, #tpu.memory_space<semaphore_mem>>)
      } else {
      }
      %lt3A_301 = arith.cmpi slt, %add3A_284, %sub3A_49 : i32
      %convert_element_type3A_302 = arith.extui %lt3A_301 : i1 to i32
      %cond3A_303 = arith.constant 0 : i32
      %cond3A_304 = arith.cmpi ne, %convert_element_type3A_302, %cond3A_303 : i32
      scf.if %cond3A_304 {
        %dma_wait3A_353 = arith.constant 0 : i32
        %dma_wait3A_354 = arith.constant 0 : i32
        %dma_wait3A_355 = tpu.memref_slice %arg3[%dma_wait3A_353, %dma_wait3A_354] : memref<10000x16xf32, #tpu.memory_space<hbm>> -> memref<128x16xf32, #tpu.memory_space<hbm>>
        %dma_wait3A_356 = arith.constant 0 : i32
        %dma_wait3A_357 = arith.constant 0 : i32
        %dma_wait3A_358 = tpu.memref_slice %arg3[%dma_wait3A_356, %dma_wait3A_357] : memref<10000x16xf32, #tpu.memory_space<hbm>> -> memref<128x16xf32, #tpu.memory_space<hbm>>
        tpu.wait_dma2 semaphore(%arg23 : memref<!tpu.dma_semaphore, #tpu.memory_space<semaphore_mem>>) src(%dma_wait3A_358 : memref<128x16xf32, #tpu.memory_space<hbm>>) dst(%arg13 : memref<128x16xf32, #tpu.memory_space<vmem>>)
        %add3A_359 = arith.addi %sub3A_48, %add3A_284 : i32
        %dma_start3A_360 = arith.constant 0 : i32
        %dma_start3A_361 = tpu.memref_slice %arg7[%add3A_359, %dma_start3A_360] : memref<79x128xi32, #tpu.memory_space<vmem>> -> memref<1x128xi32, #tpu.memory_space<vmem>>
        %dma_start3A_362 = tpu.memref_squeeze %dma_start3A_361 : memref<1x128xi32, #tpu.memory_space<vmem>> -> memref<128xi32, #tpu.memory_space<vmem>>
        %dma_start3A_363 = arith.constant 0 : i32
        %dma_start3A_364 = arith.constant 0 : i32
        %dma_start3A_365 = tpu.memref_slice %arg17[%dma_start3A_363, %dma_start3A_364] : memref<10016x16xf32, #tpu.memory_space<vmem_shared>> -> memref<10016x16xf32, #tpu.memory_space<vmem_shared>>
        tpu.enqueue_indirect_dma source(%arg13 : memref<128x16xf32, #tpu.memory_space<vmem>>) target(%dma_start3A_365 : memref<10016x16xf32, #tpu.memory_space<vmem_shared>>) offsets(%dma_start3A_362 : memref<128xi32, #tpu.memory_space<vmem>>) semaphore(%arg31 : memref<!tpu.dma_semaphore, #tpu.memory_space<semaphore_mem>>) {add = true}
      } else {
      }
      %mul3A_305 = arith.constant 8 : i32
      %mul3A_306 = arith.muli %scan3A_162, %mul3A_305 : i32
      %add3A_307 = arith.constant 6 : i32
      %add3A_308 = arith.addi %mul3A_306, %add3A_307 : i32
      %add3A_309 = arith.constant 4 : i32
      %add3A_310 = arith.addi %add3A_308, %add3A_309 : i32
      %lt3A_311 = arith.cmpi slt, %add3A_310, %sub3A_49 : i32
      %ge3A_312 = arith.constant 4 : i32
      %ge3A_313 = arith.cmpi sge, %add3A_308, %ge3A_312 : i32
      %and3A_314 = arith.andi %lt3A_311, %ge3A_313 : i1
      %convert_element_type3A_315 = arith.extui %and3A_314 : i1 to i32
      %cond3A_316 = arith.constant 0 : i32
      %cond3A_317 = arith.cmpi ne, %convert_element_type3A_315, %cond3A_316 : i32
      scf.if %cond3A_317 {
        %dma_wait3A_353 = arith.constant 0 : i32
        %dma_wait3A_354 = arith.constant 0 : i32
        %dma_wait3A_355 = tpu.memref_slice %arg7[%dma_wait3A_353, %dma_wait3A_354] : memref<79x128xi32, #tpu.memory_space<vmem>> -> memref<1x128xi32, #tpu.memory_space<vmem>>
        %dma_wait3A_356 = tpu.memref_squeeze %dma_wait3A_355 : memref<1x128xi32, #tpu.memory_space<vmem>> -> memref<128xi32, #tpu.memory_space<vmem>>
        %dma_wait3A_357 = arith.constant 0 : i32
        %dma_wait3A_358 = arith.constant 0 : i32
        %dma_wait3A_359 = tpu.memref_slice %arg17[%dma_wait3A_357, %dma_wait3A_358] : memref<10016x16xf32, #tpu.memory_space<vmem_shared>> -> memref<10016x16xf32, #tpu.memory_space<vmem_shared>>
        tpu.wait_indirect_dma semaphore(%arg28 : memref<!tpu.dma_semaphore, #tpu.memory_space<semaphore_mem>>) src(%arg10 : memref<128x16xf32, #tpu.memory_space<vmem>>) dst(%dma_wait3A_359 : memref<10016x16xf32, #tpu.memory_space<vmem_shared>>)
        %add3A_360 = arith.addi %sub3A_48, %add3A_310 : i32
        %dma_start3A_361 = arith.constant 0 : i32
        %dma_start3A_362 = tpu.memref_slice %arg6[%add3A_360, %dma_start3A_361] : memref<79x128xi32, #tpu.memory_space<vmem>> -> memref<1x128xi32, #tpu.memory_space<vmem>>
        %dma_start3A_363 = tpu.memref_squeeze %dma_start3A_362 : memref<1x128xi32, #tpu.memory_space<vmem>> -> memref<128xi32, #tpu.memory_space<vmem>>
        %dma_start3A_364 = arith.constant 0 : i32
        %dma_start3A_365 = arith.constant 0 : i32
        %dma_start3A_366 = tpu.memref_slice %arg3[%dma_start3A_364, %dma_start3A_365] : memref<10000x16xf32, #tpu.memory_space<hbm>> -> memref<10000x16xf32, #tpu.memory_space<hbm>>
        tpu.enqueue_indirect_dma source(%dma_start3A_366 : memref<10000x16xf32, #tpu.memory_space<hbm>>) target(%arg10 : memref<128x16xf32, #tpu.memory_space<vmem>>) offsets(%dma_start3A_363 : memref<128xi32, #tpu.memory_space<vmem>>) semaphore(%arg20 : memref<!tpu.dma_semaphore, #tpu.memory_space<semaphore_mem>>)
      } else {
      }
      %lt3A_318 = arith.cmpi slt, %add3A_310, %sub3A_49 : i32
      %lt3A_319 = arith.constant 4 : i32
      %lt3A_320 = arith.cmpi slt, %add3A_308, %lt3A_319 : i32
      %and3A_321 = arith.andi %lt3A_318, %lt3A_320 : i1
      %convert_element_type3A_322 = arith.extui %and3A_321 : i1 to i32
      %cond3A_323 = arith.constant 0 : i32
      %cond3A_324 = arith.cmpi ne, %convert_element_type3A_322, %cond3A_323 : i32
      scf.if %cond3A_324 {
        %add3A_353 = arith.addi %sub3A_48, %add3A_310 : i32
        %dma_start3A_354 = arith.constant 0 : i32
        %dma_start3A_355 = tpu.memref_slice %arg6[%add3A_353, %dma_start3A_354] : memref<79x128xi32, #tpu.memory_space<vmem>> -> memref<1x128xi32, #tpu.memory_space<vmem>>
        %dma_start3A_356 = tpu.memref_squeeze %dma_start3A_355 : memref<1x128xi32, #tpu.memory_space<vmem>> -> memref<128xi32, #tpu.memory_space<vmem>>
        %dma_start3A_357 = arith.constant 0 : i32
        %dma_start3A_358 = arith.constant 0 : i32
        %dma_start3A_359 = tpu.memref_slice %arg3[%dma_start3A_357, %dma_start3A_358] : memref<10000x16xf32, #tpu.memory_space<hbm>> -> memref<10000x16xf32, #tpu.memory_space<hbm>>
        tpu.enqueue_indirect_dma source(%dma_start3A_359 : memref<10000x16xf32, #tpu.memory_space<hbm>>) target(%arg10 : memref<128x16xf32, #tpu.memory_space<vmem>>) offsets(%dma_start3A_356 : memref<128xi32, #tpu.memory_space<vmem>>) semaphore(%arg20 : memref<!tpu.dma_semaphore, #tpu.memory_space<semaphore_mem>>)
      } else {
      }
      %lt3A_325 = arith.cmpi slt, %add3A_308, %sub3A_49 : i32
      %convert_element_type3A_326 = arith.extui %lt3A_325 : i1 to i32
      %cond3A_327 = arith.constant 0 : i32
      %cond3A_328 = arith.cmpi ne, %convert_element_type3A_326, %cond3A_327 : i32
      scf.if %cond3A_328 {
        %dma_wait3A_353 = arith.constant 0 : i32
        %dma_wait3A_354 = arith.constant 0 : i32
        %dma_wait3A_355 = tpu.memref_slice %arg3[%dma_wait3A_353, %dma_wait3A_354] : memref<10000x16xf32, #tpu.memory_space<hbm>> -> memref<128x16xf32, #tpu.memory_space<hbm>>
        %dma_wait3A_356 = arith.constant 0 : i32
        %dma_wait3A_357 = arith.constant 0 : i32
        %dma_wait3A_358 = tpu.memref_slice %arg3[%dma_wait3A_356, %dma_wait3A_357] : memref<10000x16xf32, #tpu.memory_space<hbm>> -> memref<128x16xf32, #tpu.memory_space<hbm>>
        tpu.wait_dma2 semaphore(%arg24 : memref<!tpu.dma_semaphore, #tpu.memory_space<semaphore_mem>>) src(%dma_wait3A_358 : memref<128x16xf32, #tpu.memory_space<hbm>>) dst(%arg14 : memref<128x16xf32, #tpu.memory_space<vmem>>)
        %add3A_359 = arith.addi %sub3A_48, %add3A_308 : i32
        %dma_start3A_360 = arith.constant 0 : i32
        %dma_start3A_361 = tpu.memref_slice %arg7[%add3A_359, %dma_start3A_360] : memref<79x128xi32, #tpu.memory_space<vmem>> -> memref<1x128xi32, #tpu.memory_space<vmem>>
        %dma_start3A_362 = tpu.memref_squeeze %dma_start3A_361 : memref<1x128xi32, #tpu.memory_space<vmem>> -> memref<128xi32, #tpu.memory_space<vmem>>
        %dma_start3A_363 = arith.constant 0 : i32
        %dma_start3A_364 = arith.constant 0 : i32
        %dma_start3A_365 = tpu.memref_slice %arg17[%dma_start3A_363, %dma_start3A_364] : memref<10016x16xf32, #tpu.memory_space<vmem_shared>> -> memref<10016x16xf32, #tpu.memory_space<vmem_shared>>
        tpu.enqueue_indirect_dma source(%arg14 : memref<128x16xf32, #tpu.memory_space<vmem>>) target(%dma_start3A_365 : memref<10016x16xf32, #tpu.memory_space<vmem_shared>>) offsets(%dma_start3A_362 : memref<128xi32, #tpu.memory_space<vmem>>) semaphore(%arg32 : memref<!tpu.dma_semaphore, #tpu.memory_space<semaphore_mem>>) {add = true}
      } else {
      }
      %mul3A_329 = arith.constant 8 : i32
      %mul3A_330 = arith.muli %scan3A_162, %mul3A_329 : i32
      %add3A_331 = arith.constant 7 : i32
      %add3A_332 = arith.addi %mul3A_330, %add3A_331 : i32
      %add3A_333 = arith.constant 4 : i32
      %add3A_334 = arith.addi %add3A_332, %add3A_333 : i32
      %lt3A_335 = arith.cmpi slt, %add3A_334, %sub3A_49 : i32
      %ge3A_336 = arith.constant 4 : i32
      %ge3A_337 = arith.cmpi sge, %add3A_332, %ge3A_336 : i32
      %and3A_338 = arith.andi %lt3A_335, %ge3A_337 : i1
      %convert_element_type3A_339 = arith.extui %and3A_338 : i1 to i32
      %cond3A_340 = arith.constant 0 : i32
      %cond3A_341 = arith.cmpi ne, %convert_element_type3A_339, %cond3A_340 : i32
      scf.if %cond3A_341 {
        %dma_wait3A_353 = arith.constant 0 : i32
        %dma_wait3A_354 = arith.constant 0 : i32
        %dma_wait3A_355 = tpu.memref_slice %arg7[%dma_wait3A_353, %dma_wait3A_354] : memref<79x128xi32, #tpu.memory_space<vmem>> -> memref<1x128xi32, #tpu.memory_space<vmem>>
        %dma_wait3A_356 = tpu.memref_squeeze %dma_wait3A_355 : memref<1x128xi32, #tpu.memory_space<vmem>> -> memref<128xi32, #tpu.memory_space<vmem>>
        %dma_wait3A_357 = arith.constant 0 : i32
        %dma_wait3A_358 = arith.constant 0 : i32
        %dma_wait3A_359 = tpu.memref_slice %arg17[%dma_wait3A_357, %dma_wait3A_358] : memref<10016x16xf32, #tpu.memory_space<vmem_shared>> -> memref<10016x16xf32, #tpu.memory_space<vmem_shared>>
        tpu.wait_indirect_dma semaphore(%arg29 : memref<!tpu.dma_semaphore, #tpu.memory_space<semaphore_mem>>) src(%arg11 : memref<128x16xf32, #tpu.memory_space<vmem>>) dst(%dma_wait3A_359 : memref<10016x16xf32, #tpu.memory_space<vmem_shared>>)
        %add3A_360 = arith.addi %sub3A_48, %add3A_334 : i32
        %dma_start3A_361 = arith.constant 0 : i32
        %dma_start3A_362 = tpu.memref_slice %arg6[%add3A_360, %dma_start3A_361] : memref<79x128xi32, #tpu.memory_space<vmem>> -> memref<1x128xi32, #tpu.memory_space<vmem>>
        %dma_start3A_363 = tpu.memref_squeeze %dma_start3A_362 : memref<1x128xi32, #tpu.memory_space<vmem>> -> memref<128xi32, #tpu.memory_space<vmem>>
        %dma_start3A_364 = arith.constant 0 : i32
        %dma_start3A_365 = arith.constant 0 : i32
        %dma_start3A_366 = tpu.memref_slice %arg3[%dma_start3A_364, %dma_start3A_365] : memref<10000x16xf32, #tpu.memory_space<hbm>> -> memref<10000x16xf32, #tpu.memory_space<hbm>>
        tpu.enqueue_indirect_dma source(%dma_start3A_366 : memref<10000x16xf32, #tpu.memory_space<hbm>>) target(%arg11 : memref<128x16xf32, #tpu.memory_space<vmem>>) offsets(%dma_start3A_363 : memref<128xi32, #tpu.memory_space<vmem>>) semaphore(%arg21 : memref<!tpu.dma_semaphore, #tpu.memory_space<semaphore_mem>>)
      } else {
      }
      %lt3A_342 = arith.cmpi slt, %add3A_334, %sub3A_49 : i32
      %lt3A_343 = arith.constant 4 : i32
      %lt3A_344 = arith.cmpi slt, %add3A_332, %lt3A_343 : i32
      %and3A_345 = arith.andi %lt3A_342, %lt3A_344 : i1
      %convert_element_type3A_346 = arith.extui %and3A_345 : i1 to i32
      %cond3A_347 = arith.constant 0 : i32
      %cond3A_348 = arith.cmpi ne, %convert_element_type3A_346, %cond3A_347 : i32
      scf.if %cond3A_348 {
        %add3A_353 = arith.addi %sub3A_48, %add3A_334 : i32
        %dma_start3A_354 = arith.constant 0 : i32
        %dma_start3A_355 = tpu.memref_slice %arg6[%add3A_353, %dma_start3A_354] : memref<79x128xi32, #tpu.memory_space<vmem>> -> memref<1x128xi32, #tpu.memory_space<vmem>>
        %dma_start3A_356 = tpu.memref_squeeze %dma_start3A_355 : memref<1x128xi32, #tpu.memory_space<vmem>> -> memref<128xi32, #tpu.memory_space<vmem>>
        %dma_start3A_357 = arith.constant 0 : i32
        %dma_start3A_358 = arith.constant 0 : i32
        %dma_start3A_359 = tpu.memref_slice %arg3[%dma_start3A_357, %dma_start3A_358] : memref<10000x16xf32, #tpu.memory_space<hbm>> -> memref<10000x16xf32, #tpu.memory_space<hbm>>
        tpu.enqueue_indirect_dma source(%dma_start3A_359 : memref<10000x16xf32, #tpu.memory_space<hbm>>) target(%arg11 : memref<128x16xf32, #tpu.memory_space<vmem>>) offsets(%dma_start3A_356 : memref<128xi32, #tpu.memory_space<vmem>>) semaphore(%arg21 : memref<!tpu.dma_semaphore, #tpu.memory_space<semaphore_mem>>)
      } else {
      }
      %lt3A_349 = arith.cmpi slt, %add3A_332, %sub3A_49 : i32
      %convert_element_type3A_350 = arith.extui %lt3A_349 : i1 to i32
      %cond3A_351 = arith.constant 0 : i32
      %cond3A_352 = arith.cmpi ne, %convert_element_type3A_350, %cond3A_351 : i32
      scf.if %cond3A_352 {
        %dma_wait3A_353 = arith.constant 0 : i32
        %dma_wait3A_354 = arith.constant 0 : i32
        %dma_wait3A_355 = tpu.memref_slice %arg3[%dma_wait3A_353, %dma_wait3A_354] : memref<10000x16xf32, #tpu.memory_space<hbm>> -> memref<128x16xf32, #tpu.memory_space<hbm>>
        %dma_wait3A_356 = arith.constant 0 : i32
        %dma_wait3A_357 = arith.constant 0 : i32
        %dma_wait3A_358 = tpu.memref_slice %arg3[%dma_wait3A_356, %dma_wait3A_357] : memref<10000x16xf32, #tpu.memory_space<hbm>> -> memref<128x16xf32, #tpu.memory_space<hbm>>
        tpu.wait_dma2 semaphore(%arg25 : memref<!tpu.dma_semaphore, #tpu.memory_space<semaphore_mem>>) src(%dma_wait3A_358 : memref<128x16xf32, #tpu.memory_space<hbm>>) dst(%arg15 : memref<128x16xf32, #tpu.memory_space<vmem>>)
        %add3A_359 = arith.addi %sub3A_48, %add3A_332 : i32
        %dma_start3A_360 = arith.constant 0 : i32
        %dma_start3A_361 = tpu.memref_slice %arg7[%add3A_359, %dma_start3A_360] : memref<79x128xi32, #tpu.memory_space<vmem>> -> memref<1x128xi32, #tpu.memory_space<vmem>>
        %dma_start3A_362 = tpu.memref_squeeze %dma_start3A_361 : memref<1x128xi32, #tpu.memory_space<vmem>> -> memref<128xi32, #tpu.memory_space<vmem>>
        %dma_start3A_363 = arith.constant 0 : i32
        %dma_start3A_364 = arith.constant 0 : i32
        %dma_start3A_365 = tpu.memref_slice %arg17[%dma_start3A_363, %dma_start3A_364] : memref<10016x16xf32, #tpu.memory_space<vmem_shared>> -> memref<10016x16xf32, #tpu.memory_space<vmem_shared>>
        tpu.enqueue_indirect_dma source(%arg15 : memref<128x16xf32, #tpu.memory_space<vmem>>) target(%dma_start3A_365 : memref<10016x16xf32, #tpu.memory_space<vmem_shared>>) offsets(%dma_start3A_362 : memref<128xi32, #tpu.memory_space<vmem>>) semaphore(%arg33 : memref<!tpu.dma_semaphore, #tpu.memory_space<semaphore_mem>>) {add = true}
      } else {
      }
    }
    %scan3A_94 = arith.constant 10 : i32
    %dma_wait3A = arith.constant 0 : i32
    %dma_wait3A_95 = arith.constant 0 : i32
    %dma_wait3A_96 = tpu.memref_slice %arg7[%dma_wait3A, %dma_wait3A_95] : memref<79x128xi32, #tpu.memory_space<vmem>> -> memref<1x128xi32, #tpu.memory_space<vmem>>
    %dma_wait3A_97 = tpu.memref_squeeze %dma_wait3A_96 : memref<1x128xi32, #tpu.memory_space<vmem>> -> memref<128xi32, #tpu.memory_space<vmem>>
    %dma_wait3A_98 = arith.constant 0 : i32
    %dma_wait3A_99 = arith.constant 0 : i32
    %dma_wait3A_100 = tpu.memref_slice %arg17[%dma_wait3A_98, %dma_wait3A_99] : memref<10016x16xf32, #tpu.memory_space<vmem_shared>> -> memref<10016x16xf32, #tpu.memory_space<vmem_shared>>
    tpu.wait_indirect_dma semaphore(%arg26 : memref<!tpu.dma_semaphore, #tpu.memory_space<semaphore_mem>>) src(%arg8 : memref<128x16xf32, #tpu.memory_space<vmem>>) dst(%dma_wait3A_100 : memref<10016x16xf32, #tpu.memory_space<vmem_shared>>)
    %dma_wait3A_101 = arith.constant 0 : i32
    %dma_wait3A_102 = arith.constant 0 : i32
    %dma_wait3A_103 = tpu.memref_slice %arg7[%dma_wait3A_101, %dma_wait3A_102] : memref<79x128xi32, #tpu.memory_space<vmem>> -> memref<1x128xi32, #tpu.memory_space<vmem>>
    %dma_wait3A_104 = tpu.memref_squeeze %dma_wait3A_103 : memref<1x128xi32, #tpu.memory_space<vmem>> -> memref<128xi32, #tpu.memory_space<vmem>>
    %dma_wait3A_105 = arith.constant 0 : i32
    %dma_wait3A_106 = arith.constant 0 : i32
    %dma_wait3A_107 = tpu.memref_slice %arg17[%dma_wait3A_105, %dma_wait3A_106] : memref<10016x16xf32, #tpu.memory_space<vmem_shared>> -> memref<10016x16xf32, #tpu.memory_space<vmem_shared>>
    tpu.wait_indirect_dma semaphore(%arg27 : memref<!tpu.dma_semaphore, #tpu.memory_space<semaphore_mem>>) src(%arg9 : memref<128x16xf32, #tpu.memory_space<vmem>>) dst(%dma_wait3A_107 : memref<10016x16xf32, #tpu.memory_space<vmem_shared>>)
    %dma_wait3A_108 = arith.constant 0 : i32
    %dma_wait3A_109 = arith.constant 0 : i32
    %dma_wait3A_110 = tpu.memref_slice %arg7[%dma_wait3A_108, %dma_wait3A_109] : memref<79x128xi32, #tpu.memory_space<vmem>> -> memref<1x128xi32, #tpu.memory_space<vmem>>
    %dma_wait3A_111 = tpu.memref_squeeze %dma_wait3A_110 : memref<1x128xi32, #tpu.memory_space<vmem>> -> memref<128xi32, #tpu.memory_space<vmem>>
    %dma_wait3A_112 = arith.constant 0 : i32
    %dma_wait3A_113 = arith.constant 0 : i32
    %dma_wait3A_114 = tpu.memref_slice %arg17[%dma_wait3A_112, %dma_wait3A_113] : memref<10016x16xf32, #tpu.memory_space<vmem_shared>> -> memref<10016x16xf32, #tpu.memory_space<vmem_shared>>
    tpu.wait_indirect_dma semaphore(%arg28 : memref<!tpu.dma_semaphore, #tpu.memory_space<semaphore_mem>>) src(%arg10 : memref<128x16xf32, #tpu.memory_space<vmem>>) dst(%dma_wait3A_114 : memref<10016x16xf32, #tpu.memory_space<vmem_shared>>)
    %dma_wait3A_115 = arith.constant 0 : i32
    %dma_wait3A_116 = arith.constant 0 : i32
    %dma_wait3A_117 = tpu.memref_slice %arg7[%dma_wait3A_115, %dma_wait3A_116] : memref<79x128xi32, #tpu.memory_space<vmem>> -> memref<1x128xi32, #tpu.memory_space<vmem>>
    %dma_wait3A_118 = tpu.memref_squeeze %dma_wait3A_117 : memref<1x128xi32, #tpu.memory_space<vmem>> -> memref<128xi32, #tpu.memory_space<vmem>>
    %dma_wait3A_119 = arith.constant 0 : i32
    %dma_wait3A_120 = arith.constant 0 : i32
    %dma_wait3A_121 = tpu.memref_slice %arg17[%dma_wait3A_119, %dma_wait3A_120] : memref<10016x16xf32, #tpu.memory_space<vmem_shared>> -> memref<10016x16xf32, #tpu.memory_space<vmem_shared>>
    tpu.wait_indirect_dma semaphore(%arg29 : memref<!tpu.dma_semaphore, #tpu.memory_space<semaphore_mem>>) src(%arg11 : memref<128x16xf32, #tpu.memory_space<vmem>>) dst(%dma_wait3A_121 : memref<10016x16xf32, #tpu.memory_space<vmem_shared>>)
    %dma_wait3A_122 = arith.constant 0 : i32
    %dma_wait3A_123 = arith.constant 0 : i32
    %dma_wait3A_124 = tpu.memref_slice %arg7[%dma_wait3A_122, %dma_wait3A_123] : memref<79x128xi32, #tpu.memory_space<vmem>> -> memref<1x128xi32, #tpu.memory_space<vmem>>
    %dma_wait3A_125 = tpu.memref_squeeze %dma_wait3A_124 : memref<1x128xi32, #tpu.memory_space<vmem>> -> memref<128xi32, #tpu.memory_space<vmem>>
    %dma_wait3A_126 = arith.constant 0 : i32
    %dma_wait3A_127 = arith.constant 0 : i32
    %dma_wait3A_128 = tpu.memref_slice %arg17[%dma_wait3A_126, %dma_wait3A_127] : memref<10016x16xf32, #tpu.memory_space<vmem_shared>> -> memref<10016x16xf32, #tpu.memory_space<vmem_shared>>
    tpu.wait_indirect_dma semaphore(%arg30 : memref<!tpu.dma_semaphore, #tpu.memory_space<semaphore_mem>>) src(%arg12 : memref<128x16xf32, #tpu.memory_space<vmem>>) dst(%dma_wait3A_128 : memref<10016x16xf32, #tpu.memory_space<vmem_shared>>)
    %dma_wait3A_129 = arith.constant 0 : i32
    %dma_wait3A_130 = arith.constant 0 : i32
    %dma_wait3A_131 = tpu.memref_slice %arg7[%dma_wait3A_129, %dma_wait3A_130] : memref<79x128xi32, #tpu.memory_space<vmem>> -> memref<1x128xi32, #tpu.memory_space<vmem>>
    %dma_wait3A_132 = tpu.memref_squeeze %dma_wait3A_131 : memref<1x128xi32, #tpu.memory_space<vmem>> -> memref<128xi32, #tpu.memory_space<vmem>>
    %dma_wait3A_133 = arith.constant 0 : i32
    %dma_wait3A_134 = arith.constant 0 : i32
    %dma_wait3A_135 = tpu.memref_slice %arg17[%dma_wait3A_133, %dma_wait3A_134] : memref<10016x16xf32, #tpu.memory_space<vmem_shared>> -> memref<10016x16xf32, #tpu.memory_space<vmem_shared>>
    tpu.wait_indirect_dma semaphore(%arg31 : memref<!tpu.dma_semaphore, #tpu.memory_space<semaphore_mem>>) src(%arg13 : memref<128x16xf32, #tpu.memory_space<vmem>>) dst(%dma_wait3A_135 : memref<10016x16xf32, #tpu.memory_space<vmem_shared>>)
    %dma_wait3A_136 = arith.constant 0 : i32
    %dma_wait3A_137 = arith.constant 0 : i32
    %dma_wait3A_138 = tpu.memref_slice %arg7[%dma_wait3A_136, %dma_wait3A_137] : memref<79x128xi32, #tpu.memory_space<vmem>> -> memref<1x128xi32, #tpu.memory_space<vmem>>
    %dma_wait3A_139 = tpu.memref_squeeze %dma_wait3A_138 : memref<1x128xi32, #tpu.memory_space<vmem>> -> memref<128xi32, #tpu.memory_space<vmem>>
    %dma_wait3A_140 = arith.constant 0 : i32
    %dma_wait3A_141 = arith.constant 0 : i32
    %dma_wait3A_142 = tpu.memref_slice %arg17[%dma_wait3A_140, %dma_wait3A_141] : memref<10016x16xf32, #tpu.memory_space<vmem_shared>> -> memref<10016x16xf32, #tpu.memory_space<vmem_shared>>
    tpu.wait_indirect_dma semaphore(%arg32 : memref<!tpu.dma_semaphore, #tpu.memory_space<semaphore_mem>>) src(%arg14 : memref<128x16xf32, #tpu.memory_space<vmem>>) dst(%dma_wait3A_142 : memref<10016x16xf32, #tpu.memory_space<vmem_shared>>)
    %dma_wait3A_143 = arith.constant 0 : i32
    %dma_wait3A_144 = arith.constant 0 : i32
    %dma_wait3A_145 = tpu.memref_slice %arg7[%dma_wait3A_143, %dma_wait3A_144] : memref<79x128xi32, #tpu.memory_space<vmem>> -> memref<1x128xi32, #tpu.memory_space<vmem>>
    %dma_wait3A_146 = tpu.memref_squeeze %dma_wait3A_145 : memref<1x128xi32, #tpu.memory_space<vmem>> -> memref<128xi32, #tpu.memory_space<vmem>>
    %dma_wait3A_147 = arith.constant 0 : i32
    %dma_wait3A_148 = arith.constant 0 : i32
    %dma_wait3A_149 = tpu.memref_slice %arg17[%dma_wait3A_147, %dma_wait3A_148] : memref<10016x16xf32, #tpu.memory_space<vmem_shared>> -> memref<10016x16xf32, #tpu.memory_space<vmem_shared>>
    tpu.wait_indirect_dma semaphore(%arg33 : memref<!tpu.dma_semaphore, #tpu.memory_space<semaphore_mem>>) src(%arg15 : memref<128x16xf32, #tpu.memory_space<vmem>>) dst(%dma_wait3A_149 : memref<10016x16xf32, #tpu.memory_space<vmem_shared>>)
    %barrier3A_150 = arith.constant 0 : index
    tpu.barrier barrier_id(%barrier3A_150)
    %scan3A_151 = arith.constant 0 : i32
    %scan3A_152 = arith.constant 0 : i32
    %scan3A_153 = arith.constant 5 : i32
    %scan3A_154 = arith.addi %scan3A_152, %scan3A_153 : i32
    %scan3A_155 = arith.constant 1 : i32
    scf.for %scan3A_162 = %scan3A_152 to %scan3A_154 step %scan3A_155  : i32 {
      %mul3A_163 = arith.constant 16 : i32
      %mul3A_164 = arith.muli %scan3A_162, %mul3A_163 : i32
      %add3A_165 = arith.addi %arg1, %mul3A_164 : i32
      %lt3A = arith.constant 78 : i32
      %lt3A_166 = arith.cmpi slt, %add3A_165, %lt3A : i32
      %convert_element_type3A_167 = arith.extui %lt3A_166 : i1 to i32
      %cond3A_168 = arith.constant 0 : i32
      %cond3A_169 = arith.cmpi ne, %convert_element_type3A_167, %cond3A_168 : i32
      scf.if %cond3A_169 {
        %mul3A_170 = arith.constant 128 : i32
        %mul3A_171 = arith.muli %add3A_165, %mul3A_170 : i32
        "tpu.region"() ({
          %run_scoped3A_177 = tpu.sem_alloc : memref<!tpu.dma_semaphore, #tpu.memory_space<semaphore_mem>>
          %dma_start3A_178 = arith.constant 0 : i32
          %dma_start3A_179 = tpu.memref_slice %arg17[%mul3A_171, %dma_start3A_178] : memref<10016x16xf32, #tpu.memory_space<vmem_shared>> -> memref<128x16xf32, #tpu.memory_space<vmem_shared>>
          %dma_start3A_180 = arith.constant 0 : i32
          %dma_start3A_181 = tpu.memref_slice %arg17[%mul3A_171, %dma_start3A_180] : memref<10016x16xf32, #tpu.memory_space<vmem_shared>> -> memref<128x16xf32, #tpu.memory_space<vmem_shared>>
          tpu.enqueue_dma source(%dma_start3A_181 : memref<128x16xf32, #tpu.memory_space<vmem_shared>>) target(%arg8 : memref<128x16xf32, #tpu.memory_space<vmem>>) target_semaphore(%run_scoped3A_177 : memref<!tpu.dma_semaphore, #tpu.memory_space<semaphore_mem>>)
          %dma_wait3A_182 = arith.constant 0 : i32
          %dma_wait3A_183 = tpu.memref_slice %arg17[%mul3A_171, %dma_wait3A_182] : memref<10016x16xf32, #tpu.memory_space<vmem_shared>> -> memref<128x16xf32, #tpu.memory_space<vmem_shared>>
          %dma_wait3A_184 = arith.constant 0 : i32
          %dma_wait3A_185 = tpu.memref_slice %arg17[%mul3A_171, %dma_wait3A_184] : memref<10016x16xf32, #tpu.memory_space<vmem_shared>> -> memref<128x16xf32, #tpu.memory_space<vmem_shared>>
          tpu.wait_dma2 semaphore(%run_scoped3A_177 : memref<!tpu.dma_semaphore, #tpu.memory_space<semaphore_mem>>) src(%dma_wait3A_185 : memref<128x16xf32, #tpu.memory_space<vmem_shared>>) dst(%arg8 : memref<128x16xf32, #tpu.memory_space<vmem>>)
          tpu.yield
        }) : () -> ()
        %mul3A_172 = arith.constant 10000 : i32
        %mul3A_173 = arith.muli %arg0, %mul3A_172 : i32
        %mul3A_174 = arith.constant 128 : i32
        %mul3A_175 = arith.muli %add3A_165, %mul3A_174 : i32
        %add3A_176 = arith.addi %mul3A_173, %mul3A_175 : i32
        "tpu.region"() ({
          %run_scoped3A_177 = tpu.sem_alloc : memref<!tpu.dma_semaphore, #tpu.memory_space<semaphore_mem>>
          %dma_start3A_178 = arith.constant 0 : i32
          %dma_start3A_179 = tpu.memref_slice %arg5[%add3A_176, %dma_start3A_178] : memref<20000x16xf32, #tpu.memory_space<hbm>> -> memref<128x16xf32, #tpu.memory_space<hbm>>
          %dma_start3A_180 = arith.constant 0 : i32
          %dma_start3A_181 = tpu.memref_slice %arg5[%add3A_176, %dma_start3A_180] : memref<20000x16xf32, #tpu.memory_space<hbm>> -> memref<128x16xf32, #tpu.memory_space<hbm>>
          tpu.enqueue_dma source(%arg8 : memref<128x16xf32, #tpu.memory_space<vmem>>) target(%dma_start3A_181 : memref<128x16xf32, #tpu.memory_space<hbm>>) target_semaphore(%run_scoped3A_177 : memref<!tpu.dma_semaphore, #tpu.memory_space<semaphore_mem>>)
          %dma_wait3A_182 = arith.constant 0 : i32
          %dma_wait3A_183 = tpu.memref_slice %arg5[%add3A_176, %dma_wait3A_182] : memref<20000x16xf32, #tpu.memory_space<hbm>> -> memref<128x16xf32, #tpu.memory_space<hbm>>
          %dma_wait3A_184 = arith.constant 0 : i32
          %dma_wait3A_185 = tpu.memref_slice %arg5[%add3A_176, %dma_wait3A_184] : memref<20000x16xf32, #tpu.memory_space<hbm>> -> memref<128x16xf32, #tpu.memory_space<hbm>>
          tpu.wait_dma2 semaphore(%run_scoped3A_177 : memref<!tpu.dma_semaphore, #tpu.memory_space<semaphore_mem>>) src(%arg8 : memref<128x16xf32, #tpu.memory_space<vmem>>) dst(%dma_wait3A_185 : memref<128x16xf32, #tpu.memory_space<hbm>>)
          tpu.yield
        }) : () -> ()
      } else {
      }
    }
    %scan3A_156 = arith.constant 5 : i32
    %eq3A_157 = arith.constant 0 : i32
    %eq3A_158 = arith.cmpi eq, %arg1, %eq3A_157 : i32
    %convert_element_type3A_159 = arith.extui %eq3A_158 : i1 to i32
    %cond3A_160 = arith.constant 0 : i32
    %cond3A_161 = arith.cmpi ne, %convert_element_type3A_159, %cond3A_160 : i32
    scf.if %cond3A_161 {
      "tpu.region"() ({
        %run_scoped3A_166 = tpu.sem_alloc : memref<!tpu.dma_semaphore, #tpu.memory_space<semaphore_mem>>
        %dma_start3A_167 = arith.constant 0 : i32
        %dma_start3A_168 = arith.constant 0 : i32
        %dma_start3A_169 = tpu.memref_slice %arg8[%dma_start3A_167, %dma_start3A_168] : memref<128x16xf32, #tpu.memory_space<vmem>> -> memref<16x16xf32, #tpu.memory_space<vmem>>
        %dma_start3A_170 = arith.constant 9984 : i32
        %dma_start3A_171 = arith.constant 0 : i32
        %dma_start3A_172 = tpu.memref_slice %arg17[%dma_start3A_170, %dma_start3A_171] : memref<10016x16xf32, #tpu.memory_space<vmem_shared>> -> memref<16x16xf32, #tpu.memory_space<vmem_shared>>
        %dma_start3A_173 = arith.constant 0 : i32
        %dma_start3A_174 = arith.constant 0 : i32
        %dma_start3A_175 = tpu.memref_slice %arg8[%dma_start3A_173, %dma_start3A_174] : memref<128x16xf32, #tpu.memory_space<vmem>> -> memref<16x16xf32, #tpu.memory_space<vmem>>
        %dma_start3A_176 = arith.constant 9984 : i32
        %dma_start3A_177 = arith.constant 0 : i32
        %dma_start3A_178 = tpu.memref_slice %arg17[%dma_start3A_176, %dma_start3A_177] : memref<10016x16xf32, #tpu.memory_space<vmem_shared>> -> memref<16x16xf32, #tpu.memory_space<vmem_shared>>
        tpu.enqueue_dma source(%dma_start3A_178 : memref<16x16xf32, #tpu.memory_space<vmem_shared>>) target(%dma_start3A_175 : memref<16x16xf32, #tpu.memory_space<vmem>>) target_semaphore(%run_scoped3A_166 : memref<!tpu.dma_semaphore, #tpu.memory_space<semaphore_mem>>)
        %dma_wait3A_179 = arith.constant 0 : i32
        %dma_wait3A_180 = arith.constant 0 : i32
        %dma_wait3A_181 = tpu.memref_slice %arg8[%dma_wait3A_179, %dma_wait3A_180] : memref<128x16xf32, #tpu.memory_space<vmem>> -> memref<16x16xf32, #tpu.memory_space<vmem>>
        %dma_wait3A_182 = arith.constant 9984 : i32
        %dma_wait3A_183 = arith.constant 0 : i32
        %dma_wait3A_184 = tpu.memref_slice %arg17[%dma_wait3A_182, %dma_wait3A_183] : memref<10016x16xf32, #tpu.memory_space<vmem_shared>> -> memref<16x16xf32, #tpu.memory_space<vmem_shared>>
        %dma_wait3A_185 = arith.constant 0 : i32
        %dma_wait3A_186 = arith.constant 0 : i32
        %dma_wait3A_187 = tpu.memref_slice %arg8[%dma_wait3A_185, %dma_wait3A_186] : memref<128x16xf32, #tpu.memory_space<vmem>> -> memref<16x16xf32, #tpu.memory_space<vmem>>
        %dma_wait3A_188 = arith.constant 9984 : i32
        %dma_wait3A_189 = arith.constant 0 : i32
        %dma_wait3A_190 = tpu.memref_slice %arg17[%dma_wait3A_188, %dma_wait3A_189] : memref<10016x16xf32, #tpu.memory_space<vmem_shared>> -> memref<16x16xf32, #tpu.memory_space<vmem_shared>>
        tpu.wait_dma2 semaphore(%run_scoped3A_166 : memref<!tpu.dma_semaphore, #tpu.memory_space<semaphore_mem>>) src(%dma_wait3A_190 : memref<16x16xf32, #tpu.memory_space<vmem_shared>>) dst(%dma_wait3A_187 : memref<16x16xf32, #tpu.memory_space<vmem>>)
        tpu.yield
      }) : () -> ()
      %mul3A_162 = arith.constant 10000 : i32
      %mul3A_163 = arith.muli %arg0, %mul3A_162 : i32
      %add3A_164 = arith.constant 9984 : i32
      %add3A_165 = arith.addi %mul3A_163, %add3A_164 : i32
      "tpu.region"() ({
        %run_scoped3A_166 = tpu.sem_alloc : memref<!tpu.dma_semaphore, #tpu.memory_space<semaphore_mem>>
        %dma_start3A_167 = arith.constant 0 : i32
        %dma_start3A_168 = arith.constant 0 : i32
        %dma_start3A_169 = tpu.memref_slice %arg8[%dma_start3A_167, %dma_start3A_168] : memref<128x16xf32, #tpu.memory_space<vmem>> -> memref<16x16xf32, #tpu.memory_space<vmem>>
        %dma_start3A_170 = arith.constant 0 : i32
        %dma_start3A_171 = tpu.memref_slice %arg5[%add3A_165, %dma_start3A_170] : memref<20000x16xf32, #tpu.memory_space<hbm>> -> memref<16x16xf32, #tpu.memory_space<hbm>>
        %dma_start3A_172 = arith.constant 0 : i32
        %dma_start3A_173 = tpu.memref_slice %arg5[%add3A_165, %dma_start3A_172] : memref<20000x16xf32, #tpu.memory_space<hbm>> -> memref<16x16xf32, #tpu.memory_space<hbm>>
        %dma_start3A_174 = arith.constant 0 : i32
        %dma_start3A_175 = arith.constant 0 : i32
        %dma_start3A_176 = tpu.memref_slice %arg8[%dma_start3A_174, %dma_start3A_175] : memref<128x16xf32, #tpu.memory_space<vmem>> -> memref<16x16xf32, #tpu.memory_space<vmem>>
        tpu.enqueue_dma source(%dma_start3A_176 : memref<16x16xf32, #tpu.memory_space<vmem>>) target(%dma_start3A_173 : memref<16x16xf32, #tpu.memory_space<hbm>>) target_semaphore(%run_scoped3A_166 : memref<!tpu.dma_semaphore, #tpu.memory_space<semaphore_mem>>)
        %dma_wait3A_177 = arith.constant 0 : i32
        %dma_wait3A_178 = arith.constant 0 : i32
        %dma_wait3A_179 = tpu.memref_slice %arg8[%dma_wait3A_177, %dma_wait3A_178] : memref<128x16xf32, #tpu.memory_space<vmem>> -> memref<16x16xf32, #tpu.memory_space<vmem>>
        %dma_wait3A_180 = arith.constant 0 : i32
        %dma_wait3A_181 = tpu.memref_slice %arg5[%add3A_165, %dma_wait3A_180] : memref<20000x16xf32, #tpu.memory_space<hbm>> -> memref<16x16xf32, #tpu.memory_space<hbm>>
        %dma_wait3A_182 = arith.constant 0 : i32
        %dma_wait3A_183 = tpu.memref_slice %arg5[%add3A_165, %dma_wait3A_182] : memref<20000x16xf32, #tpu.memory_space<hbm>> -> memref<16x16xf32, #tpu.memory_space<hbm>>
        %dma_wait3A_184 = arith.constant 0 : i32
        %dma_wait3A_185 = arith.constant 0 : i32
        %dma_wait3A_186 = tpu.memref_slice %arg8[%dma_wait3A_184, %dma_wait3A_185] : memref<128x16xf32, #tpu.memory_space<vmem>> -> memref<16x16xf32, #tpu.memory_space<vmem>>
        tpu.wait_dma2 semaphore(%run_scoped3A_166 : memref<!tpu.dma_semaphore, #tpu.memory_space<semaphore_mem>>) src(%dma_wait3A_186 : memref<16x16xf32, #tpu.memory_space<vmem>>) dst(%dma_wait3A_183 : memref<16x16xf32, #tpu.memory_space<hbm>>)
        tpu.yield
      }) : () -> ()
    } else {
    }
    return
  }
}

module attributes {stable_mosaic.version = 14 : i64} {
  func.func @body(%arg0: i32, %arg1: memref<2000x200xf32, #tpu.memory_space<vmem>>, %arg2: memref<200x32xf32, #tpu.memory_space<vmem>>, %arg3: memref<2000x2xf32, #tpu.memory_space<vmem>>, %arg4: memref<2000x32xf32, #tpu.memory_space<vmem>>) attributes {dimension_semantics = [#tpu.dimension_semantics<arbitrary>], iteration_bounds = array<i64: 5>, scalar_prefetch = 0 : i64, scratch_operands = 0 : i64, tpu.core_type = #tpu.core_type<tc>, window_params = [{transform_indices = @transform_0, window_bounds = array<i64: 2000, 200>}, {pipeline_mode = #tpu.pipeline_mode<synchronous>, transform_indices = @transform_1, window_bounds = array<i64: 200, 32>}, {transform_indices = @transform_2, window_bounds = array<i64: 2000, 2>}, {transform_indices = @transform_3, window_bounds = array<i64: 2000, 32>}]} {
    %get3A = arith.constant 0 : index
    %get3A_0 = arith.constant 0 : index
    %get3A_1 = vector.load %arg1[%get3A, %get3A_0] : memref<2000x200xf32, #tpu.memory_space<vmem>>, vector<2000x200xf32>
    %get3A_2 = arith.constant 0 : index
    %get3A_3 = arith.constant 0 : index
    %get3A_4 = vector.load %arg2[%get3A_2, %get3A_3] : memref<200x32xf32, #tpu.memory_space<vmem>>, vector<200x32xf32>
    %dot_general3A = arith.constant dense<0.000000e+00> : vector<2000x32xf32>
    %dot_general3A_5 = tpu.matmul %get3A_1, %get3A_4, %dot_general3A {dimension_numbers = #tpu.dot_dimension_numbers<[1], [0], [0], [1], [0, 0, 1, 1], [], []>, transpose_lhs_hint = false} : vector<2000x200xf32>, vector<200x32xf32>, vector<2000x32xf32> -> vector<2000x32xf32>
    %get3A_6 = arith.constant 0 : index
    %get3A_7 = arith.constant 0 : index
    %get3A_8 = vector.load %arg3[%get3A_6, %get3A_7] : memref<2000x2xf32, #tpu.memory_space<vmem>>, vector<2000x1xf32>
    %get3A_9 = arith.constant 0 : index
    %get3A_10 = arith.constant 1 : index
    %get3A_11 = vector.load %arg3[%get3A_9, %get3A_10] : memref<2000x2xf32, #tpu.memory_space<vmem>>, vector<2000x1xf32>
    %add3A = arith.addf %get3A_8, %get3A_11 : vector<2000x1xf32>
    %add3A_12 = arith.constant 1.000000e+00 : f32
    %add3A_13 = vector.broadcast %add3A_12 : f32 to vector<2000x1xf32>
    %add3A_14 = arith.addf %add3A, %add3A_13 : vector<2000x1xf32>
    %rsqrt3A = math.rsqrt %add3A_14 : vector<2000x1xf32>
    %mul3A = vector.broadcast %rsqrt3A : vector<2000x1xf32> to vector<2000x32xf32>
    %mul3A_15 = arith.mulf %dot_general3A_5, %mul3A : vector<2000x32xf32>
    %swap3A = arith.constant 0 : index
    %swap3A_16 = arith.constant 0 : index
    %swap3A_17 = vector.load %arg4[%swap3A, %swap3A_16] : memref<2000x32xf32, #tpu.memory_space<vmem>>, vector<2000x32xf32>
    tpu.vector_store %arg4[%swap3A, %swap3A_16], %mul3A_15 {strides = array<i32>} : memref<2000x32xf32, #tpu.memory_space<vmem>>, vector<2000x32xf32>,
    return
  }
  func.func @transform_0(%arg0: i32) -> (i32, i32) {
    %c0_i32 = arith.constant 0 : i32
    %c0_i32_0 = arith.constant 0 : i32
    return %arg0, %c0_i32 : i32, i32
  }
  func.func @transform_1(%arg0: i32) -> (i32, i32) {
    %c0_i32 = arith.constant 0 : i32
    %c0_i32_0 = arith.constant 0 : i32
    %c0_i32_1 = arith.constant 0 : i32
    return %c0_i32, %c0_i32_0 : i32, i32
  }
  func.func @transform_2(%arg0: i32) -> (i32, i32) {
    %c0_i32 = arith.constant 0 : i32
    %c0_i32_0 = arith.constant 0 : i32
    return %arg0, %c0_i32 : i32, i32
  }
  func.func @transform_3(%arg0: i32) -> (i32, i32) {
    %c0_i32 = arith.constant 0 : i32
    %c0_i32_0 = arith.constant 0 : i32
    return %arg0, %c0_i32 : i32, i32
  }
}

module attributes {stable_mosaic.version = 14 : i64} {
  func.func @body(%arg0: i32, %arg1: memref<2000x32xf32, #tpu.memory_space<vmem>>, %arg2: memref<2000x32xf32, #tpu.memory_space<vmem>>, %arg3: memref<2000x32xf32, #tpu.memory_space<vmem>>, %arg4: memref<2000x2xf32, #tpu.memory_space<vmem>>, %arg5: memref<1x32xf32, #tpu.memory_space<vmem>>, %arg6: memref<32x16xf32, #tpu.memory_space<vmem>>, %arg7: memref<2000x16xf32, #tpu.memory_space<vmem>>) attributes {dimension_semantics = [#tpu.dimension_semantics<arbitrary>], iteration_bounds = array<i64: 5>, scalar_prefetch = 0 : i64, scratch_operands = 0 : i64, tpu.core_type = #tpu.core_type<tc>, window_params = [{transform_indices = @transform_0, window_bounds = array<i64: 2000, 32>}, {transform_indices = @transform_1, window_bounds = array<i64: 2000, 32>}, {transform_indices = @transform_2, window_bounds = array<i64: 2000, 32>}, {transform_indices = @transform_3, window_bounds = array<i64: 2000, 2>}, {pipeline_mode = #tpu.pipeline_mode<synchronous>, transform_indices = @transform_4, window_bounds = array<i64: 1, 32>}, {pipeline_mode = #tpu.pipeline_mode<synchronous>, transform_indices = @transform_5, window_bounds = array<i64: 32, 16>}, {transform_indices = @transform_6, window_bounds = array<i64: 2000, 16>}]} {
    %get3A = arith.constant 0 : index
    %get3A_0 = arith.constant 0 : index
    %get3A_1 = vector.load %arg4[%get3A, %get3A_0] : memref<2000x2xf32, #tpu.memory_space<vmem>>, vector<2000x1xf32>
    %get3A_2 = arith.constant 0 : index
    %get3A_3 = arith.constant 1 : index
    %get3A_4 = vector.load %arg4[%get3A_2, %get3A_3] : memref<2000x2xf32, #tpu.memory_space<vmem>>, vector<2000x1xf32>
    %add3A = arith.addf %get3A_1, %get3A_4 : vector<2000x1xf32>
    %add3A_5 = arith.constant 1.000000e+00 : f32
    %add3A_6 = vector.broadcast %add3A_5 : f32 to vector<2000x1xf32>
    %add3A_7 = arith.addf %add3A, %add3A_6 : vector<2000x1xf32>
    %rsqrt3A = math.rsqrt %add3A_7 : vector<2000x1xf32>
    %get3A_8 = arith.constant 0 : index
    %get3A_9 = arith.constant 0 : index
    %get3A_10 = vector.load %arg1[%get3A_8, %get3A_9] : memref<2000x32xf32, #tpu.memory_space<vmem>>, vector<2000x32xf32>
    %get3A_11 = arith.constant 0 : index
    %get3A_12 = arith.constant 0 : index
    %get3A_13 = vector.load %arg2[%get3A_11, %get3A_12] : memref<2000x32xf32, #tpu.memory_space<vmem>>, vector<2000x32xf32>
    %add3A_14 = arith.addf %get3A_10, %get3A_13 : vector<2000x32xf32>
    %get3A_15 = arith.constant 0 : index
    %get3A_16 = arith.constant 0 : index
    %get3A_17 = vector.load %arg3[%get3A_15, %get3A_16] : memref<2000x32xf32, #tpu.memory_space<vmem>>, vector<2000x32xf32>
    %add3A_18 = arith.addf %add3A_14, %get3A_17 : vector<2000x32xf32>
    %mul3A = vector.broadcast %rsqrt3A : vector<2000x1xf32> to vector<2000x32xf32>
    %mul3A_19 = arith.mulf %add3A_18, %mul3A : vector<2000x32xf32>
    %get3A_20 = arith.constant 0 : index
    %get3A_21 = arith.constant 0 : index
    %get3A_22 = vector.load %arg5[%get3A_20, %get3A_21] : memref<1x32xf32, #tpu.memory_space<vmem>>, vector<1x32xf32>
    %add3A_23 = vector.broadcast %get3A_22 : vector<1x32xf32> to vector<2000x32xf32>
    %add3A_24 = arith.addf %mul3A_19, %add3A_23 : vector<2000x32xf32>
    %max3A = arith.constant 0.000000e+00 : f32
    %max3A_25 = vector.broadcast %max3A : f32 to vector<2000x32xf32>
    %max3A_26 = arith.maximumf %add3A_24, %max3A_25 : vector<2000x32xf32>
    %get3A_27 = arith.constant 0 : index
    %get3A_28 = arith.constant 0 : index
    %get3A_29 = vector.load %arg6[%get3A_27, %get3A_28] : memref<32x16xf32, #tpu.memory_space<vmem>>, vector<32x16xf32>
    %dot_general3A = arith.constant dense<0.000000e+00> : vector<2000x16xf32>
    %dot_general3A_30 = tpu.matmul %max3A_26, %get3A_29, %dot_general3A {dimension_numbers = #tpu.dot_dimension_numbers<[1], [0], [0], [1], [0, 0, 1, 1], [], []>, transpose_lhs_hint = false} : vector<2000x32xf32>, vector<32x16xf32>, vector<2000x16xf32> -> vector<2000x16xf32>
    %mul3A_31 = vector.broadcast %rsqrt3A : vector<2000x1xf32> to vector<2000x16xf32>
    %mul3A_32 = arith.mulf %dot_general3A_30, %mul3A_31 : vector<2000x16xf32>
    %swap3A = arith.constant 0 : index
    %swap3A_33 = arith.constant 0 : index
    %swap3A_34 = vector.load %arg7[%swap3A, %swap3A_33] : memref<2000x16xf32, #tpu.memory_space<vmem>>, vector<2000x16xf32>
    tpu.vector_store %arg7[%swap3A, %swap3A_33], %mul3A_32 {strides = array<i32>} : memref<2000x16xf32, #tpu.memory_space<vmem>>, vector<2000x16xf32>,
    return
  }
  func.func @transform_0(%arg0: i32) -> (i32, i32) {
    %c0_i32 = arith.constant 0 : i32
    %c0_i32_0 = arith.constant 0 : i32
    return %arg0, %c0_i32 : i32, i32
  }
  func.func @transform_1(%arg0: i32) -> (i32, i32) {
    %add3A = arith.constant 5 : i32
    %add3A_0 = arith.addi %arg0, %add3A : i32
    %c0_i32 = arith.constant 0 : i32
    %c0_i32_1 = arith.constant 0 : i32
    return %add3A_0, %c0_i32 : i32, i32
  }
  func.func @transform_2(%arg0: i32) -> (i32, i32) {
    %c0_i32 = arith.constant 0 : i32
    %c0_i32_0 = arith.constant 0 : i32
    return %arg0, %c0_i32 : i32, i32
  }
  func.func @transform_3(%arg0: i32) -> (i32, i32) {
    %c0_i32 = arith.constant 0 : i32
    %c0_i32_0 = arith.constant 0 : i32
    return %arg0, %c0_i32 : i32, i32
  }
  func.func @transform_4(%arg0: i32) -> (i32, i32) {
    %c0_i32 = arith.constant 0 : i32
    %c0_i32_0 = arith.constant 0 : i32
    %c0_i32_1 = arith.constant 0 : i32
    return %c0_i32, %c0_i32_0 : i32, i32
  }
  func.func @transform_5(%arg0: i32) -> (i32, i32) {
    %c0_i32 = arith.constant 0 : i32
    %c0_i32_0 = arith.constant 0 : i32
    %c0_i32_1 = arith.constant 0 : i32
    return %c0_i32, %c0_i32_0 : i32, i32
  }
  func.func @transform_6(%arg0: i32) -> (i32, i32) {
    %c0_i32 = arith.constant 0 : i32
    %c0_i32_0 = arith.constant 0 : i32
    return %arg0, %c0_i32 : i32, i32
  }
}

module attributes {stable_mosaic.version = 14 : i64} {
  func.func @body(%arg0: i32, %arg1: memref<2000x16xf32, #tpu.memory_space<vmem>>, %arg2: memref<2000x16xf32, #tpu.memory_space<vmem>>, %arg3: memref<2000x16xf32, #tpu.memory_space<vmem>>, %arg4: memref<2000x2xf32, #tpu.memory_space<vmem>>, %arg5: memref<1x16xf32, #tpu.memory_space<vmem>>, %arg6: memref<2000x16xf32, #tpu.memory_space<vmem>>) attributes {dimension_semantics = [#tpu.dimension_semantics<arbitrary>], iteration_bounds = array<i64: 5>, scalar_prefetch = 0 : i64, scratch_operands = 0 : i64, tpu.core_type = #tpu.core_type<tc>, window_params = [{transform_indices = @transform_0, window_bounds = array<i64: 2000, 16>}, {transform_indices = @transform_1, window_bounds = array<i64: 2000, 16>}, {transform_indices = @transform_2, window_bounds = array<i64: 2000, 16>}, {transform_indices = @transform_3, window_bounds = array<i64: 2000, 2>}, {pipeline_mode = #tpu.pipeline_mode<synchronous>, transform_indices = @transform_4, window_bounds = array<i64: 1, 16>}, {transform_indices = @transform_5, window_bounds = array<i64: 2000, 16>}]} {
    %get3A = arith.constant 0 : index
    %get3A_0 = arith.constant 0 : index
    %get3A_1 = vector.load %arg4[%get3A, %get3A_0] : memref<2000x2xf32, #tpu.memory_space<vmem>>, vector<2000x1xf32>
    %get3A_2 = arith.constant 0 : index
    %get3A_3 = arith.constant 1 : index
    %get3A_4 = vector.load %arg4[%get3A_2, %get3A_3] : memref<2000x2xf32, #tpu.memory_space<vmem>>, vector<2000x1xf32>
    %add3A = arith.addf %get3A_1, %get3A_4 : vector<2000x1xf32>
    %add3A_5 = arith.constant 1.000000e+00 : f32
    %add3A_6 = vector.broadcast %add3A_5 : f32 to vector<2000x1xf32>
    %add3A_7 = arith.addf %add3A, %add3A_6 : vector<2000x1xf32>
    %rsqrt3A = math.rsqrt %add3A_7 : vector<2000x1xf32>
    %get3A_8 = arith.constant 0 : index
    %get3A_9 = arith.constant 0 : index
    %get3A_10 = vector.load %arg1[%get3A_8, %get3A_9] : memref<2000x16xf32, #tpu.memory_space<vmem>>, vector<2000x16xf32>
    %get3A_11 = arith.constant 0 : index
    %get3A_12 = arith.constant 0 : index
    %get3A_13 = vector.load %arg2[%get3A_11, %get3A_12] : memref<2000x16xf32, #tpu.memory_space<vmem>>, vector<2000x16xf32>
    %add3A_14 = arith.addf %get3A_10, %get3A_13 : vector<2000x16xf32>
    %get3A_15 = arith.constant 0 : index
    %get3A_16 = arith.constant 0 : index
    %get3A_17 = vector.load %arg3[%get3A_15, %get3A_16] : memref<2000x16xf32, #tpu.memory_space<vmem>>, vector<2000x16xf32>
    %add3A_18 = arith.addf %add3A_14, %get3A_17 : vector<2000x16xf32>
    %mul3A = vector.broadcast %rsqrt3A : vector<2000x1xf32> to vector<2000x16xf32>
    %mul3A_19 = arith.mulf %add3A_18, %mul3A : vector<2000x16xf32>
    %get3A_20 = arith.constant 0 : index
    %get3A_21 = arith.constant 0 : index
    %get3A_22 = vector.load %arg5[%get3A_20, %get3A_21] : memref<1x16xf32, #tpu.memory_space<vmem>>, vector<1x16xf32>
    %add3A_23 = vector.broadcast %get3A_22 : vector<1x16xf32> to vector<2000x16xf32>
    %add3A_24 = arith.addf %mul3A_19, %add3A_23 : vector<2000x16xf32>
    %max3A = arith.constant 0.000000e+00 : f32
    %max3A_25 = vector.broadcast %max3A : f32 to vector<2000x16xf32>
    %max3A_26 = arith.maximumf %add3A_24, %max3A_25 : vector<2000x16xf32>
    %mul3A_27 = vector.broadcast %rsqrt3A : vector<2000x1xf32> to vector<2000x16xf32>
    %mul3A_28 = arith.mulf %max3A_26, %mul3A_27 : vector<2000x16xf32>
    %swap3A = arith.constant 0 : index
    %swap3A_29 = arith.constant 0 : index
    %swap3A_30 = vector.load %arg6[%swap3A, %swap3A_29] : memref<2000x16xf32, #tpu.memory_space<vmem>>, vector<2000x16xf32>
    tpu.vector_store %arg6[%swap3A, %swap3A_29], %mul3A_28 {strides = array<i32>} : memref<2000x16xf32, #tpu.memory_space<vmem>>, vector<2000x16xf32>,
    return
  }
  func.func @transform_0(%arg0: i32) -> (i32, i32) {
    %c0_i32 = arith.constant 0 : i32
    %c0_i32_0 = arith.constant 0 : i32
    return %arg0, %c0_i32 : i32, i32
  }
  func.func @transform_1(%arg0: i32) -> (i32, i32) {
    %add3A = arith.constant 5 : i32
    %add3A_0 = arith.addi %arg0, %add3A : i32
    %c0_i32 = arith.constant 0 : i32
    %c0_i32_1 = arith.constant 0 : i32
    return %add3A_0, %c0_i32 : i32, i32
  }
  func.func @transform_2(%arg0: i32) -> (i32, i32) {
    %c0_i32 = arith.constant 0 : i32
    %c0_i32_0 = arith.constant 0 : i32
    return %arg0, %c0_i32 : i32, i32
  }
  func.func @transform_3(%arg0: i32) -> (i32, i32) {
    %c0_i32 = arith.constant 0 : i32
    %c0_i32_0 = arith.constant 0 : i32
    return %arg0, %c0_i32 : i32, i32
  }
  func.func @transform_4(%arg0: i32) -> (i32, i32) {
    %c0_i32 = arith.constant 0 : i32
    %c0_i32_0 = arith.constant 0 : i32
    %c0_i32_1 = arith.constant 0 : i32
    return %c0_i32, %c0_i32_0 : i32, i32
  }
  func.func @transform_5(%arg0: i32) -> (i32, i32) {
    %c0_i32 = arith.constant 0 : i32
    %c0_i32_0 = arith.constant 0 : i32
    return %arg0, %c0_i32 : i32, i32
  }
}

module attributes {stable_mosaic.version = 14 : i64} {
  func.func @body(%arg0: i32, %arg1: memref<2000x16xf32, #tpu.memory_space<vmem>>, %arg2: memref<2000x16xf32, #tpu.memory_space<vmem>>, %arg3: memref<2000x16xf32, #tpu.memory_space<vmem>>, %arg4: memref<2000x2xf32, #tpu.memory_space<vmem>>, %arg5: memref<1x200xf32, #tpu.memory_space<vmem>>, %arg6: memref<16x200xf32, #tpu.memory_space<vmem>>, %arg7: memref<2000x200xf32, #tpu.memory_space<vmem>>) attributes {dimension_semantics = [#tpu.dimension_semantics<arbitrary>], iteration_bounds = array<i64: 5>, scalar_prefetch = 0 : i64, scratch_operands = 0 : i64, tpu.core_type = #tpu.core_type<tc>, window_params = [{transform_indices = @transform_0, window_bounds = array<i64: 2000, 16>}, {transform_indices = @transform_1, window_bounds = array<i64: 2000, 16>}, {transform_indices = @transform_2, window_bounds = array<i64: 2000, 16>}, {transform_indices = @transform_3, window_bounds = array<i64: 2000, 2>}, {pipeline_mode = #tpu.pipeline_mode<synchronous>, transform_indices = @transform_4, window_bounds = array<i64: 1, 200>}, {pipeline_mode = #tpu.pipeline_mode<synchronous>, transform_indices = @transform_5, window_bounds = array<i64: 16, 200>}, {transform_indices = @transform_6, window_bounds = array<i64: 2000, 200>}]} {
    %get3A = arith.constant 0 : index
    %get3A_0 = arith.constant 0 : index
    %get3A_1 = vector.load %arg4[%get3A, %get3A_0] : memref<2000x2xf32, #tpu.memory_space<vmem>>, vector<2000x1xf32>
    %get3A_2 = arith.constant 0 : index
    %get3A_3 = arith.constant 1 : index
    %get3A_4 = vector.load %arg4[%get3A_2, %get3A_3] : memref<2000x2xf32, #tpu.memory_space<vmem>>, vector<2000x1xf32>
    %add3A = arith.addf %get3A_1, %get3A_4 : vector<2000x1xf32>
    %add3A_5 = arith.constant 1.000000e+00 : f32
    %add3A_6 = vector.broadcast %add3A_5 : f32 to vector<2000x1xf32>
    %add3A_7 = arith.addf %add3A, %add3A_6 : vector<2000x1xf32>
    %rsqrt3A = math.rsqrt %add3A_7 : vector<2000x1xf32>
    %get3A_8 = arith.constant 0 : index
    %get3A_9 = arith.constant 0 : index
    %get3A_10 = vector.load %arg1[%get3A_8, %get3A_9] : memref<2000x16xf32, #tpu.memory_space<vmem>>, vector<2000x16xf32>
    %get3A_11 = arith.constant 0 : index
    %get3A_12 = arith.constant 0 : index
    %get3A_13 = vector.load %arg2[%get3A_11, %get3A_12] : memref<2000x16xf32, #tpu.memory_space<vmem>>, vector<2000x16xf32>
    %add3A_14 = arith.addf %get3A_10, %get3A_13 : vector<2000x16xf32>
    %get3A_15 = arith.constant 0 : index
    %get3A_16 = arith.constant 0 : index
    %get3A_17 = vector.load %arg3[%get3A_15, %get3A_16] : memref<2000x16xf32, #tpu.memory_space<vmem>>, vector<2000x16xf32>
    %add3A_18 = arith.addf %add3A_14, %get3A_17 : vector<2000x16xf32>
    %mul3A = vector.broadcast %rsqrt3A : vector<2000x1xf32> to vector<2000x16xf32>
    %mul3A_19 = arith.mulf %add3A_18, %mul3A : vector<2000x16xf32>
    %get3A_20 = arith.constant 0 : index
    %get3A_21 = arith.constant 0 : index
    %get3A_22 = vector.load %arg6[%get3A_20, %get3A_21] : memref<16x200xf32, #tpu.memory_space<vmem>>, vector<16x200xf32>
    %dot_general3A = arith.constant dense<0.000000e+00> : vector<2000x200xf32>
    %dot_general3A_23 = tpu.matmul %mul3A_19, %get3A_22, %dot_general3A {dimension_numbers = #tpu.dot_dimension_numbers<[1], [0], [0], [1], [0, 0, 1, 1], [], []>, transpose_lhs_hint = false} : vector<2000x16xf32>, vector<16x200xf32>, vector<2000x200xf32> -> vector<2000x200xf32>
    %get3A_24 = arith.constant 0 : index
    %get3A_25 = arith.constant 0 : index
    %get3A_26 = vector.load %arg5[%get3A_24, %get3A_25] : memref<1x200xf32, #tpu.memory_space<vmem>>, vector<1x200xf32>
    %add3A_27 = vector.broadcast %get3A_26 : vector<1x200xf32> to vector<2000x200xf32>
    %add3A_28 = arith.addf %dot_general3A_23, %add3A_27 : vector<2000x200xf32>
    %reduce_max3A = arith.constant dense<0xFF800000> : vector<2000xf32>
    %reduce_max3A_29 = vector.multi_reduction <maximumf>, %add3A_28, %reduce_max3A [1] : vector<2000x200xf32> to vector<2000xf32>
    %broadcast_in_dim3A = vector.shape_cast %reduce_max3A_29 : vector<2000xf32> to vector<2000x1xf32>
    %sub3A = vector.broadcast %broadcast_in_dim3A : vector<2000x1xf32> to vector<2000x200xf32>
    %sub3A_30 = arith.subf %add3A_28, %sub3A : vector<2000x200xf32>
    %exp3A = math.exp %sub3A_30 : vector<2000x200xf32>
    %reduce_sum3A = arith.constant dense<0.000000e+00> : vector<2000xf32>
    %reduce_sum3A_31 = vector.multi_reduction <add>, %exp3A, %reduce_sum3A [1] : vector<2000x200xf32> to vector<2000xf32>
    %broadcast_in_dim3A_32 = vector.shape_cast %reduce_sum3A_31 : vector<2000xf32> to vector<2000x1xf32>
    %log3A = math.log %broadcast_in_dim3A_32 : vector<2000x1xf32>
    %add3A_33 = arith.addf %log3A, %broadcast_in_dim3A : vector<2000x1xf32>
    %sub3A_34 = vector.broadcast %add3A_33 : vector<2000x1xf32> to vector<2000x200xf32>
    %sub3A_35 = arith.subf %add3A_28, %sub3A_34 : vector<2000x200xf32>
    %swap3A = arith.constant 0 : index
    %swap3A_36 = arith.constant 0 : index
    %swap3A_37 = vector.load %arg7[%swap3A, %swap3A_36] : memref<2000x200xf32, #tpu.memory_space<vmem>>, vector<2000x200xf32>
    tpu.vector_store %arg7[%swap3A, %swap3A_36], %sub3A_35 {strides = array<i32>} : memref<2000x200xf32, #tpu.memory_space<vmem>>, vector<2000x200xf32>,
    return
  }
  func.func @transform_0(%arg0: i32) -> (i32, i32) {
    %c0_i32 = arith.constant 0 : i32
    %c0_i32_0 = arith.constant 0 : i32
    return %arg0, %c0_i32 : i32, i32
  }
  func.func @transform_1(%arg0: i32) -> (i32, i32) {
    %add3A = arith.constant 5 : i32
    %add3A_0 = arith.addi %arg0, %add3A : i32
    %c0_i32 = arith.constant 0 : i32
    %c0_i32_1 = arith.constant 0 : i32
    return %add3A_0, %c0_i32 : i32, i32
  }
  func.func @transform_2(%arg0: i32) -> (i32, i32) {
    %c0_i32 = arith.constant 0 : i32
    %c0_i32_0 = arith.constant 0 : i32
    return %arg0, %c0_i32 : i32, i32
  }
  func.func @transform_3(%arg0: i32) -> (i32, i32) {
    %c0_i32 = arith.constant 0 : i32
    %c0_i32_0 = arith.constant 0 : i32
    return %arg0, %c0_i32 : i32, i32
  }
  func.func @transform_4(%arg0: i32) -> (i32, i32) {
    %c0_i32 = arith.constant 0 : i32
    %c0_i32_0 = arith.constant 0 : i32
    %c0_i32_1 = arith.constant 0 : i32
    return %c0_i32, %c0_i32_0 : i32, i32
  }
  func.func @transform_5(%arg0: i32) -> (i32, i32) {
    %c0_i32 = arith.constant 0 : i32
    %c0_i32_0 = arith.constant 0 : i32
    %c0_i32_1 = arith.constant 0 : i32
    return %c0_i32, %c0_i32_0 : i32, i32
  }
  func.func @transform_6(%arg0: i32) -> (i32, i32) {
    %c0_i32 = arith.constant 0 : i32
    %c0_i32_0 = arith.constant 0 : i32
    return %arg0, %c0_i32 : i32, i32
  }
}

</mosaic_0001>

<sc_bundles>
// kernel: kernel.10.cloned.1.call-start
scs
__scs_entry_jumppad:
0x0: {  	(pc) =	sbr.rel $0x88, $3  }
0x1: {  	(tag) =	ssettag $0x0;
	lr =	simm.s32 $0x1  }
0x2: {  	[smem:$0x3F99] =	sst lr;
	_ =	strace $0xD0000000  }
0x3: {  	_ = 	snop  }
0x4: {  	_ = 	snop  }
0x5: {  	_ = 	snop  }
0x6: {  	_ = 	snop  }
0x7: {  	_ = 	snop  }
__scs_overlays_trampoline_lowered:
0x8: {  	[smem:$0x3FA8] =	sst s0  }
0x9: {  	[smem:$0x3FA9] =	sst s1  }
0xa: {  	[smem:$0x3FAA] =	sst s2  }
0xb: {  	[smem:$0x3FAB] =	sst s3  }
0xc: {  	[smem:$0x3FAC] =	sst s4  }
0xd: {  	[smem:$0x3FAD] =	sst s5  }
0xe: {  	[smem:$0x3FAE] =	sst s6  }
0xf: {  	[smem:$0x3FAF] =	sst s7  }
0x10: {  	[smem:$0x3FB0] =	sst s8  }
0x11: {  	[smem:$0x3FB1] =	sst s9;
	s0 =	simm.s32 @!p0 $0x0  }
0x12: {  	s1 =	sld [smem:$0x3F97];
	s0 =	simm.s32 @p0 $0x1  }
0x13: {  	[smem:$0x3FB2] =	sst s0;
	s0 =	simm.s32 @!p1 $0x0  }
0x14: {  	s2 =	sld [smem:$0x3F96];
	s0 =	simm.s32 @p1 $0x1  }
0x15: {  	[smem:$0x3FB3] =	sst s0;
	s0 =	simm.s32 @!p2 $0x0  }
0x16: {  	s3 =	sld [smem:$0x3FDB];
	s0 =	simm.s32 @p2 $0x1  }
0x17: {  	s4 =	simm.s32 $0x1BF5;
	[smem:$0x3FB5] =	sst s0  }
0x18: {  	s0 =	sld [smem:$0x3F98];
	_ =	swait.ge [sflag:s4], $0x0  }
0x19: {  	s7 =	sld [smem:$0x3F99]  }
0x1a: {  	s8 =	sadd.s32 $0xFFFFE003, lr  }
0x1b: {  	s9 =	sadd.s32 $0xFFFFFEF7, lr;
	s5 =	simm.s32 $0xFFFFFFFF;
	p2 =	slt.u32 s8, $0xFFFFF086  }
0x1c: {  	p1 =	slt.u32 s9, $0xF7A;
	s5 =	simm.s32 @!p2 $0x0  }
0x1d: {  	s5 =	simm.s32 @p1 $0x1;
	p0 =	seq.s32 s7, s2  }
0x1e: {  	s7 =	smul.u32 @!p0 $0xF7A, s2;
	p2 =	seq.s32 @!p0 s5, $0x0  }
0x1f: {  	s9 =	smul.u32 $0xF7A, s1;
	s8 =	simm.s32 @!p0 $0x1BF5;
	p2 =	por !p2, p0  }
0x20: {  	[sflag:s8] =	ssyncset.s32 @!p0 $0xFFFFF086;
	s6 =	sadd.s32 @!p0 s3, s7;
	s7 =	simm.s32 @!p0 $0x108  }
0x21: {  	s3 =	sadd.s32 s3, s9;
	s6 =	sadd.s32 @!p0 $0x88, s6;
	s7 =	simm.s32 @p2 $0x1082  }
0x22: {  	[simem:s7], [sflag:s8] =	dma.local @!p0 [hbm:s6], $0xF7A  }
0x23: {  	s9 =	sor.u32 $0xD0000000, s2;
	s6 =	simm.s32 $0x108;
	_ =	swait.ge @!p0 [sflag:s8], $0x0  }
0x24: {  	s3 =	sadd.s32 $0x88, s3;
	s6 =	simm.s32 @!p1 $0x1082;
	[sflag:s4] =	ssyncset.s32 $0xFFFFF086  }
0x25: {  	[simem:s6], [sflag:s4] =	dma.local [hbm:s3], $0xF7A  }
0x26: {  	[smem:$0x3F99] =	sst s1;
	(tag) =	ssettag s2;
	_ =	strace s9  }
0x27: {  	s1 =	sld [smem:$0x3FA9]  }
0x28: {  	s2 =	sld [smem:$0x3FAA]  }
0x29: {  	s4 =	sld [smem:$0x3FAC]  }
0x2a: {  	p0 =	seq.s32 s5, $0x0;
	s5 =	sld [smem:$0x3FAD]  }
0x2b: {  	s6 =	sld [smem:$0x3FAE]  }
0x2c: {  	s7 =	sld [smem:$0x3FAF]  }
0x2d: {  	s3 =	simm.s32 $0x108;
	s8 =	sld [smem:$0x3FB0]  }
0x2e: {  	s3 =	simm.s32 @!p0 $0x1082;
	s9 =	sld [smem:$0x3FB1]  }
0x2f: {  	lr =	sadd.s32 s0, s3;
	s0 =	sld [smem:$0x3FA8]  }
0x30: {  	s3 =	sld [smem:$0x3FAB]  }
0x31: {  	[smem:$0x3FB4] =	sst s10  }
0x32: {  	s10 =	sld [smem:$0x3FB2];
	_ =	sdelay $0x3  }
0x33: {  	p0 =	seq.s32 s10, $0x1;
	s10 =	sld [smem:$0x3FB4];
	_ =	sdelay $0x3  }
0x34: {  	[smem:$0x3FB4] =	sst s10  }
0x35: {  	s10 =	sld [smem:$0x3FB3];
	_ =	sdelay $0x3  }
0x36: {  	p1 =	seq.s32 s10, $0x1;
	s10 =	sld [smem:$0x3FB4];
	_ =	sdelay $0x3  }
0x37: {  	[smem:$0x3FB4] =	sst s10  }
0x38: {  	s10 =	sld [smem:$0x3FB5]  }
0x39: {  	_ = 	snop;
	(pc) =	sbr.ind lr, $3  }
0x3a: {  	_ = 	snop  }
0x3b: {  	_ = 	snop  }
0x3c: {  	p2 =	seq.s32 s10, $0x1;
	s10 =	sld [smem:$0x3FB4]  }
0x3d: {  	_ =	shalt  }
0x3e: {  	_ =	shalt  }
0x3f: {  	_ =	shalt  }
0x40: {  	_ =	shalt  }
0x41: {  	_ =	shalt  }
0x42: {  	_ =	shalt  }
0x43: {  	_ =	shalt  }
0x44: {  	_ =	shalt  }
0x45: {  	_ =	shalt  }
0x46: {  	_ =	shalt  }
0x47: {  	_ =	shalt  }
0x48: {  	_ =	shalt  }
0x49: {  	_ =	shalt  }
0x4a: {  	_ =	shalt  }
0x4b: {  	_ =	shalt  }
0x4c: {  	_ =	shalt  }
0x4d: {  	_ =	shalt  }
0x4e: {  	_ =	shalt  }
0x4f: {  	_ =	shalt  }
0x50: {  	_ =	shalt  }
0x51: {  	_ =	shalt  }
0x52: {  	_ =	shalt  }
0x53: {  	_ =	shalt  }
0x54: {  	_ =	shalt  }
0x55: {  	_ =	shalt  }
0x56: {  	_ =	shalt  }
0x57: {  	_ =	shalt  }
0x58: {  	_ =	shalt  }
0x59: {  	_ =	shalt  }
0x5a: {  	_ =	shalt  }
0x5b: {  	_ =	shalt  }
0x5c: {  	_ =	shalt  }
0x5d: {  	_ =	shalt  }
0x5e: {  	_ =	shalt  }
0x5f: {  	_ =	shalt  }
0x60: {  	_ =	shalt  }
0x61: {  	_ =	shalt  }
0x62: {  	_ =	shalt  }
0x63: {  	_ =	shalt  }
0x64: {  	_ =	shalt  }
0x65: {  	_ =	shalt  }
0x66: {  	_ =	shalt  }
0x67: {  	_ =	shalt  }
0x68: {  	_ =	shalt  }
0x69: {  	_ =	shalt  }
0x6a: {  	_ =	shalt  }
0x6b: {  	_ =	shalt  }
0x6c: {  	_ =	shalt  }
0x6d: {  	_ =	shalt  }
0x6e: {  	_ =	shalt  }
0x6f: {  	_ =	shalt  }
0x70: {  	_ =	shalt  }
0x71: {  	_ =	shalt  }
0x72: {  	_ =	shalt  }
0x73: {  	_ =	shalt  }
0x74: {  	_ =	shalt  }
0x75: {  	_ =	shalt  }
0x76: {  	_ =	shalt  }
0x77: {  	_ =	shalt  }
0x78: {  	_ =	shalt  }
0x79: {  	_ =	shalt  }
0x7a: {  	_ =	shalt  }
0x7b: {  	_ =	shalt  }
0x7c: {  	_ =	shalt  }
0x7d: {  	_ =	shalt  }
0x7e: {  	_ =	shalt  }
0x7f: {  	_ =	shalt  }
0x80: {  	_ =	shalt  }
0x81: {  	_ =	shalt  }
0x82: {  	_ =	shalt  }
0x83: {  	_ =	shalt  }
0x84: {  	_ =	shalt  }
0x85: {  	_ =	shalt  }
0x86: {  	_ =	shalt  }
0x87: {  	_ =	shalt  }
.Lfunc_end0:
.L_simem_size_0:
called_computation_lowered:
.L_overlay_start_0:
0x88: {  	s2 =	sld [smem:$0x3FD9]  }
0x89: {  	s3 =	sld [smem:$0x3FFE];
	_ =	sdelay $0x1  }
0x8a: {  	s1 =	srdreg.scid  }
0x8b: {  	s0 =	sand.u32 $0x1, s1  }
0x8c: {  	s17 =	sshll.u32 s0, $0xA;
	s2 =	sadd.s32 s3, s2  }
0x8d: {  	s2 =	sadd.s32 s2, s17  }
0x8e: {  	[smem:$0x3FC0] =	sst s2  }
0x8f: {  	_ = 	snop  }
0x90: {  	s2 =	sld [smem:$0x3FD0];
	(tm) =	ssettm $0x1  }
0x91: {  	s18 =	sld [smem:$0x3FFB];
	_ =	sdelay $0x3  }
0x92: {  	_ =	strace s18  }
0x93: {  	s3 =	sld [smem:$0x3FFC];
	_ =	sdelay $0x3  }
0x94: {  	_ =	strace s3  }
0x95: {  	s3 =	sld [smem:$0x3FFD];
	_ =	sdelay $0x3  }
0x96: {  	_ =	strace s3  }
0x97: {  	_ =	strace $0x8FFFFFFF  }
0x98: {  	s19 =	sld [smem:$0x3FDB];
	_ =	sdelay $0x1  }
0x99: {  	s4 =	simm.s32 $_scs_section_size  }
0x9a: {  	s5 =	simm.s32 $_size__tile_overlayer_lowered;
	s6 =	simm.s32 $_tile_overlayer_lowered  }
0x9b: {  	s22 =	simm.s32 $0x1BFF;
	s21 =	sshll.u32 s6, $0x1;
	s3 =	sadd.s32 s4, s19  }
0x9c: {  	s7 =	simm.s32 $0x0;
	s20 =	sshll.u32 s5, $0x1;
	s5 =	sadd.s32 s21, s3  }
0x9d: {  	[timem:s7], [sflag:s22] =	dma.local [hbm:s5], s20  }
0x9e: {  	_ =	swait.ge [sflag:s22], s20  }
0x9f: {  	s4 =	ssub.s32 $0x0, s20;
	[sflag:s22] =	ssyncset.done $0x0  }
0xa0: {  	[sflag:s22] =	ssyncadd.s32 s4;
	_ =	sdelay $0x1  }
0xa1: {  	s23 =	simm.s32 $0x1B8B  }
0xa2: {  	_ =	swait.ge [sflag:s23], $0x1  }
0xa3: {  	[sflag:s23] =	ssyncset.done $0x0  }
0xa4: {  	s25 =	simm.s32 $0x1B8E;
	s24 =	sld [smem:$0x3FFE];
	[sflag:s23] =	ssyncadd.s32 $0xFFFFFFFF  }
0xa5: {  	s26 =	simm.s32 $execute0_lowered;
	[smem:$0x3FD2] =	sst s25  }
0xa6: {  	s5 =	sshll.u32 s26, $0x1;
	_ =	strace $0x80000046;
	[dreg:$0x1] =	wrdreg $0xFFFFFFFF  }
0xa7: {  	s28 =	simm.s32 $_size_execute0_lowered;
	s3 =	sadd.s32 s3, s5;
	[dreg:$0x0] =	wrdreg $0x0  }
0xa8: {  	s5 =	sshll.u32 s28, $0x1;
	[dreg:$0x2] =	wrdreg s3  }
0xa9: {  	[dreg:$0x3] =	wrdreg s5  }
0xaa: {  	[dreg:$0x4] =	wrdreg $0xC0  }
0xab: {  	_ =	task [dreg:s7], $0x5FFFF  }
0xac: {  	[dreg:$0x1] =	wrdreg $0xFFFFFFFF  }
0xad: {  	[dreg:$0x0] =	wrdreg $0x60  }
0xae: {  	[dreg:$0x2] =	wrdreg s2  }
0xaf: {  	[dreg:$0x3] =	wrdreg s24  }
0xb0: {  	[dreg:$0x4] =	wrdreg $0x28800  }
0xb1: {  	[dreg:$0x5] =	wrdreg $0x9  }
0xb2: {  	_ =	task.clear_ibuf [dreg:s7], $0x6FFFF;
	_ =	strace $0x90000046  }
0xb3: {  	s29 =	simm.s32 $0x9;
	_ =	strace $0x80000048  }
0xb4: {  	_ =	swait.ge [sflag:s29], $0x1  }
0xb5: {  	[sflag:s29] =	ssyncadd.s32 $0xFFFFFFFF  }
0xb6: {  	_ =	strace $0x90000048  }
0xb7: {  	_ =	sfence  }
0xb8: {  	s30 =	sld [smem:$0x0];
	_ =	sdelay $0x2  }
0xb9: {  	s31 =	sshll.u32 s1, $0xD;
	s1 =	sshrl.u32 s1, $0x2  }
0xba: {  	s3 =	sand.u32 $0x4000, s31;
	s1 =	sadd.s32 s1, s30  }
0xbb: {  	s0 =	sor.u32 s3, s0;
	s1 =	sshll.u32 s1, $0x11  }
0xbc: {  	s0 =	sor.u32 s1, s0  }
0xbd: {  	s0 =	sadd.s32 $0x8F2B, s0  }
0xbe: {  	[sflag:s0] =	ssyncadd.remote.s32 $0x1  }
0xbf: {  	_ =	sfence.sel $0xFFFF  }
0xc0: {  	[dreg:$0x0] =	wrdreg $0xFFFFFFFF;
	(pc) =	sbr.abs _section_cstart, $3  }
0xc1: {  	[dreg:$0x1] =	wrdreg $0xFFFFFFFF  }
0xc2: {  	_ =	task.clear_ibuf [dreg:s7], $0x2FFFF;
	_ =	strace $0x9FFFFFFF  }
0xc3: {  	(tm) =	ssettm $0x7FFFFFFF  }
tec
execute0_lowered:
.L_overlay_start_1:
0x0: {  	(tag) =	ssettag $0x1  }
0x1: {  	s0 =	rddreg [dreg:$0x0]  }
0x2: {  	s2 =	rddreg [dreg:$0x1]  }
0x3: {  	s1 =	rddreg [dreg:$0x2];
	s4 =	srdreg.scid  }
0x4: {  	s3 =	simm.s32 $0x0;
	s9 =	stileid.u32;
	s4 =	sand.u32 $0x1, s4  }
0x5: {  	[smem:$0x7FF] =	sst s3;
	s6 =	sadd.s32 $0x2000, s2;
	s7 =	sadd.s32 $0x1E00, s2  }
0x6: {  	s2 =	sadd.s32 $0x2200, s2;
	s25 =	sshll.u32 s9, $0x7;
	s5 =	sshll.u32 s4, $0x4  }
0x7: {  	_ =	strace $0x80000047;
	[dreg:$0x4] =	wrdreg s6;
	s19 =	ssub.s32 $0x2, s4  }
0x8: {  	[dreg:$0x5] =	wrdreg s7;
	s4 =	smul.u32 $0x2710, s4;
	s11 =	sadd.s32 s25, s1  }
0x9: {  	s26 =	sor.u32 $0x800, s25;
	s18 =	sor.u32 $0x1000, s25;
	s5 =	sor.u32 s9, s5  }
0xa: {  	s20 =	sshrl.u32 s19, $0x1;
	s12 =	sadd.s32 s26, s1;
	s13 =	sadd.s32 s18, s1  }
0xb: {  	s5 =	smul.u32 $0x9C4, s5;
	s10 =	ssub.s32 s19, s20;
	s22 =	sshrl.u32 s4, $0x3  }
0xc: {  	s19 =	sor.u32 $0x1800, s25;
	s29 =	sadd.s32 s4, s18;
	s23 =	sadd.s32 s2, s22  }
0xd: {  	s24 =	smax.u32 s10, $0x1;
	s14 =	sadd.s32 s19, s1;
	s30 =	sadd.s32 s4, s19  }
0xe: {  	s22 =	simm.s32 $0x2;
	s8 =	sshrl.u32 s5, $0x5;
	s5 =	sadd.s32 $0x9C4, s5  }
0xf: {  	[dreg:$0x8] =	wrdreg s24;
	s5 =	sshrl.u32 s5, $0x5;
	s21 =	sshll.u32 s8, $0x4  }
0x10: {  	s24 =	simm.s32 $0x3;
	s6 =	ssub.s32 s5, s8;
	s0 =	sadd.s32 s21, s0  }
0x11: {  	s8 =	sadd.s32 $0x2700, s1;
	s21 =	sor.u32 $0x40, s9;
	s0 =	sadd.s32 $0x9C40, s0  }
0x12: {  	s5 =	sadd.s32 s4, s26;
	[dreg:$0x6] =	wrdreg s0;
	s0 =	sadd.s32 $0x4E0, s23  }
0x13: {  	s20 =	sshll.u32 s21, $0x7;
	[dreg:$0x7] =	wrdreg s0;
	s0 =	sadd.s32 s4, s25  }
0x14: {  	s28 =	sshrl.u32 s5, $0x3;
	s5 =	sshrl.u32 s30, $0x3;
	s0 =	sshrl.u32 s0, $0x3  }
0x15: {  	p1 =	sgt.u32 s21, $0x4D;
	s15 =	sadd.s32 s20, s1;
	s0 =	sadd.s32 s2, s0  }
0x16: {  	s17 =	sadd.s32 s2, s28;
	[dreg:$0x9] =	wrdreg s0;
	s0 =	sshrl.u32 s29, $0x3  }
0x17: {  	p0 =	sne.s32 @!p1 s9, $0x0;
	s18 =	sadd.s32 s2, s0;
	s0 =	simm.s32 @!p1 $0x0  }
0x18: {  	s19 =	sadd.s32 s2, s5;
	p2 =	por p0, p1;
	s0 =	simm.s32 @p1 $0x1  }
0x19: {  	s4 =	sadd.s32 s4, s20;
	[smem:$0x7FC] =	sst s0;
	s0 =	simm.s32 @!p2 $0x0  }
0x1a: {  	s23 =	simm.s32 $0x2800;
	s31 =	sshrl.u32 s4, $0x3;
	s0 =	simm.s32 @p2 $0x1  }
0x1b: {  	s25 =	simm.s32 $0x0;
	s20 =	sadd.s32 s2, s31;
	[smem:$0x7FD] =	sst s0  }
.LBB2_1:
0x1c: {  	s0 =	rddreg [dreg:$0x4];
	s2 =	simm.s32 $0x2780  }
0x1d: {  	[tilespmem:s2], [sflag:$0x2] =	stream.linear.gather [hbm4b:s0+s3], $0x80, $0x38;
	[tilespmem:$0x2AF8] =	vst v63  }
0x1e: {  	_ =	swait.ge [sflag:s22], $0x80  }
0x1f: {  	[sflag:s22] =	ssyncset.done $0x0  }
0x20: {  	s21 =	rddreg [dreg:$0x5];
	[sflag:s22] =	ssyncadd.s32 $0xFFFFFF80  }
0x21: {  	[tilespmem:s23], [sflag:$0x2] =	stream.linear.gather [hbm4b:s21+s3], $0x80, $0x38;
	[tilespmem:$0x2AF8] =	vst v63  }
0x22: {  	_ =	swait.ge [sflag:s22], $0x80  }
0x23: {  	[sflag:s22] =	ssyncset.done $0x0  }
0x24: {  	s26 =	rddreg [dreg:$0x6];
	[sflag:s22] =	ssyncadd.s32 $0xFFFFFF80  }
0x25: {  	[tilespmem:s3], [sflag:$0x2] =	stream.linear.gather [hbm4b:s26+s3], $0x2780, $0x38;
	[tilespmem:$0x2AF8] =	vst v63  }
0x26: {  	_ =	swait.ge [sflag:s22], $0x2780  }
0x27: {  	[sflag:s22] =	ssyncset.done $0x0  }
0x28: {  	[sflag:s22] =	ssyncadd.s32 $0xFFFFD880  }
0x29: {  	[spmem:s11] =	stream.linear.scatter [tilespmem:s23], [sflag:$0x2], $0x80, $0x38;
	[tilespmem:$0x2AF8] =	vst v63  }
0x2a: {  	_ =	swait.ge [sflag:s22], $0x80  }
0x2b: {  	[sflag:s22] =	ssyncset.done $0x0  }
0x2c: {  	[sflag:s22] =	ssyncadd.s32 $0xFFFFFF80  }
0x2d: {  	[spmem:s12] =	stream.linear.scatter [tilespmem:s23], [sflag:$0x2], $0x80, $0x38;
	[tilespmem:$0x2AF8] =	vst v63  }
0x2e: {  	_ =	swait.ge [sflag:s22], $0x80  }
0x2f: {  	[sflag:s22] =	ssyncset.done $0x0  }
0x30: {  	[sflag:s22] =	ssyncadd.s32 $0xFFFFFF80  }
0x31: {  	[spmem:s13] =	stream.linear.scatter [tilespmem:s23], [sflag:$0x2], $0x80, $0x38;
	[tilespmem:$0x2AF8] =	vst v63  }
0x32: {  	_ =	swait.ge [sflag:s22], $0x80  }
0x33: {  	[sflag:s22] =	ssyncset.done $0x0  }
0x34: {  	[sflag:s22] =	ssyncadd.s32 $0xFFFFFF80  }
0x35: {  	[spmem:s14] =	stream.linear.scatter [tilespmem:s23], [sflag:$0x2], $0x80, $0x38;
	[tilespmem:$0x2AF8] =	vst v63  }
0x36: {  	_ =	swait.ge [sflag:s22], $0x80  }
0x37: {  	[sflag:s22] =	ssyncset.done $0x0  }
0x38: {  	s0 =	simm.s32 @!p1 $0x2800;
	[sflag:s22] =	ssyncadd.s32 $0xFFFFFF80  }
0x39: {  	[spmem:s15] =	stream.linear.scatter @!p1 [tilespmem:s0], [sflag:$0x2], $0x80, $0x38;
	[tilespmem:$0x2AF8] =	vst v63  }
0x3a: {  	s0 =	simm.s32 @!p1 $0x2  }
0x3b: {  	_ =	swait.ge @!p1 [sflag:s0], $0x80  }
0x3c: {  	[sflag:s0] =	ssyncset.done @!p1 $0x0  }
0x3d: {  	[sflag:s0] =	ssyncadd.s32 @!p1 $0xFFFFFF80;
	s0 =	simm.s32 @!p2 $0x2800  }
0x3e: {  	[spmem:s8] =	stream.linear.scatter @!p2 [tilespmem:s0], [sflag:$0x2], $0x10, $0x38;
	[tilespmem:$0x2AF8] =	vst v63  }
0x3f: {  	s0 =	simm.s32 @!p2 $0x2  }
0x40: {  	_ =	swait.ge @!p2 [sflag:s0], $0x10  }
0x41: {  	p0 =	sle.s32 s6, $0x0;
	[sflag:s0] =	ssyncset.done @!p2 $0x0  }
0x42: {  	p4 =	sle.s32 s6, $0x1;
	s2 =	simm.s32 @!p0 $0x2780;
	[sflag:s0] =	ssyncadd.s32 @!p2 $0xFFFFFFF0  }
0x43: {  	p1 =	sle.s32 s6, $0x2;
	s0 =	simm.s32 @!p0 $0x80;
	[bflag:$0x0] =	sbarrier.arrive $0xFFFF  }
0x44: {  	[spmem:s1] =	stream.indirect.scatter.add.f32 @!p0 [tilespmem:s2], [sflag:$0x1], $0x1, s3, s0, $0xb8;
	[tilespmem:$0x2AF8] =	vst v63  }
0x45: {  	p5 =	sle.s32 s6, $0x3;
	p6 =	sle.s32 s6, $0x4;
	s2 =	simm.s32 @!p1 $0x0  }
0x46: {  	p3 =	sle.s32 s6, $0x5;
	s4 =	simm.s32 @!p4 $0x80;
	s2 =	simm.s32 @p1 $0x1  }
0x47: {  	s26 =	simm.s32 @!p4 $0x80;
	[smem:$0x7FA] =	sst s2;
	s2 =	simm.s32 @!p4 $0x2780  }
0x48: {  	[spmem:s1] =	stream.indirect.scatter.add.f32 @!p4 [tilespmem:s2], [sflag:$0x1], $0x1, s4, s26, $0xb8;
	[tilespmem:$0x2AF8] =	vst v63  }
0x49: {  	s5 =	simm.s32 @!p1 $0x2780;
	s21 =	simm.s32 @!p1 $0x100;
	s0 =	simm.s32 @!p1 $0x80  }
0x4a: {  	[spmem:s1] =	stream.indirect.scatter.add.f32 @!p1 [tilespmem:s5], [sflag:$0x1], $0x1, s21, s0, $0xb8;
	[tilespmem:$0x2AF8] =	vst v63  }
0x4b: {  	p2 =	sle.s32 s6, $0x7;
	s2 =	simm.s32 @!p5 $0x2780;
	p1 =	sle.s32 s6, $0x6  }
0x4c: {  	s4 =	simm.s32 @!p5 $0x80;
	s0 =	simm.s32 @!p5 $0x180;
	s5 =	simm.s32 @!p1 $0x2780  }
0x4d: {  	[spmem:s1] =	stream.indirect.scatter.add.f32 @!p5 [tilespmem:s2], [sflag:$0x1], $0x1, s0, s4, $0xb8;
	[tilespmem:$0x2AF8] =	vst v63  }
0x4e: {  	s0 =	simm.s32 @!p6 $0x2780;
	s2 =	simm.s32 @!p6 $0x200;
	s4 =	simm.s32 @!p6 $0x80  }
0x4f: {  	[spmem:s1] =	stream.indirect.scatter.add.f32 @!p6 [tilespmem:s0], [sflag:$0x1], $0x1, s2, s4, $0xb8;
	[tilespmem:$0x2AF8] =	vst v63  }
0x50: {  	s0 =	simm.s32 @!p3 $0x2780;
	s2 =	simm.s32 @!p3 $0x280;
	s4 =	simm.s32 @!p3 $0x80  }
0x51: {  	[spmem:s1] =	stream.indirect.scatter.add.f32 @!p3 [tilespmem:s0], [sflag:$0x1], $0x1, s2, s4, $0xb8;
	[tilespmem:$0x2AF8] =	vst v63  }
0x52: {  	s0 =	simm.s32 @!p2 $0x2780;
	s2 =	simm.s32 @!p1 $0x300;
	s4 =	simm.s32 @!p1 $0x80  }
0x53: {  	[spmem:s1] =	stream.indirect.scatter.add.f32 @!p1 [tilespmem:s5], [sflag:$0x1], $0x1, s2, s4, $0xb8;
	[tilespmem:$0x2AF8] =	vst v63  }
0x54: {  	s2 =	simm.s32 @!p2 $0x380;
	s4 =	simm.s32 @!p2 $0x80;
	s5 =	simm.s32 @!p0 $0x1  }
0x55: {  	[spmem:s1] =	stream.indirect.scatter.add.f32 @!p2 [tilespmem:s0], [sflag:$0x1], $0x1, s2, s4, $0xb8;
	[tilespmem:$0x2AF8] =	vst v63  }
0x56: {  	_ =	swait.ge @!p0 [sflag:s5], $0x80  }
0x57: {  	[sflag:s5] =	ssyncset.done @!p0 $0x0  }
0x58: {  	s0 =	simm.s32 @!p4 $0x1;
	[sflag:s5] =	ssyncadd.s32 @!p0 $0xFFFFFF80  }
0x59: {  	_ =	swait.ge @!p4 [sflag:s0], $0x80  }
0x5a: {  	s31 =	sld [smem:$0x7FA]  }
0x5b: {  	s28 =	simm.s32 $0xF;
	[sflag:s0] =	ssyncset.done @!p4 $0x0  }
0x5c: {  	s29 =	simm.s32 $0x17;
	[sflag:s0] =	ssyncadd.s32 @!p4 $0xFFFFFF80;
	s0 =	simm.s32 @!p6 $0x0  }
0x5d: {  	s30 =	simm.s32 $0xD;
	s0 =	simm.s32 @p6 $0x1;
	p0 =	seq.s32 s31, $0x1  }
0x5e: {  	s26 =	simm.s32 $0x400;
	[smem:$0x7FB] =	sst s0;
	s5 =	simm.s32 @!p0 $0x1  }
0x5f: {  	s21 =	simm.s32 @!p3 $0x1;
	s4 =	simm.s32 @!p5 $0x1;
	_ =	swait.ge @!p0 [sflag:s5], $0x80  }
0x60: {  	s2 =	simm.s32 $0xB;
	p4 =	sle.s32 s6, $0x8;
	[sflag:s5] =	ssyncset.done @!p0 $0x0  }
0x61: {  	s0 =	simm.s32 @!p6 $0x1;
	[sflag:s5] =	ssyncadd.s32 @!p0 $0xFFFFFF80;
	s5 =	simm.s32 $0x9  }
.LBB2_2:
0x62: {  	s7 =	simm.s32 @!p4 $0x0  }
0x63: {  	s7 =	simm.s32 @p4 $0x1  }
0x64: {  	[smem:$0x7F7] =	sst s7  }
0x65: {  	s16 =	sadd.s32 $0xFFFFFFFB, s28;
	_ =	swait.ge @!p5 [sflag:s4], $0x80  }
0x66: {  	p6 =	sge.s32 s16, s6;
	s16 =	sld [smem:$0x7FB];
	_ =	sdelay $0x1  }
0x67: {  	s31 =	smov.u32 s29;
	[sflag:s4] =	ssyncset.done @!p5 $0x0  }
0x68: {  	s29 =	sadd.s32 $0x8, s29;
	[sflag:s4] =	ssyncadd.s32 @!p5 $0xFFFFFF80;
	p0 =	seq.s32 s16, $0x1  }
0x69: {  	p5 =	sne.s32 s29, $0x57;
	_ =	swait.ge @!p0 [sflag:s0], $0x80  }
0x6a: {  	[sflag:s0] =	ssyncset.done @!p0 $0x0;
	[smem:$0x7F6] =	sst s1;
	s1 =	simm.s32 @!p5 $0x0  }
0x6b: {  	s1 =	simm.s32 @p5 $0x1;
	p5 =	sge.s32 s2, s6  }
0x6c: {  	[smem:$0x7F9] =	sst s1;
	s2 =	simm.s32 @!p5 $0x0  }
0x6d: {  	s1 =	sld [smem:$0x7F6];
	s2 =	simm.s32 @p5 $0x1  }
0x6e: {  	[sflag:s0] =	ssyncadd.s32 @!p0 $0xFFFFFF80;
	[smem:$0x7F8] =	sst s2  }
0x6f: {  	_ =	swait.ge @!p3 [sflag:s21], $0x80  }
0x70: {  	[sflag:s21] =	ssyncset.done @!p3 $0x0  }
0x71: {  	s16 =	simm.s32 @!p1 $0x1;
	[sflag:s21] =	ssyncadd.s32 @!p3 $0xFFFFFF80  }
0x72: {  	s9 =	simm.s32 @!p4 $0x2780;
	s7 =	simm.s32 @!p4 $0x80;
	_ =	swait.ge @!p1 [sflag:s16], $0x80  }
0x73: {  	p4 =	sge.s32 s5, s6;
	s5 =	sadd.s32 $0xFFFFFFFD, s28;
	[sflag:s16] =	ssyncset.done @!p1 $0x0  }
0x74: {  	p0 =	sge.s32 s5, s6;
	s5 =	simm.s32 @!p2 $0x1;
	[sflag:s16] =	ssyncadd.s32 @!p1 $0xFFFFFF80  }
0x75: {  	_ =	swait.ge @!p2 [sflag:s5], $0x80  }
0x76: {  	[sflag:s5] =	ssyncset.done @!p2 $0x0  }
0x77: {  	[sflag:s5] =	ssyncadd.s32 @!p2 $0xFFFFFF80;
	s5 =	sld [smem:$0x7F7];
	_ =	sdelay $0x2  }
0x78: {  	s10 =	sadd.s32 @!p4 $0x80, s26;
	p2 =	seq.s32 s5, $0x1  }
0x79: {  	[spmem:s1] =	stream.indirect.scatter.add.f32 @!p2 [tilespmem:s9], [sflag:$0x1], $0x1, s26, s7, $0xb8;
	[tilespmem:$0x2AF8] =	vst v63  }
0x7a: {  	s4 =	simm.s32 @!p6 $0x2780;
	s0 =	sadd.s32 @!p6 $0x100, s26;
	s9 =	sld [smem:$0x7F8]  }
0x7b: {  	p5 =	sge.s32 s30, s6;
	s16 =	simm.s32 @!p4 $0x2780;
	s5 =	simm.s32 @!p4 $0x80  }
0x7c: {  	[spmem:s1] =	stream.indirect.scatter.add.f32 @!p4 [tilespmem:s16], [sflag:$0x1], $0x1, s10, s5, $0xb8;
	[tilespmem:$0x2AF8] =	vst v63  }
0x7d: {  	s2 =	simm.s32 @!p6 $0x80;
	s21 =	sadd.s32 $0xFFFFFFFF, s28;
	p1 =	seq.s32 s9, $0x1  }
0x7e: {  	p3 =	sge.s32 s28, s6;
	s10 =	simm.s32 @!p0 $0x2780;
	s7 =	simm.s32 @!p1 $0x2780  }
0x7f: {  	[spmem:s1] =	stream.indirect.scatter.add.f32 @!p6 [tilespmem:s4], [sflag:$0x1], $0x1, s0, s2, $0xb8;
	[tilespmem:$0x2AF8] =	vst v63  }
0x80: {  	s5 =	sadd.s32 @!p1 $0x180, s26;
	s9 =	simm.s32 @!p1 $0x80;
	s0 =	sadd.s32 @!p0 $0x200, s26  }
0x81: {  	[spmem:s1] =	stream.indirect.scatter.add.f32 @!p1 [tilespmem:s7], [sflag:$0x1], $0x1, s5, s9, $0xb8;
	[tilespmem:$0x2AF8] =	vst v63  }
0x82: {  	s2 =	simm.s32 @!p0 $0x80;
	s4 =	simm.s32 @!p5 $0x2780;
	s5 =	sadd.s32 @!p5 $0x280, s26  }
0x83: {  	[spmem:s1] =	stream.indirect.scatter.add.f32 @!p0 [tilespmem:s10], [sflag:$0x1], $0x1, s0, s2, $0xb8;
	[tilespmem:$0x2AF8] =	vst v63  }
0x84: {  	s7 =	simm.s32 @!p5 $0x80;
	s9 =	simm.s32 @!p3 $0x2780;
	p1 =	sge.s32 s21, s6  }
0x85: {  	[spmem:s1] =	stream.indirect.scatter.add.f32 @!p5 [tilespmem:s4], [sflag:$0x1], $0x1, s5, s7, $0xb8;
	[tilespmem:$0x2AF8] =	vst v63  }
0x86: {  	s2 =	sadd.s32 @!p1 $0x300, s26;
	s4 =	simm.s32 @!p1 $0x80;
	s5 =	simm.s32 @!p1 $0x2780  }
0x87: {  	[spmem:s1] =	stream.indirect.scatter.add.f32 @!p1 [tilespmem:s5], [sflag:$0x1], $0x1, s2, s4, $0xb8;
	[tilespmem:$0x2AF8] =	vst v63  }
0x88: {  	s0 =	sadd.s32 @!p3 $0x380, s26;
	s2 =	simm.s32 @!p3 $0x80;
	s4 =	simm.s32 @!p2 $0x1  }
0x89: {  	[spmem:s1] =	stream.indirect.scatter.add.f32 @!p3 [tilespmem:s9], [sflag:$0x1], $0x1, s0, s2, $0xb8;
	[tilespmem:$0x2AF8] =	vst v63  }
0x8a: {  	s0 =	simm.s32 @!p0 $0x0;
	_ =	swait.ge @!p2 [sflag:s4], $0x80  }
0x8b: {  	s0 =	simm.s32 @p0 $0x1;
	[sflag:s4] =	ssyncset.done @!p2 $0x0  }
0x8c: {  	s2 =	simm.s32 @!p4 $0x1;
	[smem:$0x7FB] =	sst s0;
	[sflag:s4] =	ssyncadd.s32 @!p2 $0xFFFFFF80  }
0x8d: {  	s10 =	sld [smem:$0x7F8];
	_ =	swait.ge @!p4 [sflag:s2], $0x80  }
0x8e: {  	[sflag:s2] =	ssyncset.done @!p4 $0x0  }
0x8f: {  	s7 =	simm.s32 @!p6 $0x1;
	[sflag:s2] =	ssyncadd.s32 @!p4 $0xFFFFFF80  }
0x90: {  	_ =	swait.ge @!p6 [sflag:s7], $0x80  }
0x91: {  	s28 =	smov.u32 s31;
	s31 =	sld [smem:$0x7F9];
	_ =	sdelay $0x2  }
0x92: {  	s0 =	simm.s32 @!p0 $0x1;
	p0 =	seq.s32 s31, $0x1  }
.Ltmp0:
0x93: {  	s30 =	sadd.s32 $0xFFFFFFFE, s28;
	(pc) =	sbr.rel @p0 .LBB2_2-.Ltmp0, $4  }
0x94: {  	s16 =	sadd.s32 $0xFFFFFFF9, s28;
	s26 =	sadd.s32 $0x400, s26;
	s5 =	sadd.s32 $0xFFFFFFFA, s28  }
0x95: {  	p2 =	por p3, p3;
	p3 =	por p5, p5;
	p5 =	seq.s32 s10, $0x1  }
0x96: {  	s21 =	simm.s32 @!p3 $0x1;
	s4 =	simm.s32 @!p5 $0x1;
	[sflag:s7] =	ssyncset.done @!p6 $0x0  }
0x97: {  	s2 =	sadd.s32 $0xFFFFFFFC, s28;
	p4 =	sge.s32 s16, s6;
	[sflag:s7] =	ssyncadd.s32 @!p6 $0xFFFFFF80  }
0x98: {  	_ =	swait.ge @!p5 [sflag:s4], $0x80  }
0x99: {  	s7 =	sld [smem:$0x7FB];
	_ =	sdelay $0x1  }
0x9a: {  	[sflag:s4] =	ssyncset.done @!p5 $0x0  }
0x9b: {  	[sflag:s4] =	ssyncadd.s32 @!p5 $0xFFFFFF80;
	p0 =	seq.s32 s7, $0x1  }
0x9c: {  	_ =	swait.ge @!p0 [sflag:s0], $0x80  }
0x9d: {  	[sflag:s0] =	ssyncset.done @!p0 $0x0  }
0x9e: {  	[sflag:s0] =	ssyncadd.s32 @!p0 $0xFFFFFF80  }
0x9f: {  	_ =	swait.ge @!p3 [sflag:s21], $0x80  }
0xa0: {  	[sflag:s21] =	ssyncset.done @!p3 $0x0  }
0xa1: {  	s0 =	simm.s32 @!p1 $0x1;
	[sflag:s21] =	ssyncadd.s32 @!p3 $0xFFFFFF80  }
0xa2: {  	_ =	swait.ge @!p1 [sflag:s0], $0x80  }
0xa3: {  	[sflag:s0] =	ssyncset.done @!p1 $0x0  }
0xa4: {  	s4 =	simm.s32 @!p2 $0x1;
	[sflag:s0] =	ssyncadd.s32 @!p1 $0xFFFFFF80  }
0xa5: {  	s9 =	sadd.s32 $0xFFFFFFFB, s28;
	s10 =	sadd.s32 $0xFFFFFFFD, s28;
	_ =	swait.ge @!p2 [sflag:s4], $0x80  }
0xa6: {  	s16 =	sadd.s32 $0xFFFFFFFF, s28;
	s0 =	simm.s32 @!p4 $0x80;
	[sflag:s4] =	ssyncset.done @!p2 $0x0  }
0xa7: {  	p1 =	sge.s32 s5, s6;
	s5 =	simm.s32 @!p4 $0x2780;
	[sflag:s4] =	ssyncadd.s32 @!p2 $0xFFFFFF80  }
0xa8: {  	[spmem:s1] =	stream.indirect.scatter.add.f32 @!p4 [tilespmem:s5], [sflag:$0x1], $0x1, s26, s0, $0xb8;
	[tilespmem:$0x2AF8] =	vst v63  }
0xa9: {  	s4 =	simm.s32 @!p1 $0x2780;
	s0 =	sadd.s32 @!p1 $0x80, s26;
	s5 =	simm.s32 @!p1 $0x80  }
0xaa: {  	[spmem:s1] =	stream.indirect.scatter.add.f32 @!p1 [tilespmem:s4], [sflag:$0x1], $0x1, s0, s5, $0xb8;
	[tilespmem:$0x2AF8] =	vst v63  }
0xab: {  	p5 =	sge.s32 s16, s6;
	p0 =	sge.s32 s30, s6;
	s4 =	simm.s32 @!p4 $0x0  }
0xac: {  	p3 =	sge.s32 s2, s6;
	p2 =	sge.s32 s10, s6;
	s4 =	simm.s32 @p4 $0x1  }
0xad: {  	p4 =	sge.s32 s9, s6;
	[smem:$0x7F7] =	sst s4;
	s4 =	simm.s32 @!p0 $0x0  }
0xae: {  	s2 =	simm.s32 @!p4 $0x2780;
	s4 =	simm.s32 @p0 $0x1;
	s21 =	sld [smem:$0x7F7]  }
0xaf: {  	s0 =	sadd.s32 @!p4 $0x100, s26;
	[smem:$0x7F5] =	sst s4;
	s4 =	simm.s32 @!p4 $0x80  }
0xb0: {  	[spmem:s1] =	stream.indirect.scatter.add.f32 @!p4 [tilespmem:s2], [sflag:$0x1], $0x1, s0, s4, $0xb8;
	[tilespmem:$0x2AF8] =	vst v63  }
0xb1: {  	s0 =	simm.s32 @!p3 $0x2780;
	s2 =	sadd.s32 @!p3 $0x180, s26;
	s4 =	simm.s32 @!p3 $0x80  }
0xb2: {  	[spmem:s1] =	stream.indirect.scatter.add.f32 @!p3 [tilespmem:s0], [sflag:$0x1], $0x1, s2, s4, $0xb8;
	[tilespmem:$0x2AF8] =	vst v63  }
0xb3: {  	s0 =	simm.s32 @!p2 $0x2780;
	s2 =	sadd.s32 @!p2 $0x200, s26;
	s4 =	simm.s32 @!p2 $0x80  }
0xb4: {  	[spmem:s1] =	stream.indirect.scatter.add.f32 @!p2 [tilespmem:s0], [sflag:$0x1], $0x1, s2, s4, $0xb8;
	[tilespmem:$0x2AF8] =	vst v63  }
0xb5: {  	s2 =	simm.s32 @!p0 $0x2780;
	s4 =	sadd.s32 @!p0 $0x280, s26;
	s0 =	simm.s32 @!p0 $0x80  }
0xb6: {  	[spmem:s1] =	stream.indirect.scatter.add.f32 @!p0 [tilespmem:s2], [sflag:$0x1], $0x1, s4, s0, $0xb8;
	[tilespmem:$0x2AF8] =	vst v63  }
0xb7: {  	p6 =	sge.s32 s28, s6;
	s0 =	sadd.s32 @!p5 $0x300, s26  }
0xb8: {  	s2 =	simm.s32 @!p5 $0x80;
	s4 =	simm.s32 @!p5 $0x2780;
	p0 =	seq.s32 s21, $0x1  }
0xb9: {  	[spmem:s1] =	stream.indirect.scatter.add.f32 @!p5 [tilespmem:s4], [sflag:$0x1], $0x1, s0, s2, $0xb8;
	[tilespmem:$0x2AF8] =	vst v63  }
0xba: {  	s0 =	simm.s32 @!p6 $0x2780;
	s2 =	sadd.s32 @!p6 $0x380, s26;
	s4 =	simm.s32 @!p6 $0x80  }
0xbb: {  	[spmem:s1] =	stream.indirect.scatter.add.f32 @!p6 [tilespmem:s0], [sflag:$0x1], $0x1, s2, s4, $0xb8;
	[tilespmem:$0x2AF8] =	vst v63  }
0xbc: {  	s0 =	simm.s32 @!p0 $0x1  }
0xbd: {  	_ =	swait.ge @!p0 [sflag:s0], $0x80  }
0xbe: {  	[sflag:s0] =	ssyncset.done @!p0 $0x0  }
0xbf: {  	[sflag:s0] =	ssyncadd.s32 @!p0 $0xFFFFFF80;
	s0 =	simm.s32 @!p1 $0x1  }
0xc0: {  	_ =	swait.ge @!p1 [sflag:s0], $0x80  }
0xc1: {  	[sflag:s0] =	ssyncset.done @!p1 $0x0  }
0xc2: {  	[sflag:s0] =	ssyncadd.s32 @!p1 $0xFFFFFF80;
	s0 =	simm.s32 @!p4 $0x1  }
0xc3: {  	_ =	swait.ge @!p4 [sflag:s0], $0x80  }
0xc4: {  	[sflag:s0] =	ssyncset.done @!p4 $0x0  }
0xc5: {  	[sflag:s0] =	ssyncadd.s32 @!p4 $0xFFFFFF80;
	s0 =	simm.s32 @!p3 $0x1  }
0xc6: {  	_ =	swait.ge @!p3 [sflag:s0], $0x80  }
0xc7: {  	[sflag:s0] =	ssyncset.done @!p3 $0x0  }
0xc8: {  	[sflag:s0] =	ssyncadd.s32 @!p3 $0xFFFFFF80;
	s0 =	simm.s32 @!p2 $0x1  }
0xc9: {  	_ =	swait.ge @!p2 [sflag:s0], $0x80  }
0xca: {  	s26 =	sld [smem:$0x7F5];
	_ =	sdelay $0x2  }
0xcb: {  	[sflag:s0] =	ssyncset.done @!p2 $0x0;
	p0 =	seq.s32 s26, $0x1  }
0xcc: {  	[sflag:s0] =	ssyncadd.s32 @!p2 $0xFFFFFF80;
	s0 =	simm.s32 @!p0 $0x1  }
0xcd: {  	_ =	swait.ge @!p0 [sflag:s0], $0x80  }
0xce: {  	[sflag:s0] =	ssyncset.done @!p0 $0x0  }
0xcf: {  	[sflag:s0] =	ssyncadd.s32 @!p0 $0xFFFFFF80;
	s0 =	simm.s32 @!p5 $0x1  }
0xd0: {  	_ =	swait.ge @!p5 [sflag:s0], $0x80  }
0xd1: {  	[sflag:s0] =	ssyncset.done @!p5 $0x0  }
0xd2: {  	[sflag:s0] =	ssyncadd.s32 @!p5 $0xFFFFFF80;
	s0 =	simm.s32 @!p6 $0x1  }
0xd3: {  	_ =	swait.ge @!p6 [sflag:s0], $0x80  }
0xd4: {  	[sflag:s0] =	ssyncset.done @!p6 $0x0  }
0xd5: {  	[sflag:s0] =	ssyncadd.s32 @!p6 $0xFFFFFF80  }
0xd6: {  	[bflag:$0x0] =	sbarrier.arrive $0xFFFF  }
0xd7: {  	[tilespmem:s23], [sflag:$0x3] =	stream.linear.gather [spmem:s11], $0x80, $0x38;
	[tilespmem:$0x2AF8] =	vst v63  }
0xd8: {  	_ =	swait.ge [sflag:s24], $0x80  }
0xd9: {  	[sflag:s24] =	ssyncset.done $0x0  }
0xda: {  	s28 =	rddreg [dreg:$0x9];
	[sflag:s24] =	ssyncadd.s32 $0xFFFFFF80  }
0xdb: {  	[hbm4b:s28+s3] =	stream.linear.scatter [tilespmem:s23], [sflag:$0x2], $0x80, $0x38;
	[tilespmem:$0x2AF8] =	vst v63  }
0xdc: {  	_ =	swait.ge [sflag:s22], $0x80  }
0xdd: {  	[sflag:s22] =	ssyncset.done $0x0  }
0xde: {  	[sflag:s22] =	ssyncadd.s32 $0xFFFFFF80  }
0xdf: {  	[tilespmem:s23], [sflag:$0x3] =	stream.linear.gather [spmem:s12], $0x80, $0x38;
	[tilespmem:$0x2AF8] =	vst v63  }
0xe0: {  	_ =	swait.ge [sflag:s24], $0x80  }
0xe1: {  	[sflag:s24] =	ssyncset.done $0x0  }
0xe2: {  	[sflag:s24] =	ssyncadd.s32 $0xFFFFFF80  }
0xe3: {  	[hbm4b:s17+s3] =	stream.linear.scatter [tilespmem:s23], [sflag:$0x2], $0x80, $0x38;
	[tilespmem:$0x2AF8] =	vst v63  }
0xe4: {  	_ =	swait.ge [sflag:s22], $0x80  }
0xe5: {  	[sflag:s22] =	ssyncset.done $0x0  }
0xe6: {  	[sflag:s22] =	ssyncadd.s32 $0xFFFFFF80  }
0xe7: {  	[tilespmem:s23], [sflag:$0x3] =	stream.linear.gather [spmem:s13], $0x80, $0x38;
	[tilespmem:$0x2AF8] =	vst v63  }
0xe8: {  	_ =	swait.ge [sflag:s24], $0x80  }
0xe9: {  	[sflag:s24] =	ssyncset.done $0x0  }
0xea: {  	[sflag:s24] =	ssyncadd.s32 $0xFFFFFF80  }
0xeb: {  	[hbm4b:s18+s3] =	stream.linear.scatter [tilespmem:s23], [sflag:$0x2], $0x80, $0x38;
	[tilespmem:$0x2AF8] =	vst v63  }
0xec: {  	_ =	swait.ge [sflag:s22], $0x80  }
0xed: {  	[sflag:s22] =	ssyncset.done $0x0  }
0xee: {  	[sflag:s22] =	ssyncadd.s32 $0xFFFFFF80  }
0xef: {  	[tilespmem:s23], [sflag:$0x3] =	stream.linear.gather [spmem:s14], $0x80, $0x38;
	[tilespmem:$0x2AF8] =	vst v63  }
0xf0: {  	_ =	swait.ge [sflag:s24], $0x80  }
0xf1: {  	[sflag:s24] =	ssyncset.done $0x0  }
0xf2: {  	[sflag:s24] =	ssyncadd.s32 $0xFFFFFF80  }
0xf3: {  	[hbm4b:s19+s3] =	stream.linear.scatter [tilespmem:s23], [sflag:$0x2], $0x80, $0x38;
	[tilespmem:$0x2AF8] =	vst v63  }
0xf4: {  	_ =	swait.ge [sflag:s22], $0x80  }
0xf5: {  	s29 =	sld [smem:$0x7FC];
	_ =	sdelay $0x2  }
0xf6: {  	[sflag:s22] =	ssyncset.done $0x0;
	p1 =	seq.s32 s29, $0x1  }
0xf7: {  	[sflag:s22] =	ssyncadd.s32 $0xFFFFFF80;
	s0 =	simm.s32 @!p1 $0x2800;
	s2 =	simm.s32 @!p1 $0x3  }
0xf8: {  	[tilespmem:s0], [sflag:$0x3] =	stream.linear.gather @!p1 [spmem:s15], $0x80, $0x38;
	[tilespmem:$0x2AF8] =	vst v63  }
0xf9: {  	_ =	swait.ge @!p1 [sflag:s2], $0x80  }
0xfa: {  	[sflag:s2] =	ssyncset.done @!p1 $0x0  }
0xfb: {  	[sflag:s2] =	ssyncadd.s32 @!p1 $0xFFFFFF80;
	s2 =	simm.s32 @!p1 $0x0  }
0xfc: {  	[hbm4b:s20+s2] =	stream.linear.scatter @!p1 [tilespmem:s0], [sflag:$0x2], $0x80, $0x38;
	[tilespmem:$0x2AF8] =	vst v63  }
0xfd: {  	s0 =	simm.s32 @!p1 $0x2  }
0xfe: {  	_ =	swait.ge @!p1 [sflag:s0], $0x80  }
0xff: {  	s30 =	sld [smem:$0x7FD];
	_ =	sdelay $0x2  }
0x100: {  	[sflag:s0] =	ssyncset.done @!p1 $0x0;
	p2 =	seq.s32 s30, $0x1  }
0x101: {  	[sflag:s0] =	ssyncadd.s32 @!p1 $0xFFFFFF80;
	s0 =	simm.s32 @!p2 $0x2800;
	s2 =	simm.s32 @!p2 $0x2  }
0x102: {  	[tilespmem:s0], [sflag:$0x2] =	stream.linear.gather @!p2 [spmem:s8], $0x10, $0x38;
	[tilespmem:$0x2AF8] =	vst v63  }
0x103: {  	_ =	swait.ge @!p2 [sflag:s2], $0x10  }
0x104: {  	[sflag:s2] =	ssyncset.done @!p2 $0x0  }
0x105: {  	s4 =	simm.s32 @!p2 $0x0;
	s5 =	rddreg [dreg:$0x7];
	[sflag:s2] =	ssyncadd.s32 @!p2 $0xFFFFFFF0  }
0x106: {  	[hbm4b:s5+s4] =	stream.linear.scatter @!p2 [tilespmem:s0], [sflag:$0x2], $0x10, $0x38;
	[tilespmem:$0x2AF8] =	vst v63  }
0x107: {  	_ =	swait.ge @!p2 [sflag:s2], $0x10  }
0x108: {  	s25 =	sadd.s32 $0x1, s25;
	s31 =	rddreg [dreg:$0x8]  }
0x109: {  	p0 =	sne.s32 s25, s31  }
.Ltmp1:
0x10a: {  	_ = 	snop;
	(pc) =	sbr.rel @p0 .LBB2_1-.Ltmp1, $3  }
0x10b: {  	_ =	sdelay $0x1  }
0x10c: {  	[sflag:s2] =	ssyncset.done @!p2 $0x0  }
0x10d: {  	[sflag:s2] =	ssyncadd.s32 @!p2 $0xFFFFFFF0  }
0x10e: {  	_ =	sfence.sel $0x180000  }
0x10f: {  	[bflag:$0x0] =	sbarrier.arrive $0xFFFF  }
0x110: {  	_ =	strace $0x90000047  }
0x111: {  	s0 =	stileid.u32;
	[bflag:$0x2] =	sbarrier.arrive $0xFFFF  }
0x112: {  	p0 =	sne.s32 s0, $0x0;
	s0 =	rddreg [dreg:$0x3]  }
0x113: {  	s0 =	sadd.s32 @!p0 $0x100000, s0  }
0x114: {  	[sflag:s0] =	ssyncadd.tile.s32 @!p0 $0x1;
	_ =	shalt  }
.Lfunc_end2:
_tile_overlayer_lowered:
.L_overlay_start_2:
0x115: {  	(tag) =	ssettag $0x2  }
0x116: {  	s0 =	rddreg [dreg:$0x0];
	s2 =	stileid.u32  }
0x117: {  	s1 =	rddreg [dreg:$0x1];
	p0 =	sne.s32 s2, $0x0  }
0x118: {  	s3 =	rddreg [dreg:$0x2];
	[bflag:$0x3] =	sbarrier.arrive $0xFFFF;
	s2 =	simm.s32 @!p0 $0x1C02  }
0x119: {  	[timem:s3], [sflag:s2] =	dma.local @!p0 [hbm:s0], s1  }
0x11a: {  	s0 =	simm.s32 @!p0 $0x2  }
0x11b: {  	_ =	swait.ge @!p0 [sflag:s0], s1  }
0x11c: {  	s1 =	ssub.s32 @!p0 $0x0, s1;
	[sflag:s0] =	ssyncset.done @!p0 $0x0  }
0x11d: {  	[sflag:s0] =	ssyncadd.s32 @!p0 s1  }
0x11e: {  	[bflag:$0x3] =	sbarrier.arrive $0xFFFF  }
0x11f: {  	_ =	shalt  }

// kernel: kernel.13.cloned.1.call-start
scs
__scs_entry_jumppad:
0x0: {  	(pc) =	sbr.rel $0x88, $3  }
0x1: {  	(tag) =	ssettag $0x0;
	lr =	simm.s32 $0x1  }
0x2: {  	[smem:$0x3F99] =	sst lr;
	_ =	strace $0xD0000000  }
0x3: {  	_ = 	snop  }
0x4: {  	_ = 	snop  }
0x5: {  	_ = 	snop  }
0x6: {  	_ = 	snop  }
0x7: {  	_ = 	snop  }
__scs_overlays_trampoline_lowered:
0x8: {  	[smem:$0x3FA8] =	sst s0  }
0x9: {  	[smem:$0x3FA9] =	sst s1  }
0xa: {  	[smem:$0x3FAA] =	sst s2  }
0xb: {  	[smem:$0x3FAB] =	sst s3  }
0xc: {  	[smem:$0x3FAC] =	sst s4  }
0xd: {  	[smem:$0x3FAD] =	sst s5  }
0xe: {  	[smem:$0x3FAE] =	sst s6  }
0xf: {  	[smem:$0x3FAF] =	sst s7  }
0x10: {  	[smem:$0x3FB0] =	sst s8  }
0x11: {  	[smem:$0x3FB1] =	sst s9;
	s0 =	simm.s32 @!p0 $0x0  }
0x12: {  	s1 =	sld [smem:$0x3F97];
	s0 =	simm.s32 @p0 $0x1  }
0x13: {  	[smem:$0x3FB2] =	sst s0;
	s0 =	simm.s32 @!p1 $0x0  }
0x14: {  	s2 =	sld [smem:$0x3F96];
	s0 =	simm.s32 @p1 $0x1  }
0x15: {  	[smem:$0x3FB3] =	sst s0;
	s0 =	simm.s32 @!p2 $0x0  }
0x16: {  	s3 =	sld [smem:$0x3FDB];
	s0 =	simm.s32 @p2 $0x1  }
0x17: {  	s4 =	simm.s32 $0x1BF5;
	[smem:$0x3FB5] =	sst s0  }
0x18: {  	s0 =	sld [smem:$0x3F98];
	_ =	swait.ge [sflag:s4], $0x0  }
0x19: {  	s7 =	sld [smem:$0x3F99]  }
0x1a: {  	s8 =	sadd.s32 $0xFFFFE003, lr  }
0x1b: {  	s9 =	sadd.s32 $0xFFFFFEF7, lr;
	s5 =	simm.s32 $0xFFFFFFFF;
	p2 =	slt.u32 s8, $0xFFFFF086  }
0x1c: {  	p1 =	slt.u32 s9, $0xF7A;
	s5 =	simm.s32 @!p2 $0x0  }
0x1d: {  	s5 =	simm.s32 @p1 $0x1;
	p0 =	seq.s32 s7, s2  }
0x1e: {  	s7 =	smul.u32 @!p0 $0xF7A, s2;
	p2 =	seq.s32 @!p0 s5, $0x0  }
0x1f: {  	s9 =	smul.u32 $0xF7A, s1;
	s8 =	simm.s32 @!p0 $0x1BF5;
	p2 =	por !p2, p0  }
0x20: {  	[sflag:s8] =	ssyncset.s32 @!p0 $0xFFFFF086;
	s6 =	sadd.s32 @!p0 s3, s7;
	s7 =	simm.s32 @!p0 $0x108  }
0x21: {  	s3 =	sadd.s32 s3, s9;
	s6 =	sadd.s32 @!p0 $0x88, s6;
	s7 =	simm.s32 @p2 $0x1082  }
0x22: {  	[simem:s7], [sflag:s8] =	dma.local @!p0 [hbm:s6], $0xF7A  }
0x23: {  	s9 =	sor.u32 $0xD0000000, s2;
	s6 =	simm.s32 $0x108;
	_ =	swait.ge @!p0 [sflag:s8], $0x0  }
0x24: {  	s3 =	sadd.s32 $0x88, s3;
	s6 =	simm.s32 @!p1 $0x1082;
	[sflag:s4] =	ssyncset.s32 $0xFFFFF086  }
0x25: {  	[simem:s6], [sflag:s4] =	dma.local [hbm:s3], $0xF7A  }
0x26: {  	[smem:$0x3F99] =	sst s1;
	(tag) =	ssettag s2;
	_ =	strace s9  }
0x27: {  	s1 =	sld [smem:$0x3FA9]  }
0x28: {  	s2 =	sld [smem:$0x3FAA]  }
0x29: {  	s4 =	sld [smem:$0x3FAC]  }
0x2a: {  	p0 =	seq.s32 s5, $0x0;
	s5 =	sld [smem:$0x3FAD]  }
0x2b: {  	s6 =	sld [smem:$0x3FAE]  }
0x2c: {  	s7 =	sld [smem:$0x3FAF]  }
0x2d: {  	s3 =	simm.s32 $0x108;
	s8 =	sld [smem:$0x3FB0]  }
0x2e: {  	s3 =	simm.s32 @!p0 $0x1082;
	s9 =	sld [smem:$0x3FB1]  }
0x2f: {  	lr =	sadd.s32 s0, s3;
	s0 =	sld [smem:$0x3FA8]  }
0x30: {  	s3 =	sld [smem:$0x3FAB]  }
0x31: {  	[smem:$0x3FB4] =	sst s10  }
0x32: {  	s10 =	sld [smem:$0x3FB2];
	_ =	sdelay $0x3  }
0x33: {  	p0 =	seq.s32 s10, $0x1;
	s10 =	sld [smem:$0x3FB4];
	_ =	sdelay $0x3  }
0x34: {  	[smem:$0x3FB4] =	sst s10  }
0x35: {  	s10 =	sld [smem:$0x3FB3];
	_ =	sdelay $0x3  }
0x36: {  	p1 =	seq.s32 s10, $0x1;
	s10 =	sld [smem:$0x3FB4];
	_ =	sdelay $0x3  }
0x37: {  	[smem:$0x3FB4] =	sst s10  }
0x38: {  	s10 =	sld [smem:$0x3FB5]  }
0x39: {  	_ = 	snop;
	(pc) =	sbr.ind lr, $3  }
0x3a: {  	_ = 	snop  }
0x3b: {  	_ = 	snop  }
0x3c: {  	p2 =	seq.s32 s10, $0x1;
	s10 =	sld [smem:$0x3FB4]  }
0x3d: {  	_ =	shalt  }
0x3e: {  	_ =	shalt  }
0x3f: {  	_ =	shalt  }
0x40: {  	_ =	shalt  }
0x41: {  	_ =	shalt  }
0x42: {  	_ =	shalt  }
0x43: {  	_ =	shalt  }
0x44: {  	_ =	shalt  }
0x45: {  	_ =	shalt  }
0x46: {  	_ =	shalt  }
0x47: {  	_ =	shalt  }
0x48: {  	_ =	shalt  }
0x49: {  	_ =	shalt  }
0x4a: {  	_ =	shalt  }
0x4b: {  	_ =	shalt  }
0x4c: {  	_ =	shalt  }
0x4d: {  	_ =	shalt  }
0x4e: {  	_ =	shalt  }
0x4f: {  	_ =	shalt  }
0x50: {  	_ =	shalt  }
0x51: {  	_ =	shalt  }
0x52: {  	_ =	shalt  }
0x53: {  	_ =	shalt  }
0x54: {  	_ =	shalt  }
0x55: {  	_ =	shalt  }
0x56: {  	_ =	shalt  }
0x57: {  	_ =	shalt  }
0x58: {  	_ =	shalt  }
0x59: {  	_ =	shalt  }
0x5a: {  	_ =	shalt  }
0x5b: {  	_ =	shalt  }
0x5c: {  	_ =	shalt  }
0x5d: {  	_ =	shalt  }
0x5e: {  	_ =	shalt  }
0x5f: {  	_ =	shalt  }
0x60: {  	_ =	shalt  }
0x61: {  	_ =	shalt  }
0x62: {  	_ =	shalt  }
0x63: {  	_ =	shalt  }
0x64: {  	_ =	shalt  }
0x65: {  	_ =	shalt  }
0x66: {  	_ =	shalt  }
0x67: {  	_ =	shalt  }
0x68: {  	_ =	shalt  }
0x69: {  	_ =	shalt  }
0x6a: {  	_ =	shalt  }
0x6b: {  	_ =	shalt  }
0x6c: {  	_ =	shalt  }
0x6d: {  	_ =	shalt  }
0x6e: {  	_ =	shalt  }
0x6f: {  	_ =	shalt  }
0x70: {  	_ =	shalt  }
0x71: {  	_ =	shalt  }
0x72: {  	_ =	shalt  }
0x73: {  	_ =	shalt  }
0x74: {  	_ =	shalt  }
0x75: {  	_ =	shalt  }
0x76: {  	_ =	shalt  }
0x77: {  	_ =	shalt  }
0x78: {  	_ =	shalt  }
0x79: {  	_ =	shalt  }
0x7a: {  	_ =	shalt  }
0x7b: {  	_ =	shalt  }
0x7c: {  	_ =	shalt  }
0x7d: {  	_ =	shalt  }
0x7e: {  	_ =	shalt  }
0x7f: {  	_ =	shalt  }
0x80: {  	_ =	shalt  }
0x81: {  	_ =	shalt  }
0x82: {  	_ =	shalt  }
0x83: {  	_ =	shalt  }
0x84: {  	_ =	shalt  }
0x85: {  	_ =	shalt  }
0x86: {  	_ =	shalt  }
0x87: {  	_ =	shalt  }
.Lfunc_end0:
.L_simem_size_0:
called_computation.1_lowered:
.L_overlay_start_0:
0x88: {  	s2 =	sld [smem:$0x3FD9]  }
0x89: {  	s3 =	sld [smem:$0x3FFE];
	_ =	sdelay $0x1  }
0x8a: {  	s1 =	srdreg.scid  }
0x8b: {  	s0 =	sand.u32 $0x1, s1  }
0x8c: {  	s17 =	sshll.u32 s0, $0xA;
	s2 =	sadd.s32 s3, s2  }
0x8d: {  	s2 =	sadd.s32 s2, s17  }
0x8e: {  	[smem:$0x3FC0] =	sst s2  }
0x8f: {  	_ = 	snop  }
0x90: {  	s2 =	sld [smem:$0x3FD0];
	(tm) =	ssettm $0x1  }
0x91: {  	s18 =	sld [smem:$0x3FFB];
	_ =	sdelay $0x3  }
0x92: {  	_ =	strace s18  }
0x93: {  	s3 =	sld [smem:$0x3FFC];
	_ =	sdelay $0x3  }
0x94: {  	_ =	strace s3  }
0x95: {  	s3 =	sld [smem:$0x3FFD];
	_ =	sdelay $0x3  }
0x96: {  	_ =	strace s3  }
0x97: {  	_ =	strace $0x8FFFFFFF  }
0x98: {  	s19 =	sld [smem:$0x3FDB];
	_ =	sdelay $0x1  }
0x99: {  	s4 =	simm.s32 $_scs_section_size  }
0x9a: {  	s5 =	simm.s32 $_size__tile_overlayer_lowered;
	s6 =	simm.s32 $_tile_overlayer_lowered  }
0x9b: {  	s22 =	simm.s32 $0x1BFF;
	s21 =	sshll.u32 s6, $0x1;
	s3 =	sadd.s32 s4, s19  }
0x9c: {  	s7 =	simm.s32 $0x0;
	s20 =	sshll.u32 s5, $0x1;
	s5 =	sadd.s32 s21, s3  }
0x9d: {  	[timem:s7], [sflag:s22] =	dma.local [hbm:s5], s20  }
0x9e: {  	_ =	swait.ge [sflag:s22], s20  }
0x9f: {  	s4 =	ssub.s32 $0x0, s20;
	[sflag:s22] =	ssyncset.done $0x0  }
0xa0: {  	[sflag:s22] =	ssyncadd.s32 s4;
	_ =	sdelay $0x1  }
0xa1: {  	s23 =	simm.s32 $0x1B8B  }
0xa2: {  	_ =	swait.ge [sflag:s23], $0x1  }
0xa3: {  	[sflag:s23] =	ssyncset.done $0x0  }
0xa4: {  	s25 =	simm.s32 $0x1B8E;
	s24 =	sld [smem:$0x3FFE];
	[sflag:s23] =	ssyncadd.s32 $0xFFFFFFFF  }
0xa5: {  	s26 =	simm.s32 $execute0_lowered;
	[smem:$0x3FD2] =	sst s25  }
0xa6: {  	s5 =	sshll.u32 s26, $0x1;
	_ =	strace $0x80000049;
	[dreg:$0x1] =	wrdreg $0xFFFFFFFF  }
0xa7: {  	s28 =	simm.s32 $_size_execute0_lowered;
	s3 =	sadd.s32 s3, s5;
	[dreg:$0x0] =	wrdreg $0x0  }
0xa8: {  	s5 =	sshll.u32 s28, $0x1;
	[dreg:$0x2] =	wrdreg s3  }
0xa9: {  	[dreg:$0x3] =	wrdreg s5  }
0xaa: {  	[dreg:$0x4] =	wrdreg $0xC0  }
0xab: {  	_ =	task [dreg:s7], $0x5FFFF  }
0xac: {  	[dreg:$0x1] =	wrdreg $0xFFFFFFFF  }
0xad: {  	[dreg:$0x0] =	wrdreg $0x60  }
0xae: {  	[dreg:$0x2] =	wrdreg s2  }
0xaf: {  	[dreg:$0x3] =	wrdreg s24  }
0xb0: {  	[dreg:$0x4] =	wrdreg $0xDF000  }
0xb1: {  	[dreg:$0x5] =	wrdreg $0x9  }
0xb2: {  	_ =	task.clear_ibuf [dreg:s7], $0x6FFFF;
	_ =	strace $0x90000049  }
0xb3: {  	s29 =	simm.s32 $0x9;
	_ =	strace $0x8000004B  }
0xb4: {  	_ =	swait.ge [sflag:s29], $0x1  }
0xb5: {  	[sflag:s29] =	ssyncadd.s32 $0xFFFFFFFF  }
0xb6: {  	_ =	strace $0x9000004B  }
0xb7: {  	_ =	sfence  }
0xb8: {  	s30 =	sld [smem:$0x0];
	_ =	sdelay $0x2  }
0xb9: {  	s31 =	sshll.u32 s1, $0xD;
	s1 =	sshrl.u32 s1, $0x2  }
0xba: {  	s3 =	sand.u32 $0x4000, s31;
	s1 =	sadd.s32 s1, s30  }
0xbb: {  	s0 =	sor.u32 s3, s0;
	s1 =	sshll.u32 s1, $0x11  }
0xbc: {  	s0 =	sor.u32 s1, s0  }
0xbd: {  	s0 =	sadd.s32 $0x8F2B, s0  }
0xbe: {  	[sflag:s0] =	ssyncadd.remote.s32 $0x1  }
0xbf: {  	_ =	sfence.sel $0xFFFF  }
0xc0: {  	[dreg:$0x0] =	wrdreg $0xFFFFFFFF;
	(pc) =	sbr.abs _section_cstart, $3  }
0xc1: {  	[dreg:$0x1] =	wrdreg $0xFFFFFFFF  }
0xc2: {  	_ =	task.clear_ibuf [dreg:s7], $0x2FFFF;
	_ =	strace $0x9FFFFFFF  }
0xc3: {  	(tm) =	ssettm $0x7FFFFFFF  }
tec
execute0_lowered:
.L_overlay_start_1:
0x0: {  	(tag) =	ssettag $0x1  }
0x1: {  	s0 =	rddreg [dreg:$0x0]  }
0x2: {  	s2 =	rddreg [dreg:$0x1]  }
0x3: {  	s1 =	rddreg [dreg:$0x2];
	s3 =	srdreg.scid  }
0x4: {  	s18 =	stileid.u32;
	s29 =	simm.s32 $0xA;
	s30 =	simm.s32 $0xB  }
0x5: {  	s31 =	simm.s32 $0xC;
	s5 =	sand.u32 $0x1, s3;
	s3 =	simm.s32 $0x0  }
0x6: {  	s7 =	sadd.s32 $0xBC00, s2;
	s16 =	sshll.u32 s18, $0xC;
	s11 =	sor.u32 $0x40, s18  }
0x7: {  	s4 =	sshll.u32 s5, $0x4;
	[smem:$0x7FF] =	sst s3;
	s14 =	ssub.s32 $0x2, s5  }
0x8: {  	s5 =	smul.u32 $0x4E200, s5;
	s20 =	sor.u32 $0x10000, s16;
	s12 =	sadd.s32 s16, s1  }
0x9: {  	s21 =	sor.u32 $0x20000, s16;
	s22 =	sor.u32 $0x30000, s16;
	s17 =	sshll.u32 s11, $0xC  }
0xa: {  	p0 =	sgt.u32 s11, $0x4D;
	s11 =	simm.s32 $0x0;
	s4 =	sor.u32 s18, s4  }
0xb: {  	_ =	strace $0x8000004A;
	[dreg:$0x4] =	wrdreg s7;
	s8 =	sshrl.u32 s14, $0x1  }
0xc: {  	s13 =	sadd.s32 s20, s1;
	p1 =	sne.s32 @!p0 s18, $0x0;
	s6 =	smul.u32 $0x9C4, s4  }
0xd: {  	s4 =	sadd.s32 $0x1E00, s2;
	s2 =	sadd.s32 $0xBE00, s2;
	s8 =	ssub.s32 s14, s8  }
0xe: {  	s15 =	sshrl.u32 s5, $0x3;
	s14 =	sadd.s32 s21, s1;
	s23 =	sadd.s32 s5, s21  }
0xf: {  	s25 =	sadd.s32 s5, s22;
	p1 =	por p1, p0;
	s19 =	smax.u32 s8, $0x1  }
0x10: {  	s24 =	sshrl.u32 s23, $0x3;
	s26 =	sshrl.u32 s25, $0x3;
	s23 =	simm.s32 $0x11  }
0x11: {  	s25 =	simm.s32 $0x80;
	s9 =	sshrl.u32 s6, $0x5;
	s6 =	sadd.s32 $0x9C4, s6  }
0x12: {  	s8 =	simm.s32 $0x10;
	s10 =	sshll.u32 s9, $0x4;
	s6 =	sshrl.u32 s6, $0x5  }
0x13: {  	[dreg:$0x8] =	wrdreg s19;
	s0 =	sadd.s32 s0, s10;
	s7 =	ssub.s32 s6, s9  }
0x14: {  	s9 =	sadd.s32 $0x4E000, s1;
	s6 =	sadd.s32 s5, s16;
	s16 =	sadd.s32 s17, s1  }
0x15: {  	s10 =	simm.s32 $0x12;
	[dreg:$0x5] =	wrdreg s0;
	s0 =	sadd.s32 $0x9C40, s0  }
0x16: {  	s6 =	sshrl.u32 s6, $0x3;
	[dreg:$0x6] =	wrdreg s0;
	s0 =	sadd.s32 s2, s15  }
0x17: {  	s15 =	sadd.s32 s22, s1;
	s6 =	sadd.s32 s2, s6;
	s0 =	sadd.s32 $0x9C00, s0  }
0x18: {  	s22 =	simm.s32 $0xCF00;
	[dreg:$0x7] =	wrdreg s0;
	s0 =	sadd.s32 s5, s20  }
0x19: {  	[dreg:$0x9] =	wrdreg s6;
	s5 =	sadd.s32 s5, s17;
	s0 =	sshrl.u32 s0, $0x3  }
.Ltmp0:
0x1a: {  	s28 =	sshrl.u32 s5, $0x3;
	s0 =	sadd.s32 s2, s0;
	(pc) =	sbr.rel .LBB2_1-.Ltmp0, $4  }
0x1b: {  	s5 =	simm.s32 $0xF;
	[dreg:$0xa] =	wrdreg s0;
	s0 =	sadd.s32 s2, s24  }
0x1c: {  	s24 =	simm.s32 $0x8F00;
	[dreg:$0xb] =	wrdreg s0;
	s0 =	sadd.s32 s2, s26  }
0x1d: {  	s26 =	simm.s32 $0x4F00;
	[dreg:$0xc] =	wrdreg s0;
	s0 =	sadd.s32 s2, s28  }
0x1e: {  	s2 =	simm.s32 $0xD;
	[dreg:$0xd] =	wrdreg s0;
	s0 =	simm.s32 $0xE  }
.LBB2_8:
0x1f: {  	s6 =	simm.s32 $0x9  }
0x20: {  	_ =	swait.ge [sflag:s6], $0x1000  }
0x21: {  	[sflag:s6] =	ssyncset.done $0x0  }
0x22: {  	[sflag:s6] =	ssyncadd.s32 $0xFFFFF000  }
0x23: {  	_ =	swait.ge [sflag:s29], $0x1000  }
0x24: {  	[sflag:s29] =	ssyncset.done $0x0  }
0x25: {  	[sflag:s29] =	ssyncadd.s32 $0xFFFFF000  }
0x26: {  	_ =	swait.ge [sflag:s30], $0x1000  }
0x27: {  	[sflag:s30] =	ssyncset.done $0x0  }
0x28: {  	[sflag:s30] =	ssyncadd.s32 $0xFFFFF000  }
0x29: {  	_ =	swait.ge [sflag:s31], $0x1000  }
0x2a: {  	[sflag:s31] =	ssyncset.done $0x0  }
0x2b: {  	[sflag:s31] =	ssyncadd.s32 $0xFFFFF000  }
0x2c: {  	_ =	swait.ge [sflag:s2], $0x1000  }
0x2d: {  	[sflag:s2] =	ssyncset.done $0x0  }
0x2e: {  	[sflag:s2] =	ssyncadd.s32 $0xFFFFF000  }
0x2f: {  	_ =	swait.ge [sflag:s0], $0x1000  }
0x30: {  	[sflag:s0] =	ssyncset.done $0x0  }
0x31: {  	[sflag:s0] =	ssyncadd.s32 $0xFFFFF000  }
0x32: {  	_ =	swait.ge [sflag:s5], $0x1000  }
0x33: {  	[sflag:s5] =	ssyncset.done $0x0  }
0x34: {  	[sflag:s5] =	ssyncadd.s32 $0xFFFFF000  }
0x35: {  	_ =	swait.ge [sflag:s8], $0x1000  }
0x36: {  	[sflag:s8] =	ssyncset.done $0x0  }
0x37: {  	[sflag:s8] =	ssyncadd.s32 $0xFFFFF000  }
0x38: {  	[bflag:$0x0] =	sbarrier.arrive $0xFFFF  }
0x39: {  	[tilespmem:s26], [sflag:$0x12] =	stream.linear.gather [spmem:s12], $0x1000, $0x38;
	[tilespmem:$0x12D40] =	vst v63  }
0x3a: {  	_ =	swait.ge [sflag:s10], $0x1000  }
0x3b: {  	[sflag:s10] =	ssyncset.done $0x0  }
0x3c: {  	s18 =	rddreg [dreg:$0x9];
	[sflag:s10] =	ssyncadd.s32 $0xFFFFF000  }
0x3d: {  	[hbm4b:s18+s3] =	stream.linear.scatter [tilespmem:s26], [sflag:$0x11], $0x1000, $0x38;
	[tilespmem:$0x12D40] =	vst v63  }
0x3e: {  	_ =	swait.ge [sflag:s23], $0x1000  }
0x3f: {  	[sflag:s23] =	ssyncset.done $0x0  }
0x40: {  	[sflag:s23] =	ssyncadd.s32 $0xFFFFF000  }
0x41: {  	[tilespmem:s26], [sflag:$0x12] =	stream.linear.gather [spmem:s13], $0x1000, $0x38;
	[tilespmem:$0x12D40] =	vst v63  }
0x42: {  	_ =	swait.ge [sflag:s10], $0x1000  }
0x43: {  	[sflag:s10] =	ssyncset.done $0x0  }
0x44: {  	s19 =	rddreg [dreg:$0xa];
	[sflag:s10] =	ssyncadd.s32 $0xFFFFF000  }
0x45: {  	[hbm4b:s19+s3] =	stream.linear.scatter [tilespmem:s26], [sflag:$0x11], $0x1000, $0x38;
	[tilespmem:$0x12D40] =	vst v63  }
0x46: {  	_ =	swait.ge [sflag:s23], $0x1000  }
0x47: {  	[sflag:s23] =	ssyncset.done $0x0  }
0x48: {  	[sflag:s23] =	ssyncadd.s32 $0xFFFFF000  }
0x49: {  	[tilespmem:s26], [sflag:$0x12] =	stream.linear.gather [spmem:s14], $0x1000, $0x38;
	[tilespmem:$0x12D40] =	vst v63  }
0x4a: {  	_ =	swait.ge [sflag:s10], $0x1000  }
0x4b: {  	[sflag:s10] =	ssyncset.done $0x0  }
0x4c: {  	s20 =	rddreg [dreg:$0xb];
	[sflag:s10] =	ssyncadd.s32 $0xFFFFF000  }
0x4d: {  	[hbm4b:s20+s3] =	stream.linear.scatter [tilespmem:s26], [sflag:$0x11], $0x1000, $0x38;
	[tilespmem:$0x12D40] =	vst v63  }
0x4e: {  	_ =	swait.ge [sflag:s23], $0x1000  }
0x4f: {  	[sflag:s23] =	ssyncset.done $0x0  }
0x50: {  	[sflag:s23] =	ssyncadd.s32 $0xFFFFF000  }
0x51: {  	[tilespmem:s26], [sflag:$0x12] =	stream.linear.gather [spmem:s15], $0x1000, $0x38;
	[tilespmem:$0x12D40] =	vst v63  }
0x52: {  	_ =	swait.ge [sflag:s10], $0x1000  }
0x53: {  	[sflag:s10] =	ssyncset.done $0x0  }
0x54: {  	s21 =	rddreg [dreg:$0xc];
	[sflag:s10] =	ssyncadd.s32 $0xFFFFF000  }
0x55: {  	[hbm4b:s21+s3] =	stream.linear.scatter [tilespmem:s26], [sflag:$0x11], $0x1000, $0x38;
	[tilespmem:$0x12D40] =	vst v63  }
0x56: {  	_ =	swait.ge [sflag:s23], $0x1000  }
0x57: {  	[sflag:s23] =	ssyncset.done $0x0  }
0x58: {  	s17 =	simm.s32 @!p0 $0x12;
	s6 =	simm.s32 @!p0 $0x4F00;
	[sflag:s23] =	ssyncadd.s32 $0xFFFFF000  }
0x59: {  	[tilespmem:s6], [sflag:$0x12] =	stream.linear.gather @!p0 [spmem:s16], $0x1000, $0x38;
	[tilespmem:$0x12D40] =	vst v63  }
0x5a: {  	_ =	swait.ge @!p0 [sflag:s17], $0x1000  }
0x5b: {  	[sflag:s17] =	ssyncset.done @!p0 $0x0  }
0x5c: {  	s18 =	rddreg [dreg:$0xd];
	[sflag:s17] =	ssyncadd.s32 @!p0 $0xFFFFF000;
	s17 =	simm.s32 @!p0 $0x0  }
0x5d: {  	[hbm4b:s18+s17] =	stream.linear.scatter @!p0 [tilespmem:s6], [sflag:$0x11], $0x1000, $0x38;
	[tilespmem:$0x12D40] =	vst v63  }
0x5e: {  	s6 =	simm.s32 @!p0 $0x11  }
0x5f: {  	_ =	swait.ge @!p0 [sflag:s6], $0x1000  }
0x60: {  	[sflag:s6] =	ssyncset.done @!p0 $0x0  }
0x61: {  	s17 =	simm.s32 @!p1 $0x11;
	[sflag:s6] =	ssyncadd.s32 @!p0 $0xFFFFF000;
	s6 =	simm.s32 @!p1 $0x4F00  }
0x62: {  	[tilespmem:s6], [sflag:$0x11] =	stream.linear.gather @!p1 [spmem:s9], $0x200, $0x38;
	[tilespmem:$0x12D40] =	vst v63  }
0x63: {  	_ =	swait.ge @!p1 [sflag:s17], $0x200  }
0x64: {  	[sflag:s17] =	ssyncset.done @!p1 $0x0  }
0x65: {  	s18 =	simm.s32 @!p1 $0x0;
	s19 =	rddreg [dreg:$0x7];
	[sflag:s17] =	ssyncadd.s32 @!p1 $0xFFFFFE00  }
0x66: {  	[hbm4b:s19+s18] =	stream.linear.scatter @!p1 [tilespmem:s6], [sflag:$0x11], $0x200, $0x38;
	[tilespmem:$0x12D40] =	vst v63  }
0x67: {  	_ =	swait.ge @!p1 [sflag:s17], $0x200  }
0x68: {  	s11 =	sadd.s32 $0x1, s11;
	s28 =	rddreg [dreg:$0x8]  }
0x69: {  	p2 =	sne.s32 s11, s28  }
.Ltmp1:
0x6a: {  	_ = 	snop;
	(pc) =	sbr.rel @!p2 .LBB2_9-.Ltmp1, $3  }
0x6b: {  	_ =	sdelay $0x1  }
0x6c: {  	[sflag:s17] =	ssyncset.done @!p1 $0x0  }
0x6d: {  	[sflag:s17] =	ssyncadd.s32 @!p1 $0xFFFFFE00  }
.LBB2_1:
0x6e: {  	s6 =	rddreg [dreg:$0x4]  }
0x6f: {  	[tilespmem:s22], [sflag:$0x11] =	stream.linear.gather [hbm4b:s6+s3], $0x1000, $0x38;
	[tilespmem:$0x12D40] =	vst v63  }
0x70: {  	_ =	swait.ge [sflag:s23], $0x1000  }
0x71: {  	[sflag:s23] =	ssyncset.done $0x0  }
0x72: {  	s21 =	rddreg [dreg:$0x5];
	[sflag:s23] =	ssyncadd.s32 $0xFFFFF000  }
0x73: {  	[tilespmem:s3], [sflag:$0x11] =	stream.linear.gather [hbm4b:s21+s3], $0x2780, $0x38;
	[tilespmem:$0x12D40] =	vst v63  }
0x74: {  	_ =	swait.ge [sflag:s23], $0x2780  }
0x75: {  	[sflag:s23] =	ssyncset.done $0x0  }
0x76: {  	s17 =	simm.s32 $0x2780;
	s28 =	rddreg [dreg:$0x6];
	[sflag:s23] =	ssyncadd.s32 $0xFFFFD880  }
0x77: {  	[tilespmem:s17], [sflag:$0x11] =	stream.linear.gather [hbm4b:s28+s3], $0x2780, $0x38;
	[tilespmem:$0x12D40] =	vst v63  }
0x78: {  	_ =	swait.ge [sflag:s23], $0x2780  }
0x79: {  	[sflag:s23] =	ssyncset.done $0x0  }
0x7a: {  	[sflag:s23] =	ssyncadd.s32 $0xFFFFD880  }
0x7b: {  	[spmem:s12] =	stream.linear.scatter [tilespmem:s22], [sflag:$0x11], $0x1000, $0x38;
	[tilespmem:$0x12D40] =	vst v63  }
0x7c: {  	_ =	swait.ge [sflag:s23], $0x1000  }
0x7d: {  	[sflag:s23] =	ssyncset.done $0x0  }
0x7e: {  	[sflag:s23] =	ssyncadd.s32 $0xFFFFF000  }
0x7f: {  	[spmem:s13] =	stream.linear.scatter [tilespmem:s22], [sflag:$0x11], $0x1000, $0x38;
	[tilespmem:$0x12D40] =	vst v63  }
0x80: {  	_ =	swait.ge [sflag:s23], $0x1000  }
0x81: {  	[sflag:s23] =	ssyncset.done $0x0  }
0x82: {  	[sflag:s23] =	ssyncadd.s32 $0xFFFFF000  }
0x83: {  	[spmem:s14] =	stream.linear.scatter [tilespmem:s22], [sflag:$0x11], $0x1000, $0x38;
	[tilespmem:$0x12D40] =	vst v63  }
0x84: {  	_ =	swait.ge [sflag:s23], $0x1000  }
0x85: {  	[sflag:s23] =	ssyncset.done $0x0  }
0x86: {  	[sflag:s23] =	ssyncadd.s32 $0xFFFFF000  }
0x87: {  	[spmem:s15] =	stream.linear.scatter [tilespmem:s22], [sflag:$0x11], $0x1000, $0x38;
	[tilespmem:$0x12D40] =	vst v63  }
0x88: {  	_ =	swait.ge [sflag:s23], $0x1000  }
0x89: {  	[sflag:s23] =	ssyncset.done $0x0  }
0x8a: {  	s6 =	simm.s32 @!p0 $0xCF00;
	[sflag:s23] =	ssyncadd.s32 $0xFFFFF000  }
0x8b: {  	[spmem:s16] =	stream.linear.scatter @!p0 [tilespmem:s6], [sflag:$0x11], $0x1000, $0x38;
	[tilespmem:$0x12D40] =	vst v63  }
0x8c: {  	s6 =	simm.s32 @!p0 $0x11  }
0x8d: {  	_ =	swait.ge @!p0 [sflag:s6], $0x1000  }
0x8e: {  	[sflag:s6] =	ssyncset.done @!p0 $0x0  }
0x8f: {  	[sflag:s6] =	ssyncadd.s32 @!p0 $0xFFFFF000;
	s6 =	simm.s32 @!p1 $0xCF00  }
0x90: {  	[spmem:s9] =	stream.linear.scatter @!p1 [tilespmem:s6], [sflag:$0x11], $0x200, $0x38;
	[tilespmem:$0x12D40] =	vst v63  }
0x91: {  	s6 =	simm.s32 @!p1 $0x11  }
0x92: {  	_ =	swait.ge @!p1 [sflag:s6], $0x200  }
0x93: {  	[sflag:s6] =	ssyncset.done @!p1 $0x0  }
0x94: {  	[sflag:s6] =	ssyncadd.s32 @!p1 $0xFFFFFE00  }
0x95: {  	[bflag:$0x0] =	sbarrier.arrive $0xFFFF  }
0x96: {  	[tilespmem:s26], [sflag:$0x1] =	stream.indirect.gather [hbm4b:s4+s25], $0x20, s3, s25, $0xb8;
	[tilespmem:$0x12D40] =	vst v63  }
0x97: {  	s18 =	simm.s32 $0x5F00  }
0x98: {  	[tilespmem:s18], [sflag:$0x2] =	stream.indirect.gather [hbm4b:s4+s25], $0x20, s25, s25, $0xb8;
	[tilespmem:$0x12D40] =	vst v63  }
.Ltmp2:
0x99: {  	_ = 	snop;
	(pc) =	sbr.rel .LBB2_2-.Ltmp2, $4  }
0x9a: {  	s19 =	simm.s32 $0x100;
	s20 =	simm.s32 $0x6F00;
	s21 =	simm.s32 $0x180  }
0x9b: {  	[tilespmem:s20], [sflag:$0x3] =	stream.indirect.gather [hbm4b:s4+s25], $0x20, s19, s25, $0xb8;
	[tilespmem:$0x12D40] =	vst v63  }
0x9c: {  	s28 =	simm.s32 $0x7F00;
	s17 =	simm.s32 $0x0;
	s6 =	simm.s32 $0x0  }
0x9d: {  	[tilespmem:s28], [sflag:$0x4] =	stream.indirect.gather [hbm4b:s4+s25], $0x20, s21, s25, $0xb8;
	[tilespmem:$0x12D40] =	vst v63  }
.LBB2_3:
0x9e: {  	_ =	swait.ge [sflag:s2], $0x1000  }
0x9f: {  	s19 =	sshra.s32 s6, $0x2;
	[sflag:s2] =	ssyncset.done $0x0  }
0xa0: {  	s19 =	sadd.s32 $0x200, s19;
	[sflag:s2] =	ssyncadd.s32 $0xFFFFF000  }
.LBB2_4:
0xa1: {  	[tilespmem:s24], [sflag:$0x5] =	stream.indirect.gather [hbm4b:s4+s25], $0x20, s19, s25, $0xb8;
	[tilespmem:$0x12D40] =	vst v63  }
0xa2: {  	p3 =	por !p2, !p2  }
.LBB2_7:
0xa3: {  	p2 =	sge.s32 s17, s7  }
0xa4: {  	s19 =	simm.s32 @!p2 $0x1  }
0xa5: {  	_ =	swait.ge @!p2 [sflag:s19], $0x1000  }
0xa6: {  	[sflag:s19] =	ssyncset.done @!p2 $0x0  }
0xa7: {  	[sflag:s19] =	ssyncadd.s32 @!p2 $0xFFFFF000;
	s19 =	sshra.s32 @!p2 s6, $0x2  }
0xa8: {  	s20 =	simm.s32 @!p2 $0x80;
	s21 =	simm.s32 @!p2 $0x4F00;
	s19 =	sadd.s32 @!p2 $0x2780, s19  }
0xa9: {  	[spmem:s1] =	stream.indirect.scatter.add.f32 @!p2 [tilespmem:s21], [sflag:$0x9], $0x20, s19, s20, $0xb8;
	[tilespmem:$0x12D40] =	vst v63  }
0xaa: {  	p4 =	seq.s32 s6, $0x0;
	s19 =	sadd.s32 $0x5, s17  }
0xab: {  	p2 =	sge.s32 @!p4 s19, s7  }
0xac: {  	p2 =	por p2, p4  }
0xad: {  	s20 =	simm.s32 @!p2 $0xE  }
0xae: {  	_ =	swait.ge @!p2 [sflag:s20], $0x1000  }
0xaf: {  	[sflag:s20] =	ssyncset.done @!p2 $0x0  }
0xb0: {  	[sflag:s20] =	ssyncadd.s32 @!p2 $0xFFFFF000;
	s20 =	sshra.s32 @!p2 s6, $0x2  }
0xb1: {  	s21 =	simm.s32 @!p2 $0x80;
	s28 =	simm.s32 @!p2 $0x9F00;
	s20 =	sadd.s32 @!p2 $0x280, s20  }
0xb2: {  	[tilespmem:s28], [sflag:$0x6] =	stream.indirect.gather @!p2 [hbm4b:s4+s21], $0x20, s20, s21, $0xb8;
	[tilespmem:$0x12D40] =	vst v63  }
0xb3: {  	p5 =	por !p3, !p3;
	p2 =	sge.s32 s19, s7  }
0xb4: {  	s19 =	sadd.s32 $0x1, s17;
	p3 =	por p2, p5  }
0xb5: {  	s20 =	simm.s32 @!p3 $0x80;
	s21 =	simm.s32 @!p3 $0x280;
	s28 =	simm.s32 @!p3 $0x9F00  }
0xb6: {  	[tilespmem:s28], [sflag:$0x6] =	stream.indirect.gather @!p3 [hbm4b:s4+s20], $0x20, s21, s20, $0xb8;
	[tilespmem:$0x12D40] =	vst v63  }
0xb7: {  	p3 =	sge.s32 s19, s7  }
0xb8: {  	s19 =	simm.s32 @!p3 $0x2  }
0xb9: {  	_ =	swait.ge @!p3 [sflag:s19], $0x1000  }
0xba: {  	[sflag:s19] =	ssyncset.done @!p3 $0x0  }
0xbb: {  	[sflag:s19] =	ssyncadd.s32 @!p3 $0xFFFFF000;
	s19 =	sshra.s32 @!p3 s6, $0x2  }
0xbc: {  	s20 =	simm.s32 @!p3 $0x80;
	s21 =	simm.s32 @!p3 $0x5F00;
	s19 =	sadd.s32 @!p3 $0x2800, s19  }
0xbd: {  	[spmem:s1] =	stream.indirect.scatter.add.f32 @!p3 [tilespmem:s21], [sflag:$0xA], $0x20, s19, s20, $0xb8;
	[tilespmem:$0x12D40] =	vst v63  }
0xbe: {  	s19 =	sadd.s32 $0x6, s17  }
0xbf: {  	p3 =	sge.s32 @!p4 s19, s7  }
0xc0: {  	p3 =	por p3, p4  }
0xc1: {  	s20 =	simm.s32 @!p3 $0xF  }
0xc2: {  	_ =	swait.ge @!p3 [sflag:s20], $0x1000  }
0xc3: {  	[sflag:s20] =	ssyncset.done @!p3 $0x0  }
0xc4: {  	[sflag:s20] =	ssyncadd.s32 @!p3 $0xFFFFF000;
	s20 =	sshra.s32 @!p3 s6, $0x2  }
0xc5: {  	s21 =	simm.s32 @!p3 $0x80;
	s28 =	simm.s32 @!p3 $0xAF00;
	s20 =	sadd.s32 @!p3 $0x300, s20  }
0xc6: {  	[tilespmem:s28], [sflag:$0x7] =	stream.indirect.gather @!p3 [hbm4b:s4+s21], $0x20, s20, s21, $0xb8;
	[tilespmem:$0x12D40] =	vst v63  }
0xc7: {  	p3 =	sge.s32 s19, s7  }
0xc8: {  	s19 =	sadd.s32 $0x2, s17;
	p6 =	por p3, p5  }
0xc9: {  	s20 =	simm.s32 @!p6 $0x80;
	s21 =	simm.s32 @!p6 $0x300;
	s28 =	simm.s32 @!p6 $0xAF00  }
0xca: {  	[tilespmem:s28], [sflag:$0x7] =	stream.indirect.gather @!p6 [hbm4b:s4+s20], $0x20, s21, s20, $0xb8;
	[tilespmem:$0x12D40] =	vst v63  }
0xcb: {  	p6 =	sge.s32 s19, s7  }
0xcc: {  	s19 =	simm.s32 @!p6 $0x3  }
0xcd: {  	_ =	swait.ge @!p6 [sflag:s19], $0x1000  }
0xce: {  	[sflag:s19] =	ssyncset.done @!p6 $0x0  }
0xcf: {  	[sflag:s19] =	ssyncadd.s32 @!p6 $0xFFFFF000;
	s19 =	sshra.s32 @!p6 s6, $0x2  }
0xd0: {  	s20 =	simm.s32 @!p6 $0x80;
	s21 =	simm.s32 @!p6 $0x6F00;
	s19 =	sadd.s32 @!p6 $0x2880, s19  }
0xd1: {  	[spmem:s1] =	stream.indirect.scatter.add.f32 @!p6 [tilespmem:s21], [sflag:$0xB], $0x20, s19, s20, $0xb8;
	[tilespmem:$0x12D40] =	vst v63  }
0xd2: {  	s19 =	sadd.s32 $0x7, s17  }
0xd3: {  	p6 =	sge.s32 @!p4 s19, s7  }
0xd4: {  	p4 =	por p6, p4  }
0xd5: {  	s20 =	simm.s32 @!p4 $0x10  }
0xd6: {  	_ =	swait.ge @!p4 [sflag:s20], $0x1000  }
0xd7: {  	[sflag:s20] =	ssyncset.done @!p4 $0x0  }
0xd8: {  	[sflag:s20] =	ssyncadd.s32 @!p4 $0xFFFFF000;
	s20 =	sshra.s32 @!p4 s6, $0x2  }
0xd9: {  	s21 =	simm.s32 @!p4 $0x80;
	s28 =	simm.s32 @!p4 $0xBF00;
	s20 =	sadd.s32 @!p4 $0x380, s20  }
0xda: {  	[tilespmem:s28], [sflag:$0x8] =	stream.indirect.gather @!p4 [hbm4b:s4+s21], $0x20, s20, s21, $0xb8;
	[tilespmem:$0x12D40] =	vst v63  }
0xdb: {  	p4 =	sge.s32 s19, s7  }
0xdc: {  	s19 =	sadd.s32 $0x3, s17;
	p5 =	por p4, p5  }
0xdd: {  	s20 =	simm.s32 @!p5 $0x80;
	s21 =	simm.s32 @!p5 $0x380;
	s28 =	simm.s32 @!p5 $0xBF00  }
0xde: {  	[tilespmem:s28], [sflag:$0x8] =	stream.indirect.gather @!p5 [hbm4b:s4+s20], $0x20, s21, s20, $0xb8;
	[tilespmem:$0x12D40] =	vst v63  }
0xdf: {  	p5 =	sge.s32 s19, s7  }
0xe0: {  	s19 =	simm.s32 @!p5 $0x4  }
0xe1: {  	_ =	swait.ge @!p5 [sflag:s19], $0x1000  }
0xe2: {  	[sflag:s19] =	ssyncset.done @!p5 $0x0  }
0xe3: {  	[sflag:s19] =	ssyncadd.s32 @!p5 $0xFFFFF000;
	s19 =	sshra.s32 @!p5 s6, $0x2  }
0xe4: {  	s20 =	simm.s32 @!p5 $0x80;
	s21 =	simm.s32 @!p5 $0x7F00;
	s19 =	sadd.s32 @!p5 $0x2900, s19  }
0xe5: {  	[spmem:s1] =	stream.indirect.scatter.add.f32 @!p5 [tilespmem:s21], [sflag:$0xC], $0x20, s19, s20, $0xb8;
	[tilespmem:$0x12D40] =	vst v63  }
0xe6: {  	s19 =	sadd.s32 $0x8, s17  }
0xe7: {  	p5 =	sge.s32 s19, s7  }
0xe8: {  	s20 =	simm.s32 @!p5 $0x9  }
0xe9: {  	_ =	swait.ge @!p5 [sflag:s20], $0x1000  }
0xea: {  	[sflag:s20] =	ssyncset.done @!p5 $0x0  }
0xeb: {  	[sflag:s20] =	ssyncadd.s32 @!p5 $0xFFFFF000;
	s20 =	sshra.s32 @!p5 s6, $0x2  }
0xec: {  	s21 =	simm.s32 @!p5 $0x80;
	s28 =	simm.s32 @!p5 $0x4F00;
	s20 =	sadd.s32 @!p5 $0x400, s20  }
0xed: {  	[tilespmem:s28], [sflag:$0x1] =	stream.indirect.gather @!p5 [hbm4b:s4+s21], $0x20, s20, s21, $0xb8;
	[tilespmem:$0x12D40] =	vst v63  }
0xee: {  	p5 =	sge.s32 s18, s7  }
0xef: {  	s18 =	simm.s32 @!p5 $0x5  }
0xf0: {  	_ =	swait.ge @!p5 [sflag:s18], $0x1000  }
0xf1: {  	[sflag:s18] =	ssyncset.done @!p5 $0x0  }
0xf2: {  	[sflag:s18] =	ssyncadd.s32 @!p5 $0xFFFFF000;
	s18 =	sshra.s32 @!p5 s6, $0x2  }
0xf3: {  	s20 =	simm.s32 @!p5 $0x80;
	s21 =	simm.s32 @!p5 $0x8F00;
	s18 =	sadd.s32 @!p5 $0x2980, s18  }
0xf4: {  	[spmem:s1] =	stream.indirect.scatter.add.f32 @!p5 [tilespmem:s21], [sflag:$0xD], $0x20, s18, s20, $0xb8;
	[tilespmem:$0x12D40] =	vst v63  }
0xf5: {  	s20 =	sadd.s32 $0x9, s17  }
0xf6: {  	p5 =	sge.s32 s20, s7  }
0xf7: {  	s18 =	simm.s32 @!p5 $0xA  }
0xf8: {  	_ =	swait.ge @!p5 [sflag:s18], $0x1000  }
0xf9: {  	[sflag:s18] =	ssyncset.done @!p5 $0x0  }
0xfa: {  	[sflag:s18] =	ssyncadd.s32 @!p5 $0xFFFFF000;
	s18 =	sshra.s32 @!p5 s6, $0x2  }
0xfb: {  	s20 =	simm.s32 @!p5 $0x80;
	s21 =	simm.s32 @!p5 $0x5F00;
	s18 =	sadd.s32 @!p5 $0x480, s18  }
0xfc: {  	[tilespmem:s21], [sflag:$0x2] =	stream.indirect.gather @!p5 [hbm4b:s4+s20], $0x20, s18, s20, $0xb8;
	[tilespmem:$0x12D40] =	vst v63  }
0xfd: {  	s18 =	simm.s32 @!p2 $0x6  }
0xfe: {  	_ =	swait.ge @!p2 [sflag:s18], $0x1000  }
0xff: {  	[sflag:s18] =	ssyncset.done @!p2 $0x0  }
0x100: {  	[sflag:s18] =	ssyncadd.s32 @!p2 $0xFFFFF000;
	s18 =	sshra.s32 @!p2 s6, $0x2  }
0x101: {  	s20 =	simm.s32 @!p2 $0x80;
	s21 =	simm.s32 @!p2 $0x9F00;
	s18 =	sadd.s32 @!p2 $0x2A00, s18  }
0x102: {  	[spmem:s1] =	stream.indirect.scatter.add.f32 @!p2 [tilespmem:s21], [sflag:$0xE], $0x20, s18, s20, $0xb8;
	[tilespmem:$0x12D40] =	vst v63  }
0x103: {  	s21 =	sadd.s32 $0xA, s17  }
0x104: {  	p2 =	sge.s32 s21, s7  }
0x105: {  	s18 =	simm.s32 @!p2 $0xB  }
0x106: {  	_ =	swait.ge @!p2 [sflag:s18], $0x1000  }
0x107: {  	[sflag:s18] =	ssyncset.done @!p2 $0x0  }
0x108: {  	[sflag:s18] =	ssyncadd.s32 @!p2 $0xFFFFF000;
	s18 =	sshra.s32 @!p2 s6, $0x2  }
0x109: {  	s20 =	simm.s32 @!p2 $0x80;
	s21 =	simm.s32 @!p2 $0x6F00;
	s18 =	sadd.s32 @!p2 $0x500, s18  }
0x10a: {  	[tilespmem:s21], [sflag:$0x3] =	stream.indirect.gather @!p2 [hbm4b:s4+s20], $0x20, s18, s20, $0xb8;
	[tilespmem:$0x12D40] =	vst v63  }
0x10b: {  	s18 =	simm.s32 @!p3 $0x7  }
0x10c: {  	_ =	swait.ge @!p3 [sflag:s18], $0x1000  }
0x10d: {  	s28 =	sadd.s32 $0xB, s17;
	s20 =	simm.s32 @!p3 $0x80;
	[sflag:s18] =	ssyncset.done @!p3 $0x0  }
0x10e: {  	p2 =	sge.s32 s28, s7;
	[sflag:s18] =	ssyncadd.s32 @!p3 $0xFFFFF000;
	s18 =	sshra.s32 @!p3 s6, $0x2  }
0x10f: {  	s21 =	simm.s32 @!p3 $0xAF00;
	s17 =	simm.s32 @!p2 $0xC;
	s18 =	sadd.s32 @!p3 $0x2A80, s18  }
0x110: {  	[spmem:s1] =	stream.indirect.scatter.add.f32 @!p3 [tilespmem:s21], [sflag:$0xF], $0x20, s18, s20, $0xb8;
	[tilespmem:$0x12D40] =	vst v63  }
0x111: {  	_ =	swait.ge @!p2 [sflag:s17], $0x1000  }
0x112: {  	[sflag:s17] =	ssyncset.done @!p2 $0x0  }
0x113: {  	[sflag:s17] =	ssyncadd.s32 @!p2 $0xFFFFF000;
	s17 =	sshra.s32 @!p2 s6, $0x2  }
0x114: {  	s18 =	simm.s32 @!p2 $0x80;
	s20 =	simm.s32 @!p2 $0x7F00;
	s17 =	sadd.s32 @!p2 $0x580, s17  }
0x115: {  	[tilespmem:s20], [sflag:$0x4] =	stream.indirect.gather @!p2 [hbm4b:s4+s18], $0x20, s17, s18, $0xb8;
	[tilespmem:$0x12D40] =	vst v63  }
0x116: {  	s17 =	simm.s32 @!p4 $0x8  }
0x117: {  	_ =	swait.ge @!p4 [sflag:s17], $0x1000  }
0x118: {  	[sflag:s17] =	ssyncset.done @!p4 $0x0  }
0x119: {  	[sflag:s17] =	ssyncadd.s32 @!p4 $0xFFFFF000;
	s17 =	sshra.s32 @!p4 s6, $0x2;
	s6 =	sadd.s32 $0x1000, s6  }
0x11a: {  	p2 =	sne.s32 s6, $0xA000  }
.Ltmp3:
0x11b: {  	_ = 	snop;
	(pc) =	sbr.rel @!p2 .LBB2_8-.Ltmp3, $4  }
0x11c: {  	_ = 	snop  }
0x11d: {  	s18 =	simm.s32 @!p4 $0x80;
	s20 =	simm.s32 @!p4 $0xBF00;
	s17 =	sadd.s32 @!p4 $0x2B00, s17  }
0x11e: {  	[spmem:s1] =	stream.indirect.scatter.add.f32 @!p4 [tilespmem:s20], [sflag:$0x10], $0x20, s17, s18, $0xb8;
	[tilespmem:$0x12D40] =	vst v63  }
0x11f: {  	s17 =	smov.u32 s19  }
.LBB2_2:
0x120: {  	s18 =	sadd.s32 $0x4, s17  }
0x121: {  	p4 =	sne.s32 s6, $0x0;
	p2 =	slt.s32 s18, s7  }
0x122: {  	p2 =	por !p4, !p2  }
0x123: {  	p2 =	por !p2, !p2  }
.Ltmp4:
0x124: {  	_ = 	snop;
	(pc) =	sbr.rel @p2 .LBB2_3-.Ltmp4, $1  }
0x125: {  	_ =	sdelay $0x3  }
0x126: {  	p3 =	sge.s32 @!p4 s18, s7  }
0x127: {  	p3 =	por p4, p3  }
.Ltmp5:
0x128: {  	_ = 	snop;
	(pc) =	sbr.rel @!p3 .LBB2_4-.Ltmp5, $2  }
0x129: {  	_ =	sdelay $0x2  }
0x12a: {  	s19 =	simm.s32 $0x200  }
.Ltmp6:
0x12b: {  	(pc) =	sbr.rel .LBB2_7-.Ltmp6, $3  }
0x12c: {  	_ =	sdelay $0x1  }
0x12d: {  	p3 =	seq.s32 s6, $0x0  }
0x12e: {  	p3 =	por @!p4 p3, p3  }
.LBB2_9:
0x12f: {  	_ =	sfence.sel $0x180000  }
0x130: {  	[bflag:$0x0] =	sbarrier.arrive $0xFFFF  }
0x131: {  	_ =	strace $0x9000004A  }
0x132: {  	s0 =	stileid.u32;
	[bflag:$0x2] =	sbarrier.arrive $0xFFFF  }
0x133: {  	p0 =	sne.s32 s0, $0x0;
	s0 =	rddreg [dreg:$0x3]  }
0x134: {  	s0 =	sadd.s32 @!p0 $0x100000, s0  }
0x135: {  	[sflag:s0] =	ssyncadd.tile.s32 @!p0 $0x1;
	_ =	shalt  }
.Lfunc_end2:
_tile_overlayer_lowered:
.L_overlay_start_2:
0x136: {  	(tag) =	ssettag $0x2  }
0x137: {  	s0 =	rddreg [dreg:$0x0];
	s2 =	stileid.u32  }
0x138: {  	s1 =	rddreg [dreg:$0x1];
	p0 =	sne.s32 s2, $0x0  }
0x139: {  	s3 =	rddreg [dreg:$0x2];
	[bflag:$0x3] =	sbarrier.arrive $0xFFFF;
	s2 =	simm.s32 @!p0 $0x1C11  }
0x13a: {  	[timem:s3], [sflag:s2] =	dma.local @!p0 [hbm:s0], s1  }
0x13b: {  	s0 =	simm.s32 @!p0 $0x11  }
0x13c: {  	_ =	swait.ge @!p0 [sflag:s0], s1  }
0x13d: {  	s1 =	ssub.s32 @!p0 $0x0, s1;
	[sflag:s0] =	ssyncset.done @!p0 $0x0  }
0x13e: {  	[sflag:s0] =	ssyncadd.s32 @!p0 s1  }
0x13f: {  	[bflag:$0x3] =	sbarrier.arrive $0xFFFF  }
0x140: {  	_ =	shalt  }

// kernel: kernel.16.cloned.1.call-start
scs
__scs_entry_jumppad:
0x0: {  	(pc) =	sbr.rel $0x88, $3  }
0x1: {  	(tag) =	ssettag $0x0;
	lr =	simm.s32 $0x1  }
0x2: {  	[smem:$0x3F99] =	sst lr;
	_ =	strace $0xD0000000  }
0x3: {  	_ = 	snop  }
0x4: {  	_ = 	snop  }
0x5: {  	_ = 	snop  }
0x6: {  	_ = 	snop  }
0x7: {  	_ = 	snop  }
__scs_overlays_trampoline_lowered:
0x8: {  	[smem:$0x3FA8] =	sst s0  }
0x9: {  	[smem:$0x3FA9] =	sst s1  }
0xa: {  	[smem:$0x3FAA] =	sst s2  }
0xb: {  	[smem:$0x3FAB] =	sst s3  }
0xc: {  	[smem:$0x3FAC] =	sst s4  }
0xd: {  	[smem:$0x3FAD] =	sst s5  }
0xe: {  	[smem:$0x3FAE] =	sst s6  }
0xf: {  	[smem:$0x3FAF] =	sst s7  }
0x10: {  	[smem:$0x3FB0] =	sst s8  }
0x11: {  	[smem:$0x3FB1] =	sst s9;
	s0 =	simm.s32 @!p0 $0x0  }
0x12: {  	s1 =	sld [smem:$0x3F97];
	s0 =	simm.s32 @p0 $0x1  }
0x13: {  	[smem:$0x3FB2] =	sst s0;
	s0 =	simm.s32 @!p1 $0x0  }
0x14: {  	s2 =	sld [smem:$0x3F96];
	s0 =	simm.s32 @p1 $0x1  }
0x15: {  	[smem:$0x3FB3] =	sst s0;
	s0 =	simm.s32 @!p2 $0x0  }
0x16: {  	s3 =	sld [smem:$0x3FDB];
	s0 =	simm.s32 @p2 $0x1  }
0x17: {  	s4 =	simm.s32 $0x1BF5;
	[smem:$0x3FB5] =	sst s0  }
0x18: {  	s0 =	sld [smem:$0x3F98];
	_ =	swait.ge [sflag:s4], $0x0  }
0x19: {  	s7 =	sld [smem:$0x3F99]  }
0x1a: {  	s8 =	sadd.s32 $0xFFFFE003, lr  }
0x1b: {  	s9 =	sadd.s32 $0xFFFFFEF7, lr;
	s5 =	simm.s32 $0xFFFFFFFF;
	p2 =	slt.u32 s8, $0xFFFFF086  }
0x1c: {  	p1 =	slt.u32 s9, $0xF7A;
	s5 =	simm.s32 @!p2 $0x0  }
0x1d: {  	s5 =	simm.s32 @p1 $0x1;
	p0 =	seq.s32 s7, s2  }
0x1e: {  	s7 =	smul.u32 @!p0 $0xF7A, s2;
	p2 =	seq.s32 @!p0 s5, $0x0  }
0x1f: {  	s9 =	smul.u32 $0xF7A, s1;
	s8 =	simm.s32 @!p0 $0x1BF5;
	p2 =	por !p2, p0  }
0x20: {  	[sflag:s8] =	ssyncset.s32 @!p0 $0xFFFFF086;
	s6 =	sadd.s32 @!p0 s3, s7;
	s7 =	simm.s32 @!p0 $0x108  }
0x21: {  	s3 =	sadd.s32 s3, s9;
	s6 =	sadd.s32 @!p0 $0x88, s6;
	s7 =	simm.s32 @p2 $0x1082  }
0x22: {  	[simem:s7], [sflag:s8] =	dma.local @!p0 [hbm:s6], $0xF7A  }
0x23: {  	s9 =	sor.u32 $0xD0000000, s2;
	s6 =	simm.s32 $0x108;
	_ =	swait.ge @!p0 [sflag:s8], $0x0  }
0x24: {  	s3 =	sadd.s32 $0x88, s3;
	s6 =	simm.s32 @!p1 $0x1082;
	[sflag:s4] =	ssyncset.s32 $0xFFFFF086  }
0x25: {  	[simem:s6], [sflag:s4] =	dma.local [hbm:s3], $0xF7A  }
0x26: {  	[smem:$0x3F99] =	sst s1;
	(tag) =	ssettag s2;
	_ =	strace s9  }
0x27: {  	s1 =	sld [smem:$0x3FA9]  }
0x28: {  	s2 =	sld [smem:$0x3FAA]  }
0x29: {  	s4 =	sld [smem:$0x3FAC]  }
0x2a: {  	p0 =	seq.s32 s5, $0x0;
	s5 =	sld [smem:$0x3FAD]  }
0x2b: {  	s6 =	sld [smem:$0x3FAE]  }
0x2c: {  	s7 =	sld [smem:$0x3FAF]  }
0x2d: {  	s3 =	simm.s32 $0x108;
	s8 =	sld [smem:$0x3FB0]  }
0x2e: {  	s3 =	simm.s32 @!p0 $0x1082;
	s9 =	sld [smem:$0x3FB1]  }
0x2f: {  	lr =	sadd.s32 s0, s3;
	s0 =	sld [smem:$0x3FA8]  }
0x30: {  	s3 =	sld [smem:$0x3FAB]  }
0x31: {  	[smem:$0x3FB4] =	sst s10  }
0x32: {  	s10 =	sld [smem:$0x3FB2];
	_ =	sdelay $0x3  }
0x33: {  	p0 =	seq.s32 s10, $0x1;
	s10 =	sld [smem:$0x3FB4];
	_ =	sdelay $0x3  }
0x34: {  	[smem:$0x3FB4] =	sst s10  }
0x35: {  	s10 =	sld [smem:$0x3FB3];
	_ =	sdelay $0x3  }
0x36: {  	p1 =	seq.s32 s10, $0x1;
	s10 =	sld [smem:$0x3FB4];
	_ =	sdelay $0x3  }
0x37: {  	[smem:$0x3FB4] =	sst s10  }
0x38: {  	s10 =	sld [smem:$0x3FB5]  }
0x39: {  	_ = 	snop;
	(pc) =	sbr.ind lr, $3  }
0x3a: {  	_ = 	snop  }
0x3b: {  	_ = 	snop  }
0x3c: {  	p2 =	seq.s32 s10, $0x1;
	s10 =	sld [smem:$0x3FB4]  }
0x3d: {  	_ =	shalt  }
0x3e: {  	_ =	shalt  }
0x3f: {  	_ =	shalt  }
0x40: {  	_ =	shalt  }
0x41: {  	_ =	shalt  }
0x42: {  	_ =	shalt  }
0x43: {  	_ =	shalt  }
0x44: {  	_ =	shalt  }
0x45: {  	_ =	shalt  }
0x46: {  	_ =	shalt  }
0x47: {  	_ =	shalt  }
0x48: {  	_ =	shalt  }
0x49: {  	_ =	shalt  }
0x4a: {  	_ =	shalt  }
0x4b: {  	_ =	shalt  }
0x4c: {  	_ =	shalt  }
0x4d: {  	_ =	shalt  }
0x4e: {  	_ =	shalt  }
0x4f: {  	_ =	shalt  }
0x50: {  	_ =	shalt  }
0x51: {  	_ =	shalt  }
0x52: {  	_ =	shalt  }
0x53: {  	_ =	shalt  }
0x54: {  	_ =	shalt  }
0x55: {  	_ =	shalt  }
0x56: {  	_ =	shalt  }
0x57: {  	_ =	shalt  }
0x58: {  	_ =	shalt  }
0x59: {  	_ =	shalt  }
0x5a: {  	_ =	shalt  }
0x5b: {  	_ =	shalt  }
0x5c: {  	_ =	shalt  }
0x5d: {  	_ =	shalt  }
0x5e: {  	_ =	shalt  }
0x5f: {  	_ =	shalt  }
0x60: {  	_ =	shalt  }
0x61: {  	_ =	shalt  }
0x62: {  	_ =	shalt  }
0x63: {  	_ =	shalt  }
0x64: {  	_ =	shalt  }
0x65: {  	_ =	shalt  }
0x66: {  	_ =	shalt  }
0x67: {  	_ =	shalt  }
0x68: {  	_ =	shalt  }
0x69: {  	_ =	shalt  }
0x6a: {  	_ =	shalt  }
0x6b: {  	_ =	shalt  }
0x6c: {  	_ =	shalt  }
0x6d: {  	_ =	shalt  }
0x6e: {  	_ =	shalt  }
0x6f: {  	_ =	shalt  }
0x70: {  	_ =	shalt  }
0x71: {  	_ =	shalt  }
0x72: {  	_ =	shalt  }
0x73: {  	_ =	shalt  }
0x74: {  	_ =	shalt  }
0x75: {  	_ =	shalt  }
0x76: {  	_ =	shalt  }
0x77: {  	_ =	shalt  }
0x78: {  	_ =	shalt  }
0x79: {  	_ =	shalt  }
0x7a: {  	_ =	shalt  }
0x7b: {  	_ =	shalt  }
0x7c: {  	_ =	shalt  }
0x7d: {  	_ =	shalt  }
0x7e: {  	_ =	shalt  }
0x7f: {  	_ =	shalt  }
0x80: {  	_ =	shalt  }
0x81: {  	_ =	shalt  }
0x82: {  	_ =	shalt  }
0x83: {  	_ =	shalt  }
0x84: {  	_ =	shalt  }
0x85: {  	_ =	shalt  }
0x86: {  	_ =	shalt  }
0x87: {  	_ =	shalt  }
.Lfunc_end0:
.L_simem_size_0:
called_computation.2_lowered:
.L_overlay_start_0:
0x88: {  	s2 =	sld [smem:$0x3FD9]  }
0x89: {  	s3 =	sld [smem:$0x3FFE];
	_ =	sdelay $0x1  }
0x8a: {  	s1 =	srdreg.scid  }
0x8b: {  	s0 =	sand.u32 $0x1, s1  }
0x8c: {  	s17 =	sshll.u32 s0, $0xA;
	s2 =	sadd.s32 s3, s2  }
0x8d: {  	s2 =	sadd.s32 s2, s17  }
0x8e: {  	[smem:$0x3FC0] =	sst s2  }
0x8f: {  	_ = 	snop  }
0x90: {  	s2 =	sld [smem:$0x3FD0];
	(tm) =	ssettm $0x1  }
0x91: {  	s18 =	sld [smem:$0x3FFB];
	_ =	sdelay $0x3  }
0x92: {  	_ =	strace s18  }
0x93: {  	s3 =	sld [smem:$0x3FFC];
	_ =	sdelay $0x3  }
0x94: {  	_ =	strace s3  }
0x95: {  	s3 =	sld [smem:$0x3FFD];
	_ =	sdelay $0x3  }
0x96: {  	_ =	strace s3  }
0x97: {  	_ =	strace $0x8FFFFFFF  }
0x98: {  	s19 =	sld [smem:$0x3FDB];
	_ =	sdelay $0x1  }
0x99: {  	s4 =	simm.s32 $_scs_section_size  }
0x9a: {  	s5 =	simm.s32 $_size__tile_overlayer_lowered;
	s6 =	simm.s32 $_tile_overlayer_lowered  }
0x9b: {  	s22 =	simm.s32 $0x1BFF;
	s21 =	sshll.u32 s6, $0x1;
	s3 =	sadd.s32 s4, s19  }
0x9c: {  	s7 =	simm.s32 $0x0;
	s20 =	sshll.u32 s5, $0x1;
	s5 =	sadd.s32 s21, s3  }
0x9d: {  	[timem:s7], [sflag:s22] =	dma.local [hbm:s5], s20  }
0x9e: {  	_ =	swait.ge [sflag:s22], s20  }
0x9f: {  	s4 =	ssub.s32 $0x0, s20;
	[sflag:s22] =	ssyncset.done $0x0  }
0xa0: {  	[sflag:s22] =	ssyncadd.s32 s4;
	_ =	sdelay $0x1  }
0xa1: {  	s23 =	simm.s32 $0x1B8B  }
0xa2: {  	_ =	swait.ge [sflag:s23], $0x1  }
0xa3: {  	[sflag:s23] =	ssyncset.done $0x0  }
0xa4: {  	s25 =	simm.s32 $0x1B8E;
	s24 =	sld [smem:$0x3FFE];
	[sflag:s23] =	ssyncadd.s32 $0xFFFFFFFF  }
0xa5: {  	s26 =	simm.s32 $execute0_lowered;
	[smem:$0x3FD2] =	sst s25  }
0xa6: {  	s5 =	sshll.u32 s26, $0x1;
	_ =	strace $0x8000004C;
	[dreg:$0x1] =	wrdreg $0xFFFFFFFF  }
0xa7: {  	s28 =	simm.s32 $_size_execute0_lowered;
	s3 =	sadd.s32 s3, s5;
	[dreg:$0x0] =	wrdreg $0x0  }
0xa8: {  	s5 =	sshll.u32 s28, $0x1;
	[dreg:$0x2] =	wrdreg s3  }
0xa9: {  	[dreg:$0x3] =	wrdreg s5  }
0xaa: {  	[dreg:$0x4] =	wrdreg $0xC0  }
0xab: {  	_ =	task [dreg:s7], $0x5FFFF  }
0xac: {  	[dreg:$0x1] =	wrdreg $0xFFFFFFFF  }
0xad: {  	[dreg:$0x0] =	wrdreg $0x60  }
0xae: {  	[dreg:$0x2] =	wrdreg s2  }
0xaf: {  	[dreg:$0x3] =	wrdreg s24  }
0xb0: {  	[dreg:$0x4] =	wrdreg $0x97000  }
0xb1: {  	[dreg:$0x5] =	wrdreg $0x9  }
0xb2: {  	_ =	task.clear_ibuf [dreg:s7], $0x6FFFF;
	_ =	strace $0x9000004C  }
0xb3: {  	s29 =	simm.s32 $0x9;
	_ =	strace $0x8000004E  }
0xb4: {  	_ =	swait.ge [sflag:s29], $0x1  }
0xb5: {  	[sflag:s29] =	ssyncadd.s32 $0xFFFFFFFF  }
0xb6: {  	_ =	strace $0x9000004E  }
0xb7: {  	_ =	sfence  }
0xb8: {  	s30 =	sld [smem:$0x0];
	_ =	sdelay $0x2  }
0xb9: {  	s31 =	sshll.u32 s1, $0xD;
	s1 =	sshrl.u32 s1, $0x2  }
0xba: {  	s3 =	sand.u32 $0x4000, s31;
	s1 =	sadd.s32 s1, s30  }
0xbb: {  	s0 =	sor.u32 s3, s0;
	s1 =	sshll.u32 s1, $0x11  }
0xbc: {  	s0 =	sor.u32 s1, s0  }
0xbd: {  	s0 =	sadd.s32 $0x8F2B, s0  }
0xbe: {  	[sflag:s0] =	ssyncadd.remote.s32 $0x1  }
0xbf: {  	_ =	sfence.sel $0xFFFF  }
0xc0: {  	[dreg:$0x0] =	wrdreg $0xFFFFFFFF;
	(pc) =	sbr.abs _section_cstart, $3  }
0xc1: {  	[dreg:$0x1] =	wrdreg $0xFFFFFFFF  }
0xc2: {  	_ =	task.clear_ibuf [dreg:s7], $0x2FFFF;
	_ =	strace $0x9FFFFFFF  }
0xc3: {  	(tm) =	ssettm $0x7FFFFFFF  }
tec
execute0_lowered:
.L_overlay_start_1:
0x0: {  	(tag) =	ssettag $0x1  }
0x1: {  	s0 =	rddreg [dreg:$0x0]  }
0x2: {  	s2 =	rddreg [dreg:$0x1]  }
0x3: {  	s1 =	rddreg [dreg:$0x2];
	s3 =	srdreg.scid  }
0x4: {  	s18 =	stileid.u32;
	s29 =	simm.s32 $0xA;
	s30 =	simm.s32 $0xB  }
0x5: {  	s31 =	simm.s32 $0xC;
	s5 =	sand.u32 $0x1, s3;
	s3 =	simm.s32 $0x0  }
0x6: {  	s7 =	sadd.s32 $0x6E00, s2;
	s16 =	sshll.u32 s18, $0xB;
	s11 =	sor.u32 $0x40, s18  }
0x7: {  	s4 =	sshll.u32 s5, $0x4;
	[smem:$0x7FF] =	sst s3;
	s14 =	ssub.s32 $0x2, s5  }
0x8: {  	s5 =	smul.u32 $0x27100, s5;
	s20 =	sor.u32 $0x8000, s16;
	s12 =	sadd.s32 s16, s1  }
0x9: {  	s21 =	sor.u32 $0x10000, s16;
	s22 =	sor.u32 $0x18000, s16;
	s17 =	sshll.u32 s11, $0xB  }
0xa: {  	p0 =	sgt.u32 s11, $0x4D;
	s11 =	simm.s32 $0x0;
	s4 =	sor.u32 s18, s4  }
0xb: {  	_ =	strace $0x8000004D;
	[dreg:$0x4] =	wrdreg s7;
	s8 =	sshrl.u32 s14, $0x1  }
0xc: {  	s13 =	sadd.s32 s20, s1;
	p1 =	sne.s32 @!p0 s18, $0x0;
	s6 =	smul.u32 $0x9C4, s4  }
0xd: {  	s4 =	sadd.s32 $0x1E00, s2;
	s2 =	sadd.s32 $0x7000, s2;
	s8 =	ssub.s32 s14, s8  }
0xe: {  	s15 =	sshrl.u32 s5, $0x3;
	s14 =	sadd.s32 s21, s1;
	s23 =	sadd.s32 s5, s21  }
0xf: {  	s25 =	sadd.s32 s5, s22;
	p1 =	por p1, p0;
	s19 =	smax.u32 s8, $0x1  }
0x10: {  	s24 =	sshrl.u32 s23, $0x3;
	s26 =	sshrl.u32 s25, $0x3;
	s23 =	simm.s32 $0x11  }
0x11: {  	s25 =	simm.s32 $0x80;
	s9 =	sshrl.u32 s6, $0x5;
	s6 =	sadd.s32 $0x9C4, s6  }
0x12: {  	s8 =	simm.s32 $0x10;
	s10 =	sshll.u32 s9, $0x4;
	s6 =	sshrl.u32 s6, $0x5  }
0x13: {  	[dreg:$0x8] =	wrdreg s19;
	s0 =	sadd.s32 s0, s10;
	s7 =	ssub.s32 s6, s9  }
0x14: {  	s9 =	sadd.s32 $0x27000, s1;
	s6 =	sadd.s32 s5, s16;
	s16 =	sadd.s32 s17, s1  }
0x15: {  	s10 =	simm.s32 $0x12;
	[dreg:$0x5] =	wrdreg s0;
	s0 =	sadd.s32 $0x9C40, s0  }
0x16: {  	s6 =	sshrl.u32 s6, $0x3;
	[dreg:$0x6] =	wrdreg s0;
	s0 =	sadd.s32 s2, s15  }
0x17: {  	s15 =	sadd.s32 s22, s1;
	s6 =	sadd.s32 s2, s6;
	s0 =	sadd.s32 $0x4E00, s0  }
0x18: {  	s22 =	simm.s32 $0x8F00;
	[dreg:$0x7] =	wrdreg s0;
	s0 =	sadd.s32 s5, s20  }
0x19: {  	[dreg:$0x9] =	wrdreg s6;
	s5 =	sadd.s32 s5, s17;
	s0 =	sshrl.u32 s0, $0x3  }
.Ltmp0:
0x1a: {  	s28 =	sshrl.u32 s5, $0x3;
	s0 =	sadd.s32 s2, s0;
	(pc) =	sbr.rel .LBB2_1-.Ltmp0, $4  }
0x1b: {  	s5 =	simm.s32 $0xF;
	[dreg:$0xa] =	wrdreg s0;
	s0 =	sadd.s32 s2, s24  }
0x1c: {  	s24 =	simm.s32 $0x6F00;
	[dreg:$0xb] =	wrdreg s0;
	s0 =	sadd.s32 s2, s26  }
0x1d: {  	s26 =	simm.s32 $0x4F00;
	[dreg:$0xc] =	wrdreg s0;
	s0 =	sadd.s32 s2, s28  }
0x1e: {  	s2 =	simm.s32 $0xD;
	[dreg:$0xd] =	wrdreg s0;
	s0 =	simm.s32 $0xE  }
.LBB2_8:
0x1f: {  	s6 =	simm.s32 $0x9  }
0x20: {  	_ =	swait.ge [sflag:s6], $0x800  }
0x21: {  	[sflag:s6] =	ssyncset.done $0x0  }
0x22: {  	[sflag:s6] =	ssyncadd.s32 $0xFFFFF800  }
0x23: {  	_ =	swait.ge [sflag:s29], $0x800  }
0x24: {  	[sflag:s29] =	ssyncset.done $0x0  }
0x25: {  	[sflag:s29] =	ssyncadd.s32 $0xFFFFF800  }
0x26: {  	_ =	swait.ge [sflag:s30], $0x800  }
0x27: {  	[sflag:s30] =	ssyncset.done $0x0  }
0x28: {  	[sflag:s30] =	ssyncadd.s32 $0xFFFFF800  }
0x29: {  	_ =	swait.ge [sflag:s31], $0x800  }
0x2a: {  	[sflag:s31] =	ssyncset.done $0x0  }
0x2b: {  	[sflag:s31] =	ssyncadd.s32 $0xFFFFF800  }
0x2c: {  	_ =	swait.ge [sflag:s2], $0x800  }
0x2d: {  	[sflag:s2] =	ssyncset.done $0x0  }
0x2e: {  	[sflag:s2] =	ssyncadd.s32 $0xFFFFF800  }
0x2f: {  	_ =	swait.ge [sflag:s0], $0x800  }
0x30: {  	[sflag:s0] =	ssyncset.done $0x0  }
0x31: {  	[sflag:s0] =	ssyncadd.s32 $0xFFFFF800  }
0x32: {  	_ =	swait.ge [sflag:s5], $0x800  }
0x33: {  	[sflag:s5] =	ssyncset.done $0x0  }
0x34: {  	[sflag:s5] =	ssyncadd.s32 $0xFFFFF800  }
0x35: {  	_ =	swait.ge [sflag:s8], $0x800  }
0x36: {  	[sflag:s8] =	ssyncset.done $0x0  }
0x37: {  	[sflag:s8] =	ssyncadd.s32 $0xFFFFF800  }
0x38: {  	[bflag:$0x0] =	sbarrier.arrive $0xFFFF  }
0x39: {  	[tilespmem:s26], [sflag:$0x12] =	stream.linear.gather [spmem:s12], $0x800, $0x38;
	[tilespmem:$0xBE20] =	vst v63  }
0x3a: {  	_ =	swait.ge [sflag:s10], $0x800  }
0x3b: {  	[sflag:s10] =	ssyncset.done $0x0  }
0x3c: {  	s18 =	rddreg [dreg:$0x9];
	[sflag:s10] =	ssyncadd.s32 $0xFFFFF800  }
0x3d: {  	[hbm4b:s18+s3] =	stream.linear.scatter [tilespmem:s26], [sflag:$0x11], $0x800, $0x38;
	[tilespmem:$0xBE20] =	vst v63  }
0x3e: {  	_ =	swait.ge [sflag:s23], $0x800  }
0x3f: {  	[sflag:s23] =	ssyncset.done $0x0  }
0x40: {  	[sflag:s23] =	ssyncadd.s32 $0xFFFFF800  }
0x41: {  	[tilespmem:s26], [sflag:$0x12] =	stream.linear.gather [spmem:s13], $0x800, $0x38;
	[tilespmem:$0xBE20] =	vst v63  }
0x42: {  	_ =	swait.ge [sflag:s10], $0x800  }
0x43: {  	[sflag:s10] =	ssyncset.done $0x0  }
0x44: {  	s19 =	rddreg [dreg:$0xa];
	[sflag:s10] =	ssyncadd.s32 $0xFFFFF800  }
0x45: {  	[hbm4b:s19+s3] =	stream.linear.scatter [tilespmem:s26], [sflag:$0x11], $0x800, $0x38;
	[tilespmem:$0xBE20] =	vst v63  }
0x46: {  	_ =	swait.ge [sflag:s23], $0x800  }
0x47: {  	[sflag:s23] =	ssyncset.done $0x0  }
0x48: {  	[sflag:s23] =	ssyncadd.s32 $0xFFFFF800  }
0x49: {  	[tilespmem:s26], [sflag:$0x12] =	stream.linear.gather [spmem:s14], $0x800, $0x38;
	[tilespmem:$0xBE20] =	vst v63  }
0x4a: {  	_ =	swait.ge [sflag:s10], $0x800  }
0x4b: {  	[sflag:s10] =	ssyncset.done $0x0  }
0x4c: {  	s20 =	rddreg [dreg:$0xb];
	[sflag:s10] =	ssyncadd.s32 $0xFFFFF800  }
0x4d: {  	[hbm4b:s20+s3] =	stream.linear.scatter [tilespmem:s26], [sflag:$0x11], $0x800, $0x38;
	[tilespmem:$0xBE20] =	vst v63  }
0x4e: {  	_ =	swait.ge [sflag:s23], $0x800  }
0x4f: {  	[sflag:s23] =	ssyncset.done $0x0  }
0x50: {  	[sflag:s23] =	ssyncadd.s32 $0xFFFFF800  }
0x51: {  	[tilespmem:s26], [sflag:$0x12] =	stream.linear.gather [spmem:s15], $0x800, $0x38;
	[tilespmem:$0xBE20] =	vst v63  }
0x52: {  	_ =	swait.ge [sflag:s10], $0x800  }
0x53: {  	[sflag:s10] =	ssyncset.done $0x0  }
0x54: {  	s21 =	rddreg [dreg:$0xc];
	[sflag:s10] =	ssyncadd.s32 $0xFFFFF800  }
0x55: {  	[hbm4b:s21+s3] =	stream.linear.scatter [tilespmem:s26], [sflag:$0x11], $0x800, $0x38;
	[tilespmem:$0xBE20] =	vst v63  }
0x56: {  	_ =	swait.ge [sflag:s23], $0x800  }
0x57: {  	[sflag:s23] =	ssyncset.done $0x0  }
0x58: {  	s17 =	simm.s32 @!p0 $0x12;
	s6 =	simm.s32 @!p0 $0x4F00;
	[sflag:s23] =	ssyncadd.s32 $0xFFFFF800  }
0x59: {  	[tilespmem:s6], [sflag:$0x12] =	stream.linear.gather @!p0 [spmem:s16], $0x800, $0x38;
	[tilespmem:$0xBE20] =	vst v63  }
0x5a: {  	_ =	swait.ge @!p0 [sflag:s17], $0x800  }
0x5b: {  	[sflag:s17] =	ssyncset.done @!p0 $0x0  }
0x5c: {  	s18 =	rddreg [dreg:$0xd];
	[sflag:s17] =	ssyncadd.s32 @!p0 $0xFFFFF800;
	s17 =	simm.s32 @!p0 $0x0  }
0x5d: {  	[hbm4b:s18+s17] =	stream.linear.scatter @!p0 [tilespmem:s6], [sflag:$0x11], $0x800, $0x38;
	[tilespmem:$0xBE20] =	vst v63  }
0x5e: {  	s6 =	simm.s32 @!p0 $0x11  }
0x5f: {  	_ =	swait.ge @!p0 [sflag:s6], $0x800  }
0x60: {  	[sflag:s6] =	ssyncset.done @!p0 $0x0  }
0x61: {  	s17 =	simm.s32 @!p1 $0x11;
	[sflag:s6] =	ssyncadd.s32 @!p0 $0xFFFFF800;
	s6 =	simm.s32 @!p1 $0x4F00  }
0x62: {  	[tilespmem:s6], [sflag:$0x11] =	stream.linear.gather @!p1 [spmem:s9], $0x100, $0x38;
	[tilespmem:$0xBE20] =	vst v63  }
0x63: {  	_ =	swait.ge @!p1 [sflag:s17], $0x100  }
0x64: {  	[sflag:s17] =	ssyncset.done @!p1 $0x0  }
0x65: {  	s18 =	simm.s32 @!p1 $0x0;
	s19 =	rddreg [dreg:$0x7];
	[sflag:s17] =	ssyncadd.s32 @!p1 $0xFFFFFF00  }
0x66: {  	[hbm4b:s19+s18] =	stream.linear.scatter @!p1 [tilespmem:s6], [sflag:$0x11], $0x100, $0x38;
	[tilespmem:$0xBE20] =	vst v63  }
0x67: {  	_ =	swait.ge @!p1 [sflag:s17], $0x100  }
0x68: {  	s11 =	sadd.s32 $0x1, s11;
	s28 =	rddreg [dreg:$0x8]  }
0x69: {  	p2 =	sne.s32 s11, s28  }
.Ltmp1:
0x6a: {  	_ = 	snop;
	(pc) =	sbr.rel @!p2 .LBB2_9-.Ltmp1, $3  }
0x6b: {  	_ =	sdelay $0x1  }
0x6c: {  	[sflag:s17] =	ssyncset.done @!p1 $0x0  }
0x6d: {  	[sflag:s17] =	ssyncadd.s32 @!p1 $0xFFFFFF00  }
.LBB2_1:
0x6e: {  	s6 =	rddreg [dreg:$0x4]  }
0x6f: {  	[tilespmem:s22], [sflag:$0x11] =	stream.linear.gather [hbm4b:s6+s3], $0x800, $0x38;
	[tilespmem:$0xBE20] =	vst v63  }
0x70: {  	_ =	swait.ge [sflag:s23], $0x800  }
0x71: {  	[sflag:s23] =	ssyncset.done $0x0  }
0x72: {  	s21 =	rddreg [dreg:$0x5];
	[sflag:s23] =	ssyncadd.s32 $0xFFFFF800  }
0x73: {  	[tilespmem:s3], [sflag:$0x11] =	stream.linear.gather [hbm4b:s21+s3], $0x2780, $0x38;
	[tilespmem:$0xBE20] =	vst v63  }
0x74: {  	_ =	swait.ge [sflag:s23], $0x2780  }
0x75: {  	[sflag:s23] =	ssyncset.done $0x0  }
0x76: {  	s17 =	simm.s32 $0x2780;
	s28 =	rddreg [dreg:$0x6];
	[sflag:s23] =	ssyncadd.s32 $0xFFFFD880  }
0x77: {  	[tilespmem:s17], [sflag:$0x11] =	stream.linear.gather [hbm4b:s28+s3], $0x2780, $0x38;
	[tilespmem:$0xBE20] =	vst v63  }
0x78: {  	_ =	swait.ge [sflag:s23], $0x2780  }
0x79: {  	[sflag:s23] =	ssyncset.done $0x0  }
0x7a: {  	[sflag:s23] =	ssyncadd.s32 $0xFFFFD880  }
0x7b: {  	[spmem:s12] =	stream.linear.scatter [tilespmem:s22], [sflag:$0x11], $0x800, $0x38;
	[tilespmem:$0xBE20] =	vst v63  }
0x7c: {  	_ =	swait.ge [sflag:s23], $0x800  }
0x7d: {  	[sflag:s23] =	ssyncset.done $0x0  }
0x7e: {  	[sflag:s23] =	ssyncadd.s32 $0xFFFFF800  }
0x7f: {  	[spmem:s13] =	stream.linear.scatter [tilespmem:s22], [sflag:$0x11], $0x800, $0x38;
	[tilespmem:$0xBE20] =	vst v63  }
0x80: {  	_ =	swait.ge [sflag:s23], $0x800  }
0x81: {  	[sflag:s23] =	ssyncset.done $0x0  }
0x82: {  	[sflag:s23] =	ssyncadd.s32 $0xFFFFF800  }
0x83: {  	[spmem:s14] =	stream.linear.scatter [tilespmem:s22], [sflag:$0x11], $0x800, $0x38;
	[tilespmem:$0xBE20] =	vst v63  }
0x84: {  	_ =	swait.ge [sflag:s23], $0x800  }
0x85: {  	[sflag:s23] =	ssyncset.done $0x0  }
0x86: {  	[sflag:s23] =	ssyncadd.s32 $0xFFFFF800  }
0x87: {  	[spmem:s15] =	stream.linear.scatter [tilespmem:s22], [sflag:$0x11], $0x800, $0x38;
	[tilespmem:$0xBE20] =	vst v63  }
0x88: {  	_ =	swait.ge [sflag:s23], $0x800  }
0x89: {  	[sflag:s23] =	ssyncset.done $0x0  }
0x8a: {  	s6 =	simm.s32 @!p0 $0x8F00;
	[sflag:s23] =	ssyncadd.s32 $0xFFFFF800  }
0x8b: {  	[spmem:s16] =	stream.linear.scatter @!p0 [tilespmem:s6], [sflag:$0x11], $0x800, $0x38;
	[tilespmem:$0xBE20] =	vst v63  }
0x8c: {  	s6 =	simm.s32 @!p0 $0x11  }
0x8d: {  	_ =	swait.ge @!p0 [sflag:s6], $0x800  }
0x8e: {  	[sflag:s6] =	ssyncset.done @!p0 $0x0  }
0x8f: {  	[sflag:s6] =	ssyncadd.s32 @!p0 $0xFFFFF800;
	s6 =	simm.s32 @!p1 $0x8F00  }
0x90: {  	[spmem:s9] =	stream.linear.scatter @!p1 [tilespmem:s6], [sflag:$0x11], $0x100, $0x38;
	[tilespmem:$0xBE20] =	vst v63  }
0x91: {  	s6 =	simm.s32 @!p1 $0x11  }
0x92: {  	_ =	swait.ge @!p1 [sflag:s6], $0x100  }
0x93: {  	[sflag:s6] =	ssyncset.done @!p1 $0x0  }
0x94: {  	[sflag:s6] =	ssyncadd.s32 @!p1 $0xFFFFFF00  }
0x95: {  	[bflag:$0x0] =	sbarrier.arrive $0xFFFF  }
0x96: {  	[tilespmem:s26], [sflag:$0x1] =	stream.indirect.gather [hbm4b:s4+s25], $0x10, s3, s25, $0xb8;
	[tilespmem:$0xBE20] =	vst v63  }
0x97: {  	s18 =	simm.s32 $0x5700  }
0x98: {  	[tilespmem:s18], [sflag:$0x2] =	stream.indirect.gather [hbm4b:s4+s25], $0x10, s25, s25, $0xb8;
	[tilespmem:$0xBE20] =	vst v63  }
.Ltmp2:
0x99: {  	_ = 	snop;
	(pc) =	sbr.rel .LBB2_2-.Ltmp2, $4  }
0x9a: {  	s19 =	simm.s32 $0x100;
	s20 =	simm.s32 $0x5F00;
	s21 =	simm.s32 $0x180  }
0x9b: {  	[tilespmem:s20], [sflag:$0x3] =	stream.indirect.gather [hbm4b:s4+s25], $0x10, s19, s25, $0xb8;
	[tilespmem:$0xBE20] =	vst v63  }
0x9c: {  	s28 =	simm.s32 $0x6700;
	s17 =	simm.s32 $0x0;
	s6 =	simm.s32 $0x0  }
0x9d: {  	[tilespmem:s28], [sflag:$0x4] =	stream.indirect.gather [hbm4b:s4+s25], $0x10, s21, s25, $0xb8;
	[tilespmem:$0xBE20] =	vst v63  }
.LBB2_3:
0x9e: {  	_ =	swait.ge [sflag:s2], $0x800  }
0x9f: {  	s19 =	sshra.s32 s6, $0x2;
	[sflag:s2] =	ssyncset.done $0x0  }
0xa0: {  	s19 =	sadd.s32 $0x200, s19;
	[sflag:s2] =	ssyncadd.s32 $0xFFFFF800  }
.LBB2_4:
0xa1: {  	[tilespmem:s24], [sflag:$0x5] =	stream.indirect.gather [hbm4b:s4+s25], $0x10, s19, s25, $0xb8;
	[tilespmem:$0xBE20] =	vst v63  }
0xa2: {  	p3 =	por !p2, !p2  }
.LBB2_7:
0xa3: {  	p2 =	sge.s32 s17, s7  }
0xa4: {  	s19 =	simm.s32 @!p2 $0x1  }
0xa5: {  	_ =	swait.ge @!p2 [sflag:s19], $0x800  }
0xa6: {  	[sflag:s19] =	ssyncset.done @!p2 $0x0  }
0xa7: {  	[sflag:s19] =	ssyncadd.s32 @!p2 $0xFFFFF800;
	s19 =	sshra.s32 @!p2 s6, $0x2  }
0xa8: {  	s20 =	simm.s32 @!p2 $0x80;
	s21 =	simm.s32 @!p2 $0x4F00;
	s19 =	sadd.s32 @!p2 $0x2780, s19  }
0xa9: {  	[spmem:s1] =	stream.indirect.scatter.add.f32 @!p2 [tilespmem:s21], [sflag:$0x9], $0x10, s19, s20, $0xb8;
	[tilespmem:$0xBE20] =	vst v63  }
0xaa: {  	p4 =	seq.s32 s6, $0x0;
	s19 =	sadd.s32 $0x5, s17  }
0xab: {  	p2 =	sge.s32 @!p4 s19, s7  }
0xac: {  	p2 =	por p2, p4  }
0xad: {  	s20 =	simm.s32 @!p2 $0xE  }
0xae: {  	_ =	swait.ge @!p2 [sflag:s20], $0x800  }
0xaf: {  	[sflag:s20] =	ssyncset.done @!p2 $0x0  }
0xb0: {  	[sflag:s20] =	ssyncadd.s32 @!p2 $0xFFFFF800;
	s20 =	sshra.s32 @!p2 s6, $0x2  }
0xb1: {  	s21 =	simm.s32 @!p2 $0x80;
	s28 =	simm.s32 @!p2 $0x7700;
	s20 =	sadd.s32 @!p2 $0x280, s20  }
0xb2: {  	[tilespmem:s28], [sflag:$0x6] =	stream.indirect.gather @!p2 [hbm4b:s4+s21], $0x10, s20, s21, $0xb8;
	[tilespmem:$0xBE20] =	vst v63  }
0xb3: {  	p5 =	por !p3, !p3;
	p2 =	sge.s32 s19, s7  }
0xb4: {  	s19 =	sadd.s32 $0x1, s17;
	p3 =	por p2, p5  }
0xb5: {  	s20 =	simm.s32 @!p3 $0x80;
	s21 =	simm.s32 @!p3 $0x280;
	s28 =	simm.s32 @!p3 $0x7700  }
0xb6: {  	[tilespmem:s28], [sflag:$0x6] =	stream.indirect.gather @!p3 [hbm4b:s4+s20], $0x10, s21, s20, $0xb8;
	[tilespmem:$0xBE20] =	vst v63  }
0xb7: {  	p3 =	sge.s32 s19, s7  }
0xb8: {  	s19 =	simm.s32 @!p3 $0x2  }
0xb9: {  	_ =	swait.ge @!p3 [sflag:s19], $0x800  }
0xba: {  	[sflag:s19] =	ssyncset.done @!p3 $0x0  }
0xbb: {  	[sflag:s19] =	ssyncadd.s32 @!p3 $0xFFFFF800;
	s19 =	sshra.s32 @!p3 s6, $0x2  }
0xbc: {  	s20 =	simm.s32 @!p3 $0x80;
	s21 =	simm.s32 @!p3 $0x5700;
	s19 =	sadd.s32 @!p3 $0x2800, s19  }
0xbd: {  	[spmem:s1] =	stream.indirect.scatter.add.f32 @!p3 [tilespmem:s21], [sflag:$0xA], $0x10, s19, s20, $0xb8;
	[tilespmem:$0xBE20] =	vst v63  }
0xbe: {  	s19 =	sadd.s32 $0x6, s17  }
0xbf: {  	p3 =	sge.s32 @!p4 s19, s7  }
0xc0: {  	p3 =	por p3, p4  }
0xc1: {  	s20 =	simm.s32 @!p3 $0xF  }
0xc2: {  	_ =	swait.ge @!p3 [sflag:s20], $0x800  }
0xc3: {  	[sflag:s20] =	ssyncset.done @!p3 $0x0  }
0xc4: {  	[sflag:s20] =	ssyncadd.s32 @!p3 $0xFFFFF800;
	s20 =	sshra.s32 @!p3 s6, $0x2  }
0xc5: {  	s21 =	simm.s32 @!p3 $0x80;
	s28 =	simm.s32 @!p3 $0x7F00;
	s20 =	sadd.s32 @!p3 $0x300, s20  }
0xc6: {  	[tilespmem:s28], [sflag:$0x7] =	stream.indirect.gather @!p3 [hbm4b:s4+s21], $0x10, s20, s21, $0xb8;
	[tilespmem:$0xBE20] =	vst v63  }
0xc7: {  	p3 =	sge.s32 s19, s7  }
0xc8: {  	s19 =	sadd.s32 $0x2, s17;
	p6 =	por p3, p5  }
0xc9: {  	s20 =	simm.s32 @!p6 $0x80;
	s21 =	simm.s32 @!p6 $0x300;
	s28 =	simm.s32 @!p6 $0x7F00  }
0xca: {  	[tilespmem:s28], [sflag:$0x7] =	stream.indirect.gather @!p6 [hbm4b:s4+s20], $0x10, s21, s20, $0xb8;
	[tilespmem:$0xBE20] =	vst v63  }
0xcb: {  	p6 =	sge.s32 s19, s7  }
0xcc: {  	s19 =	simm.s32 @!p6 $0x3  }
0xcd: {  	_ =	swait.ge @!p6 [sflag:s19], $0x800  }
0xce: {  	[sflag:s19] =	ssyncset.done @!p6 $0x0  }
0xcf: {  	[sflag:s19] =	ssyncadd.s32 @!p6 $0xFFFFF800;
	s19 =	sshra.s32 @!p6 s6, $0x2  }
0xd0: {  	s20 =	simm.s32 @!p6 $0x80;
	s21 =	simm.s32 @!p6 $0x5F00;
	s19 =	sadd.s32 @!p6 $0x2880, s19  }
0xd1: {  	[spmem:s1] =	stream.indirect.scatter.add.f32 @!p6 [tilespmem:s21], [sflag:$0xB], $0x10, s19, s20, $0xb8;
	[tilespmem:$0xBE20] =	vst v63  }
0xd2: {  	s19 =	sadd.s32 $0x7, s17  }
0xd3: {  	p6 =	sge.s32 @!p4 s19, s7  }
0xd4: {  	p4 =	por p6, p4  }
0xd5: {  	s20 =	simm.s32 @!p4 $0x10  }
0xd6: {  	_ =	swait.ge @!p4 [sflag:s20], $0x800  }
0xd7: {  	[sflag:s20] =	ssyncset.done @!p4 $0x0  }
0xd8: {  	[sflag:s20] =	ssyncadd.s32 @!p4 $0xFFFFF800;
	s20 =	sshra.s32 @!p4 s6, $0x2  }
0xd9: {  	s21 =	simm.s32 @!p4 $0x80;
	s28 =	simm.s32 @!p4 $0x8700;
	s20 =	sadd.s32 @!p4 $0x380, s20  }
0xda: {  	[tilespmem:s28], [sflag:$0x8] =	stream.indirect.gather @!p4 [hbm4b:s4+s21], $0x10, s20, s21, $0xb8;
	[tilespmem:$0xBE20] =	vst v63  }
0xdb: {  	p4 =	sge.s32 s19, s7  }
0xdc: {  	s19 =	sadd.s32 $0x3, s17;
	p5 =	por p4, p5  }
0xdd: {  	s20 =	simm.s32 @!p5 $0x80;
	s21 =	simm.s32 @!p5 $0x380;
	s28 =	simm.s32 @!p5 $0x8700  }
0xde: {  	[tilespmem:s28], [sflag:$0x8] =	stream.indirect.gather @!p5 [hbm4b:s4+s20], $0x10, s21, s20, $0xb8;
	[tilespmem:$0xBE20] =	vst v63  }
0xdf: {  	p5 =	sge.s32 s19, s7  }
0xe0: {  	s19 =	simm.s32 @!p5 $0x4  }
0xe1: {  	_ =	swait.ge @!p5 [sflag:s19], $0x800  }
0xe2: {  	[sflag:s19] =	ssyncset.done @!p5 $0x0  }
0xe3: {  	[sflag:s19] =	ssyncadd.s32 @!p5 $0xFFFFF800;
	s19 =	sshra.s32 @!p5 s6, $0x2  }
0xe4: {  	s20 =	simm.s32 @!p5 $0x80;
	s21 =	simm.s32 @!p5 $0x6700;
	s19 =	sadd.s32 @!p5 $0x2900, s19  }
0xe5: {  	[spmem:s1] =	stream.indirect.scatter.add.f32 @!p5 [tilespmem:s21], [sflag:$0xC], $0x10, s19, s20, $0xb8;
	[tilespmem:$0xBE20] =	vst v63  }
0xe6: {  	s19 =	sadd.s32 $0x8, s17  }
0xe7: {  	p5 =	sge.s32 s19, s7  }
0xe8: {  	s20 =	simm.s32 @!p5 $0x9  }
0xe9: {  	_ =	swait.ge @!p5 [sflag:s20], $0x800  }
0xea: {  	[sflag:s20] =	ssyncset.done @!p5 $0x0  }
0xeb: {  	[sflag:s20] =	ssyncadd.s32 @!p5 $0xFFFFF800;
	s20 =	sshra.s32 @!p5 s6, $0x2  }
0xec: {  	s21 =	simm.s32 @!p5 $0x80;
	s28 =	simm.s32 @!p5 $0x4F00;
	s20 =	sadd.s32 @!p5 $0x400, s20  }
0xed: {  	[tilespmem:s28], [sflag:$0x1] =	stream.indirect.gather @!p5 [hbm4b:s4+s21], $0x10, s20, s21, $0xb8;
	[tilespmem:$0xBE20] =	vst v63  }
0xee: {  	p5 =	sge.s32 s18, s7  }
0xef: {  	s18 =	simm.s32 @!p5 $0x5  }
0xf0: {  	_ =	swait.ge @!p5 [sflag:s18], $0x800  }
0xf1: {  	[sflag:s18] =	ssyncset.done @!p5 $0x0  }
0xf2: {  	[sflag:s18] =	ssyncadd.s32 @!p5 $0xFFFFF800;
	s18 =	sshra.s32 @!p5 s6, $0x2  }
0xf3: {  	s20 =	simm.s32 @!p5 $0x80;
	s21 =	simm.s32 @!p5 $0x6F00;
	s18 =	sadd.s32 @!p5 $0x2980, s18  }
0xf4: {  	[spmem:s1] =	stream.indirect.scatter.add.f32 @!p5 [tilespmem:s21], [sflag:$0xD], $0x10, s18, s20, $0xb8;
	[tilespmem:$0xBE20] =	vst v63  }
0xf5: {  	s20 =	sadd.s32 $0x9, s17  }
0xf6: {  	p5 =	sge.s32 s20, s7  }
0xf7: {  	s18 =	simm.s32 @!p5 $0xA  }
0xf8: {  	_ =	swait.ge @!p5 [sflag:s18], $0x800  }
0xf9: {  	[sflag:s18] =	ssyncset.done @!p5 $0x0  }
0xfa: {  	[sflag:s18] =	ssyncadd.s32 @!p5 $0xFFFFF800;
	s18 =	sshra.s32 @!p5 s6, $0x2  }
0xfb: {  	s20 =	simm.s32 @!p5 $0x80;
	s21 =	simm.s32 @!p5 $0x5700;
	s18 =	sadd.s32 @!p5 $0x480, s18  }
0xfc: {  	[tilespmem:s21], [sflag:$0x2] =	stream.indirect.gather @!p5 [hbm4b:s4+s20], $0x10, s18, s20, $0xb8;
	[tilespmem:$0xBE20] =	vst v63  }
0xfd: {  	s18 =	simm.s32 @!p2 $0x6  }
0xfe: {  	_ =	swait.ge @!p2 [sflag:s18], $0x800  }
0xff: {  	[sflag:s18] =	ssyncset.done @!p2 $0x0  }
0x100: {  	[sflag:s18] =	ssyncadd.s32 @!p2 $0xFFFFF800;
	s18 =	sshra.s32 @!p2 s6, $0x2  }
0x101: {  	s20 =	simm.s32 @!p2 $0x80;
	s21 =	simm.s32 @!p2 $0x7700;
	s18 =	sadd.s32 @!p2 $0x2A00, s18  }
0x102: {  	[spmem:s1] =	stream.indirect.scatter.add.f32 @!p2 [tilespmem:s21], [sflag:$0xE], $0x10, s18, s20, $0xb8;
	[tilespmem:$0xBE20] =	vst v63  }
0x103: {  	s21 =	sadd.s32 $0xA, s17  }
0x104: {  	p2 =	sge.s32 s21, s7  }
0x105: {  	s18 =	simm.s32 @!p2 $0xB  }
0x106: {  	_ =	swait.ge @!p2 [sflag:s18], $0x800  }
0x107: {  	[sflag:s18] =	ssyncset.done @!p2 $0x0  }
0x108: {  	[sflag:s18] =	ssyncadd.s32 @!p2 $0xFFFFF800;
	s18 =	sshra.s32 @!p2 s6, $0x2  }
0x109: {  	s20 =	simm.s32 @!p2 $0x80;
	s21 =	simm.s32 @!p2 $0x5F00;
	s18 =	sadd.s32 @!p2 $0x500, s18  }
0x10a: {  	[tilespmem:s21], [sflag:$0x3] =	stream.indirect.gather @!p2 [hbm4b:s4+s20], $0x10, s18, s20, $0xb8;
	[tilespmem:$0xBE20] =	vst v63  }
0x10b: {  	s18 =	simm.s32 @!p3 $0x7  }
0x10c: {  	_ =	swait.ge @!p3 [sflag:s18], $0x800  }
0x10d: {  	s28 =	sadd.s32 $0xB, s17;
	s20 =	simm.s32 @!p3 $0x80;
	[sflag:s18] =	ssyncset.done @!p3 $0x0  }
0x10e: {  	p2 =	sge.s32 s28, s7;
	[sflag:s18] =	ssyncadd.s32 @!p3 $0xFFFFF800;
	s18 =	sshra.s32 @!p3 s6, $0x2  }
0x10f: {  	s21 =	simm.s32 @!p3 $0x7F00;
	s17 =	simm.s32 @!p2 $0xC;
	s18 =	sadd.s32 @!p3 $0x2A80, s18  }
0x110: {  	[spmem:s1] =	stream.indirect.scatter.add.f32 @!p3 [tilespmem:s21], [sflag:$0xF], $0x10, s18, s20, $0xb8;
	[tilespmem:$0xBE20] =	vst v63  }
0x111: {  	_ =	swait.ge @!p2 [sflag:s17], $0x800  }
0x112: {  	[sflag:s17] =	ssyncset.done @!p2 $0x0  }
0x113: {  	[sflag:s17] =	ssyncadd.s32 @!p2 $0xFFFFF800;
	s17 =	sshra.s32 @!p2 s6, $0x2  }
0x114: {  	s18 =	simm.s32 @!p2 $0x80;
	s20 =	simm.s32 @!p2 $0x6700;
	s17 =	sadd.s32 @!p2 $0x580, s17  }
0x115: {  	[tilespmem:s20], [sflag:$0x4] =	stream.indirect.gather @!p2 [hbm4b:s4+s18], $0x10, s17, s18, $0xb8;
	[tilespmem:$0xBE20] =	vst v63  }
0x116: {  	s17 =	simm.s32 @!p4 $0x8  }
0x117: {  	_ =	swait.ge @!p4 [sflag:s17], $0x800  }
0x118: {  	[sflag:s17] =	ssyncset.done @!p4 $0x0  }
0x119: {  	[sflag:s17] =	ssyncadd.s32 @!p4 $0xFFFFF800;
	s17 =	sshra.s32 @!p4 s6, $0x2;
	s6 =	sadd.s32 $0x1000, s6  }
0x11a: {  	p2 =	sne.s32 s6, $0xA000  }
.Ltmp3:
0x11b: {  	_ = 	snop;
	(pc) =	sbr.rel @!p2 .LBB2_8-.Ltmp3, $4  }
0x11c: {  	_ = 	snop  }
0x11d: {  	s18 =	simm.s32 @!p4 $0x80;
	s20 =	simm.s32 @!p4 $0x8700;
	s17 =	sadd.s32 @!p4 $0x2B00, s17  }
0x11e: {  	[spmem:s1] =	stream.indirect.scatter.add.f32 @!p4 [tilespmem:s20], [sflag:$0x10], $0x10, s17, s18, $0xb8;
	[tilespmem:$0xBE20] =	vst v63  }
0x11f: {  	s17 =	smov.u32 s19  }
.LBB2_2:
0x120: {  	s18 =	sadd.s32 $0x4, s17  }
0x121: {  	p4 =	sne.s32 s6, $0x0;
	p2 =	slt.s32 s18, s7  }
0x122: {  	p2 =	por !p4, !p2  }
0x123: {  	p2 =	por !p2, !p2  }
.Ltmp4:
0x124: {  	_ = 	snop;
	(pc) =	sbr.rel @p2 .LBB2_3-.Ltmp4, $1  }
0x125: {  	_ =	sdelay $0x3  }
0x126: {  	p3 =	sge.s32 @!p4 s18, s7  }
0x127: {  	p3 =	por p4, p3  }
.Ltmp5:
0x128: {  	_ = 	snop;
	(pc) =	sbr.rel @!p3 .LBB2_4-.Ltmp5, $2  }
0x129: {  	_ =	sdelay $0x2  }
0x12a: {  	s19 =	simm.s32 $0x200  }
.Ltmp6:
0x12b: {  	(pc) =	sbr.rel .LBB2_7-.Ltmp6, $3  }
0x12c: {  	_ =	sdelay $0x1  }
0x12d: {  	p3 =	seq.s32 s6, $0x0  }
0x12e: {  	p3 =	por @!p4 p3, p3  }
.LBB2_9:
0x12f: {  	_ =	sfence.sel $0x180000  }
0x130: {  	[bflag:$0x0] =	sbarrier.arrive $0xFFFF  }
0x131: {  	_ =	strace $0x9000004D  }
0x132: {  	s0 =	stileid.u32;
	[bflag:$0x2] =	sbarrier.arrive $0xFFFF  }
0x133: {  	p0 =	sne.s32 s0, $0x0;
	s0 =	rddreg [dreg:$0x3]  }
0x134: {  	s0 =	sadd.s32 @!p0 $0x100000, s0  }
0x135: {  	[sflag:s0] =	ssyncadd.tile.s32 @!p0 $0x1;
	_ =	shalt  }
.Lfunc_end2:
_tile_overlayer_lowered:
.L_overlay_start_2:
0x136: {  	(tag) =	ssettag $0x2  }
0x137: {  	s0 =	rddreg [dreg:$0x0];
	s2 =	stileid.u32  }
0x138: {  	s1 =	rddreg [dreg:$0x1];
	p0 =	sne.s32 s2, $0x0  }
0x139: {  	s3 =	rddreg [dreg:$0x2];
	[bflag:$0x3] =	sbarrier.arrive $0xFFFF;
	s2 =	simm.s32 @!p0 $0x1C11  }
0x13a: {  	[timem:s3], [sflag:s2] =	dma.local @!p0 [hbm:s0], s1  }
0x13b: {  	s0 =	simm.s32 @!p0 $0x11  }
0x13c: {  	_ =	swait.ge @!p0 [sflag:s0], s1  }
0x13d: {  	s1 =	ssub.s32 @!p0 $0x0, s1;
	[sflag:s0] =	ssyncset.done @!p0 $0x0  }
0x13e: {  	[sflag:s0] =	ssyncadd.s32 @!p0 s1  }
0x13f: {  	[bflag:$0x3] =	sbarrier.arrive $0xFFFF  }
0x140: {  	_ =	shalt  }

// kernel: kernel.19.cloned.1.call-start
scs
__scs_entry_jumppad:
0x0: {  	(pc) =	sbr.rel $0x88, $3  }
0x1: {  	(tag) =	ssettag $0x0;
	lr =	simm.s32 $0x1  }
0x2: {  	[smem:$0x3F99] =	sst lr;
	_ =	strace $0xD0000000  }
0x3: {  	_ = 	snop  }
0x4: {  	_ = 	snop  }
0x5: {  	_ = 	snop  }
0x6: {  	_ = 	snop  }
0x7: {  	_ = 	snop  }
__scs_overlays_trampoline_lowered:
0x8: {  	[smem:$0x3FA8] =	sst s0  }
0x9: {  	[smem:$0x3FA9] =	sst s1  }
0xa: {  	[smem:$0x3FAA] =	sst s2  }
0xb: {  	[smem:$0x3FAB] =	sst s3  }
0xc: {  	[smem:$0x3FAC] =	sst s4  }
0xd: {  	[smem:$0x3FAD] =	sst s5  }
0xe: {  	[smem:$0x3FAE] =	sst s6  }
0xf: {  	[smem:$0x3FAF] =	sst s7  }
0x10: {  	[smem:$0x3FB0] =	sst s8  }
0x11: {  	[smem:$0x3FB1] =	sst s9;
	s0 =	simm.s32 @!p0 $0x0  }
0x12: {  	s1 =	sld [smem:$0x3F97];
	s0 =	simm.s32 @p0 $0x1  }
0x13: {  	[smem:$0x3FB2] =	sst s0;
	s0 =	simm.s32 @!p1 $0x0  }
0x14: {  	s2 =	sld [smem:$0x3F96];
	s0 =	simm.s32 @p1 $0x1  }
0x15: {  	[smem:$0x3FB3] =	sst s0;
	s0 =	simm.s32 @!p2 $0x0  }
0x16: {  	s3 =	sld [smem:$0x3FDB];
	s0 =	simm.s32 @p2 $0x1  }
0x17: {  	s4 =	simm.s32 $0x1BF5;
	[smem:$0x3FB5] =	sst s0  }
0x18: {  	s0 =	sld [smem:$0x3F98];
	_ =	swait.ge [sflag:s4], $0x0  }
0x19: {  	s7 =	sld [smem:$0x3F99]  }
0x1a: {  	s8 =	sadd.s32 $0xFFFFE003, lr  }
0x1b: {  	s9 =	sadd.s32 $0xFFFFFEF7, lr;
	s5 =	simm.s32 $0xFFFFFFFF;
	p2 =	slt.u32 s8, $0xFFFFF086  }
0x1c: {  	p1 =	slt.u32 s9, $0xF7A;
	s5 =	simm.s32 @!p2 $0x0  }
0x1d: {  	s5 =	simm.s32 @p1 $0x1;
	p0 =	seq.s32 s7, s2  }
0x1e: {  	s7 =	smul.u32 @!p0 $0xF7A, s2;
	p2 =	seq.s32 @!p0 s5, $0x0  }
0x1f: {  	s9 =	smul.u32 $0xF7A, s1;
	s8 =	simm.s32 @!p0 $0x1BF5;
	p2 =	por !p2, p0  }
0x20: {  	[sflag:s8] =	ssyncset.s32 @!p0 $0xFFFFF086;
	s6 =	sadd.s32 @!p0 s3, s7;
	s7 =	simm.s32 @!p0 $0x108  }
0x21: {  	s3 =	sadd.s32 s3, s9;
	s6 =	sadd.s32 @!p0 $0x88, s6;
	s7 =	simm.s32 @p2 $0x1082  }
0x22: {  	[simem:s7], [sflag:s8] =	dma.local @!p0 [hbm:s6], $0xF7A  }
0x23: {  	s9 =	sor.u32 $0xD0000000, s2;
	s6 =	simm.s32 $0x108;
	_ =	swait.ge @!p0 [sflag:s8], $0x0  }
0x24: {  	s3 =	sadd.s32 $0x88, s3;
	s6 =	simm.s32 @!p1 $0x1082;
	[sflag:s4] =	ssyncset.s32 $0xFFFFF086  }
0x25: {  	[simem:s6], [sflag:s4] =	dma.local [hbm:s3], $0xF7A  }
0x26: {  	[smem:$0x3F99] =	sst s1;
	(tag) =	ssettag s2;
	_ =	strace s9  }
0x27: {  	s1 =	sld [smem:$0x3FA9]  }
0x28: {  	s2 =	sld [smem:$0x3FAA]  }
0x29: {  	s4 =	sld [smem:$0x3FAC]  }
0x2a: {  	p0 =	seq.s32 s5, $0x0;
	s5 =	sld [smem:$0x3FAD]  }
0x2b: {  	s6 =	sld [smem:$0x3FAE]  }
0x2c: {  	s7 =	sld [smem:$0x3FAF]  }
0x2d: {  	s3 =	simm.s32 $0x108;
	s8 =	sld [smem:$0x3FB0]  }
0x2e: {  	s3 =	simm.s32 @!p0 $0x1082;
	s9 =	sld [smem:$0x3FB1]  }
0x2f: {  	lr =	sadd.s32 s0, s3;
	s0 =	sld [smem:$0x3FA8]  }
0x30: {  	s3 =	sld [smem:$0x3FAB]  }
0x31: {  	[smem:$0x3FB4] =	sst s10  }
0x32: {  	s10 =	sld [smem:$0x3FB2];
	_ =	sdelay $0x3  }
0x33: {  	p0 =	seq.s32 s10, $0x1;
	s10 =	sld [smem:$0x3FB4];
	_ =	sdelay $0x3  }
0x34: {  	[smem:$0x3FB4] =	sst s10  }
0x35: {  	s10 =	sld [smem:$0x3FB3];
	_ =	sdelay $0x3  }
0x36: {  	p1 =	seq.s32 s10, $0x1;
	s10 =	sld [smem:$0x3FB4];
	_ =	sdelay $0x3  }
0x37: {  	[smem:$0x3FB4] =	sst s10  }
0x38: {  	s10 =	sld [smem:$0x3FB5]  }
0x39: {  	_ = 	snop;
	(pc) =	sbr.ind lr, $3  }
0x3a: {  	_ = 	snop  }
0x3b: {  	_ = 	snop  }
0x3c: {  	p2 =	seq.s32 s10, $0x1;
	s10 =	sld [smem:$0x3FB4]  }
0x3d: {  	_ =	shalt  }
0x3e: {  	_ =	shalt  }
0x3f: {  	_ =	shalt  }
0x40: {  	_ =	shalt  }
0x41: {  	_ =	shalt  }
0x42: {  	_ =	shalt  }
0x43: {  	_ =	shalt  }
0x44: {  	_ =	shalt  }
0x45: {  	_ =	shalt  }
0x46: {  	_ =	shalt  }
0x47: {  	_ =	shalt  }
0x48: {  	_ =	shalt  }
0x49: {  	_ =	shalt  }
0x4a: {  	_ =	shalt  }
0x4b: {  	_ =	shalt  }
0x4c: {  	_ =	shalt  }
0x4d: {  	_ =	shalt  }
0x4e: {  	_ =	shalt  }
0x4f: {  	_ =	shalt  }
0x50: {  	_ =	shalt  }
0x51: {  	_ =	shalt  }
0x52: {  	_ =	shalt  }
0x53: {  	_ =	shalt  }
0x54: {  	_ =	shalt  }
0x55: {  	_ =	shalt  }
0x56: {  	_ =	shalt  }
0x57: {  	_ =	shalt  }
0x58: {  	_ =	shalt  }
0x59: {  	_ =	shalt  }
0x5a: {  	_ =	shalt  }
0x5b: {  	_ =	shalt  }
0x5c: {  	_ =	shalt  }
0x5d: {  	_ =	shalt  }
0x5e: {  	_ =	shalt  }
0x5f: {  	_ =	shalt  }
0x60: {  	_ =	shalt  }
0x61: {  	_ =	shalt  }
0x62: {  	_ =	shalt  }
0x63: {  	_ =	shalt  }
0x64: {  	_ =	shalt  }
0x65: {  	_ =	shalt  }
0x66: {  	_ =	shalt  }
0x67: {  	_ =	shalt  }
0x68: {  	_ =	shalt  }
0x69: {  	_ =	shalt  }
0x6a: {  	_ =	shalt  }
0x6b: {  	_ =	shalt  }
0x6c: {  	_ =	shalt  }
0x6d: {  	_ =	shalt  }
0x6e: {  	_ =	shalt  }
0x6f: {  	_ =	shalt  }
0x70: {  	_ =	shalt  }
0x71: {  	_ =	shalt  }
0x72: {  	_ =	shalt  }
0x73: {  	_ =	shalt  }
0x74: {  	_ =	shalt  }
0x75: {  	_ =	shalt  }
0x76: {  	_ =	shalt  }
0x77: {  	_ =	shalt  }
0x78: {  	_ =	shalt  }
0x79: {  	_ =	shalt  }
0x7a: {  	_ =	shalt  }
0x7b: {  	_ =	shalt  }
0x7c: {  	_ =	shalt  }
0x7d: {  	_ =	shalt  }
0x7e: {  	_ =	shalt  }
0x7f: {  	_ =	shalt  }
0x80: {  	_ =	shalt  }
0x81: {  	_ =	shalt  }
0x82: {  	_ =	shalt  }
0x83: {  	_ =	shalt  }
0x84: {  	_ =	shalt  }
0x85: {  	_ =	shalt  }
0x86: {  	_ =	shalt  }
0x87: {  	_ =	shalt  }
.Lfunc_end0:
.L_simem_size_0:
called_computation.3_lowered:
.L_overlay_start_0:
0x88: {  	s2 =	sld [smem:$0x3FD9]  }
0x89: {  	s3 =	sld [smem:$0x3FFE];
	_ =	sdelay $0x1  }
0x8a: {  	s1 =	srdreg.scid  }
0x8b: {  	s0 =	sand.u32 $0x1, s1  }
0x8c: {  	s17 =	sshll.u32 s0, $0xA;
	s2 =	sadd.s32 s3, s2  }
0x8d: {  	s2 =	sadd.s32 s2, s17  }
0x8e: {  	[smem:$0x3FC0] =	sst s2  }
0x8f: {  	_ = 	snop  }
0x90: {  	s2 =	sld [smem:$0x3FD0];
	(tm) =	ssettm $0x1  }
0x91: {  	s18 =	sld [smem:$0x3FFB];
	_ =	sdelay $0x3  }
0x92: {  	_ =	strace s18  }
0x93: {  	s3 =	sld [smem:$0x3FFC];
	_ =	sdelay $0x3  }
0x94: {  	_ =	strace s3  }
0x95: {  	s3 =	sld [smem:$0x3FFD];
	_ =	sdelay $0x3  }
0x96: {  	_ =	strace s3  }
0x97: {  	_ =	strace $0x8FFFFFFF  }
0x98: {  	s19 =	sld [smem:$0x3FDB];
	_ =	sdelay $0x1  }
0x99: {  	s4 =	simm.s32 $_scs_section_size  }
0x9a: {  	s5 =	simm.s32 $_size__tile_overlayer_lowered;
	s6 =	simm.s32 $_tile_overlayer_lowered  }
0x9b: {  	s22 =	simm.s32 $0x1BFF;
	s21 =	sshll.u32 s6, $0x1;
	s3 =	sadd.s32 s4, s19  }
0x9c: {  	s7 =	simm.s32 $0x0;
	s20 =	sshll.u32 s5, $0x1;
	s5 =	sadd.s32 s21, s3  }
0x9d: {  	[timem:s7], [sflag:s22] =	dma.local [hbm:s5], s20  }
0x9e: {  	_ =	swait.ge [sflag:s22], s20  }
0x9f: {  	s4 =	ssub.s32 $0x0, s20;
	[sflag:s22] =	ssyncset.done $0x0  }
0xa0: {  	[sflag:s22] =	ssyncadd.s32 s4;
	_ =	sdelay $0x1  }
0xa1: {  	s23 =	simm.s32 $0x1B8B  }
0xa2: {  	_ =	swait.ge [sflag:s23], $0x1  }
0xa3: {  	[sflag:s23] =	ssyncset.done $0x0  }
0xa4: {  	s25 =	simm.s32 $0x1B8E;
	s24 =	sld [smem:$0x3FFE];
	[sflag:s23] =	ssyncadd.s32 $0xFFFFFFFF  }
0xa5: {  	s26 =	simm.s32 $execute0_lowered;
	[smem:$0x3FD2] =	sst s25  }
0xa6: {  	s5 =	sshll.u32 s26, $0x1;
	_ =	strace $0x8000004F;
	[dreg:$0x1] =	wrdreg $0xFFFFFFFF  }
0xa7: {  	s28 =	simm.s32 $_size_execute0_lowered;
	s3 =	sadd.s32 s3, s5;
	[dreg:$0x0] =	wrdreg $0x0  }
0xa8: {  	s5 =	sshll.u32 s28, $0x1;
	[dreg:$0x2] =	wrdreg s3  }
0xa9: {  	[dreg:$0x3] =	wrdreg s5  }
0xaa: {  	[dreg:$0x4] =	wrdreg $0xC0  }
0xab: {  	_ =	task [dreg:s7], $0x5FFFF  }
0xac: {  	[dreg:$0x1] =	wrdreg $0xFFFFFFFF  }
0xad: {  	[dreg:$0x0] =	wrdreg $0x60  }
0xae: {  	[dreg:$0x2] =	wrdreg s2  }
0xaf: {  	[dreg:$0x3] =	wrdreg s24  }
0xb0: {  	[dreg:$0x4] =	wrdreg $0x97000  }
0xb1: {  	[dreg:$0x5] =	wrdreg $0x9  }
0xb2: {  	_ =	task.clear_ibuf [dreg:s7], $0x6FFFF;
	_ =	strace $0x9000004F  }
0xb3: {  	s29 =	simm.s32 $0x9;
	_ =	strace $0x80000051  }
0xb4: {  	_ =	swait.ge [sflag:s29], $0x1  }
0xb5: {  	[sflag:s29] =	ssyncadd.s32 $0xFFFFFFFF  }
0xb6: {  	_ =	strace $0x90000051  }
0xb7: {  	_ =	sfence  }
0xb8: {  	s30 =	sld [smem:$0x0];
	_ =	sdelay $0x2  }
0xb9: {  	s31 =	sshll.u32 s1, $0xD;
	s1 =	sshrl.u32 s1, $0x2  }
0xba: {  	s3 =	sand.u32 $0x4000, s31;
	s1 =	sadd.s32 s1, s30  }
0xbb: {  	s0 =	sor.u32 s3, s0;
	s1 =	sshll.u32 s1, $0x11  }
0xbc: {  	s0 =	sor.u32 s1, s0  }
0xbd: {  	s0 =	sadd.s32 $0x8F2B, s0  }
0xbe: {  	[sflag:s0] =	ssyncadd.remote.s32 $0x1  }
0xbf: {  	_ =	sfence.sel $0xFFFF  }
0xc0: {  	[dreg:$0x0] =	wrdreg $0xFFFFFFFF;
	(pc) =	sbr.abs _section_cstart, $3  }
0xc1: {  	[dreg:$0x1] =	wrdreg $0xFFFFFFFF  }
0xc2: {  	_ =	task.clear_ibuf [dreg:s7], $0x2FFFF;
	_ =	strace $0x9FFFFFFF  }
0xc3: {  	(tm) =	ssettm $0x7FFFFFFF  }
tec
execute0_lowered:
.L_overlay_start_1:
0x0: {  	(tag) =	ssettag $0x1  }
0x1: {  	s0 =	rddreg [dreg:$0x0]  }
0x2: {  	s2 =	rddreg [dreg:$0x1]  }
0x3: {  	s1 =	rddreg [dreg:$0x2];
	s3 =	srdreg.scid  }
0x4: {  	s18 =	stileid.u32;
	s29 =	simm.s32 $0xA;
	s30 =	simm.s32 $0xB  }
0x5: {  	s31 =	simm.s32 $0xC;
	s5 =	sand.u32 $0x1, s3;
	s3 =	simm.s32 $0x0  }
0x6: {  	s7 =	sadd.s32 $0x6E00, s2;
	s16 =	sshll.u32 s18, $0xB;
	s11 =	sor.u32 $0x40, s18  }
0x7: {  	s4 =	sshll.u32 s5, $0x4;
	[smem:$0x7FF] =	sst s3;
	s14 =	ssub.s32 $0x2, s5  }
0x8: {  	s5 =	smul.u32 $0x27100, s5;
	s20 =	sor.u32 $0x8000, s16;
	s12 =	sadd.s32 s16, s1  }
0x9: {  	s21 =	sor.u32 $0x10000, s16;
	s22 =	sor.u32 $0x18000, s16;
	s17 =	sshll.u32 s11, $0xB  }
0xa: {  	p0 =	sgt.u32 s11, $0x4D;
	s11 =	simm.s32 $0x0;
	s4 =	sor.u32 s18, s4  }
0xb: {  	_ =	strace $0x80000050;
	[dreg:$0x4] =	wrdreg s7;
	s8 =	sshrl.u32 s14, $0x1  }
0xc: {  	s13 =	sadd.s32 s20, s1;
	p1 =	sne.s32 @!p0 s18, $0x0;
	s6 =	smul.u32 $0x9C4, s4  }
0xd: {  	s4 =	sadd.s32 $0x1E00, s2;
	s2 =	sadd.s32 $0x7000, s2;
	s8 =	ssub.s32 s14, s8  }
0xe: {  	s15 =	sshrl.u32 s5, $0x3;
	s14 =	sadd.s32 s21, s1;
	s23 =	sadd.s32 s5, s21  }
0xf: {  	s25 =	sadd.s32 s5, s22;
	p1 =	por p1, p0;
	s19 =	smax.u32 s8, $0x1  }
0x10: {  	s24 =	sshrl.u32 s23, $0x3;
	s26 =	sshrl.u32 s25, $0x3;
	s23 =	simm.s32 $0x11  }
0x11: {  	s25 =	simm.s32 $0x80;
	s9 =	sshrl.u32 s6, $0x5;
	s6 =	sadd.s32 $0x9C4, s6  }
0x12: {  	s8 =	simm.s32 $0x10;
	s10 =	sshll.u32 s9, $0x4;
	s6 =	sshrl.u32 s6, $0x5  }
0x13: {  	[dreg:$0x8] =	wrdreg s19;
	s0 =	sadd.s32 s0, s10;
	s7 =	ssub.s32 s6, s9  }
0x14: {  	s9 =	sadd.s32 $0x27000, s1;
	s6 =	sadd.s32 s5, s16;
	s16 =	sadd.s32 s17, s1  }
0x15: {  	s10 =	simm.s32 $0x12;
	[dreg:$0x5] =	wrdreg s0;
	s0 =	sadd.s32 $0x9C40, s0  }
0x16: {  	s6 =	sshrl.u32 s6, $0x3;
	[dreg:$0x6] =	wrdreg s0;
	s0 =	sadd.s32 s2, s15  }
0x17: {  	s15 =	sadd.s32 s22, s1;
	s6 =	sadd.s32 s2, s6;
	s0 =	sadd.s32 $0x4E00, s0  }
0x18: {  	s22 =	simm.s32 $0x8F00;
	[dreg:$0x7] =	wrdreg s0;
	s0 =	sadd.s32 s5, s20  }
0x19: {  	[dreg:$0x9] =	wrdreg s6;
	s5 =	sadd.s32 s5, s17;
	s0 =	sshrl.u32 s0, $0x3  }
.Ltmp0:
0x1a: {  	s28 =	sshrl.u32 s5, $0x3;
	s0 =	sadd.s32 s2, s0;
	(pc) =	sbr.rel .LBB2_1-.Ltmp0, $4  }
0x1b: {  	s5 =	simm.s32 $0xF;
	[dreg:$0xa] =	wrdreg s0;
	s0 =	sadd.s32 s2, s24  }
0x1c: {  	s24 =	simm.s32 $0x6F00;
	[dreg:$0xb] =	wrdreg s0;
	s0 =	sadd.s32 s2, s26  }
0x1d: {  	s26 =	simm.s32 $0x4F00;
	[dreg:$0xc] =	wrdreg s0;
	s0 =	sadd.s32 s2, s28  }
0x1e: {  	s2 =	simm.s32 $0xD;
	[dreg:$0xd] =	wrdreg s0;
	s0 =	simm.s32 $0xE  }
.LBB2_8:
0x1f: {  	s6 =	simm.s32 $0x9  }
0x20: {  	_ =	swait.ge [sflag:s6], $0x800  }
0x21: {  	[sflag:s6] =	ssyncset.done $0x0  }
0x22: {  	[sflag:s6] =	ssyncadd.s32 $0xFFFFF800  }
0x23: {  	_ =	swait.ge [sflag:s29], $0x800  }
0x24: {  	[sflag:s29] =	ssyncset.done $0x0  }
0x25: {  	[sflag:s29] =	ssyncadd.s32 $0xFFFFF800  }
0x26: {  	_ =	swait.ge [sflag:s30], $0x800  }
0x27: {  	[sflag:s30] =	ssyncset.done $0x0  }
0x28: {  	[sflag:s30] =	ssyncadd.s32 $0xFFFFF800  }
0x29: {  	_ =	swait.ge [sflag:s31], $0x800  }
0x2a: {  	[sflag:s31] =	ssyncset.done $0x0  }
0x2b: {  	[sflag:s31] =	ssyncadd.s32 $0xFFFFF800  }
0x2c: {  	_ =	swait.ge [sflag:s2], $0x800  }
0x2d: {  	[sflag:s2] =	ssyncset.done $0x0  }
0x2e: {  	[sflag:s2] =	ssyncadd.s32 $0xFFFFF800  }
0x2f: {  	_ =	swait.ge [sflag:s0], $0x800  }
0x30: {  	[sflag:s0] =	ssyncset.done $0x0  }
0x31: {  	[sflag:s0] =	ssyncadd.s32 $0xFFFFF800  }
0x32: {  	_ =	swait.ge [sflag:s5], $0x800  }
0x33: {  	[sflag:s5] =	ssyncset.done $0x0  }
0x34: {  	[sflag:s5] =	ssyncadd.s32 $0xFFFFF800  }
0x35: {  	_ =	swait.ge [sflag:s8], $0x800  }
0x36: {  	[sflag:s8] =	ssyncset.done $0x0  }
0x37: {  	[sflag:s8] =	ssyncadd.s32 $0xFFFFF800  }
0x38: {  	[bflag:$0x0] =	sbarrier.arrive $0xFFFF  }
0x39: {  	[tilespmem:s26], [sflag:$0x12] =	stream.linear.gather [spmem:s12], $0x800, $0x38;
	[tilespmem:$0xBE20] =	vst v63  }
0x3a: {  	_ =	swait.ge [sflag:s10], $0x800  }
0x3b: {  	[sflag:s10] =	ssyncset.done $0x0  }
0x3c: {  	s18 =	rddreg [dreg:$0x9];
	[sflag:s10] =	ssyncadd.s32 $0xFFFFF800  }
0x3d: {  	[hbm4b:s18+s3] =	stream.linear.scatter [tilespmem:s26], [sflag:$0x11], $0x800, $0x38;
	[tilespmem:$0xBE20] =	vst v63  }
0x3e: {  	_ =	swait.ge [sflag:s23], $0x800  }
0x3f: {  	[sflag:s23] =	ssyncset.done $0x0  }
0x40: {  	[sflag:s23] =	ssyncadd.s32 $0xFFFFF800  }
0x41: {  	[tilespmem:s26], [sflag:$0x12] =	stream.linear.gather [spmem:s13], $0x800, $0x38;
	[tilespmem:$0xBE20] =	vst v63  }
0x42: {  	_ =	swait.ge [sflag:s10], $0x800  }
0x43: {  	[sflag:s10] =	ssyncset.done $0x0  }
0x44: {  	s19 =	rddreg [dreg:$0xa];
	[sflag:s10] =	ssyncadd.s32 $0xFFFFF800  }
0x45: {  	[hbm4b:s19+s3] =	stream.linear.scatter [tilespmem:s26], [sflag:$0x11], $0x800, $0x38;
	[tilespmem:$0xBE20] =	vst v63  }
0x46: {  	_ =	swait.ge [sflag:s23], $0x800  }
0x47: {  	[sflag:s23] =	ssyncset.done $0x0  }
0x48: {  	[sflag:s23] =	ssyncadd.s32 $0xFFFFF800  }
0x49: {  	[tilespmem:s26], [sflag:$0x12] =	stream.linear.gather [spmem:s14], $0x800, $0x38;
	[tilespmem:$0xBE20] =	vst v63  }
0x4a: {  	_ =	swait.ge [sflag:s10], $0x800  }
0x4b: {  	[sflag:s10] =	ssyncset.done $0x0  }
0x4c: {  	s20 =	rddreg [dreg:$0xb];
	[sflag:s10] =	ssyncadd.s32 $0xFFFFF800  }
0x4d: {  	[hbm4b:s20+s3] =	stream.linear.scatter [tilespmem:s26], [sflag:$0x11], $0x800, $0x38;
	[tilespmem:$0xBE20] =	vst v63  }
0x4e: {  	_ =	swait.ge [sflag:s23], $0x800  }
0x4f: {  	[sflag:s23] =	ssyncset.done $0x0  }
0x50: {  	[sflag:s23] =	ssyncadd.s32 $0xFFFFF800  }
0x51: {  	[tilespmem:s26], [sflag:$0x12] =	stream.linear.gather [spmem:s15], $0x800, $0x38;
	[tilespmem:$0xBE20] =	vst v63  }
0x52: {  	_ =	swait.ge [sflag:s10], $0x800  }
0x53: {  	[sflag:s10] =	ssyncset.done $0x0  }
0x54: {  	s21 =	rddreg [dreg:$0xc];
	[sflag:s10] =	ssyncadd.s32 $0xFFFFF800  }
0x55: {  	[hbm4b:s21+s3] =	stream.linear.scatter [tilespmem:s26], [sflag:$0x11], $0x800, $0x38;
	[tilespmem:$0xBE20] =	vst v63  }
0x56: {  	_ =	swait.ge [sflag:s23], $0x800  }
0x57: {  	[sflag:s23] =	ssyncset.done $0x0  }
0x58: {  	s17 =	simm.s32 @!p0 $0x12;
	s6 =	simm.s32 @!p0 $0x4F00;
	[sflag:s23] =	ssyncadd.s32 $0xFFFFF800  }
0x59: {  	[tilespmem:s6], [sflag:$0x12] =	stream.linear.gather @!p0 [spmem:s16], $0x800, $0x38;
	[tilespmem:$0xBE20] =	vst v63  }
0x5a: {  	_ =	swait.ge @!p0 [sflag:s17], $0x800  }
0x5b: {  	[sflag:s17] =	ssyncset.done @!p0 $0x0  }
0x5c: {  	s18 =	rddreg [dreg:$0xd];
	[sflag:s17] =	ssyncadd.s32 @!p0 $0xFFFFF800;
	s17 =	simm.s32 @!p0 $0x0  }
0x5d: {  	[hbm4b:s18+s17] =	stream.linear.scatter @!p0 [tilespmem:s6], [sflag:$0x11], $0x800, $0x38;
	[tilespmem:$0xBE20] =	vst v63  }
0x5e: {  	s6 =	simm.s32 @!p0 $0x11  }
0x5f: {  	_ =	swait.ge @!p0 [sflag:s6], $0x800  }
0x60: {  	[sflag:s6] =	ssyncset.done @!p0 $0x0  }
0x61: {  	s17 =	simm.s32 @!p1 $0x11;
	[sflag:s6] =	ssyncadd.s32 @!p0 $0xFFFFF800;
	s6 =	simm.s32 @!p1 $0x4F00  }
0x62: {  	[tilespmem:s6], [sflag:$0x11] =	stream.linear.gather @!p1 [spmem:s9], $0x100, $0x38;
	[tilespmem:$0xBE20] =	vst v63  }
0x63: {  	_ =	swait.ge @!p1 [sflag:s17], $0x100  }
0x64: {  	[sflag:s17] =	ssyncset.done @!p1 $0x0  }
0x65: {  	s18 =	simm.s32 @!p1 $0x0;
	s19 =	rddreg [dreg:$0x7];
	[sflag:s17] =	ssyncadd.s32 @!p1 $0xFFFFFF00  }
0x66: {  	[hbm4b:s19+s18] =	stream.linear.scatter @!p1 [tilespmem:s6], [sflag:$0x11], $0x100, $0x38;
	[tilespmem:$0xBE20] =	vst v63  }
0x67: {  	_ =	swait.ge @!p1 [sflag:s17], $0x100  }
0x68: {  	s11 =	sadd.s32 $0x1, s11;
	s28 =	rddreg [dreg:$0x8]  }
0x69: {  	p2 =	sne.s32 s11, s28  }
.Ltmp1:
0x6a: {  	_ = 	snop;
	(pc) =	sbr.rel @!p2 .LBB2_9-.Ltmp1, $3  }
0x6b: {  	_ =	sdelay $0x1  }
0x6c: {  	[sflag:s17] =	ssyncset.done @!p1 $0x0  }
0x6d: {  	[sflag:s17] =	ssyncadd.s32 @!p1 $0xFFFFFF00  }
.LBB2_1:
0x6e: {  	s6 =	rddreg [dreg:$0x4]  }
0x6f: {  	[tilespmem:s22], [sflag:$0x11] =	stream.linear.gather [hbm4b:s6+s3], $0x800, $0x38;
	[tilespmem:$0xBE20] =	vst v63  }
0x70: {  	_ =	swait.ge [sflag:s23], $0x800  }
0x71: {  	[sflag:s23] =	ssyncset.done $0x0  }
0x72: {  	s21 =	rddreg [dreg:$0x5];
	[sflag:s23] =	ssyncadd.s32 $0xFFFFF800  }
0x73: {  	[tilespmem:s3], [sflag:$0x11] =	stream.linear.gather [hbm4b:s21+s3], $0x2780, $0x38;
	[tilespmem:$0xBE20] =	vst v63  }
0x74: {  	_ =	swait.ge [sflag:s23], $0x2780  }
0x75: {  	[sflag:s23] =	ssyncset.done $0x0  }
0x76: {  	s17 =	simm.s32 $0x2780;
	s28 =	rddreg [dreg:$0x6];
	[sflag:s23] =	ssyncadd.s32 $0xFFFFD880  }
0x77: {  	[tilespmem:s17], [sflag:$0x11] =	stream.linear.gather [hbm4b:s28+s3], $0x2780, $0x38;
	[tilespmem:$0xBE20] =	vst v63  }
0x78: {  	_ =	swait.ge [sflag:s23], $0x2780  }
0x79: {  	[sflag:s23] =	ssyncset.done $0x0  }
0x7a: {  	[sflag:s23] =	ssyncadd.s32 $0xFFFFD880  }
0x7b: {  	[spmem:s12] =	stream.linear.scatter [tilespmem:s22], [sflag:$0x11], $0x800, $0x38;
	[tilespmem:$0xBE20] =	vst v63  }
0x7c: {  	_ =	swait.ge [sflag:s23], $0x800  }
0x7d: {  	[sflag:s23] =	ssyncset.done $0x0  }
0x7e: {  	[sflag:s23] =	ssyncadd.s32 $0xFFFFF800  }
0x7f: {  	[spmem:s13] =	stream.linear.scatter [tilespmem:s22], [sflag:$0x11], $0x800, $0x38;
	[tilespmem:$0xBE20] =	vst v63  }
0x80: {  	_ =	swait.ge [sflag:s23], $0x800  }
0x81: {  	[sflag:s23] =	ssyncset.done $0x0  }
0x82: {  	[sflag:s23] =	ssyncadd.s32 $0xFFFFF800  }
0x83: {  	[spmem:s14] =	stream.linear.scatter [tilespmem:s22], [sflag:$0x11], $0x800, $0x38;
	[tilespmem:$0xBE20] =	vst v63  }
0x84: {  	_ =	swait.ge [sflag:s23], $0x800  }
0x85: {  	[sflag:s23] =	ssyncset.done $0x0  }
0x86: {  	[sflag:s23] =	ssyncadd.s32 $0xFFFFF800  }
0x87: {  	[spmem:s15] =	stream.linear.scatter [tilespmem:s22], [sflag:$0x11], $0x800, $0x38;
	[tilespmem:$0xBE20] =	vst v63  }
0x88: {  	_ =	swait.ge [sflag:s23], $0x800  }
0x89: {  	[sflag:s23] =	ssyncset.done $0x0  }
0x8a: {  	s6 =	simm.s32 @!p0 $0x8F00;
	[sflag:s23] =	ssyncadd.s32 $0xFFFFF800  }
0x8b: {  	[spmem:s16] =	stream.linear.scatter @!p0 [tilespmem:s6], [sflag:$0x11], $0x800, $0x38;
	[tilespmem:$0xBE20] =	vst v63  }
0x8c: {  	s6 =	simm.s32 @!p0 $0x11  }
0x8d: {  	_ =	swait.ge @!p0 [sflag:s6], $0x800  }
0x8e: {  	[sflag:s6] =	ssyncset.done @!p0 $0x0  }
0x8f: {  	[sflag:s6] =	ssyncadd.s32 @!p0 $0xFFFFF800;
	s6 =	simm.s32 @!p1 $0x8F00  }
0x90: {  	[spmem:s9] =	stream.linear.scatter @!p1 [tilespmem:s6], [sflag:$0x11], $0x100, $0x38;
	[tilespmem:$0xBE20] =	vst v63  }
0x91: {  	s6 =	simm.s32 @!p1 $0x11  }
0x92: {  	_ =	swait.ge @!p1 [sflag:s6], $0x100  }
0x93: {  	[sflag:s6] =	ssyncset.done @!p1 $0x0  }
0x94: {  	[sflag:s6] =	ssyncadd.s32 @!p1 $0xFFFFFF00  }
0x95: {  	[bflag:$0x0] =	sbarrier.arrive $0xFFFF  }
0x96: {  	[tilespmem:s26], [sflag:$0x1] =	stream.indirect.gather [hbm4b:s4+s25], $0x10, s3, s25, $0xb8;
	[tilespmem:$0xBE20] =	vst v63  }
0x97: {  	s18 =	simm.s32 $0x5700  }
0x98: {  	[tilespmem:s18], [sflag:$0x2] =	stream.indirect.gather [hbm4b:s4+s25], $0x10, s25, s25, $0xb8;
	[tilespmem:$0xBE20] =	vst v63  }
.Ltmp2:
0x99: {  	_ = 	snop;
	(pc) =	sbr.rel .LBB2_2-.Ltmp2, $4  }
0x9a: {  	s19 =	simm.s32 $0x100;
	s20 =	simm.s32 $0x5F00;
	s21 =	simm.s32 $0x180  }
0x9b: {  	[tilespmem:s20], [sflag:$0x3] =	stream.indirect.gather [hbm4b:s4+s25], $0x10, s19, s25, $0xb8;
	[tilespmem:$0xBE20] =	vst v63  }
0x9c: {  	s28 =	simm.s32 $0x6700;
	s17 =	simm.s32 $0x0;
	s6 =	simm.s32 $0x0  }
0x9d: {  	[tilespmem:s28], [sflag:$0x4] =	stream.indirect.gather [hbm4b:s4+s25], $0x10, s21, s25, $0xb8;
	[tilespmem:$0xBE20] =	vst v63  }
.LBB2_3:
0x9e: {  	_ =	swait.ge [sflag:s2], $0x800  }
0x9f: {  	s19 =	sshra.s32 s6, $0x2;
	[sflag:s2] =	ssyncset.done $0x0  }
0xa0: {  	s19 =	sadd.s32 $0x200, s19;
	[sflag:s2] =	ssyncadd.s32 $0xFFFFF800  }
.LBB2_4:
0xa1: {  	[tilespmem:s24], [sflag:$0x5] =	stream.indirect.gather [hbm4b:s4+s25], $0x10, s19, s25, $0xb8;
	[tilespmem:$0xBE20] =	vst v63  }
0xa2: {  	p3 =	por !p2, !p2  }
.LBB2_7:
0xa3: {  	p2 =	sge.s32 s17, s7  }
0xa4: {  	s19 =	simm.s32 @!p2 $0x1  }
0xa5: {  	_ =	swait.ge @!p2 [sflag:s19], $0x800  }
0xa6: {  	[sflag:s19] =	ssyncset.done @!p2 $0x0  }
0xa7: {  	[sflag:s19] =	ssyncadd.s32 @!p2 $0xFFFFF800;
	s19 =	sshra.s32 @!p2 s6, $0x2  }
0xa8: {  	s20 =	simm.s32 @!p2 $0x80;
	s21 =	simm.s32 @!p2 $0x4F00;
	s19 =	sadd.s32 @!p2 $0x2780, s19  }
0xa9: {  	[spmem:s1] =	stream.indirect.scatter.add.f32 @!p2 [tilespmem:s21], [sflag:$0x9], $0x10, s19, s20, $0xb8;
	[tilespmem:$0xBE20] =	vst v63  }
0xaa: {  	p4 =	seq.s32 s6, $0x0;
	s19 =	sadd.s32 $0x5, s17  }
0xab: {  	p2 =	sge.s32 @!p4 s19, s7  }
0xac: {  	p2 =	por p2, p4  }
0xad: {  	s20 =	simm.s32 @!p2 $0xE  }
0xae: {  	_ =	swait.ge @!p2 [sflag:s20], $0x800  }
0xaf: {  	[sflag:s20] =	ssyncset.done @!p2 $0x0  }
0xb0: {  	[sflag:s20] =	ssyncadd.s32 @!p2 $0xFFFFF800;
	s20 =	sshra.s32 @!p2 s6, $0x2  }
0xb1: {  	s21 =	simm.s32 @!p2 $0x80;
	s28 =	simm.s32 @!p2 $0x7700;
	s20 =	sadd.s32 @!p2 $0x280, s20  }
0xb2: {  	[tilespmem:s28], [sflag:$0x6] =	stream.indirect.gather @!p2 [hbm4b:s4+s21], $0x10, s20, s21, $0xb8;
	[tilespmem:$0xBE20] =	vst v63  }
0xb3: {  	p5 =	por !p3, !p3;
	p2 =	sge.s32 s19, s7  }
0xb4: {  	s19 =	sadd.s32 $0x1, s17;
	p3 =	por p2, p5  }
0xb5: {  	s20 =	simm.s32 @!p3 $0x80;
	s21 =	simm.s32 @!p3 $0x280;
	s28 =	simm.s32 @!p3 $0x7700  }
0xb6: {  	[tilespmem:s28], [sflag:$0x6] =	stream.indirect.gather @!p3 [hbm4b:s4+s20], $0x10, s21, s20, $0xb8;
	[tilespmem:$0xBE20] =	vst v63  }
0xb7: {  	p3 =	sge.s32 s19, s7  }
0xb8: {  	s19 =	simm.s32 @!p3 $0x2  }
0xb9: {  	_ =	swait.ge @!p3 [sflag:s19], $0x800  }
0xba: {  	[sflag:s19] =	ssyncset.done @!p3 $0x0  }
0xbb: {  	[sflag:s19] =	ssyncadd.s32 @!p3 $0xFFFFF800;
	s19 =	sshra.s32 @!p3 s6, $0x2  }
0xbc: {  	s20 =	simm.s32 @!p3 $0x80;
	s21 =	simm.s32 @!p3 $0x5700;
	s19 =	sadd.s32 @!p3 $0x2800, s19  }
0xbd: {  	[spmem:s1] =	stream.indirect.scatter.add.f32 @!p3 [tilespmem:s21], [sflag:$0xA], $0x10, s19, s20, $0xb8;
	[tilespmem:$0xBE20] =	vst v63  }
0xbe: {  	s19 =	sadd.s32 $0x6, s17  }
0xbf: {  	p3 =	sge.s32 @!p4 s19, s7  }
0xc0: {  	p3 =	por p3, p4  }
0xc1: {  	s20 =	simm.s32 @!p3 $0xF  }
0xc2: {  	_ =	swait.ge @!p3 [sflag:s20], $0x800  }
0xc3: {  	[sflag:s20] =	ssyncset.done @!p3 $0x0  }
0xc4: {  	[sflag:s20] =	ssyncadd.s32 @!p3 $0xFFFFF800;
	s20 =	sshra.s32 @!p3 s6, $0x2  }
0xc5: {  	s21 =	simm.s32 @!p3 $0x80;
	s28 =	simm.s32 @!p3 $0x7F00;
	s20 =	sadd.s32 @!p3 $0x300, s20  }
0xc6: {  	[tilespmem:s28], [sflag:$0x7] =	stream.indirect.gather @!p3 [hbm4b:s4+s21], $0x10, s20, s21, $0xb8;
	[tilespmem:$0xBE20] =	vst v63  }
0xc7: {  	p3 =	sge.s32 s19, s7  }
0xc8: {  	s19 =	sadd.s32 $0x2, s17;
	p6 =	por p3, p5  }
0xc9: {  	s20 =	simm.s32 @!p6 $0x80;
	s21 =	simm.s32 @!p6 $0x300;
	s28 =	simm.s32 @!p6 $0x7F00  }
0xca: {  	[tilespmem:s28], [sflag:$0x7] =	stream.indirect.gather @!p6 [hbm4b:s4+s20], $0x10, s21, s20, $0xb8;
	[tilespmem:$0xBE20] =	vst v63  }
0xcb: {  	p6 =	sge.s32 s19, s7  }
0xcc: {  	s19 =	simm.s32 @!p6 $0x3  }
0xcd: {  	_ =	swait.ge @!p6 [sflag:s19], $0x800  }
0xce: {  	[sflag:s19] =	ssyncset.done @!p6 $0x0  }
0xcf: {  	[sflag:s19] =	ssyncadd.s32 @!p6 $0xFFFFF800;
	s19 =	sshra.s32 @!p6 s6, $0x2  }
0xd0: {  	s20 =	simm.s32 @!p6 $0x80;
	s21 =	simm.s32 @!p6 $0x5F00;
	s19 =	sadd.s32 @!p6 $0x2880, s19  }
0xd1: {  	[spmem:s1] =	stream.indirect.scatter.add.f32 @!p6 [tilespmem:s21], [sflag:$0xB], $0x10, s19, s20, $0xb8;
	[tilespmem:$0xBE20] =	vst v63  }
0xd2: {  	s19 =	sadd.s32 $0x7, s17  }
0xd3: {  	p6 =	sge.s32 @!p4 s19, s7  }
0xd4: {  	p4 =	por p6, p4  }
0xd5: {  	s20 =	simm.s32 @!p4 $0x10  }
0xd6: {  	_ =	swait.ge @!p4 [sflag:s20], $0x800  }
0xd7: {  	[sflag:s20] =	ssyncset.done @!p4 $0x0  }
0xd8: {  	[sflag:s20] =	ssyncadd.s32 @!p4 $0xFFFFF800;
	s20 =	sshra.s32 @!p4 s6, $0x2  }
0xd9: {  	s21 =	simm.s32 @!p4 $0x80;
	s28 =	simm.s32 @!p4 $0x8700;
	s20 =	sadd.s32 @!p4 $0x380, s20  }
0xda: {  	[tilespmem:s28], [sflag:$0x8] =	stream.indirect.gather @!p4 [hbm4b:s4+s21], $0x10, s20, s21, $0xb8;
	[tilespmem:$0xBE20] =	vst v63  }
0xdb: {  	p4 =	sge.s32 s19, s7  }
0xdc: {  	s19 =	sadd.s32 $0x3, s17;
	p5 =	por p4, p5  }
0xdd: {  	s20 =	simm.s32 @!p5 $0x80;
	s21 =	simm.s32 @!p5 $0x380;
	s28 =	simm.s32 @!p5 $0x8700  }
0xde: {  	[tilespmem:s28], [sflag:$0x8] =	stream.indirect.gather @!p5 [hbm4b:s4+s20], $0x10, s21, s20, $0xb8;
	[tilespmem:$0xBE20] =	vst v63  }
0xdf: {  	p5 =	sge.s32 s19, s7  }
0xe0: {  	s19 =	simm.s32 @!p5 $0x4  }
0xe1: {  	_ =	swait.ge @!p5 [sflag:s19], $0x800  }
0xe2: {  	[sflag:s19] =	ssyncset.done @!p5 $0x0  }
0xe3: {  	[sflag:s19] =	ssyncadd.s32 @!p5 $0xFFFFF800;
	s19 =	sshra.s32 @!p5 s6, $0x2  }
0xe4: {  	s20 =	simm.s32 @!p5 $0x80;
	s21 =	simm.s32 @!p5 $0x6700;
	s19 =	sadd.s32 @!p5 $0x2900, s19  }
0xe5: {  	[spmem:s1] =	stream.indirect.scatter.add.f32 @!p5 [tilespmem:s21], [sflag:$0xC], $0x10, s19, s20, $0xb8;
	[tilespmem:$0xBE20] =	vst v63  }
0xe6: {  	s19 =	sadd.s32 $0x8, s17  }
0xe7: {  	p5 =	sge.s32 s19, s7  }
0xe8: {  	s20 =	simm.s32 @!p5 $0x9  }
0xe9: {  	_ =	swait.ge @!p5 [sflag:s20], $0x800  }
0xea: {  	[sflag:s20] =	ssyncset.done @!p5 $0x0  }
0xeb: {  	[sflag:s20] =	ssyncadd.s32 @!p5 $0xFFFFF800;
	s20 =	sshra.s32 @!p5 s6, $0x2  }
0xec: {  	s21 =	simm.s32 @!p5 $0x80;
	s28 =	simm.s32 @!p5 $0x4F00;
	s20 =	sadd.s32 @!p5 $0x400, s20  }
0xed: {  	[tilespmem:s28], [sflag:$0x1] =	stream.indirect.gather @!p5 [hbm4b:s4+s21], $0x10, s20, s21, $0xb8;
	[tilespmem:$0xBE20] =	vst v63  }
0xee: {  	p5 =	sge.s32 s18, s7  }
0xef: {  	s18 =	simm.s32 @!p5 $0x5  }
0xf0: {  	_ =	swait.ge @!p5 [sflag:s18], $0x800  }
0xf1: {  	[sflag:s18] =	ssyncset.done @!p5 $0x0  }
0xf2: {  	[sflag:s18] =	ssyncadd.s32 @!p5 $0xFFFFF800;
	s18 =	sshra.s32 @!p5 s6, $0x2  }
0xf3: {  	s20 =	simm.s32 @!p5 $0x80;
	s21 =	simm.s32 @!p5 $0x6F00;
	s18 =	sadd.s32 @!p5 $0x2980, s18  }
0xf4: {  	[spmem:s1] =	stream.indirect.scatter.add.f32 @!p5 [tilespmem:s21], [sflag:$0xD], $0x10, s18, s20, $0xb8;
	[tilespmem:$0xBE20] =	vst v63  }
0xf5: {  	s20 =	sadd.s32 $0x9, s17  }
0xf6: {  	p5 =	sge.s32 s20, s7  }
0xf7: {  	s18 =	simm.s32 @!p5 $0xA  }
0xf8: {  	_ =	swait.ge @!p5 [sflag:s18], $0x800  }
0xf9: {  	[sflag:s18] =	ssyncset.done @!p5 $0x0  }
0xfa: {  	[sflag:s18] =	ssyncadd.s32 @!p5 $0xFFFFF800;
	s18 =	sshra.s32 @!p5 s6, $0x2  }
0xfb: {  	s20 =	simm.s32 @!p5 $0x80;
	s21 =	simm.s32 @!p5 $0x5700;
	s18 =	sadd.s32 @!p5 $0x480, s18  }
0xfc: {  	[tilespmem:s21], [sflag:$0x2] =	stream.indirect.gather @!p5 [hbm4b:s4+s20], $0x10, s18, s20, $0xb8;
	[tilespmem:$0xBE20] =	vst v63  }
0xfd: {  	s18 =	simm.s32 @!p2 $0x6  }
0xfe: {  	_ =	swait.ge @!p2 [sflag:s18], $0x800  }
0xff: {  	[sflag:s18] =	ssyncset.done @!p2 $0x0  }
0x100: {  	[sflag:s18] =	ssyncadd.s32 @!p2 $0xFFFFF800;
	s18 =	sshra.s32 @!p2 s6, $0x2  }
0x101: {  	s20 =	simm.s32 @!p2 $0x80;
	s21 =	simm.s32 @!p2 $0x7700;
	s18 =	sadd.s32 @!p2 $0x2A00, s18  }
0x102: {  	[spmem:s1] =	stream.indirect.scatter.add.f32 @!p2 [tilespmem:s21], [sflag:$0xE], $0x10, s18, s20, $0xb8;
	[tilespmem:$0xBE20] =	vst v63  }
0x103: {  	s21 =	sadd.s32 $0xA, s17  }
0x104: {  	p2 =	sge.s32 s21, s7  }
0x105: {  	s18 =	simm.s32 @!p2 $0xB  }
0x106: {  	_ =	swait.ge @!p2 [sflag:s18], $0x800  }
0x107: {  	[sflag:s18] =	ssyncset.done @!p2 $0x0  }
0x108: {  	[sflag:s18] =	ssyncadd.s32 @!p2 $0xFFFFF800;
	s18 =	sshra.s32 @!p2 s6, $0x2  }
0x109: {  	s20 =	simm.s32 @!p2 $0x80;
	s21 =	simm.s32 @!p2 $0x5F00;
	s18 =	sadd.s32 @!p2 $0x500, s18  }
0x10a: {  	[tilespmem:s21], [sflag:$0x3] =	stream.indirect.gather @!p2 [hbm4b:s4+s20], $0x10, s18, s20, $0xb8;
	[tilespmem:$0xBE20] =	vst v63  }
0x10b: {  	s18 =	simm.s32 @!p3 $0x7  }
0x10c: {  	_ =	swait.ge @!p3 [sflag:s18], $0x800  }
0x10d: {  	s28 =	sadd.s32 $0xB, s17;
	s20 =	simm.s32 @!p3 $0x80;
	[sflag:s18] =	ssyncset.done @!p3 $0x0  }
0x10e: {  	p2 =	sge.s32 s28, s7;
	[sflag:s18] =	ssyncadd.s32 @!p3 $0xFFFFF800;
	s18 =	sshra.s32 @!p3 s6, $0x2  }
0x10f: {  	s21 =	simm.s32 @!p3 $0x7F00;
	s17 =	simm.s32 @!p2 $0xC;
	s18 =	sadd.s32 @!p3 $0x2A80, s18  }
0x110: {  	[spmem:s1] =	stream.indirect.scatter.add.f32 @!p3 [tilespmem:s21], [sflag:$0xF], $0x10, s18, s20, $0xb8;
	[tilespmem:$0xBE20] =	vst v63  }
0x111: {  	_ =	swait.ge @!p2 [sflag:s17], $0x800  }
0x112: {  	[sflag:s17] =	ssyncset.done @!p2 $0x0  }
0x113: {  	[sflag:s17] =	ssyncadd.s32 @!p2 $0xFFFFF800;
	s17 =	sshra.s32 @!p2 s6, $0x2  }
0x114: {  	s18 =	simm.s32 @!p2 $0x80;
	s20 =	simm.s32 @!p2 $0x6700;
	s17 =	sadd.s32 @!p2 $0x580, s17  }
0x115: {  	[tilespmem:s20], [sflag:$0x4] =	stream.indirect.gather @!p2 [hbm4b:s4+s18], $0x10, s17, s18, $0xb8;
	[tilespmem:$0xBE20] =	vst v63  }
0x116: {  	s17 =	simm.s32 @!p4 $0x8  }
0x117: {  	_ =	swait.ge @!p4 [sflag:s17], $0x800  }
0x118: {  	[sflag:s17] =	ssyncset.done @!p4 $0x0  }
0x119: {  	[sflag:s17] =	ssyncadd.s32 @!p4 $0xFFFFF800;
	s17 =	sshra.s32 @!p4 s6, $0x2;
	s6 =	sadd.s32 $0x1000, s6  }
0x11a: {  	p2 =	sne.s32 s6, $0xA000  }
.Ltmp3:
0x11b: {  	_ = 	snop;
	(pc) =	sbr.rel @!p2 .LBB2_8-.Ltmp3, $4  }
0x11c: {  	_ = 	snop  }
0x11d: {  	s18 =	simm.s32 @!p4 $0x80;
	s20 =	simm.s32 @!p4 $0x8700;
	s17 =	sadd.s32 @!p4 $0x2B00, s17  }
0x11e: {  	[spmem:s1] =	stream.indirect.scatter.add.f32 @!p4 [tilespmem:s20], [sflag:$0x10], $0x10, s17, s18, $0xb8;
	[tilespmem:$0xBE20] =	vst v63  }
0x11f: {  	s17 =	smov.u32 s19  }
.LBB2_2:
0x120: {  	s18 =	sadd.s32 $0x4, s17  }
0x121: {  	p4 =	sne.s32 s6, $0x0;
	p2 =	slt.s32 s18, s7  }
0x122: {  	p2 =	por !p4, !p2  }
0x123: {  	p2 =	por !p2, !p2  }
.Ltmp4:
0x124: {  	_ = 	snop;
	(pc) =	sbr.rel @p2 .LBB2_3-.Ltmp4, $1  }
0x125: {  	_ =	sdelay $0x3  }
0x126: {  	p3 =	sge.s32 @!p4 s18, s7  }
0x127: {  	p3 =	por p4, p3  }
.Ltmp5:
0x128: {  	_ = 	snop;
	(pc) =	sbr.rel @!p3 .LBB2_4-.Ltmp5, $2  }
0x129: {  	_ =	sdelay $0x2  }
0x12a: {  	s19 =	simm.s32 $0x200  }
.Ltmp6:
0x12b: {  	(pc) =	sbr.rel .LBB2_7-.Ltmp6, $3  }
0x12c: {  	_ =	sdelay $0x1  }
0x12d: {  	p3 =	seq.s32 s6, $0x0  }
0x12e: {  	p3 =	por @!p4 p3, p3  }
.LBB2_9:
0x12f: {  	_ =	sfence.sel $0x180000  }
0x130: {  	[bflag:$0x0] =	sbarrier.arrive $0xFFFF  }
0x131: {  	_ =	strace $0x90000050  }
0x132: {  	s0 =	stileid.u32;
	[bflag:$0x2] =	sbarrier.arrive $0xFFFF  }
0x133: {  	p0 =	sne.s32 s0, $0x0;
	s0 =	rddreg [dreg:$0x3]  }
0x134: {  	s0 =	sadd.s32 @!p0 $0x100000, s0  }
0x135: {  	[sflag:s0] =	ssyncadd.tile.s32 @!p0 $0x1;
	_ =	shalt  }
.Lfunc_end2:
_tile_overlayer_lowered:
.L_overlay_start_2:
0x136: {  	(tag) =	ssettag $0x2  }
0x137: {  	s0 =	rddreg [dreg:$0x0];
	s2 =	stileid.u32  }
0x138: {  	s1 =	rddreg [dreg:$0x1];
	p0 =	sne.s32 s2, $0x0  }
0x139: {  	s3 =	rddreg [dreg:$0x2];
	[bflag:$0x3] =	sbarrier.arrive $0xFFFF;
	s2 =	simm.s32 @!p0 $0x1C11  }
0x13a: {  	[timem:s3], [sflag:s2] =	dma.local @!p0 [hbm:s0], s1  }
0x13b: {  	s0 =	simm.s32 @!p0 $0x11  }
0x13c: {  	_ =	swait.ge @!p0 [sflag:s0], s1  }
0x13d: {  	s1 =	ssub.s32 @!p0 $0x0, s1;
	[sflag:s0] =	ssyncset.done @!p0 $0x0  }
0x13e: {  	[sflag:s0] =	ssyncadd.s32 @!p0 s1  }
0x13f: {  	[bflag:$0x3] =	sbarrier.arrive $0xFFFF  }
0x140: {  	_ =	shalt  }

</sc_bundles>
